<compile_context>
chip_gen: v7x
topology: tpu7x:2x2x1
jax: 0.10.2.dev20260603
libtpu: 0.0.44.dev20260713+nightly
codegen_flags: <defaults>
</compile_context>

<pallas_src>
import functools

import jax
import jax.numpy as jnp
from jax import lax
from jax.experimental import pallas as pl
from jax.experimental.pallas import tpu as pltpu
from jax.experimental.pallas import tpu_sc as plsc

VOCAB = 1000000
DW = 64
DE = 128
B = 4096
L = 20

NC = 2
NS = 16
NW = NC * NS

BPW = B // NW
NSJ = 4
BSUB = BPW // NSJ
NCHUNK = 3 * 3 * NSJ
TOK_PER_CHUNK = L * BSUB


def _pool_body(table, lt, mt, st, out, idx_v, rows_v, acc_v,
               sem_idx, sem_g0, sem_g1, sem_o0, sem_o1):
  c = lax.axis_index("c")
  s_ax = lax.axis_index("s")
  wid = s_ax * NC + c
  b0 = wid * BPW
  sem_g = (sem_g0, sem_g1)
  sem_o = (sem_o0, sem_o1)

  toks = (lt, mt, st)
  for k in range(3):
    pltpu.async_copy(toks[k].at[:, :, pl.ds(b0, BPW)], idx_v.at[k], sem_idx)
  for k in range(3):
    pltpu.make_async_copy(
        toks[k].at[:, :, pl.ds(b0, BPW)], idx_v.at[k], sem_idx).wait()

  def decode(chunk):
    return chunk // (3 * NSJ), (chunk // NSJ) % 3, chunk % NSJ

  def start_gathers(chunk, b):
    k, s, j = decode(chunk)
    for t in range(L):
      pltpu.async_copy(
          table.at[idx_v.at[k, s, t, pl.ds(j * BSUB, BSUB)]],
          rows_v.at[b, pl.ds(t * BSUB, BSUB)],
          sem_g[b])

  start_gathers(0, 0)
  start_gathers(1, 1)

  def accumulate(b):
    def body(bi, carry):
      for d in range(DW // 16):
        a0 = rows_v[b, bi, pl.ds(d * 16, 16)]
        a1 = rows_v[b, BSUB + bi, pl.ds(d * 16, 16)]
        for t in range(2, L, 2):
          a0 = a0 + rows_v[b, t * BSUB + bi, pl.ds(d * 16, 16)]
          a1 = a1 + rows_v[b, (t + 1) * BSUB + bi, pl.ds(d * 16, 16)]
        acc_v[b, bi, 0, pl.ds(d * 16, 16)] = a0 + a1
      return carry
    lax.fori_loop(0, BSUB, body, 0)

  def out_slice(chunk):
    k, s, j = decode(chunk)
    return out.at[k, pl.ds(b0 + j * BSUB, BSUB), pl.ds(s, 1)]

  def process(chunk, b):
    pltpu.make_async_copy(
        table.at[pl.ds(0, TOK_PER_CHUNK)], rows_v.at[b], sem_g[b]).wait()

    @pl.when(chunk >= 2)
    def _():
      pltpu.make_async_copy(acc_v.at[b], out_slice(chunk - 2), sem_o[b]).wait()

    accumulate(b)

    pltpu.async_copy(acc_v.at[b], out_slice(chunk), sem_o[b])

    @pl.when(chunk + 2 < NCHUNK)
    def _():
      start_gathers(chunk + 2, b)

  def outer(g, carry):
    process(2 * g, 0)
    process(2 * g + 1, 1)
    return carry
  lax.fori_loop(0, NCHUNK // 2, outer, 0)

  for b in range(2):
    chunk = NCHUNK - 2 + b
    pltpu.make_async_copy(acc_v.at[b], out_slice(chunk), sem_o[b]).wait()


def _make_pool():
  mesh = plsc.VectorSubcoreMesh(
      core_axis_name="c", subcore_axis_name="s",
      num_cores=NC, num_subcores=NS)
  return pl.kernel(
      _pool_body,
      out_type=jax.ShapeDtypeStruct((3, B, 3, DW), jnp.float32),
      mesh=mesh,
      compiler_params=pltpu.CompilerParams(use_tc_tiling_on_sc=False),
      scratch_types=[
          pltpu.VMEM((3, 3, L, BPW), jnp.int32),
          pltpu.VMEM((2, TOK_PER_CHUNK, DW), jnp.float32),
          pltpu.VMEM((2, BSUB, 1, DW), jnp.float32),
          pltpu.SemaphoreType.DMA,
          pltpu.SemaphoreType.DMA,
          pltpu.SemaphoreType.DMA,
          pltpu.SemaphoreType.DMA,
          pltpu.SemaphoreType.DMA,
      ])


_TR_C = 16384
_TR_N = 31
_SPLIT = 31 * _TR_C
VOCAB_PAD = 2 * _TR_N * _TR_C


def _tr_body(x1_ref, x2_ref, o_ref):
  o_ref[...] = jnp.concatenate([x1_ref[...], x2_ref[...]], axis=0).T


def _transpose_table(tT):
  return pl.pallas_call(
      _tr_body,
      grid=(_TR_N,),
      in_specs=[
          pl.BlockSpec((DW, _TR_C), lambda i: (0, i)),
          pl.BlockSpec((DW, _TR_C), lambda i: (0, i + 31)),
      ],
      out_specs=pl.BlockSpec((_TR_C, 2 * DW), lambda i: (i, 0)),
      out_shape=jax.ShapeDtypeStruct((_TR_N * _TR_C, 2 * DW), jnp.float32),
  )(tT, tT)


def _remap_tokens(t):
  return jnp.where(t < _SPLIT, 2 * t, 2 * t - (2 * _SPLIT - 1))


def _mlp_body(lt_ref, mt_ref, st_ref, we_ref, be_ref, wp_ref, bp_ref, out_ref):
  scale = jnp.float32(1.0 / L)

  def ev(x_ref, k):
    x = x_ref[0] * scale
    h = jnp.tanh(
        jnp.dot(x, we_ref[...], preferred_element_type=jnp.float32)
        + be_ref[...])
    wp = wp_ref[k * DE:(k + 1) * DE, :]
    return jnp.dot(h, wp, preferred_element_type=jnp.float32)

  out_ref[...] = ev(lt_ref, 0) + ev(mt_ref, 1) + ev(st_ref, 2) + bp_ref[...]


def _mlp(s3, W_event, b_event, W_pred, b_pred):
  bb = 512
  grid = (B // bb,)

  def x_spec(k):
    return pl.BlockSpec((1, bb, 3 * DW), lambda i, k=k: (k, i, 0))

  return pl.pallas_call(
      _mlp_body,
      grid=grid,
      in_specs=[
          x_spec(0), x_spec(1), x_spec(2),
          pl.BlockSpec((3 * DW, DE), lambda i: (0, 0)),
          pl.BlockSpec((1, DE), lambda i: (0, 0)),
          pl.BlockSpec((3 * DE, 1), lambda i: (0, 0)),
          pl.BlockSpec((1, 1), lambda i: (0, 0)),
      ],
      out_specs=pl.BlockSpec((bb, 1), lambda i: (i, 0)),
      out_shape=jax.ShapeDtypeStruct((B, 1), jnp.float32),
  )(s3, s3, s3, W_event, b_event.reshape(1, DE), W_pred,
    b_pred.reshape(1, 1))


def kernel(lt_tokens, mt_tokens, st_tokens, emb_table, W_event, b_event,
           W_pred, b_pred):
  def prep(tok):
    return _remap_tokens(jnp.transpose(tok, (1, 2, 0)).astype(jnp.int32))

  table_rm = _transpose_table(emb_table.T)
  sums = _make_pool()(
      table_rm.reshape(VOCAB_PAD, DW),
      prep(lt_tokens), prep(mt_tokens), prep(st_tokens))
  s3 = sums.reshape(3, B, 3 * DW)
  return _mlp(s3, W_event, b_event, W_pred, b_pred)

# --- scband reference (transcript-rebuilt; emitter-appended) ---
"""Pipeline reference for scband-model-6184752906441 (READ-ONLY COPY).

The authoritative reference and input builder live on the scoring server;
editing this copy changes nothing except your own understanding.
"""

import jax, jax.numpy as jnp
import numpy as np

VOCAB = 1000000
D_WORD = 64
D_EVENT = 128
B = 4096
L = 20


def setup_inputs(seed: int = 0) -> dict:
    key = jax.random.key(seed)
    ks = jax.random.split(key, 6)
    lt_tokens = jax.random.randint(ks[0], (B, 3, L), 0, VOCAB)
    mt_tokens = jax.random.randint(ks[1], (B, 3, L), 0, VOCAB)
    st_tokens = jax.random.randint(ks[2], (B, 3, L), 0, VOCAB)
    emb_table = jax.random.normal(ks[3], (VOCAB, D_WORD), dtype=jnp.float32) * 0.02
    W_event = jax.random.normal(ks[4], (3 * D_WORD, D_EVENT), dtype=jnp.float32) * (1.0 / np.sqrt(3 * D_WORD))
    b_event = jnp.zeros((D_EVENT,), dtype=jnp.float32)
    W_pred = jax.random.normal(ks[5], (3 * D_EVENT, 1), dtype=jnp.float32) * (1.0 / np.sqrt(3 * D_EVENT))
    b_pred = jnp.zeros((1,), dtype=jnp.float32)
    return {
        "lt_tokens": lt_tokens,
        "mt_tokens": mt_tokens,
        "st_tokens": st_tokens,
        "emb_table": emb_table,
        "W_event": W_event,
        "b_event": b_event,
        "W_pred": W_pred,
        "b_pred": b_pred,
    }


def reference(lt_tokens, mt_tokens, st_tokens, emb_table, W_event, b_event, W_pred, b_pred):
    # wordNetwork: embedding lookup per word token.
    # _createWordEmbeddingsForSentence: mean over word embeddings of each sentence.
    # eventNetwork: combine the (subject, verb, object) sentence embeddings into one event embedding.
    # predictionNetwork: combine the (LT, MT, ST) event embeddings into a scalar prediction.
    def event_embedding(tokens):
        we = jnp.take(emb_table, tokens, axis=0)  # [B, 3, L, D_WORD] gather
        sent = jnp.mean(we, axis=2)               # [B, 3, D_WORD] mean over words
        flat = sent.reshape(sent.shape[0], -1)    # [B, 3*D_WORD]
        return jnp.tanh(flat @ W_event + b_event) # [B, D_EVENT]

    lt_e = event_embedding(lt_tokens)
    mt_e = event_embedding(mt_tokens)
    st_e = event_embedding(st_tokens)
    feats = jnp.concatenate([lt_e, mt_e, st_e], axis=-1)  # [B, 3*D_EVENT]
    return feats @ W_pred + b_pred                         # [B, 1]

if __name__ == "__main__":
    import jax
    _d = setup_inputs()
    print(jax.jit(kernel)(*tuple(_d.values())))

</pallas_src>

<mosaic_0001>
#map = affine_map<(d0, d1) -> (0, 0)>
#map1 = affine_map<(d0, d1) -> (0, 0, 0)>
#map2 = affine_map<(d0, d1) -> (0, 0, 0, 0)>
module attributes {stable_mosaic.version = 14 : i64} {
  func.func @_pool_body(%arg0: i32, %arg1: i32, %arg2: memref<1015808x64xf32, #tpu.memory_space<hbm>>, %arg3: memref<3x20x4096xi32, #tpu.memory_space<hbm>>, %arg4: memref<3x20x4096xi32, #tpu.memory_space<hbm>>, %arg5: memref<3x20x4096xi32, #tpu.memory_space<hbm>>, %arg6: memref<3x4096x3x64xf32, #tpu.memory_space<hbm>>, %arg7: memref<3x3x20x128xi32, #tpu.memory_space<vmem>>, %arg8: memref<2x640x64xf32, #tpu.memory_space<vmem>>, %arg9: memref<2x32x1x64xf32, #tpu.memory_space<vmem>>, %arg10: memref<!tpu.dma_semaphore, #tpu.memory_space<semaphore_mem>>, %arg11: memref<!tpu.dma_semaphore, #tpu.memory_space<semaphore_mem>>, %arg12: memref<!tpu.dma_semaphore, #tpu.memory_space<semaphore_mem>>, %arg13: memref<!tpu.dma_semaphore, #tpu.memory_space<semaphore_mem>>, %arg14: memref<!tpu.dma_semaphore, #tpu.memory_space<semaphore_mem>>) attributes {dimension_semantics = [#tpu.dimension_semantics<core_parallel>, #tpu.dimension_semantics<subcore_parallel>], iteration_bounds = array<i64: 2, 16>, scalar_prefetch = 0 : i64, scratch_operands = 8 : i64, tpu.core_type = #tpu.core_type<sc_vector_subcore>, window_params = [{transform_indices = #map}, {transform_indices = #map1}, {transform_indices = #map1}, {transform_indices = #map1}, {transform_indices = #map2}]} {
    %mul3A = arith.constant 2 : i32
    %mul3A_0 = arith.muli %arg1, %mul3A : i32
    %add3A = arith.addi %mul3A_0, %arg0 : i32
    %mul3A_1 = arith.constant 128 : i32
    %mul3A_2 = arith.muli %add3A, %mul3A_1 : i32
    %dma_start3A = arith.constant 0 : i32
    %dma_start3A_3 = arith.constant 0 : i32
    %dma_start3A_4 = arith.constant 0 : i32
    %dma_start3A_5 = arith.constant 0 : i32
    %dma_start3A_6 = tpu.memref_slice %arg7[%dma_start3A, %dma_start3A_3, %dma_start3A_4, %dma_start3A_5] : memref<3x3x20x128xi32, #tpu.memory_space<vmem>> -> memref<1x3x20x128xi32, #tpu.memory_space<vmem>>
    %dma_start3A_7 = tpu.memref_squeeze %dma_start3A_6 : memref<1x3x20x128xi32, #tpu.memory_space<vmem>> -> memref<3x20x128xi32, #tpu.memory_space<vmem>>
    %dma_start3A_8 = arith.constant 0 : i32
    %dma_start3A_9 = arith.constant 0 : i32
    %dma_start3A_10 = tpu.memref_slice %arg3[%dma_start3A_8, %dma_start3A_9, %mul3A_2] : memref<3x20x4096xi32, #tpu.memory_space<hbm>> -> memref<3x20x128xi32, #tpu.memory_space<hbm>>
    %dma_start3A_11 = arith.constant 0 : i32
    %dma_start3A_12 = arith.constant 0 : i32
    %dma_start3A_13 = arith.constant 0 : i32
    %dma_start3A_14 = tpu.memref_slice %arg7[%dma_start3A, %dma_start3A_11, %dma_start3A_12, %dma_start3A_13] : memref<3x3x20x128xi32, #tpu.memory_space<vmem>> -> memref<1x3x20x128xi32, #tpu.memory_space<vmem>>
    %dma_start3A_15 = tpu.memref_squeeze %dma_start3A_14 : memref<1x3x20x128xi32, #tpu.memory_space<vmem>> -> memref<3x20x128xi32, #tpu.memory_space<vmem>>
    %dma_start3A_16 = arith.constant 0 : i32
    %dma_start3A_17 = arith.constant 0 : i32
    %dma_start3A_18 = tpu.memref_slice %arg3[%dma_start3A_16, %dma_start3A_17, %mul3A_2] : memref<3x20x4096xi32, #tpu.memory_space<hbm>> -> memref<3x20x128xi32, #tpu.memory_space<hbm>>
    tpu.enqueue_dma source(%dma_start3A_18 : memref<3x20x128xi32, #tpu.memory_space<hbm>>) target(%dma_start3A_15 : memref<3x20x128xi32, #tpu.memory_space<vmem>>) target_semaphore(%arg10 : memref<!tpu.dma_semaphore, #tpu.memory_space<semaphore_mem>>)
    %dma_start3A_19 = arith.constant 1 : i32
    %dma_start3A_20 = arith.constant 0 : i32
    %dma_start3A_21 = arith.constant 0 : i32
    %dma_start3A_22 = arith.constant 0 : i32
    %dma_start3A_23 = tpu.memref_slice %arg7[%dma_start3A_19, %dma_start3A_20, %dma_start3A_21, %dma_start3A_22] : memref<3x3x20x128xi32, #tpu.memory_space<vmem>> -> memref<1x3x20x128xi32, #tpu.memory_space<vmem>>
    %dma_start3A_24 = tpu.memref_squeeze %dma_start3A_23 : memref<1x3x20x128xi32, #tpu.memory_space<vmem>> -> memref<3x20x128xi32, #tpu.memory_space<vmem>>
    %dma_start3A_25 = arith.constant 0 : i32
    %dma_start3A_26 = arith.constant 0 : i32
    %dma_start3A_27 = tpu.memref_slice %arg4[%dma_start3A_25, %dma_start3A_26, %mul3A_2] : memref<3x20x4096xi32, #tpu.memory_space<hbm>> -> memref<3x20x128xi32, #tpu.memory_space<hbm>>
    %dma_start3A_28 = arith.constant 0 : i32
    %dma_start3A_29 = arith.constant 0 : i32
    %dma_start3A_30 = arith.constant 0 : i32
    %dma_start3A_31 = tpu.memref_slice %arg7[%dma_start3A_19, %dma_start3A_28, %dma_start3A_29, %dma_start3A_30] : memref<3x3x20x128xi32, #tpu.memory_space<vmem>> -> memref<1x3x20x128xi32, #tpu.memory_space<vmem>>
    %dma_start3A_32 = tpu.memref_squeeze %dma_start3A_31 : memref<1x3x20x128xi32, #tpu.memory_space<vmem>> -> memref<3x20x128xi32, #tpu.memory_space<vmem>>
    %dma_start3A_33 = arith.constant 0 : i32
    %dma_start3A_34 = arith.constant 0 : i32
    %dma_start3A_35 = tpu.memref_slice %arg4[%dma_start3A_33, %dma_start3A_34, %mul3A_2] : memref<3x20x4096xi32, #tpu.memory_space<hbm>> -> memref<3x20x128xi32, #tpu.memory_space<hbm>>
    tpu.enqueue_dma source(%dma_start3A_35 : memref<3x20x128xi32, #tpu.memory_space<hbm>>) target(%dma_start3A_32 : memref<3x20x128xi32, #tpu.memory_space<vmem>>) target_semaphore(%arg10 : memref<!tpu.dma_semaphore, #tpu.memory_space<semaphore_mem>>)
    %dma_start3A_36 = arith.constant 2 : i32
    %dma_start3A_37 = arith.constant 0 : i32
    %dma_start3A_38 = arith.constant 0 : i32
    %dma_start3A_39 = arith.constant 0 : i32
    %dma_start3A_40 = tpu.memref_slice %arg7[%dma_start3A_36, %dma_start3A_37, %dma_start3A_38, %dma_start3A_39] : memref<3x3x20x128xi32, #tpu.memory_space<vmem>> -> memref<1x3x20x128xi32, #tpu.memory_space<vmem>>
    %dma_start3A_41 = tpu.memref_squeeze %dma_start3A_40 : memref<1x3x20x128xi32, #tpu.memory_space<vmem>> -> memref<3x20x128xi32, #tpu.memory_space<vmem>>
    %dma_start3A_42 = arith.constant 0 : i32
    %dma_start3A_43 = arith.constant 0 : i32
    %dma_start3A_44 = tpu.memref_slice %arg5[%dma_start3A_42, %dma_start3A_43, %mul3A_2] : memref<3x20x4096xi32, #tpu.memory_space<hbm>> -> memref<3x20x128xi32, #tpu.memory_space<hbm>>
    %dma_start3A_45 = arith.constant 0 : i32
    %dma_start3A_46 = arith.constant 0 : i32
    %dma_start3A_47 = arith.constant 0 : i32
    %dma_start3A_48 = tpu.memref_slice %arg7[%dma_start3A_36, %dma_start3A_45, %dma_start3A_46, %dma_start3A_47] : memref<3x3x20x128xi32, #tpu.memory_space<vmem>> -> memref<1x3x20x128xi32, #tpu.memory_space<vmem>>
    %dma_start3A_49 = tpu.memref_squeeze %dma_start3A_48 : memref<1x3x20x128xi32, #tpu.memory_space<vmem>> -> memref<3x20x128xi32, #tpu.memory_space<vmem>>
    %dma_start3A_50 = arith.constant 0 : i32
    %dma_start3A_51 = arith.constant 0 : i32
    %dma_start3A_52 = tpu.memref_slice %arg5[%dma_start3A_50, %dma_start3A_51, %mul3A_2] : memref<3x20x4096xi32, #tpu.memory_space<hbm>> -> memref<3x20x128xi32, #tpu.memory_space<hbm>>
    tpu.enqueue_dma source(%dma_start3A_52 : memref<3x20x128xi32, #tpu.memory_space<hbm>>) target(%dma_start3A_49 : memref<3x20x128xi32, #tpu.memory_space<vmem>>) target_semaphore(%arg10 : memref<!tpu.dma_semaphore, #tpu.memory_space<semaphore_mem>>)
    %dma_wait3A = arith.constant 0 : i32
    %dma_wait3A_53 = arith.constant 0 : i32
    %dma_wait3A_54 = arith.constant 0 : i32
    %dma_wait3A_55 = arith.constant 0 : i32
    %dma_wait3A_56 = tpu.memref_slice %arg7[%dma_wait3A, %dma_wait3A_53, %dma_wait3A_54, %dma_wait3A_55] : memref<3x3x20x128xi32, #tpu.memory_space<vmem>> -> memref<1x3x20x128xi32, #tpu.memory_space<vmem>>
    %dma_wait3A_57 = tpu.memref_squeeze %dma_wait3A_56 : memref<1x3x20x128xi32, #tpu.memory_space<vmem>> -> memref<3x20x128xi32, #tpu.memory_space<vmem>>
    %dma_wait3A_58 = arith.constant 0 : i32
    %dma_wait3A_59 = arith.constant 0 : i32
    %dma_wait3A_60 = tpu.memref_slice %arg3[%dma_wait3A_58, %dma_wait3A_59, %mul3A_2] : memref<3x20x4096xi32, #tpu.memory_space<hbm>> -> memref<3x20x128xi32, #tpu.memory_space<hbm>>
    %dma_wait3A_61 = arith.constant 0 : i32
    %dma_wait3A_62 = arith.constant 0 : i32
    %dma_wait3A_63 = arith.constant 0 : i32
    %dma_wait3A_64 = tpu.memref_slice %arg7[%dma_wait3A, %dma_wait3A_61, %dma_wait3A_62, %dma_wait3A_63] : memref<3x3x20x128xi32, #tpu.memory_space<vmem>> -> memref<1x3x20x128xi32, #tpu.memory_space<vmem>>
    %dma_wait3A_65 = tpu.memref_squeeze %dma_wait3A_64 : memref<1x3x20x128xi32, #tpu.memory_space<vmem>> -> memref<3x20x128xi32, #tpu.memory_space<vmem>>
    %dma_wait3A_66 = arith.constant 0 : i32
    %dma_wait3A_67 = arith.constant 0 : i32
    %dma_wait3A_68 = tpu.memref_slice %arg3[%dma_wait3A_66, %dma_wait3A_67, %mul3A_2] : memref<3x20x4096xi32, #tpu.memory_space<hbm>> -> memref<3x20x128xi32, #tpu.memory_space<hbm>>
    tpu.wait_dma2 semaphore(%arg10 : memref<!tpu.dma_semaphore, #tpu.memory_space<semaphore_mem>>) src(%dma_wait3A_68 : memref<3x20x128xi32, #tpu.memory_space<hbm>>) dst(%dma_wait3A_65 : memref<3x20x128xi32, #tpu.memory_space<vmem>>)
    %dma_wait3A_69 = arith.constant 1 : i32
    %dma_wait3A_70 = arith.constant 0 : i32
    %dma_wait3A_71 = arith.constant 0 : i32
    %dma_wait3A_72 = arith.constant 0 : i32
    %dma_wait3A_73 = tpu.memref_slice %arg7[%dma_wait3A_69, %dma_wait3A_70, %dma_wait3A_71, %dma_wait3A_72] : memref<3x3x20x128xi32, #tpu.memory_space<vmem>> -> memref<1x3x20x128xi32, #tpu.memory_space<vmem>>
    %dma_wait3A_74 = tpu.memref_squeeze %dma_wait3A_73 : memref<1x3x20x128xi32, #tpu.memory_space<vmem>> -> memref<3x20x128xi32, #tpu.memory_space<vmem>>
    %dma_wait3A_75 = arith.constant 0 : i32
    %dma_wait3A_76 = arith.constant 0 : i32
    %dma_wait3A_77 = tpu.memref_slice %arg4[%dma_wait3A_75, %dma_wait3A_76, %mul3A_2] : memref<3x20x4096xi32, #tpu.memory_space<hbm>> -> memref<3x20x128xi32, #tpu.memory_space<hbm>>
    %dma_wait3A_78 = arith.constant 0 : i32
    %dma_wait3A_79 = arith.constant 0 : i32
    %dma_wait3A_80 = arith.constant 0 : i32
    %dma_wait3A_81 = tpu.memref_slice %arg7[%dma_wait3A_69, %dma_wait3A_78, %dma_wait3A_79, %dma_wait3A_80] : memref<3x3x20x128xi32, #tpu.memory_space<vmem>> -> memref<1x3x20x128xi32, #tpu.memory_space<vmem>>
    %dma_wait3A_82 = tpu.memref_squeeze %dma_wait3A_81 : memref<1x3x20x128xi32, #tpu.memory_space<vmem>> -> memref<3x20x128xi32, #tpu.memory_space<vmem>>
    %dma_wait3A_83 = arith.constant 0 : i32
    %dma_wait3A_84 = arith.constant 0 : i32
    %dma_wait3A_85 = tpu.memref_slice %arg4[%dma_wait3A_83, %dma_wait3A_84, %mul3A_2] : memref<3x20x4096xi32, #tpu.memory_space<hbm>> -> memref<3x20x128xi32, #tpu.memory_space<hbm>>
    tpu.wait_dma2 semaphore(%arg10 : memref<!tpu.dma_semaphore, #tpu.memory_space<semaphore_mem>>) src(%dma_wait3A_85 : memref<3x20x128xi32, #tpu.memory_space<hbm>>) dst(%dma_wait3A_82 : memref<3x20x128xi32, #tpu.memory_space<vmem>>)
    %dma_wait3A_86 = arith.constant 2 : i32
    %dma_wait3A_87 = arith.constant 0 : i32
    %dma_wait3A_88 = arith.constant 0 : i32
    %dma_wait3A_89 = arith.constant 0 : i32
    %dma_wait3A_90 = tpu.memref_slice %arg7[%dma_wait3A_86, %dma_wait3A_87, %dma_wait3A_88, %dma_wait3A_89] : memref<3x3x20x128xi32, #tpu.memory_space<vmem>> -> memref<1x3x20x128xi32, #tpu.memory_space<vmem>>
    %dma_wait3A_91 = tpu.memref_squeeze %dma_wait3A_90 : memref<1x3x20x128xi32, #tpu.memory_space<vmem>> -> memref<3x20x128xi32, #tpu.memory_space<vmem>>
    %dma_wait3A_92 = arith.constant 0 : i32
    %dma_wait3A_93 = arith.constant 0 : i32
    %dma_wait3A_94 = tpu.memref_slice %arg5[%dma_wait3A_92, %dma_wait3A_93, %mul3A_2] : memref<3x20x4096xi32, #tpu.memory_space<hbm>> -> memref<3x20x128xi32, #tpu.memory_space<hbm>>
    %dma_wait3A_95 = arith.constant 0 : i32
    %dma_wait3A_96 = arith.constant 0 : i32
    %dma_wait3A_97 = arith.constant 0 : i32
    %dma_wait3A_98 = tpu.memref_slice %arg7[%dma_wait3A_86, %dma_wait3A_95, %dma_wait3A_96, %dma_wait3A_97] : memref<3x3x20x128xi32, #tpu.memory_space<vmem>> -> memref<1x3x20x128xi32, #tpu.memory_space<vmem>>
    %dma_wait3A_99 = tpu.memref_squeeze %dma_wait3A_98 : memref<1x3x20x128xi32, #tpu.memory_space<vmem>> -> memref<3x20x128xi32, #tpu.memory_space<vmem>>
    %dma_wait3A_100 = arith.constant 0 : i32
    %dma_wait3A_101 = arith.constant 0 : i32
    %dma_wait3A_102 = tpu.memref_slice %arg5[%dma_wait3A_100, %dma_wait3A_101, %mul3A_2] : memref<3x20x4096xi32, #tpu.memory_space<hbm>> -> memref<3x20x128xi32, #tpu.memory_space<hbm>>
    tpu.wait_dma2 semaphore(%arg10 : memref<!tpu.dma_semaphore, #tpu.memory_space<semaphore_mem>>) src(%dma_wait3A_102 : memref<3x20x128xi32, #tpu.memory_space<hbm>>) dst(%dma_wait3A_99 : memref<3x20x128xi32, #tpu.memory_space<vmem>>)
    %dma_start3A_103 = arith.constant 0 : i32
    %dma_start3A_104 = arith.constant 0 : i32
    %dma_start3A_105 = arith.constant 0 : i32
    %dma_start3A_106 = arith.constant 0 : i32
    %dma_start3A_107 = arith.constant 0 : i32
    %dma_start3A_108 = arith.constant 0 : i32
    %dma_start3A_109 = tpu.memref_slice %arg8[%dma_start3A_106, %dma_start3A_107, %dma_start3A_108] : memref<2x640x64xf32, #tpu.memory_space<vmem>> -> memref<1x32x64xf32, #tpu.memory_space<vmem>>
    %dma_start3A_110 = tpu.memref_squeeze %dma_start3A_109 : memref<1x32x64xf32, #tpu.memory_space<vmem>> -> memref<32x64xf32, #tpu.memory_space<vmem>>
    %dma_start3A_111 = arith.constant 0 : i32
    %dma_start3A_112 = tpu.memref_slice %arg7[%dma_start3A_103, %dma_start3A_104, %dma_start3A_105, %dma_start3A_111] : memref<3x3x20x128xi32, #tpu.memory_space<vmem>> -> memref<1x1x1x32xi32, #tpu.memory_space<vmem>>
    %dma_start3A_113 = tpu.memref_squeeze %dma_start3A_112 : memref<1x1x1x32xi32, #tpu.memory_space<vmem>> -> memref<32xi32, #tpu.memory_space<vmem>>
    %dma_start3A_114 = arith.constant 0 : i32
    %dma_start3A_115 = arith.constant 0 : i32
    %dma_start3A_116 = tpu.memref_slice %arg2[%dma_start3A_114, %dma_start3A_115] : memref<1015808x64xf32, #tpu.memory_space<hbm>> -> memref<1015808x64xf32, #tpu.memory_space<hbm>>
    tpu.enqueue_indirect_dma source(%dma_start3A_116 : memref<1015808x64xf32, #tpu.memory_space<hbm>>) target(%dma_start3A_110 : memref<32x64xf32, #tpu.memory_space<vmem>>) offsets(%dma_start3A_113 : memref<32xi32, #tpu.memory_space<vmem>>) semaphore(%arg11 : memref<!tpu.dma_semaphore, #tpu.memory_space<semaphore_mem>>)
    %dma_start3A_117 = arith.constant 0 : i32
    %dma_start3A_118 = arith.constant 0 : i32
    %dma_start3A_119 = arith.constant 1 : i32
    %dma_start3A_120 = arith.constant 0 : i32
    %dma_start3A_121 = arith.constant 32 : i32
    %dma_start3A_122 = arith.constant 0 : i32
    %dma_start3A_123 = tpu.memref_slice %arg8[%dma_start3A_120, %dma_start3A_121, %dma_start3A_122] : memref<2x640x64xf32, #tpu.memory_space<vmem>> -> memref<1x32x64xf32, #tpu.memory_space<vmem>>
    %dma_start3A_124 = tpu.memref_squeeze %dma_start3A_123 : memref<1x32x64xf32, #tpu.memory_space<vmem>> -> memref<32x64xf32, #tpu.memory_space<vmem>>
    %dma_start3A_125 = arith.constant 0 : i32
    %dma_start3A_126 = tpu.memref_slice %arg7[%dma_start3A_117, %dma_start3A_118, %dma_start3A_119, %dma_start3A_125] : memref<3x3x20x128xi32, #tpu.memory_space<vmem>> -> memref<1x1x1x32xi32, #tpu.memory_space<vmem>>
    %dma_start3A_127 = tpu.memref_squeeze %dma_start3A_126 : memref<1x1x1x32xi32, #tpu.memory_space<vmem>> -> memref<32xi32, #tpu.memory_space<vmem>>
    %dma_start3A_128 = arith.constant 0 : i32
    %dma_start3A_129 = arith.constant 0 : i32
    %dma_start3A_130 = tpu.memref_slice %arg2[%dma_start3A_128, %dma_start3A_129] : memref<1015808x64xf32, #tpu.memory_space<hbm>> -> memref<1015808x64xf32, #tpu.memory_space<hbm>>
    tpu.enqueue_indirect_dma source(%dma_start3A_130 : memref<1015808x64xf32, #tpu.memory_space<hbm>>) target(%dma_start3A_124 : memref<32x64xf32, #tpu.memory_space<vmem>>) offsets(%dma_start3A_127 : memref<32xi32, #tpu.memory_space<vmem>>) semaphore(%arg11 : memref<!tpu.dma_semaphore, #tpu.memory_space<semaphore_mem>>)
    %dma_start3A_131 = arith.constant 0 : i32
    %dma_start3A_132 = arith.constant 0 : i32
    %dma_start3A_133 = arith.constant 2 : i32
    %dma_start3A_134 = arith.constant 0 : i32
    %dma_start3A_135 = arith.constant 64 : i32
    %dma_start3A_136 = arith.constant 0 : i32
    %dma_start3A_137 = tpu.memref_slice %arg8[%dma_start3A_134, %dma_start3A_135, %dma_start3A_136] : memref<2x640x64xf32, #tpu.memory_space<vmem>> -> memref<1x32x64xf32, #tpu.memory_space<vmem>>
    %dma_start3A_138 = tpu.memref_squeeze %dma_start3A_137 : memref<1x32x64xf32, #tpu.memory_space<vmem>> -> memref<32x64xf32, #tpu.memory_space<vmem>>
    %dma_start3A_139 = arith.constant 0 : i32
    %dma_start3A_140 = tpu.memref_slice %arg7[%dma_start3A_131, %dma_start3A_132, %dma_start3A_133, %dma_start3A_139] : memref<3x3x20x128xi32, #tpu.memory_space<vmem>> -> memref<1x1x1x32xi32, #tpu.memory_space<vmem>>
    %dma_start3A_141 = tpu.memref_squeeze %dma_start3A_140 : memref<1x1x1x32xi32, #tpu.memory_space<vmem>> -> memref<32xi32, #tpu.memory_space<vmem>>
    %dma_start3A_142 = arith.constant 0 : i32
    %dma_start3A_143 = arith.constant 0 : i32
    %dma_start3A_144 = tpu.memref_slice %arg2[%dma_start3A_142, %dma_start3A_143] : memref<1015808x64xf32, #tpu.memory_space<hbm>> -> memref<1015808x64xf32, #tpu.memory_space<hbm>>
    tpu.enqueue_indirect_dma source(%dma_start3A_144 : memref<1015808x64xf32, #tpu.memory_space<hbm>>) target(%dma_start3A_138 : memref<32x64xf32, #tpu.memory_space<vmem>>) offsets(%dma_start3A_141 : memref<32xi32, #tpu.memory_space<vmem>>) semaphore(%arg11 : memref<!tpu.dma_semaphore, #tpu.memory_space<semaphore_mem>>)
    %dma_start3A_145 = arith.constant 0 : i32
    %dma_start3A_146 = arith.constant 0 : i32
    %dma_start3A_147 = arith.constant 3 : i32
    %dma_start3A_148 = arith.constant 0 : i32
    %dma_start3A_149 = arith.constant 96 : i32
    %dma_start3A_150 = arith.constant 0 : i32
    %dma_start3A_151 = tpu.memref_slice %arg8[%dma_start3A_148, %dma_start3A_149, %dma_start3A_150] : memref<2x640x64xf32, #tpu.memory_space<vmem>> -> memref<1x32x64xf32, #tpu.memory_space<vmem>>
    %dma_start3A_152 = tpu.memref_squeeze %dma_start3A_151 : memref<1x32x64xf32, #tpu.memory_space<vmem>> -> memref<32x64xf32, #tpu.memory_space<vmem>>
    %dma_start3A_153 = arith.constant 0 : i32
    %dma_start3A_154 = tpu.memref_slice %arg7[%dma_start3A_145, %dma_start3A_146, %dma_start3A_147, %dma_start3A_153] : memref<3x3x20x128xi32, #tpu.memory_space<vmem>> -> memref<1x1x1x32xi32, #tpu.memory_space<vmem>>
    %dma_start3A_155 = tpu.memref_squeeze %dma_start3A_154 : memref<1x1x1x32xi32, #tpu.memory_space<vmem>> -> memref<32xi32, #tpu.memory_space<vmem>>
    %dma_start3A_156 = arith.constant 0 : i32
    %dma_start3A_157 = arith.constant 0 : i32
    %dma_start3A_158 = tpu.memref_slice %arg2[%dma_start3A_156, %dma_start3A_157] : memref<1015808x64xf32, #tpu.memory_space<hbm>> -> memref<1015808x64xf32, #tpu.memory_space<hbm>>
    tpu.enqueue_indirect_dma source(%dma_start3A_158 : memref<1015808x64xf32, #tpu.memory_space<hbm>>) target(%dma_start3A_152 : memref<32x64xf32, #tpu.memory_space<vmem>>) offsets(%dma_start3A_155 : memref<32xi32, #tpu.memory_space<vmem>>) semaphore(%arg11 : memref<!tpu.dma_semaphore, #tpu.memory_space<semaphore_mem>>)
    %dma_start3A_159 = arith.constant 0 : i32
    %dma_start3A_160 = arith.constant 0 : i32
    %dma_start3A_161 = arith.constant 4 : i32
    %dma_start3A_162 = arith.constant 0 : i32
    %dma_start3A_163 = arith.constant 128 : i32
    %dma_start3A_164 = arith.constant 0 : i32
    %dma_start3A_165 = tpu.memref_slice %arg8[%dma_start3A_162, %dma_start3A_163, %dma_start3A_164] : memref<2x640x64xf32, #tpu.memory_space<vmem>> -> memref<1x32x64xf32, #tpu.memory_space<vmem>>
    %dma_start3A_166 = tpu.memref_squeeze %dma_start3A_165 : memref<1x32x64xf32, #tpu.memory_space<vmem>> -> memref<32x64xf32, #tpu.memory_space<vmem>>
    %dma_start3A_167 = arith.constant 0 : i32
    %dma_start3A_168 = tpu.memref_slice %arg7[%dma_start3A_159, %dma_start3A_160, %dma_start3A_161, %dma_start3A_167] : memref<3x3x20x128xi32, #tpu.memory_space<vmem>> -> memref<1x1x1x32xi32, #tpu.memory_space<vmem>>
    %dma_start3A_169 = tpu.memref_squeeze %dma_start3A_168 : memref<1x1x1x32xi32, #tpu.memory_space<vmem>> -> memref<32xi32, #tpu.memory_space<vmem>>
    %dma_start3A_170 = arith.constant 0 : i32
    %dma_start3A_171 = arith.constant 0 : i32
    %dma_start3A_172 = tpu.memref_slice %arg2[%dma_start3A_170, %dma_start3A_171] : memref<1015808x64xf32, #tpu.memory_space<hbm>> -> memref<1015808x64xf32, #tpu.memory_space<hbm>>
    tpu.enqueue_indirect_dma source(%dma_start3A_172 : memref<1015808x64xf32, #tpu.memory_space<hbm>>) target(%dma_start3A_166 : memref<32x64xf32, #tpu.memory_space<vmem>>) offsets(%dma_start3A_169 : memref<32xi32, #tpu.memory_space<vmem>>) semaphore(%arg11 : memref<!tpu.dma_semaphore, #tpu.memory_space<semaphore_mem>>)
    %dma_start3A_173 = arith.constant 0 : i32
    %dma_start3A_174 = arith.constant 0 : i32
    %dma_start3A_175 = arith.constant 5 : i32
    %dma_start3A_176 = arith.constant 0 : i32
    %dma_start3A_177 = arith.constant 160 : i32
    %dma_start3A_178 = arith.constant 0 : i32
    %dma_start3A_179 = tpu.memref_slice %arg8[%dma_start3A_176, %dma_start3A_177, %dma_start3A_178] : memref<2x640x64xf32, #tpu.memory_space<vmem>> -> memref<1x32x64xf32, #tpu.memory_space<vmem>>
    %dma_start3A_180 = tpu.memref_squeeze %dma_start3A_179 : memref<1x32x64xf32, #tpu.memory_space<vmem>> -> memref<32x64xf32, #tpu.memory_space<vmem>>
    %dma_start3A_181 = arith.constant 0 : i32
    %dma_start3A_182 = tpu.memref_slice %arg7[%dma_start3A_173, %dma_start3A_174, %dma_start3A_175, %dma_start3A_181] : memref<3x3x20x128xi32, #tpu.memory_space<vmem>> -> memref<1x1x1x32xi32, #tpu.memory_space<vmem>>
    %dma_start3A_183 = tpu.memref_squeeze %dma_start3A_182 : memref<1x1x1x32xi32, #tpu.memory_space<vmem>> -> memref<32xi32, #tpu.memory_space<vmem>>
    %dma_start3A_184 = arith.constant 0 : i32
    %dma_start3A_185 = arith.constant 0 : i32
    %dma_start3A_186 = tpu.memref_slice %arg2[%dma_start3A_184, %dma_start3A_185] : memref<1015808x64xf32, #tpu.memory_space<hbm>> -> memref<1015808x64xf32, #tpu.memory_space<hbm>>
    tpu.enqueue_indirect_dma source(%dma_start3A_186 : memref<1015808x64xf32, #tpu.memory_space<hbm>>) target(%dma_start3A_180 : memref<32x64xf32, #tpu.memory_space<vmem>>) offsets(%dma_start3A_183 : memref<32xi32, #tpu.memory_space<vmem>>) semaphore(%arg11 : memref<!tpu.dma_semaphore, #tpu.memory_space<semaphore_mem>>)
    %dma_start3A_187 = arith.constant 0 : i32
    %dma_start3A_188 = arith.constant 0 : i32
    %dma_start3A_189 = arith.constant 6 : i32
    %dma_start3A_190 = arith.constant 0 : i32
    %dma_start3A_191 = arith.constant 192 : i32
    %dma_start3A_192 = arith.constant 0 : i32
    %dma_start3A_193 = tpu.memref_slice %arg8[%dma_start3A_190, %dma_start3A_191, %dma_start3A_192] : memref<2x640x64xf32, #tpu.memory_space<vmem>> -> memref<1x32x64xf32, #tpu.memory_space<vmem>>
    %dma_start3A_194 = tpu.memref_squeeze %dma_start3A_193 : memref<1x32x64xf32, #tpu.memory_space<vmem>> -> memref<32x64xf32, #tpu.memory_space<vmem>>
    %dma_start3A_195 = arith.constant 0 : i32
    %dma_start3A_196 = tpu.memref_slice %arg7[%dma_start3A_187, %dma_start3A_188, %dma_start3A_189, %dma_start3A_195] : memref<3x3x20x128xi32, #tpu.memory_space<vmem>> -> memref<1x1x1x32xi32, #tpu.memory_space<vmem>>
    %dma_start3A_197 = tpu.memref_squeeze %dma_start3A_196 : memref<1x1x1x32xi32, #tpu.memory_space<vmem>> -> memref<32xi32, #tpu.memory_space<vmem>>
    %dma_start3A_198 = arith.constant 0 : i32
    %dma_start3A_199 = arith.constant 0 : i32
    %dma_start3A_200 = tpu.memref_slice %arg2[%dma_start3A_198, %dma_start3A_199] : memref<1015808x64xf32, #tpu.memory_space<hbm>> -> memref<1015808x64xf32, #tpu.memory_space<hbm>>
    tpu.enqueue_indirect_dma source(%dma_start3A_200 : memref<1015808x64xf32, #tpu.memory_space<hbm>>) target(%dma_start3A_194 : memref<32x64xf32, #tpu.memory_space<vmem>>) offsets(%dma_start3A_197 : memref<32xi32, #tpu.memory_space<vmem>>) semaphore(%arg11 : memref<!tpu.dma_semaphore, #tpu.memory_space<semaphore_mem>>)
    %dma_start3A_201 = arith.constant 0 : i32
    %dma_start3A_202 = arith.constant 0 : i32
    %dma_start3A_203 = arith.constant 7 : i32
    %dma_start3A_204 = arith.constant 0 : i32
    %dma_start3A_205 = arith.constant 224 : i32
    %dma_start3A_206 = arith.constant 0 : i32
    %dma_start3A_207 = tpu.memref_slice %arg8[%dma_start3A_204, %dma_start3A_205, %dma_start3A_206] : memref<2x640x64xf32, #tpu.memory_space<vmem>> -> memref<1x32x64xf32, #tpu.memory_space<vmem>>
    %dma_start3A_208 = tpu.memref_squeeze %dma_start3A_207 : memref<1x32x64xf32, #tpu.memory_space<vmem>> -> memref<32x64xf32, #tpu.memory_space<vmem>>
    %dma_start3A_209 = arith.constant 0 : i32
    %dma_start3A_210 = tpu.memref_slice %arg7[%dma_start3A_201, %dma_start3A_202, %dma_start3A_203, %dma_start3A_209] : memref<3x3x20x128xi32, #tpu.memory_space<vmem>> -> memref<1x1x1x32xi32, #tpu.memory_space<vmem>>
    %dma_start3A_211 = tpu.memref_squeeze %dma_start3A_210 : memref<1x1x1x32xi32, #tpu.memory_space<vmem>> -> memref<32xi32, #tpu.memory_space<vmem>>
    %dma_start3A_212 = arith.constant 0 : i32
    %dma_start3A_213 = arith.constant 0 : i32
    %dma_start3A_214 = tpu.memref_slice %arg2[%dma_start3A_212, %dma_start3A_213] : memref<1015808x64xf32, #tpu.memory_space<hbm>> -> memref<1015808x64xf32, #tpu.memory_space<hbm>>
    tpu.enqueue_indirect_dma source(%dma_start3A_214 : memref<1015808x64xf32, #tpu.memory_space<hbm>>) target(%dma_start3A_208 : memref<32x64xf32, #tpu.memory_space<vmem>>) offsets(%dma_start3A_211 : memref<32xi32, #tpu.memory_space<vmem>>) semaphore(%arg11 : memref<!tpu.dma_semaphore, #tpu.memory_space<semaphore_mem>>)
    %dma_start3A_215 = arith.constant 0 : i32
    %dma_start3A_216 = arith.constant 0 : i32
    %dma_start3A_217 = arith.constant 8 : i32
    %dma_start3A_218 = arith.constant 0 : i32
    %dma_start3A_219 = arith.constant 256 : i32
    %dma_start3A_220 = arith.constant 0 : i32
    %dma_start3A_221 = tpu.memref_slice %arg8[%dma_start3A_218, %dma_start3A_219, %dma_start3A_220] : memref<2x640x64xf32, #tpu.memory_space<vmem>> -> memref<1x32x64xf32, #tpu.memory_space<vmem>>
    %dma_start3A_222 = tpu.memref_squeeze %dma_start3A_221 : memref<1x32x64xf32, #tpu.memory_space<vmem>> -> memref<32x64xf32, #tpu.memory_space<vmem>>
    %dma_start3A_223 = arith.constant 0 : i32
    %dma_start3A_224 = tpu.memref_slice %arg7[%dma_start3A_215, %dma_start3A_216, %dma_start3A_217, %dma_start3A_223] : memref<3x3x20x128xi32, #tpu.memory_space<vmem>> -> memref<1x1x1x32xi32, #tpu.memory_space<vmem>>
    %dma_start3A_225 = tpu.memref_squeeze %dma_start3A_224 : memref<1x1x1x32xi32, #tpu.memory_space<vmem>> -> memref<32xi32, #tpu.memory_space<vmem>>
    %dma_start3A_226 = arith.constant 0 : i32
    %dma_start3A_227 = arith.constant 0 : i32
    %dma_start3A_228 = tpu.memref_slice %arg2[%dma_start3A_226, %dma_start3A_227] : memref<1015808x64xf32, #tpu.memory_space<hbm>> -> memref<1015808x64xf32, #tpu.memory_space<hbm>>
    tpu.enqueue_indirect_dma source(%dma_start3A_228 : memref<1015808x64xf32, #tpu.memory_space<hbm>>) target(%dma_start3A_222 : memref<32x64xf32, #tpu.memory_space<vmem>>) offsets(%dma_start3A_225 : memref<32xi32, #tpu.memory_space<vmem>>) semaphore(%arg11 : memref<!tpu.dma_semaphore, #tpu.memory_space<semaphore_mem>>)
    %dma_start3A_229 = arith.constant 0 : i32
    %dma_start3A_230 = arith.constant 0 : i32
    %dma_start3A_231 = arith.constant 9 : i32
    %dma_start3A_232 = arith.constant 0 : i32
    %dma_start3A_233 = arith.constant 288 : i32
    %dma_start3A_234 = arith.constant 0 : i32
    %dma_start3A_235 = tpu.memref_slice %arg8[%dma_start3A_232, %dma_start3A_233, %dma_start3A_234] : memref<2x640x64xf32, #tpu.memory_space<vmem>> -> memref<1x32x64xf32, #tpu.memory_space<vmem>>
    %dma_start3A_236 = tpu.memref_squeeze %dma_start3A_235 : memref<1x32x64xf32, #tpu.memory_space<vmem>> -> memref<32x64xf32, #tpu.memory_space<vmem>>
    %dma_start3A_237 = arith.constant 0 : i32
    %dma_start3A_238 = tpu.memref_slice %arg7[%dma_start3A_229, %dma_start3A_230, %dma_start3A_231, %dma_start3A_237] : memref<3x3x20x128xi32, #tpu.memory_space<vmem>> -> memref<1x1x1x32xi32, #tpu.memory_space<vmem>>
    %dma_start3A_239 = tpu.memref_squeeze %dma_start3A_238 : memref<1x1x1x32xi32, #tpu.memory_space<vmem>> -> memref<32xi32, #tpu.memory_space<vmem>>
    %dma_start3A_240 = arith.constant 0 : i32
    %dma_start3A_241 = arith.constant 0 : i32
    %dma_start3A_242 = tpu.memref_slice %arg2[%dma_start3A_240, %dma_start3A_241] : memref<1015808x64xf32, #tpu.memory_space<hbm>> -> memref<1015808x64xf32, #tpu.memory_space<hbm>>
    tpu.enqueue_indirect_dma source(%dma_start3A_242 : memref<1015808x64xf32, #tpu.memory_space<hbm>>) target(%dma_start3A_236 : memref<32x64xf32, #tpu.memory_space<vmem>>) offsets(%dma_start3A_239 : memref<32xi32, #tpu.memory_space<vmem>>) semaphore(%arg11 : memref<!tpu.dma_semaphore, #tpu.memory_space<semaphore_mem>>)
    %dma_start3A_243 = arith.constant 0 : i32
    %dma_start3A_244 = arith.constant 0 : i32
    %dma_start3A_245 = arith.constant 10 : i32
    %dma_start3A_246 = arith.constant 0 : i32
    %dma_start3A_247 = arith.constant 320 : i32
    %dma_start3A_248 = arith.constant 0 : i32
    %dma_start3A_249 = tpu.memref_slice %arg8[%dma_start3A_246, %dma_start3A_247, %dma_start3A_248] : memref<2x640x64xf32, #tpu.memory_space<vmem>> -> memref<1x32x64xf32, #tpu.memory_space<vmem>>
    %dma_start3A_250 = tpu.memref_squeeze %dma_start3A_249 : memref<1x32x64xf32, #tpu.memory_space<vmem>> -> memref<32x64xf32, #tpu.memory_space<vmem>>
    %dma_start3A_251 = arith.constant 0 : i32
    %dma_start3A_252 = tpu.memref_slice %arg7[%dma_start3A_243, %dma_start3A_244, %dma_start3A_245, %dma_start3A_251] : memref<3x3x20x128xi32, #tpu.memory_space<vmem>> -> memref<1x1x1x32xi32, #tpu.memory_space<vmem>>
    %dma_start3A_253 = tpu.memref_squeeze %dma_start3A_252 : memref<1x1x1x32xi32, #tpu.memory_space<vmem>> -> memref<32xi32, #tpu.memory_space<vmem>>
    %dma_start3A_254 = arith.constant 0 : i32
    %dma_start3A_255 = arith.constant 0 : i32
    %dma_start3A_256 = tpu.memref_slice %arg2[%dma_start3A_254, %dma_start3A_255] : memref<1015808x64xf32, #tpu.memory_space<hbm>> -> memref<1015808x64xf32, #tpu.memory_space<hbm>>
    tpu.enqueue_indirect_dma source(%dma_start3A_256 : memref<1015808x64xf32, #tpu.memory_space<hbm>>) target(%dma_start3A_250 : memref<32x64xf32, #tpu.memory_space<vmem>>) offsets(%dma_start3A_253 : memref<32xi32, #tpu.memory_space<vmem>>) semaphore(%arg11 : memref<!tpu.dma_semaphore, #tpu.memory_space<semaphore_mem>>)
    %dma_start3A_257 = arith.constant 0 : i32
    %dma_start3A_258 = arith.constant 0 : i32
    %dma_start3A_259 = arith.constant 11 : i32
    %dma_start3A_260 = arith.constant 0 : i32
    %dma_start3A_261 = arith.constant 352 : i32
    %dma_start3A_262 = arith.constant 0 : i32
    %dma_start3A_263 = tpu.memref_slice %arg8[%dma_start3A_260, %dma_start3A_261, %dma_start3A_262] : memref<2x640x64xf32, #tpu.memory_space<vmem>> -> memref<1x32x64xf32, #tpu.memory_space<vmem>>
    %dma_start3A_264 = tpu.memref_squeeze %dma_start3A_263 : memref<1x32x64xf32, #tpu.memory_space<vmem>> -> memref<32x64xf32, #tpu.memory_space<vmem>>
    %dma_start3A_265 = arith.constant 0 : i32
    %dma_start3A_266 = tpu.memref_slice %arg7[%dma_start3A_257, %dma_start3A_258, %dma_start3A_259, %dma_start3A_265] : memref<3x3x20x128xi32, #tpu.memory_space<vmem>> -> memref<1x1x1x32xi32, #tpu.memory_space<vmem>>
    %dma_start3A_267 = tpu.memref_squeeze %dma_start3A_266 : memref<1x1x1x32xi32, #tpu.memory_space<vmem>> -> memref<32xi32, #tpu.memory_space<vmem>>
    %dma_start3A_268 = arith.constant 0 : i32
    %dma_start3A_269 = arith.constant 0 : i32
    %dma_start3A_270 = tpu.memref_slice %arg2[%dma_start3A_268, %dma_start3A_269] : memref<1015808x64xf32, #tpu.memory_space<hbm>> -> memref<1015808x64xf32, #tpu.memory_space<hbm>>
    tpu.enqueue_indirect_dma source(%dma_start3A_270 : memref<1015808x64xf32, #tpu.memory_space<hbm>>) target(%dma_start3A_264 : memref<32x64xf32, #tpu.memory_space<vmem>>) offsets(%dma_start3A_267 : memref<32xi32, #tpu.memory_space<vmem>>) semaphore(%arg11 : memref<!tpu.dma_semaphore, #tpu.memory_space<semaphore_mem>>)
    %dma_start3A_271 = arith.constant 0 : i32
    %dma_start3A_272 = arith.constant 0 : i32
    %dma_start3A_273 = arith.constant 12 : i32
    %dma_start3A_274 = arith.constant 0 : i32
    %dma_start3A_275 = arith.constant 384 : i32
    %dma_start3A_276 = arith.constant 0 : i32
    %dma_start3A_277 = tpu.memref_slice %arg8[%dma_start3A_274, %dma_start3A_275, %dma_start3A_276] : memref<2x640x64xf32, #tpu.memory_space<vmem>> -> memref<1x32x64xf32, #tpu.memory_space<vmem>>
    %dma_start3A_278 = tpu.memref_squeeze %dma_start3A_277 : memref<1x32x64xf32, #tpu.memory_space<vmem>> -> memref<32x64xf32, #tpu.memory_space<vmem>>
    %dma_start3A_279 = arith.constant 0 : i32
    %dma_start3A_280 = tpu.memref_slice %arg7[%dma_start3A_271, %dma_start3A_272, %dma_start3A_273, %dma_start3A_279] : memref<3x3x20x128xi32, #tpu.memory_space<vmem>> -> memref<1x1x1x32xi32, #tpu.memory_space<vmem>>
    %dma_start3A_281 = tpu.memref_squeeze %dma_start3A_280 : memref<1x1x1x32xi32, #tpu.memory_space<vmem>> -> memref<32xi32, #tpu.memory_space<vmem>>
    %dma_start3A_282 = arith.constant 0 : i32
    %dma_start3A_283 = arith.constant 0 : i32
    %dma_start3A_284 = tpu.memref_slice %arg2[%dma_start3A_282, %dma_start3A_283] : memref<1015808x64xf32, #tpu.memory_space<hbm>> -> memref<1015808x64xf32, #tpu.memory_space<hbm>>
    tpu.enqueue_indirect_dma source(%dma_start3A_284 : memref<1015808x64xf32, #tpu.memory_space<hbm>>) target(%dma_start3A_278 : memref<32x64xf32, #tpu.memory_space<vmem>>) offsets(%dma_start3A_281 : memref<32xi32, #tpu.memory_space<vmem>>) semaphore(%arg11 : memref<!tpu.dma_semaphore, #tpu.memory_space<semaphore_mem>>)
    %dma_start3A_285 = arith.constant 0 : i32
    %dma_start3A_286 = arith.constant 0 : i32
    %dma_start3A_287 = arith.constant 13 : i32
    %dma_start3A_288 = arith.constant 0 : i32
    %dma_start3A_289 = arith.constant 416 : i32
    %dma_start3A_290 = arith.constant 0 : i32
    %dma_start3A_291 = tpu.memref_slice %arg8[%dma_start3A_288, %dma_start3A_289, %dma_start3A_290] : memref<2x640x64xf32, #tpu.memory_space<vmem>> -> memref<1x32x64xf32, #tpu.memory_space<vmem>>
    %dma_start3A_292 = tpu.memref_squeeze %dma_start3A_291 : memref<1x32x64xf32, #tpu.memory_space<vmem>> -> memref<32x64xf32, #tpu.memory_space<vmem>>
    %dma_start3A_293 = arith.constant 0 : i32
    %dma_start3A_294 = tpu.memref_slice %arg7[%dma_start3A_285, %dma_start3A_286, %dma_start3A_287, %dma_start3A_293] : memref<3x3x20x128xi32, #tpu.memory_space<vmem>> -> memref<1x1x1x32xi32, #tpu.memory_space<vmem>>
    %dma_start3A_295 = tpu.memref_squeeze %dma_start3A_294 : memref<1x1x1x32xi32, #tpu.memory_space<vmem>> -> memref<32xi32, #tpu.memory_space<vmem>>
    %dma_start3A_296 = arith.constant 0 : i32
    %dma_start3A_297 = arith.constant 0 : i32
    %dma_start3A_298 = tpu.memref_slice %arg2[%dma_start3A_296, %dma_start3A_297] : memref<1015808x64xf32, #tpu.memory_space<hbm>> -> memref<1015808x64xf32, #tpu.memory_space<hbm>>
    tpu.enqueue_indirect_dma source(%dma_start3A_298 : memref<1015808x64xf32, #tpu.memory_space<hbm>>) target(%dma_start3A_292 : memref<32x64xf32, #tpu.memory_space<vmem>>) offsets(%dma_start3A_295 : memref<32xi32, #tpu.memory_space<vmem>>) semaphore(%arg11 : memref<!tpu.dma_semaphore, #tpu.memory_space<semaphore_mem>>)
    %dma_start3A_299 = arith.constant 0 : i32
    %dma_start3A_300 = arith.constant 0 : i32
    %dma_start3A_301 = arith.constant 14 : i32
    %dma_start3A_302 = arith.constant 0 : i32
    %dma_start3A_303 = arith.constant 448 : i32
    %dma_start3A_304 = arith.constant 0 : i32
    %dma_start3A_305 = tpu.memref_slice %arg8[%dma_start3A_302, %dma_start3A_303, %dma_start3A_304] : memref<2x640x64xf32, #tpu.memory_space<vmem>> -> memref<1x32x64xf32, #tpu.memory_space<vmem>>
    %dma_start3A_306 = tpu.memref_squeeze %dma_start3A_305 : memref<1x32x64xf32, #tpu.memory_space<vmem>> -> memref<32x64xf32, #tpu.memory_space<vmem>>
    %dma_start3A_307 = arith.constant 0 : i32
    %dma_start3A_308 = tpu.memref_slice %arg7[%dma_start3A_299, %dma_start3A_300, %dma_start3A_301, %dma_start3A_307] : memref<3x3x20x128xi32, #tpu.memory_space<vmem>> -> memref<1x1x1x32xi32, #tpu.memory_space<vmem>>
    %dma_start3A_309 = tpu.memref_squeeze %dma_start3A_308 : memref<1x1x1x32xi32, #tpu.memory_space<vmem>> -> memref<32xi32, #tpu.memory_space<vmem>>
    %dma_start3A_310 = arith.constant 0 : i32
    %dma_start3A_311 = arith.constant 0 : i32
    %dma_start3A_312 = tpu.memref_slice %arg2[%dma_start3A_310, %dma_start3A_311] : memref<1015808x64xf32, #tpu.memory_space<hbm>> -> memref<1015808x64xf32, #tpu.memory_space<hbm>>
    tpu.enqueue_indirect_dma source(%dma_start3A_312 : memref<1015808x64xf32, #tpu.memory_space<hbm>>) target(%dma_start3A_306 : memref<32x64xf32, #tpu.memory_space<vmem>>) offsets(%dma_start3A_309 : memref<32xi32, #tpu.memory_space<vmem>>) semaphore(%arg11 : memref<!tpu.dma_semaphore, #tpu.memory_space<semaphore_mem>>)
    %dma_start3A_313 = arith.constant 0 : i32
    %dma_start3A_314 = arith.constant 0 : i32
    %dma_start3A_315 = arith.constant 15 : i32
    %dma_start3A_316 = arith.constant 0 : i32
    %dma_start3A_317 = arith.constant 480 : i32
    %dma_start3A_318 = arith.constant 0 : i32
    %dma_start3A_319 = tpu.memref_slice %arg8[%dma_start3A_316, %dma_start3A_317, %dma_start3A_318] : memref<2x640x64xf32, #tpu.memory_space<vmem>> -> memref<1x32x64xf32, #tpu.memory_space<vmem>>
    %dma_start3A_320 = tpu.memref_squeeze %dma_start3A_319 : memref<1x32x64xf32, #tpu.memory_space<vmem>> -> memref<32x64xf32, #tpu.memory_space<vmem>>
    %dma_start3A_321 = arith.constant 0 : i32
    %dma_start3A_322 = tpu.memref_slice %arg7[%dma_start3A_313, %dma_start3A_314, %dma_start3A_315, %dma_start3A_321] : memref<3x3x20x128xi32, #tpu.memory_space<vmem>> -> memref<1x1x1x32xi32, #tpu.memory_space<vmem>>
    %dma_start3A_323 = tpu.memref_squeeze %dma_start3A_322 : memref<1x1x1x32xi32, #tpu.memory_space<vmem>> -> memref<32xi32, #tpu.memory_space<vmem>>
    %dma_start3A_324 = arith.constant 0 : i32
    %dma_start3A_325 = arith.constant 0 : i32
    %dma_start3A_326 = tpu.memref_slice %arg2[%dma_start3A_324, %dma_start3A_325] : memref<1015808x64xf32, #tpu.memory_space<hbm>> -> memref<1015808x64xf32, #tpu.memory_space<hbm>>
    tpu.enqueue_indirect_dma source(%dma_start3A_326 : memref<1015808x64xf32, #tpu.memory_space<hbm>>) target(%dma_start3A_320 : memref<32x64xf32, #tpu.memory_space<vmem>>) offsets(%dma_start3A_323 : memref<32xi32, #tpu.memory_space<vmem>>) semaphore(%arg11 : memref<!tpu.dma_semaphore, #tpu.memory_space<semaphore_mem>>)
    %dma_start3A_327 = arith.constant 0 : i32
    %dma_start3A_328 = arith.constant 0 : i32
    %dma_start3A_329 = arith.constant 16 : i32
    %dma_start3A_330 = arith.constant 0 : i32
    %dma_start3A_331 = arith.constant 512 : i32
    %dma_start3A_332 = arith.constant 0 : i32
    %dma_start3A_333 = tpu.memref_slice %arg8[%dma_start3A_330, %dma_start3A_331, %dma_start3A_332] : memref<2x640x64xf32, #tpu.memory_space<vmem>> -> memref<1x32x64xf32, #tpu.memory_space<vmem>>
    %dma_start3A_334 = tpu.memref_squeeze %dma_start3A_333 : memref<1x32x64xf32, #tpu.memory_space<vmem>> -> memref<32x64xf32, #tpu.memory_space<vmem>>
    %dma_start3A_335 = arith.constant 0 : i32
    %dma_start3A_336 = tpu.memref_slice %arg7[%dma_start3A_327, %dma_start3A_328, %dma_start3A_329, %dma_start3A_335] : memref<3x3x20x128xi32, #tpu.memory_space<vmem>> -> memref<1x1x1x32xi32, #tpu.memory_space<vmem>>
    %dma_start3A_337 = tpu.memref_squeeze %dma_start3A_336 : memref<1x1x1x32xi32, #tpu.memory_space<vmem>> -> memref<32xi32, #tpu.memory_space<vmem>>
    %dma_start3A_338 = arith.constant 0 : i32
    %dma_start3A_339 = arith.constant 0 : i32
    %dma_start3A_340 = tpu.memref_slice %arg2[%dma_start3A_338, %dma_start3A_339] : memref<1015808x64xf32, #tpu.memory_space<hbm>> -> memref<1015808x64xf32, #tpu.memory_space<hbm>>
    tpu.enqueue_indirect_dma source(%dma_start3A_340 : memref<1015808x64xf32, #tpu.memory_space<hbm>>) target(%dma_start3A_334 : memref<32x64xf32, #tpu.memory_space<vmem>>) offsets(%dma_start3A_337 : memref<32xi32, #tpu.memory_space<vmem>>) semaphore(%arg11 : memref<!tpu.dma_semaphore, #tpu.memory_space<semaphore_mem>>)
    %dma_start3A_341 = arith.constant 0 : i32
    %dma_start3A_342 = arith.constant 0 : i32
    %dma_start3A_343 = arith.constant 17 : i32
    %dma_start3A_344 = arith.constant 0 : i32
    %dma_start3A_345 = arith.constant 544 : i32
    %dma_start3A_346 = arith.constant 0 : i32
    %dma_start3A_347 = tpu.memref_slice %arg8[%dma_start3A_344, %dma_start3A_345, %dma_start3A_346] : memref<2x640x64xf32, #tpu.memory_space<vmem>> -> memref<1x32x64xf32, #tpu.memory_space<vmem>>
    %dma_start3A_348 = tpu.memref_squeeze %dma_start3A_347 : memref<1x32x64xf32, #tpu.memory_space<vmem>> -> memref<32x64xf32, #tpu.memory_space<vmem>>
    %dma_start3A_349 = arith.constant 0 : i32
    %dma_start3A_350 = tpu.memref_slice %arg7[%dma_start3A_341, %dma_start3A_342, %dma_start3A_343, %dma_start3A_349] : memref<3x3x20x128xi32, #tpu.memory_space<vmem>> -> memref<1x1x1x32xi32, #tpu.memory_space<vmem>>
    %dma_start3A_351 = tpu.memref_squeeze %dma_start3A_350 : memref<1x1x1x32xi32, #tpu.memory_space<vmem>> -> memref<32xi32, #tpu.memory_space<vmem>>
    %dma_start3A_352 = arith.constant 0 : i32
    %dma_start3A_353 = arith.constant 0 : i32
    %dma_start3A_354 = tpu.memref_slice %arg2[%dma_start3A_352, %dma_start3A_353] : memref<1015808x64xf32, #tpu.memory_space<hbm>> -> memref<1015808x64xf32, #tpu.memory_space<hbm>>
    tpu.enqueue_indirect_dma source(%dma_start3A_354 : memref<1015808x64xf32, #tpu.memory_space<hbm>>) target(%dma_start3A_348 : memref<32x64xf32, #tpu.memory_space<vmem>>) offsets(%dma_start3A_351 : memref<32xi32, #tpu.memory_space<vmem>>) semaphore(%arg11 : memref<!tpu.dma_semaphore, #tpu.memory_space<semaphore_mem>>)
    %dma_start3A_355 = arith.constant 0 : i32
    %dma_start3A_356 = arith.constant 0 : i32
    %dma_start3A_357 = arith.constant 18 : i32
    %dma_start3A_358 = arith.constant 0 : i32
    %dma_start3A_359 = arith.constant 576 : i32
    %dma_start3A_360 = arith.constant 0 : i32
    %dma_start3A_361 = tpu.memref_slice %arg8[%dma_start3A_358, %dma_start3A_359, %dma_start3A_360] : memref<2x640x64xf32, #tpu.memory_space<vmem>> -> memref<1x32x64xf32, #tpu.memory_space<vmem>>
    %dma_start3A_362 = tpu.memref_squeeze %dma_start3A_361 : memref<1x32x64xf32, #tpu.memory_space<vmem>> -> memref<32x64xf32, #tpu.memory_space<vmem>>
    %dma_start3A_363 = arith.constant 0 : i32
    %dma_start3A_364 = tpu.memref_slice %arg7[%dma_start3A_355, %dma_start3A_356, %dma_start3A_357, %dma_start3A_363] : memref<3x3x20x128xi32, #tpu.memory_space<vmem>> -> memref<1x1x1x32xi32, #tpu.memory_space<vmem>>
    %dma_start3A_365 = tpu.memref_squeeze %dma_start3A_364 : memref<1x1x1x32xi32, #tpu.memory_space<vmem>> -> memref<32xi32, #tpu.memory_space<vmem>>
    %dma_start3A_366 = arith.constant 0 : i32
    %dma_start3A_367 = arith.constant 0 : i32
    %dma_start3A_368 = tpu.memref_slice %arg2[%dma_start3A_366, %dma_start3A_367] : memref<1015808x64xf32, #tpu.memory_space<hbm>> -> memref<1015808x64xf32, #tpu.memory_space<hbm>>
    tpu.enqueue_indirect_dma source(%dma_start3A_368 : memref<1015808x64xf32, #tpu.memory_space<hbm>>) target(%dma_start3A_362 : memref<32x64xf32, #tpu.memory_space<vmem>>) offsets(%dma_start3A_365 : memref<32xi32, #tpu.memory_space<vmem>>) semaphore(%arg11 : memref<!tpu.dma_semaphore, #tpu.memory_space<semaphore_mem>>)
    %dma_start3A_369 = arith.constant 0 : i32
    %dma_start3A_370 = arith.constant 0 : i32
    %dma_start3A_371 = arith.constant 19 : i32
    %dma_start3A_372 = arith.constant 0 : i32
    %dma_start3A_373 = arith.constant 608 : i32
    %dma_start3A_374 = arith.constant 0 : i32
    %dma_start3A_375 = tpu.memref_slice %arg8[%dma_start3A_372, %dma_start3A_373, %dma_start3A_374] : memref<2x640x64xf32, #tpu.memory_space<vmem>> -> memref<1x32x64xf32, #tpu.memory_space<vmem>>
    %dma_start3A_376 = tpu.memref_squeeze %dma_start3A_375 : memref<1x32x64xf32, #tpu.memory_space<vmem>> -> memref<32x64xf32, #tpu.memory_space<vmem>>
    %dma_start3A_377 = arith.constant 0 : i32
    %dma_start3A_378 = tpu.memref_slice %arg7[%dma_start3A_369, %dma_start3A_370, %dma_start3A_371, %dma_start3A_377] : memref<3x3x20x128xi32, #tpu.memory_space<vmem>> -> memref<1x1x1x32xi32, #tpu.memory_space<vmem>>
    %dma_start3A_379 = tpu.memref_squeeze %dma_start3A_378 : memref<1x1x1x32xi32, #tpu.memory_space<vmem>> -> memref<32xi32, #tpu.memory_space<vmem>>
    %dma_start3A_380 = arith.constant 0 : i32
    %dma_start3A_381 = arith.constant 0 : i32
    %dma_start3A_382 = tpu.memref_slice %arg2[%dma_start3A_380, %dma_start3A_381] : memref<1015808x64xf32, #tpu.memory_space<hbm>> -> memref<1015808x64xf32, #tpu.memory_space<hbm>>
    tpu.enqueue_indirect_dma source(%dma_start3A_382 : memref<1015808x64xf32, #tpu.memory_space<hbm>>) target(%dma_start3A_376 : memref<32x64xf32, #tpu.memory_space<vmem>>) offsets(%dma_start3A_379 : memref<32xi32, #tpu.memory_space<vmem>>) semaphore(%arg11 : memref<!tpu.dma_semaphore, #tpu.memory_space<semaphore_mem>>)
    %dma_start3A_383 = arith.constant 0 : i32
    %dma_start3A_384 = arith.constant 0 : i32
    %dma_start3A_385 = arith.constant 0 : i32
    %dma_start3A_386 = arith.constant 1 : i32
    %dma_start3A_387 = arith.constant 0 : i32
    %dma_start3A_388 = arith.constant 0 : i32
    %dma_start3A_389 = tpu.memref_slice %arg8[%dma_start3A_386, %dma_start3A_387, %dma_start3A_388] : memref<2x640x64xf32, #tpu.memory_space<vmem>> -> memref<1x32x64xf32, #tpu.memory_space<vmem>>
    %dma_start3A_390 = tpu.memref_squeeze %dma_start3A_389 : memref<1x32x64xf32, #tpu.memory_space<vmem>> -> memref<32x64xf32, #tpu.memory_space<vmem>>
    %dma_start3A_391 = arith.constant 32 : i32
    %dma_start3A_392 = tpu.memref_slice %arg7[%dma_start3A_383, %dma_start3A_384, %dma_start3A_385, %dma_start3A_391] : memref<3x3x20x128xi32, #tpu.memory_space<vmem>> -> memref<1x1x1x32xi32, #tpu.memory_space<vmem>>
    %dma_start3A_393 = tpu.memref_squeeze %dma_start3A_392 : memref<1x1x1x32xi32, #tpu.memory_space<vmem>> -> memref<32xi32, #tpu.memory_space<vmem>>
    %dma_start3A_394 = arith.constant 0 : i32
    %dma_start3A_395 = arith.constant 0 : i32
    %dma_start3A_396 = tpu.memref_slice %arg2[%dma_start3A_394, %dma_start3A_395] : memref<1015808x64xf32, #tpu.memory_space<hbm>> -> memref<1015808x64xf32, #tpu.memory_space<hbm>>
    tpu.enqueue_indirect_dma source(%dma_start3A_396 : memref<1015808x64xf32, #tpu.memory_space<hbm>>) target(%dma_start3A_390 : memref<32x64xf32, #tpu.memory_space<vmem>>) offsets(%dma_start3A_393 : memref<32xi32, #tpu.memory_space<vmem>>) semaphore(%arg12 : memref<!tpu.dma_semaphore, #tpu.memory_space<semaphore_mem>>)
    %dma_start3A_397 = arith.constant 0 : i32
    %dma_start3A_398 = arith.constant 0 : i32
    %dma_start3A_399 = arith.constant 1 : i32
    %dma_start3A_400 = arith.constant 1 : i32
    %dma_start3A_401 = arith.constant 32 : i32
    %dma_start3A_402 = arith.constant 0 : i32
    %dma_start3A_403 = tpu.memref_slice %arg8[%dma_start3A_400, %dma_start3A_401, %dma_start3A_402] : memref<2x640x64xf32, #tpu.memory_space<vmem>> -> memref<1x32x64xf32, #tpu.memory_space<vmem>>
    %dma_start3A_404 = tpu.memref_squeeze %dma_start3A_403 : memref<1x32x64xf32, #tpu.memory_space<vmem>> -> memref<32x64xf32, #tpu.memory_space<vmem>>
    %dma_start3A_405 = arith.constant 32 : i32
    %dma_start3A_406 = tpu.memref_slice %arg7[%dma_start3A_397, %dma_start3A_398, %dma_start3A_399, %dma_start3A_405] : memref<3x3x20x128xi32, #tpu.memory_space<vmem>> -> memref<1x1x1x32xi32, #tpu.memory_space<vmem>>
    %dma_start3A_407 = tpu.memref_squeeze %dma_start3A_406 : memref<1x1x1x32xi32, #tpu.memory_space<vmem>> -> memref<32xi32, #tpu.memory_space<vmem>>
    %dma_start3A_408 = arith.constant 0 : i32
    %dma_start3A_409 = arith.constant 0 : i32
    %dma_start3A_410 = tpu.memref_slice %arg2[%dma_start3A_408, %dma_start3A_409] : memref<1015808x64xf32, #tpu.memory_space<hbm>> -> memref<1015808x64xf32, #tpu.memory_space<hbm>>
    tpu.enqueue_indirect_dma source(%dma_start3A_410 : memref<1015808x64xf32, #tpu.memory_space<hbm>>) target(%dma_start3A_404 : memref<32x64xf32, #tpu.memory_space<vmem>>) offsets(%dma_start3A_407 : memref<32xi32, #tpu.memory_space<vmem>>) semaphore(%arg12 : memref<!tpu.dma_semaphore, #tpu.memory_space<semaphore_mem>>)
    %dma_start3A_411 = arith.constant 0 : i32
    %dma_start3A_412 = arith.constant 0 : i32
    %dma_start3A_413 = arith.constant 2 : i32
    %dma_start3A_414 = arith.constant 1 : i32
    %dma_start3A_415 = arith.constant 64 : i32
    %dma_start3A_416 = arith.constant 0 : i32
    %dma_start3A_417 = tpu.memref_slice %arg8[%dma_start3A_414, %dma_start3A_415, %dma_start3A_416] : memref<2x640x64xf32, #tpu.memory_space<vmem>> -> memref<1x32x64xf32, #tpu.memory_space<vmem>>
    %dma_start3A_418 = tpu.memref_squeeze %dma_start3A_417 : memref<1x32x64xf32, #tpu.memory_space<vmem>> -> memref<32x64xf32, #tpu.memory_space<vmem>>
    %dma_start3A_419 = arith.constant 32 : i32
    %dma_start3A_420 = tpu.memref_slice %arg7[%dma_start3A_411, %dma_start3A_412, %dma_start3A_413, %dma_start3A_419] : memref<3x3x20x128xi32, #tpu.memory_space<vmem>> -> memref<1x1x1x32xi32, #tpu.memory_space<vmem>>
    %dma_start3A_421 = tpu.memref_squeeze %dma_start3A_420 : memref<1x1x1x32xi32, #tpu.memory_space<vmem>> -> memref<32xi32, #tpu.memory_space<vmem>>
    %dma_start3A_422 = arith.constant 0 : i32
    %dma_start3A_423 = arith.constant 0 : i32
    %dma_start3A_424 = tpu.memref_slice %arg2[%dma_start3A_422, %dma_start3A_423] : memref<1015808x64xf32, #tpu.memory_space<hbm>> -> memref<1015808x64xf32, #tpu.memory_space<hbm>>
    tpu.enqueue_indirect_dma source(%dma_start3A_424 : memref<1015808x64xf32, #tpu.memory_space<hbm>>) target(%dma_start3A_418 : memref<32x64xf32, #tpu.memory_space<vmem>>) offsets(%dma_start3A_421 : memref<32xi32, #tpu.memory_space<vmem>>) semaphore(%arg12 : memref<!tpu.dma_semaphore, #tpu.memory_space<semaphore_mem>>)
    %dma_start3A_425 = arith.constant 0 : i32
    %dma_start3A_426 = arith.constant 0 : i32
    %dma_start3A_427 = arith.constant 3 : i32
    %dma_start3A_428 = arith.constant 1 : i32
    %dma_start3A_429 = arith.constant 96 : i32
    %dma_start3A_430 = arith.constant 0 : i32
    %dma_start3A_431 = tpu.memref_slice %arg8[%dma_start3A_428, %dma_start3A_429, %dma_start3A_430] : memref<2x640x64xf32, #tpu.memory_space<vmem>> -> memref<1x32x64xf32, #tpu.memory_space<vmem>>
    %dma_start3A_432 = tpu.memref_squeeze %dma_start3A_431 : memref<1x32x64xf32, #tpu.memory_space<vmem>> -> memref<32x64xf32, #tpu.memory_space<vmem>>
    %dma_start3A_433 = arith.constant 32 : i32
    %dma_start3A_434 = tpu.memref_slice %arg7[%dma_start3A_425, %dma_start3A_426, %dma_start3A_427, %dma_start3A_433] : memref<3x3x20x128xi32, #tpu.memory_space<vmem>> -> memref<1x1x1x32xi32, #tpu.memory_space<vmem>>
    %dma_start3A_435 = tpu.memref_squeeze %dma_start3A_434 : memref<1x1x1x32xi32, #tpu.memory_space<vmem>> -> memref<32xi32, #tpu.memory_space<vmem>>
    %dma_start3A_436 = arith.constant 0 : i32
    %dma_start3A_437 = arith.constant 0 : i32
    %dma_start3A_438 = tpu.memref_slice %arg2[%dma_start3A_436, %dma_start3A_437] : memref<1015808x64xf32, #tpu.memory_space<hbm>> -> memref<1015808x64xf32, #tpu.memory_space<hbm>>
    tpu.enqueue_indirect_dma source(%dma_start3A_438 : memref<1015808x64xf32, #tpu.memory_space<hbm>>) target(%dma_start3A_432 : memref<32x64xf32, #tpu.memory_space<vmem>>) offsets(%dma_start3A_435 : memref<32xi32, #tpu.memory_space<vmem>>) semaphore(%arg12 : memref<!tpu.dma_semaphore, #tpu.memory_space<semaphore_mem>>)
    %dma_start3A_439 = arith.constant 0 : i32
    %dma_start3A_440 = arith.constant 0 : i32
    %dma_start3A_441 = arith.constant 4 : i32
    %dma_start3A_442 = arith.constant 1 : i32
    %dma_start3A_443 = arith.constant 128 : i32
    %dma_start3A_444 = arith.constant 0 : i32
    %dma_start3A_445 = tpu.memref_slice %arg8[%dma_start3A_442, %dma_start3A_443, %dma_start3A_444] : memref<2x640x64xf32, #tpu.memory_space<vmem>> -> memref<1x32x64xf32, #tpu.memory_space<vmem>>
    %dma_start3A_446 = tpu.memref_squeeze %dma_start3A_445 : memref<1x32x64xf32, #tpu.memory_space<vmem>> -> memref<32x64xf32, #tpu.memory_space<vmem>>
    %dma_start3A_447 = arith.constant 32 : i32
    %dma_start3A_448 = tpu.memref_slice %arg7[%dma_start3A_439, %dma_start3A_440, %dma_start3A_441, %dma_start3A_447] : memref<3x3x20x128xi32, #tpu.memory_space<vmem>> -> memref<1x1x1x32xi32, #tpu.memory_space<vmem>>
    %dma_start3A_449 = tpu.memref_squeeze %dma_start3A_448 : memref<1x1x1x32xi32, #tpu.memory_space<vmem>> -> memref<32xi32, #tpu.memory_space<vmem>>
    %dma_start3A_450 = arith.constant 0 : i32
    %dma_start3A_451 = arith.constant 0 : i32
    %dma_start3A_452 = tpu.memref_slice %arg2[%dma_start3A_450, %dma_start3A_451] : memref<1015808x64xf32, #tpu.memory_space<hbm>> -> memref<1015808x64xf32, #tpu.memory_space<hbm>>
    tpu.enqueue_indirect_dma source(%dma_start3A_452 : memref<1015808x64xf32, #tpu.memory_space<hbm>>) target(%dma_start3A_446 : memref<32x64xf32, #tpu.memory_space<vmem>>) offsets(%dma_start3A_449 : memref<32xi32, #tpu.memory_space<vmem>>) semaphore(%arg12 : memref<!tpu.dma_semaphore, #tpu.memory_space<semaphore_mem>>)
    %dma_start3A_453 = arith.constant 0 : i32
    %dma_start3A_454 = arith.constant 0 : i32
    %dma_start3A_455 = arith.constant 5 : i32
    %dma_start3A_456 = arith.constant 1 : i32
    %dma_start3A_457 = arith.constant 160 : i32
    %dma_start3A_458 = arith.constant 0 : i32
    %dma_start3A_459 = tpu.memref_slice %arg8[%dma_start3A_456, %dma_start3A_457, %dma_start3A_458] : memref<2x640x64xf32, #tpu.memory_space<vmem>> -> memref<1x32x64xf32, #tpu.memory_space<vmem>>
    %dma_start3A_460 = tpu.memref_squeeze %dma_start3A_459 : memref<1x32x64xf32, #tpu.memory_space<vmem>> -> memref<32x64xf32, #tpu.memory_space<vmem>>
    %dma_start3A_461 = arith.constant 32 : i32
    %dma_start3A_462 = tpu.memref_slice %arg7[%dma_start3A_453, %dma_start3A_454, %dma_start3A_455, %dma_start3A_461] : memref<3x3x20x128xi32, #tpu.memory_space<vmem>> -> memref<1x1x1x32xi32, #tpu.memory_space<vmem>>
    %dma_start3A_463 = tpu.memref_squeeze %dma_start3A_462 : memref<1x1x1x32xi32, #tpu.memory_space<vmem>> -> memref<32xi32, #tpu.memory_space<vmem>>
    %dma_start3A_464 = arith.constant 0 : i32
    %dma_start3A_465 = arith.constant 0 : i32
    %dma_start3A_466 = tpu.memref_slice %arg2[%dma_start3A_464, %dma_start3A_465] : memref<1015808x64xf32, #tpu.memory_space<hbm>> -> memref<1015808x64xf32, #tpu.memory_space<hbm>>
    tpu.enqueue_indirect_dma source(%dma_start3A_466 : memref<1015808x64xf32, #tpu.memory_space<hbm>>) target(%dma_start3A_460 : memref<32x64xf32, #tpu.memory_space<vmem>>) offsets(%dma_start3A_463 : memref<32xi32, #tpu.memory_space<vmem>>) semaphore(%arg12 : memref<!tpu.dma_semaphore, #tpu.memory_space<semaphore_mem>>)
    %dma_start3A_467 = arith.constant 0 : i32
    %dma_start3A_468 = arith.constant 0 : i32
    %dma_start3A_469 = arith.constant 6 : i32
    %dma_start3A_470 = arith.constant 1 : i32
    %dma_start3A_471 = arith.constant 192 : i32
    %dma_start3A_472 = arith.constant 0 : i32
    %dma_start3A_473 = tpu.memref_slice %arg8[%dma_start3A_470, %dma_start3A_471, %dma_start3A_472] : memref<2x640x64xf32, #tpu.memory_space<vmem>> -> memref<1x32x64xf32, #tpu.memory_space<vmem>>
    %dma_start3A_474 = tpu.memref_squeeze %dma_start3A_473 : memref<1x32x64xf32, #tpu.memory_space<vmem>> -> memref<32x64xf32, #tpu.memory_space<vmem>>
    %dma_start3A_475 = arith.constant 32 : i32
    %dma_start3A_476 = tpu.memref_slice %arg7[%dma_start3A_467, %dma_start3A_468, %dma_start3A_469, %dma_start3A_475] : memref<3x3x20x128xi32, #tpu.memory_space<vmem>> -> memref<1x1x1x32xi32, #tpu.memory_space<vmem>>
    %dma_start3A_477 = tpu.memref_squeeze %dma_start3A_476 : memref<1x1x1x32xi32, #tpu.memory_space<vmem>> -> memref<32xi32, #tpu.memory_space<vmem>>
    %dma_start3A_478 = arith.constant 0 : i32
    %dma_start3A_479 = arith.constant 0 : i32
    %dma_start3A_480 = tpu.memref_slice %arg2[%dma_start3A_478, %dma_start3A_479] : memref<1015808x64xf32, #tpu.memory_space<hbm>> -> memref<1015808x64xf32, #tpu.memory_space<hbm>>
    tpu.enqueue_indirect_dma source(%dma_start3A_480 : memref<1015808x64xf32, #tpu.memory_space<hbm>>) target(%dma_start3A_474 : memref<32x64xf32, #tpu.memory_space<vmem>>) offsets(%dma_start3A_477 : memref<32xi32, #tpu.memory_space<vmem>>) semaphore(%arg12 : memref<!tpu.dma_semaphore, #tpu.memory_space<semaphore_mem>>)
    %dma_start3A_481 = arith.constant 0 : i32
    %dma_start3A_482 = arith.constant 0 : i32
    %dma_start3A_483 = arith.constant 7 : i32
    %dma_start3A_484 = arith.constant 1 : i32
    %dma_start3A_485 = arith.constant 224 : i32
    %dma_start3A_486 = arith.constant 0 : i32
    %dma_start3A_487 = tpu.memref_slice %arg8[%dma_start3A_484, %dma_start3A_485, %dma_start3A_486] : memref<2x640x64xf32, #tpu.memory_space<vmem>> -> memref<1x32x64xf32, #tpu.memory_space<vmem>>
    %dma_start3A_488 = tpu.memref_squeeze %dma_start3A_487 : memref<1x32x64xf32, #tpu.memory_space<vmem>> -> memref<32x64xf32, #tpu.memory_space<vmem>>
    %dma_start3A_489 = arith.constant 32 : i32
    %dma_start3A_490 = tpu.memref_slice %arg7[%dma_start3A_481, %dma_start3A_482, %dma_start3A_483, %dma_start3A_489] : memref<3x3x20x128xi32, #tpu.memory_space<vmem>> -> memref<1x1x1x32xi32, #tpu.memory_space<vmem>>
    %dma_start3A_491 = tpu.memref_squeeze %dma_start3A_490 : memref<1x1x1x32xi32, #tpu.memory_space<vmem>> -> memref<32xi32, #tpu.memory_space<vmem>>
    %dma_start3A_492 = arith.constant 0 : i32
    %dma_start3A_493 = arith.constant 0 : i32
    %dma_start3A_494 = tpu.memref_slice %arg2[%dma_start3A_492, %dma_start3A_493] : memref<1015808x64xf32, #tpu.memory_space<hbm>> -> memref<1015808x64xf32, #tpu.memory_space<hbm>>
    tpu.enqueue_indirect_dma source(%dma_start3A_494 : memref<1015808x64xf32, #tpu.memory_space<hbm>>) target(%dma_start3A_488 : memref<32x64xf32, #tpu.memory_space<vmem>>) offsets(%dma_start3A_491 : memref<32xi32, #tpu.memory_space<vmem>>) semaphore(%arg12 : memref<!tpu.dma_semaphore, #tpu.memory_space<semaphore_mem>>)
    %dma_start3A_495 = arith.constant 0 : i32
    %dma_start3A_496 = arith.constant 0 : i32
    %dma_start3A_497 = arith.constant 8 : i32
    %dma_start3A_498 = arith.constant 1 : i32
    %dma_start3A_499 = arith.constant 256 : i32
    %dma_start3A_500 = arith.constant 0 : i32
    %dma_start3A_501 = tpu.memref_slice %arg8[%dma_start3A_498, %dma_start3A_499, %dma_start3A_500] : memref<2x640x64xf32, #tpu.memory_space<vmem>> -> memref<1x32x64xf32, #tpu.memory_space<vmem>>
    %dma_start3A_502 = tpu.memref_squeeze %dma_start3A_501 : memref<1x32x64xf32, #tpu.memory_space<vmem>> -> memref<32x64xf32, #tpu.memory_space<vmem>>
    %dma_start3A_503 = arith.constant 32 : i32
    %dma_start3A_504 = tpu.memref_slice %arg7[%dma_start3A_495, %dma_start3A_496, %dma_start3A_497, %dma_start3A_503] : memref<3x3x20x128xi32, #tpu.memory_space<vmem>> -> memref<1x1x1x32xi32, #tpu.memory_space<vmem>>
    %dma_start3A_505 = tpu.memref_squeeze %dma_start3A_504 : memref<1x1x1x32xi32, #tpu.memory_space<vmem>> -> memref<32xi32, #tpu.memory_space<vmem>>
    %dma_start3A_506 = arith.constant 0 : i32
    %dma_start3A_507 = arith.constant 0 : i32
    %dma_start3A_508 = tpu.memref_slice %arg2[%dma_start3A_506, %dma_start3A_507] : memref<1015808x64xf32, #tpu.memory_space<hbm>> -> memref<1015808x64xf32, #tpu.memory_space<hbm>>
    tpu.enqueue_indirect_dma source(%dma_start3A_508 : memref<1015808x64xf32, #tpu.memory_space<hbm>>) target(%dma_start3A_502 : memref<32x64xf32, #tpu.memory_space<vmem>>) offsets(%dma_start3A_505 : memref<32xi32, #tpu.memory_space<vmem>>) semaphore(%arg12 : memref<!tpu.dma_semaphore, #tpu.memory_space<semaphore_mem>>)
    %dma_start3A_509 = arith.constant 0 : i32
    %dma_start3A_510 = arith.constant 0 : i32
    %dma_start3A_511 = arith.constant 9 : i32
    %dma_start3A_512 = arith.constant 1 : i32
    %dma_start3A_513 = arith.constant 288 : i32
    %dma_start3A_514 = arith.constant 0 : i32
    %dma_start3A_515 = tpu.memref_slice %arg8[%dma_start3A_512, %dma_start3A_513, %dma_start3A_514] : memref<2x640x64xf32, #tpu.memory_space<vmem>> -> memref<1x32x64xf32, #tpu.memory_space<vmem>>
    %dma_start3A_516 = tpu.memref_squeeze %dma_start3A_515 : memref<1x32x64xf32, #tpu.memory_space<vmem>> -> memref<32x64xf32, #tpu.memory_space<vmem>>
    %dma_start3A_517 = arith.constant 32 : i32
    %dma_start3A_518 = tpu.memref_slice %arg7[%dma_start3A_509, %dma_start3A_510, %dma_start3A_511, %dma_start3A_517] : memref<3x3x20x128xi32, #tpu.memory_space<vmem>> -> memref<1x1x1x32xi32, #tpu.memory_space<vmem>>
    %dma_start3A_519 = tpu.memref_squeeze %dma_start3A_518 : memref<1x1x1x32xi32, #tpu.memory_space<vmem>> -> memref<32xi32, #tpu.memory_space<vmem>>
    %dma_start3A_520 = arith.constant 0 : i32
    %dma_start3A_521 = arith.constant 0 : i32
    %dma_start3A_522 = tpu.memref_slice %arg2[%dma_start3A_520, %dma_start3A_521] : memref<1015808x64xf32, #tpu.memory_space<hbm>> -> memref<1015808x64xf32, #tpu.memory_space<hbm>>
    tpu.enqueue_indirect_dma source(%dma_start3A_522 : memref<1015808x64xf32, #tpu.memory_space<hbm>>) target(%dma_start3A_516 : memref<32x64xf32, #tpu.memory_space<vmem>>) offsets(%dma_start3A_519 : memref<32xi32, #tpu.memory_space<vmem>>) semaphore(%arg12 : memref<!tpu.dma_semaphore, #tpu.memory_space<semaphore_mem>>)
    %dma_start3A_523 = arith.constant 0 : i32
    %dma_start3A_524 = arith.constant 0 : i32
    %dma_start3A_525 = arith.constant 10 : i32
    %dma_start3A_526 = arith.constant 1 : i32
    %dma_start3A_527 = arith.constant 320 : i32
    %dma_start3A_528 = arith.constant 0 : i32
    %dma_start3A_529 = tpu.memref_slice %arg8[%dma_start3A_526, %dma_start3A_527, %dma_start3A_528] : memref<2x640x64xf32, #tpu.memory_space<vmem>> -> memref<1x32x64xf32, #tpu.memory_space<vmem>>
    %dma_start3A_530 = tpu.memref_squeeze %dma_start3A_529 : memref<1x32x64xf32, #tpu.memory_space<vmem>> -> memref<32x64xf32, #tpu.memory_space<vmem>>
    %dma_start3A_531 = arith.constant 32 : i32
    %dma_start3A_532 = tpu.memref_slice %arg7[%dma_start3A_523, %dma_start3A_524, %dma_start3A_525, %dma_start3A_531] : memref<3x3x20x128xi32, #tpu.memory_space<vmem>> -> memref<1x1x1x32xi32, #tpu.memory_space<vmem>>
    %dma_start3A_533 = tpu.memref_squeeze %dma_start3A_532 : memref<1x1x1x32xi32, #tpu.memory_space<vmem>> -> memref<32xi32, #tpu.memory_space<vmem>>
    %dma_start3A_534 = arith.constant 0 : i32
    %dma_start3A_535 = arith.constant 0 : i32
    %dma_start3A_536 = tpu.memref_slice %arg2[%dma_start3A_534, %dma_start3A_535] : memref<1015808x64xf32, #tpu.memory_space<hbm>> -> memref<1015808x64xf32, #tpu.memory_space<hbm>>
    tpu.enqueue_indirect_dma source(%dma_start3A_536 : memref<1015808x64xf32, #tpu.memory_space<hbm>>) target(%dma_start3A_530 : memref<32x64xf32, #tpu.memory_space<vmem>>) offsets(%dma_start3A_533 : memref<32xi32, #tpu.memory_space<vmem>>) semaphore(%arg12 : memref<!tpu.dma_semaphore, #tpu.memory_space<semaphore_mem>>)
    %dma_start3A_537 = arith.constant 0 : i32
    %dma_start3A_538 = arith.constant 0 : i32
    %dma_start3A_539 = arith.constant 11 : i32
    %dma_start3A_540 = arith.constant 1 : i32
    %dma_start3A_541 = arith.constant 352 : i32
    %dma_start3A_542 = arith.constant 0 : i32
    %dma_start3A_543 = tpu.memref_slice %arg8[%dma_start3A_540, %dma_start3A_541, %dma_start3A_542] : memref<2x640x64xf32, #tpu.memory_space<vmem>> -> memref<1x32x64xf32, #tpu.memory_space<vmem>>
    %dma_start3A_544 = tpu.memref_squeeze %dma_start3A_543 : memref<1x32x64xf32, #tpu.memory_space<vmem>> -> memref<32x64xf32, #tpu.memory_space<vmem>>
    %dma_start3A_545 = arith.constant 32 : i32
    %dma_start3A_546 = tpu.memref_slice %arg7[%dma_start3A_537, %dma_start3A_538, %dma_start3A_539, %dma_start3A_545] : memref<3x3x20x128xi32, #tpu.memory_space<vmem>> -> memref<1x1x1x32xi32, #tpu.memory_space<vmem>>
    %dma_start3A_547 = tpu.memref_squeeze %dma_start3A_546 : memref<1x1x1x32xi32, #tpu.memory_space<vmem>> -> memref<32xi32, #tpu.memory_space<vmem>>
    %dma_start3A_548 = arith.constant 0 : i32
    %dma_start3A_549 = arith.constant 0 : i32
    %dma_start3A_550 = tpu.memref_slice %arg2[%dma_start3A_548, %dma_start3A_549] : memref<1015808x64xf32, #tpu.memory_space<hbm>> -> memref<1015808x64xf32, #tpu.memory_space<hbm>>
    tpu.enqueue_indirect_dma source(%dma_start3A_550 : memref<1015808x64xf32, #tpu.memory_space<hbm>>) target(%dma_start3A_544 : memref<32x64xf32, #tpu.memory_space<vmem>>) offsets(%dma_start3A_547 : memref<32xi32, #tpu.memory_space<vmem>>) semaphore(%arg12 : memref<!tpu.dma_semaphore, #tpu.memory_space<semaphore_mem>>)
    %dma_start3A_551 = arith.constant 0 : i32
    %dma_start3A_552 = arith.constant 0 : i32
    %dma_start3A_553 = arith.constant 12 : i32
    %dma_start3A_554 = arith.constant 1 : i32
    %dma_start3A_555 = arith.constant 384 : i32
    %dma_start3A_556 = arith.constant 0 : i32
    %dma_start3A_557 = tpu.memref_slice %arg8[%dma_start3A_554, %dma_start3A_555, %dma_start3A_556] : memref<2x640x64xf32, #tpu.memory_space<vmem>> -> memref<1x32x64xf32, #tpu.memory_space<vmem>>
    %dma_start3A_558 = tpu.memref_squeeze %dma_start3A_557 : memref<1x32x64xf32, #tpu.memory_space<vmem>> -> memref<32x64xf32, #tpu.memory_space<vmem>>
    %dma_start3A_559 = arith.constant 32 : i32
    %dma_start3A_560 = tpu.memref_slice %arg7[%dma_start3A_551, %dma_start3A_552, %dma_start3A_553, %dma_start3A_559] : memref<3x3x20x128xi32, #tpu.memory_space<vmem>> -> memref<1x1x1x32xi32, #tpu.memory_space<vmem>>
    %dma_start3A_561 = tpu.memref_squeeze %dma_start3A_560 : memref<1x1x1x32xi32, #tpu.memory_space<vmem>> -> memref<32xi32, #tpu.memory_space<vmem>>
    %dma_start3A_562 = arith.constant 0 : i32
    %dma_start3A_563 = arith.constant 0 : i32
    %dma_start3A_564 = tpu.memref_slice %arg2[%dma_start3A_562, %dma_start3A_563] : memref<1015808x64xf32, #tpu.memory_space<hbm>> -> memref<1015808x64xf32, #tpu.memory_space<hbm>>
    tpu.enqueue_indirect_dma source(%dma_start3A_564 : memref<1015808x64xf32, #tpu.memory_space<hbm>>) target(%dma_start3A_558 : memref<32x64xf32, #tpu.memory_space<vmem>>) offsets(%dma_start3A_561 : memref<32xi32, #tpu.memory_space<vmem>>) semaphore(%arg12 : memref<!tpu.dma_semaphore, #tpu.memory_space<semaphore_mem>>)
    %dma_start3A_565 = arith.constant 0 : i32
    %dma_start3A_566 = arith.constant 0 : i32
    %dma_start3A_567 = arith.constant 13 : i32
    %dma_start3A_568 = arith.constant 1 : i32
    %dma_start3A_569 = arith.constant 416 : i32
    %dma_start3A_570 = arith.constant 0 : i32
    %dma_start3A_571 = tpu.memref_slice %arg8[%dma_start3A_568, %dma_start3A_569, %dma_start3A_570] : memref<2x640x64xf32, #tpu.memory_space<vmem>> -> memref<1x32x64xf32, #tpu.memory_space<vmem>>
    %dma_start3A_572 = tpu.memref_squeeze %dma_start3A_571 : memref<1x32x64xf32, #tpu.memory_space<vmem>> -> memref<32x64xf32, #tpu.memory_space<vmem>>
    %dma_start3A_573 = arith.constant 32 : i32
    %dma_start3A_574 = tpu.memref_slice %arg7[%dma_start3A_565, %dma_start3A_566, %dma_start3A_567, %dma_start3A_573] : memref<3x3x20x128xi32, #tpu.memory_space<vmem>> -> memref<1x1x1x32xi32, #tpu.memory_space<vmem>>
    %dma_start3A_575 = tpu.memref_squeeze %dma_start3A_574 : memref<1x1x1x32xi32, #tpu.memory_space<vmem>> -> memref<32xi32, #tpu.memory_space<vmem>>
    %dma_start3A_576 = arith.constant 0 : i32
    %dma_start3A_577 = arith.constant 0 : i32
    %dma_start3A_578 = tpu.memref_slice %arg2[%dma_start3A_576, %dma_start3A_577] : memref<1015808x64xf32, #tpu.memory_space<hbm>> -> memref<1015808x64xf32, #tpu.memory_space<hbm>>
    tpu.enqueue_indirect_dma source(%dma_start3A_578 : memref<1015808x64xf32, #tpu.memory_space<hbm>>) target(%dma_start3A_572 : memref<32x64xf32, #tpu.memory_space<vmem>>) offsets(%dma_start3A_575 : memref<32xi32, #tpu.memory_space<vmem>>) semaphore(%arg12 : memref<!tpu.dma_semaphore, #tpu.memory_space<semaphore_mem>>)
    %dma_start3A_579 = arith.constant 0 : i32
    %dma_start3A_580 = arith.constant 0 : i32
    %dma_start3A_581 = arith.constant 14 : i32
    %dma_start3A_582 = arith.constant 1 : i32
    %dma_start3A_583 = arith.constant 448 : i32
    %dma_start3A_584 = arith.constant 0 : i32
    %dma_start3A_585 = tpu.memref_slice %arg8[%dma_start3A_582, %dma_start3A_583, %dma_start3A_584] : memref<2x640x64xf32, #tpu.memory_space<vmem>> -> memref<1x32x64xf32, #tpu.memory_space<vmem>>
    %dma_start3A_586 = tpu.memref_squeeze %dma_start3A_585 : memref<1x32x64xf32, #tpu.memory_space<vmem>> -> memref<32x64xf32, #tpu.memory_space<vmem>>
    %dma_start3A_587 = arith.constant 32 : i32
    %dma_start3A_588 = tpu.memref_slice %arg7[%dma_start3A_579, %dma_start3A_580, %dma_start3A_581, %dma_start3A_587] : memref<3x3x20x128xi32, #tpu.memory_space<vmem>> -> memref<1x1x1x32xi32, #tpu.memory_space<vmem>>
    %dma_start3A_589 = tpu.memref_squeeze %dma_start3A_588 : memref<1x1x1x32xi32, #tpu.memory_space<vmem>> -> memref<32xi32, #tpu.memory_space<vmem>>
    %dma_start3A_590 = arith.constant 0 : i32
    %dma_start3A_591 = arith.constant 0 : i32
    %dma_start3A_592 = tpu.memref_slice %arg2[%dma_start3A_590, %dma_start3A_591] : memref<1015808x64xf32, #tpu.memory_space<hbm>> -> memref<1015808x64xf32, #tpu.memory_space<hbm>>
    tpu.enqueue_indirect_dma source(%dma_start3A_592 : memref<1015808x64xf32, #tpu.memory_space<hbm>>) target(%dma_start3A_586 : memref<32x64xf32, #tpu.memory_space<vmem>>) offsets(%dma_start3A_589 : memref<32xi32, #tpu.memory_space<vmem>>) semaphore(%arg12 : memref<!tpu.dma_semaphore, #tpu.memory_space<semaphore_mem>>)
    %dma_start3A_593 = arith.constant 0 : i32
    %dma_start3A_594 = arith.constant 0 : i32
    %dma_start3A_595 = arith.constant 15 : i32
    %dma_start3A_596 = arith.constant 1 : i32
    %dma_start3A_597 = arith.constant 480 : i32
    %dma_start3A_598 = arith.constant 0 : i32
    %dma_start3A_599 = tpu.memref_slice %arg8[%dma_start3A_596, %dma_start3A_597, %dma_start3A_598] : memref<2x640x64xf32, #tpu.memory_space<vmem>> -> memref<1x32x64xf32, #tpu.memory_space<vmem>>
    %dma_start3A_600 = tpu.memref_squeeze %dma_start3A_599 : memref<1x32x64xf32, #tpu.memory_space<vmem>> -> memref<32x64xf32, #tpu.memory_space<vmem>>
    %dma_start3A_601 = arith.constant 32 : i32
    %dma_start3A_602 = tpu.memref_slice %arg7[%dma_start3A_593, %dma_start3A_594, %dma_start3A_595, %dma_start3A_601] : memref<3x3x20x128xi32, #tpu.memory_space<vmem>> -> memref<1x1x1x32xi32, #tpu.memory_space<vmem>>
    %dma_start3A_603 = tpu.memref_squeeze %dma_start3A_602 : memref<1x1x1x32xi32, #tpu.memory_space<vmem>> -> memref<32xi32, #tpu.memory_space<vmem>>
    %dma_start3A_604 = arith.constant 0 : i32
    %dma_start3A_605 = arith.constant 0 : i32
    %dma_start3A_606 = tpu.memref_slice %arg2[%dma_start3A_604, %dma_start3A_605] : memref<1015808x64xf32, #tpu.memory_space<hbm>> -> memref<1015808x64xf32, #tpu.memory_space<hbm>>
    tpu.enqueue_indirect_dma source(%dma_start3A_606 : memref<1015808x64xf32, #tpu.memory_space<hbm>>) target(%dma_start3A_600 : memref<32x64xf32, #tpu.memory_space<vmem>>) offsets(%dma_start3A_603 : memref<32xi32, #tpu.memory_space<vmem>>) semaphore(%arg12 : memref<!tpu.dma_semaphore, #tpu.memory_space<semaphore_mem>>)
    %dma_start3A_607 = arith.constant 0 : i32
    %dma_start3A_608 = arith.constant 0 : i32
    %dma_start3A_609 = arith.constant 16 : i32
    %dma_start3A_610 = arith.constant 1 : i32
    %dma_start3A_611 = arith.constant 512 : i32
    %dma_start3A_612 = arith.constant 0 : i32
    %dma_start3A_613 = tpu.memref_slice %arg8[%dma_start3A_610, %dma_start3A_611, %dma_start3A_612] : memref<2x640x64xf32, #tpu.memory_space<vmem>> -> memref<1x32x64xf32, #tpu.memory_space<vmem>>
    %dma_start3A_614 = tpu.memref_squeeze %dma_start3A_613 : memref<1x32x64xf32, #tpu.memory_space<vmem>> -> memref<32x64xf32, #tpu.memory_space<vmem>>
    %dma_start3A_615 = arith.constant 32 : i32
    %dma_start3A_616 = tpu.memref_slice %arg7[%dma_start3A_607, %dma_start3A_608, %dma_start3A_609, %dma_start3A_615] : memref<3x3x20x128xi32, #tpu.memory_space<vmem>> -> memref<1x1x1x32xi32, #tpu.memory_space<vmem>>
    %dma_start3A_617 = tpu.memref_squeeze %dma_start3A_616 : memref<1x1x1x32xi32, #tpu.memory_space<vmem>> -> memref<32xi32, #tpu.memory_space<vmem>>
    %dma_start3A_618 = arith.constant 0 : i32
    %dma_start3A_619 = arith.constant 0 : i32
    %dma_start3A_620 = tpu.memref_slice %arg2[%dma_start3A_618, %dma_start3A_619] : memref<1015808x64xf32, #tpu.memory_space<hbm>> -> memref<1015808x64xf32, #tpu.memory_space<hbm>>
    tpu.enqueue_indirect_dma source(%dma_start3A_620 : memref<1015808x64xf32, #tpu.memory_space<hbm>>) target(%dma_start3A_614 : memref<32x64xf32, #tpu.memory_space<vmem>>) offsets(%dma_start3A_617 : memref<32xi32, #tpu.memory_space<vmem>>) semaphore(%arg12 : memref<!tpu.dma_semaphore, #tpu.memory_space<semaphore_mem>>)
    %dma_start3A_621 = arith.constant 0 : i32
    %dma_start3A_622 = arith.constant 0 : i32
    %dma_start3A_623 = arith.constant 17 : i32
    %dma_start3A_624 = arith.constant 1 : i32
    %dma_start3A_625 = arith.constant 544 : i32
    %dma_start3A_626 = arith.constant 0 : i32
    %dma_start3A_627 = tpu.memref_slice %arg8[%dma_start3A_624, %dma_start3A_625, %dma_start3A_626] : memref<2x640x64xf32, #tpu.memory_space<vmem>> -> memref<1x32x64xf32, #tpu.memory_space<vmem>>
    %dma_start3A_628 = tpu.memref_squeeze %dma_start3A_627 : memref<1x32x64xf32, #tpu.memory_space<vmem>> -> memref<32x64xf32, #tpu.memory_space<vmem>>
    %dma_start3A_629 = arith.constant 32 : i32
    %dma_start3A_630 = tpu.memref_slice %arg7[%dma_start3A_621, %dma_start3A_622, %dma_start3A_623, %dma_start3A_629] : memref<3x3x20x128xi32, #tpu.memory_space<vmem>> -> memref<1x1x1x32xi32, #tpu.memory_space<vmem>>
    %dma_start3A_631 = tpu.memref_squeeze %dma_start3A_630 : memref<1x1x1x32xi32, #tpu.memory_space<vmem>> -> memref<32xi32, #tpu.memory_space<vmem>>
    %dma_start3A_632 = arith.constant 0 : i32
    %dma_start3A_633 = arith.constant 0 : i32
    %dma_start3A_634 = tpu.memref_slice %arg2[%dma_start3A_632, %dma_start3A_633] : memref<1015808x64xf32, #tpu.memory_space<hbm>> -> memref<1015808x64xf32, #tpu.memory_space<hbm>>
    tpu.enqueue_indirect_dma source(%dma_start3A_634 : memref<1015808x64xf32, #tpu.memory_space<hbm>>) target(%dma_start3A_628 : memref<32x64xf32, #tpu.memory_space<vmem>>) offsets(%dma_start3A_631 : memref<32xi32, #tpu.memory_space<vmem>>) semaphore(%arg12 : memref<!tpu.dma_semaphore, #tpu.memory_space<semaphore_mem>>)
    %dma_start3A_635 = arith.constant 0 : i32
    %dma_start3A_636 = arith.constant 0 : i32
    %dma_start3A_637 = arith.constant 18 : i32
    %dma_start3A_638 = arith.constant 1 : i32
    %dma_start3A_639 = arith.constant 576 : i32
    %dma_start3A_640 = arith.constant 0 : i32
    %dma_start3A_641 = tpu.memref_slice %arg8[%dma_start3A_638, %dma_start3A_639, %dma_start3A_640] : memref<2x640x64xf32, #tpu.memory_space<vmem>> -> memref<1x32x64xf32, #tpu.memory_space<vmem>>
    %dma_start3A_642 = tpu.memref_squeeze %dma_start3A_641 : memref<1x32x64xf32, #tpu.memory_space<vmem>> -> memref<32x64xf32, #tpu.memory_space<vmem>>
    %dma_start3A_643 = arith.constant 32 : i32
    %dma_start3A_644 = tpu.memref_slice %arg7[%dma_start3A_635, %dma_start3A_636, %dma_start3A_637, %dma_start3A_643] : memref<3x3x20x128xi32, #tpu.memory_space<vmem>> -> memref<1x1x1x32xi32, #tpu.memory_space<vmem>>
    %dma_start3A_645 = tpu.memref_squeeze %dma_start3A_644 : memref<1x1x1x32xi32, #tpu.memory_space<vmem>> -> memref<32xi32, #tpu.memory_space<vmem>>
    %dma_start3A_646 = arith.constant 0 : i32
    %dma_start3A_647 = arith.constant 0 : i32
    %dma_start3A_648 = tpu.memref_slice %arg2[%dma_start3A_646, %dma_start3A_647] : memref<1015808x64xf32, #tpu.memory_space<hbm>> -> memref<1015808x64xf32, #tpu.memory_space<hbm>>
    tpu.enqueue_indirect_dma source(%dma_start3A_648 : memref<1015808x64xf32, #tpu.memory_space<hbm>>) target(%dma_start3A_642 : memref<32x64xf32, #tpu.memory_space<vmem>>) offsets(%dma_start3A_645 : memref<32xi32, #tpu.memory_space<vmem>>) semaphore(%arg12 : memref<!tpu.dma_semaphore, #tpu.memory_space<semaphore_mem>>)
    %dma_start3A_649 = arith.constant 0 : i32
    %dma_start3A_650 = arith.constant 0 : i32
    %dma_start3A_651 = arith.constant 19 : i32
    %dma_start3A_652 = arith.constant 1 : i32
    %dma_start3A_653 = arith.constant 608 : i32
    %dma_start3A_654 = arith.constant 0 : i32
    %dma_start3A_655 = tpu.memref_slice %arg8[%dma_start3A_652, %dma_start3A_653, %dma_start3A_654] : memref<2x640x64xf32, #tpu.memory_space<vmem>> -> memref<1x32x64xf32, #tpu.memory_space<vmem>>
    %dma_start3A_656 = tpu.memref_squeeze %dma_start3A_655 : memref<1x32x64xf32, #tpu.memory_space<vmem>> -> memref<32x64xf32, #tpu.memory_space<vmem>>
    %dma_start3A_657 = arith.constant 32 : i32
    %dma_start3A_658 = tpu.memref_slice %arg7[%dma_start3A_649, %dma_start3A_650, %dma_start3A_651, %dma_start3A_657] : memref<3x3x20x128xi32, #tpu.memory_space<vmem>> -> memref<1x1x1x32xi32, #tpu.memory_space<vmem>>
    %dma_start3A_659 = tpu.memref_squeeze %dma_start3A_658 : memref<1x1x1x32xi32, #tpu.memory_space<vmem>> -> memref<32xi32, #tpu.memory_space<vmem>>
    %dma_start3A_660 = arith.constant 0 : i32
    %dma_start3A_661 = arith.constant 0 : i32
    %dma_start3A_662 = tpu.memref_slice %arg2[%dma_start3A_660, %dma_start3A_661] : memref<1015808x64xf32, #tpu.memory_space<hbm>> -> memref<1015808x64xf32, #tpu.memory_space<hbm>>
    tpu.enqueue_indirect_dma source(%dma_start3A_662 : memref<1015808x64xf32, #tpu.memory_space<hbm>>) target(%dma_start3A_656 : memref<32x64xf32, #tpu.memory_space<vmem>>) offsets(%dma_start3A_659 : memref<32xi32, #tpu.memory_space<vmem>>) semaphore(%arg12 : memref<!tpu.dma_semaphore, #tpu.memory_space<semaphore_mem>>)
    %scan3A = arith.constant 0 : i32
    %scan3A_663 = arith.constant 0 : i32
    %scan3A_664 = arith.constant 18 : i32
    %scan3A_665 = arith.addi %scan3A_663, %scan3A_664 : i32
    %scan3A_666 = arith.constant 1 : i32
    scf.for %scan3A_712 = %scan3A_663 to %scan3A_665 step %scan3A_666  : i32 {
      %mul3A_713 = arith.constant 2 : i32
      %mul3A_714 = arith.muli %mul3A_713, %scan3A_712 : i32
      %dma_wait3A_715 = arith.constant 0 : i32
      %dma_wait3A_716 = arith.constant 0 : i32
      %dma_wait3A_717 = arith.constant 0 : i32
      %dma_wait3A_718 = tpu.memref_slice %arg8[%dma_wait3A_715, %dma_wait3A_716, %dma_wait3A_717] : memref<2x640x64xf32, #tpu.memory_space<vmem>> -> memref<1x640x64xf32, #tpu.memory_space<vmem>>
      %dma_wait3A_719 = tpu.memref_squeeze %dma_wait3A_718 : memref<1x640x64xf32, #tpu.memory_space<vmem>> -> memref<640x64xf32, #tpu.memory_space<vmem>>
      %dma_wait3A_720 = arith.constant 0 : i32
      %dma_wait3A_721 = arith.constant 0 : i32
      %dma_wait3A_722 = tpu.memref_slice %arg2[%dma_wait3A_720, %dma_wait3A_721] : memref<1015808x64xf32, #tpu.memory_space<hbm>> -> memref<640x64xf32, #tpu.memory_space<hbm>>
      %dma_wait3A_723 = arith.constant 0 : i32
      %dma_wait3A_724 = arith.constant 0 : i32
      %dma_wait3A_725 = tpu.memref_slice %arg8[%dma_wait3A_715, %dma_wait3A_723, %dma_wait3A_724] : memref<2x640x64xf32, #tpu.memory_space<vmem>> -> memref<1x640x64xf32, #tpu.memory_space<vmem>>
      %dma_wait3A_726 = tpu.memref_squeeze %dma_wait3A_725 : memref<1x640x64xf32, #tpu.memory_space<vmem>> -> memref<640x64xf32, #tpu.memory_space<vmem>>
      %dma_wait3A_727 = arith.constant 0 : i32
      %dma_wait3A_728 = arith.constant 0 : i32
      %dma_wait3A_729 = tpu.memref_slice %arg2[%dma_wait3A_727, %dma_wait3A_728] : memref<1015808x64xf32, #tpu.memory_space<hbm>> -> memref<640x64xf32, #tpu.memory_space<hbm>>
      tpu.wait_dma2 semaphore(%arg11 : memref<!tpu.dma_semaphore, #tpu.memory_space<semaphore_mem>>) src(%dma_wait3A_729 : memref<640x64xf32, #tpu.memory_space<hbm>>) dst(%dma_wait3A_726 : memref<640x64xf32, #tpu.memory_space<vmem>>)
      %ge3A = arith.constant 2 : i32
      %ge3A_730 = arith.cmpi sge, %mul3A_714, %ge3A : i32
      %convert_element_type3A = arith.extui %ge3A_730 : i1 to i32
      %cond3A = arith.constant 0 : i32
      %cond3A_731 = arith.cmpi ne, %convert_element_type3A, %cond3A : i32
      scf.if %cond3A_731 {
        %sub3A_972 = arith.constant 2 : i32
        %sub3A_973 = arith.subi %mul3A_714, %sub3A_972 : i32
        %jit3A_974 = arith.constant 12 : i32
        %div3A_975 = arith.divsi %sub3A_973, %jit3A_974 : i32
        %sign3A_976 = arith.constant 0 : i32
        %sign3A_977 = arith.cmpi sgt, %sub3A_973, %sign3A_976 : i32
        %sign3A_978 = arith.extui %sign3A_977 : i1 to i32
        %sign3A_979 = arith.constant 0 : i32
        %sign3A_980 = arith.cmpi slt, %sub3A_973, %sign3A_979 : i32
        %sign3A_981 = arith.extui %sign3A_980 : i1 to i32
        %sign3A_982 = arith.subi %sign3A_978, %sign3A_981 : i32
        %sign3A_983 = arith.constant 0 : i32
        %sign3A_984 = arith.cmpi sgt, %jit3A_974, %sign3A_983 : i32
        %sign3A_985 = arith.extui %sign3A_984 : i1 to i32
        %sign3A_986 = arith.constant 0 : i32
        %sign3A_987 = arith.cmpi slt, %jit3A_974, %sign3A_986 : i32
        %sign3A_988 = arith.extui %sign3A_987 : i1 to i32
        %sign3A_989 = arith.subi %sign3A_985, %sign3A_988 : i32
        %ne3A_990 = arith.cmpi ne, %sign3A_982, %sign3A_989 : i32
        %rem3A_991 = arith.remsi %sub3A_973, %jit3A_974 : i32
        %ne3A_992 = arith.constant 0 : i32
        %ne3A_993 = arith.cmpi ne, %rem3A_991, %ne3A_992 : i32
        %and3A_994 = arith.andi %ne3A_990, %ne3A_993 : i1
        %sub3A_995 = arith.constant 1 : i32
        %sub3A_996 = arith.subi %div3A_975, %sub3A_995 : i32
        %select_n3A_997 = arith.select %and3A_994, %sub3A_996, %div3A_975 : i32
        %jit3A_998 = arith.constant 4 : i32
        %div3A_999 = arith.divsi %sub3A_973, %jit3A_998 : i32
        %sign3A_1000 = arith.constant 0 : i32
        %sign3A_1001 = arith.cmpi sgt, %sub3A_973, %sign3A_1000 : i32
        %sign3A_1002 = arith.extui %sign3A_1001 : i1 to i32
        %sign3A_1003 = arith.constant 0 : i32
        %sign3A_1004 = arith.cmpi slt, %sub3A_973, %sign3A_1003 : i32
        %sign3A_1005 = arith.extui %sign3A_1004 : i1 to i32
        %sign3A_1006 = arith.subi %sign3A_1002, %sign3A_1005 : i32
        %sign3A_1007 = arith.constant 0 : i32
        %sign3A_1008 = arith.cmpi sgt, %jit3A_998, %sign3A_1007 : i32
        %sign3A_1009 = arith.extui %sign3A_1008 : i1 to i32
        %sign3A_1010 = arith.constant 0 : i32
        %sign3A_1011 = arith.cmpi slt, %jit3A_998, %sign3A_1010 : i32
        %sign3A_1012 = arith.extui %sign3A_1011 : i1 to i32
        %sign3A_1013 = arith.subi %sign3A_1009, %sign3A_1012 : i32
        %ne3A_1014 = arith.cmpi ne, %sign3A_1006, %sign3A_1013 : i32
        %rem3A_1015 = arith.remsi %sub3A_973, %jit3A_998 : i32
        %ne3A_1016 = arith.constant 0 : i32
        %ne3A_1017 = arith.cmpi ne, %rem3A_1015, %ne3A_1016 : i32
        %and3A_1018 = arith.andi %ne3A_1014, %ne3A_1017 : i1
        %sub3A_1019 = arith.constant 1 : i32
        %sub3A_1020 = arith.subi %div3A_999, %sub3A_1019 : i32
        %select_n3A_1021 = arith.select %and3A_1018, %sub3A_1020, %div3A_999 : i32
        %jit3A_1022 = arith.constant 3 : i32
        %eq3A_1023 = arith.constant 0 : i32
        %eq3A_1024 = arith.cmpi eq, %jit3A_1022, %eq3A_1023 : i32
        %jit3A_1025 = arith.constant 1 : i32
        %select_n3A_1026 = arith.select %eq3A_1024, %jit3A_1025, %jit3A_1022 : i32
        %rem3A_1027 = arith.remsi %select_n3A_1021, %select_n3A_1026 : i32
        %ne3A_1028 = arith.constant 0 : i32
        %ne3A_1029 = arith.cmpi ne, %rem3A_1027, %ne3A_1028 : i32
        %lt3A_1030 = arith.constant 0 : i32
        %lt3A_1031 = arith.cmpi slt, %rem3A_1027, %lt3A_1030 : i32
        %lt3A_1032 = arith.constant 0 : i32
        %lt3A_1033 = arith.cmpi slt, %select_n3A_1026, %lt3A_1032 : i32
        %ne3A_1034 = arith.xori %lt3A_1031, %lt3A_1033 : i1
        %and3A_1035 = arith.andi %ne3A_1034, %ne3A_1029 : i1
        %add3A_1036 = arith.addi %rem3A_1027, %select_n3A_1026 : i32
        %select_n3A_1037 = arith.select %and3A_1035, %add3A_1036, %rem3A_1027 : i32
        %jit3A_1038 = arith.constant 4 : i32
        %eq3A_1039 = arith.constant 0 : i32
        %eq3A_1040 = arith.cmpi eq, %jit3A_1038, %eq3A_1039 : i32
        %jit3A_1041 = arith.constant 1 : i32
        %select_n3A_1042 = arith.select %eq3A_1040, %jit3A_1041, %jit3A_1038 : i32
        %rem3A_1043 = arith.remsi %sub3A_973, %select_n3A_1042 : i32
        %ne3A_1044 = arith.constant 0 : i32
        %ne3A_1045 = arith.cmpi ne, %rem3A_1043, %ne3A_1044 : i32
        %lt3A_1046 = arith.constant 0 : i32
        %lt3A_1047 = arith.cmpi slt, %rem3A_1043, %lt3A_1046 : i32
        %lt3A_1048 = arith.constant 0 : i32
        %lt3A_1049 = arith.cmpi slt, %select_n3A_1042, %lt3A_1048 : i32
        %ne3A_1050 = arith.xori %lt3A_1047, %lt3A_1049 : i1
        %and3A_1051 = arith.andi %ne3A_1050, %ne3A_1045 : i1
        %add3A_1052 = arith.addi %rem3A_1043, %select_n3A_1042 : i32
        %select_n3A_1053 = arith.select %and3A_1051, %add3A_1052, %rem3A_1043 : i32
        %mul3A_1054 = arith.constant 32 : i32
        %mul3A_1055 = arith.muli %select_n3A_1053, %mul3A_1054 : i32
        %add3A_1056 = arith.addi %mul3A_2, %mul3A_1055 : i32
        %dma_wait3A_1057 = arith.constant 0 : i32
        %dma_wait3A_1058 = arith.constant 0 : i32
        %dma_wait3A_1059 = arith.constant 0 : i32
        %dma_wait3A_1060 = arith.constant 0 : i32
        %dma_wait3A_1061 = tpu.memref_slice %arg9[%dma_wait3A_1057, %dma_wait3A_1058, %dma_wait3A_1059, %dma_wait3A_1060] : memref<2x32x1x64xf32, #tpu.memory_space<vmem>> -> memref<1x32x1x64xf32, #tpu.memory_space<vmem>>
        %dma_wait3A_1062 = tpu.memref_squeeze %dma_wait3A_1061 : memref<1x32x1x64xf32, #tpu.memory_space<vmem>> -> memref<32x1x64xf32, #tpu.memory_space<vmem>>
        %dma_wait3A_1063 = arith.constant 0 : i32
        %dma_wait3A_1064 = tpu.memref_slice %arg6[%select_n3A_997, %add3A_1056, %select_n3A_1037, %dma_wait3A_1063] : memref<3x4096x3x64xf32, #tpu.memory_space<hbm>> -> memref<1x32x1x64xf32, #tpu.memory_space<hbm>>
        %dma_wait3A_1065 = tpu.memref_squeeze %dma_wait3A_1064 : memref<1x32x1x64xf32, #tpu.memory_space<hbm>> -> memref<32x1x64xf32, #tpu.memory_space<hbm>>
        %dma_wait3A_1066 = arith.constant 0 : i32
        %dma_wait3A_1067 = tpu.memref_slice %arg6[%select_n3A_997, %add3A_1056, %select_n3A_1037, %dma_wait3A_1066] : memref<3x4096x3x64xf32, #tpu.memory_space<hbm>> -> memref<1x32x1x64xf32, #tpu.memory_space<hbm>>
        %dma_wait3A_1068 = tpu.memref_squeeze %dma_wait3A_1067 : memref<1x32x1x64xf32, #tpu.memory_space<hbm>> -> memref<32x1x64xf32, #tpu.memory_space<hbm>>
        %dma_wait3A_1069 = arith.constant 0 : i32
        %dma_wait3A_1070 = arith.constant 0 : i32
        %dma_wait3A_1071 = arith.constant 0 : i32
        %dma_wait3A_1072 = tpu.memref_slice %arg9[%dma_wait3A_1057, %dma_wait3A_1069, %dma_wait3A_1070, %dma_wait3A_1071] : memref<2x32x1x64xf32, #tpu.memory_space<vmem>> -> memref<1x32x1x64xf32, #tpu.memory_space<vmem>>
        %dma_wait3A_1073 = tpu.memref_squeeze %dma_wait3A_1072 : memref<1x32x1x64xf32, #tpu.memory_space<vmem>> -> memref<32x1x64xf32, #tpu.memory_space<vmem>>
        tpu.wait_dma2 semaphore(%arg13 : memref<!tpu.dma_semaphore, #tpu.memory_space<semaphore_mem>>) src(%dma_wait3A_1073 : memref<32x1x64xf32, #tpu.memory_space<vmem>>) dst(%dma_wait3A_1068 : memref<32x1x64xf32, #tpu.memory_space<hbm>>)
      } else {
      }
      %scan3A_732 = arith.constant 0 : i32
      %scan3A_733 = arith.constant 0 : i32
      %scan3A_734 = arith.constant 32 : i32
      %scan3A_735 = arith.addi %scan3A_733, %scan3A_734 : i32
      %scan3A_736 = arith.constant 1 : i32
      scf.for %scan3A_972 = %scan3A_733 to %scan3A_735 step %scan3A_736  : i32 {
        %get3A = arith.constant 0 : i32
        %get3A_973 = arith.index_cast %get3A : i32 to index
        %get3A_974 = arith.index_cast %scan3A_972 : i32 to index
        %get3A_975 = arith.constant 0 : index
        %get3A_976 = tpu.vector_load %arg8[%get3A_973, %get3A_974, %get3A_975] {strides = array<i32>} : memref<2x640x64xf32, #tpu.memory_space<vmem>>, vector<1x1x16xf32>,
        %get3A_977 = vector.shape_cast %get3A_976 : vector<1x1x16xf32> to vector<16xf32>
        %add3A_978 = arith.constant 32 : i32
        %add3A_979 = arith.addi %add3A_978, %scan3A_972 : i32
        %get3A_980 = arith.constant 0 : i32
        %get3A_981 = arith.index_cast %get3A_980 : i32 to index
        %get3A_982 = arith.index_cast %add3A_979 : i32 to index
        %get3A_983 = arith.constant 0 : index
        %get3A_984 = tpu.vector_load %arg8[%get3A_981, %get3A_982, %get3A_983] {strides = array<i32>} : memref<2x640x64xf32, #tpu.memory_space<vmem>>, vector<1x1x16xf32>,
        %get3A_985 = vector.shape_cast %get3A_984 : vector<1x1x16xf32> to vector<16xf32>
        %add3A_986 = arith.constant 64 : i32
        %add3A_987 = arith.addi %add3A_986, %scan3A_972 : i32
        %get3A_988 = arith.constant 0 : i32
        %get3A_989 = arith.index_cast %get3A_988 : i32 to index
        %get3A_990 = arith.index_cast %add3A_987 : i32 to index
        %get3A_991 = arith.constant 0 : index
        %get3A_992 = tpu.vector_load %arg8[%get3A_989, %get3A_990, %get3A_991] {strides = array<i32>} : memref<2x640x64xf32, #tpu.memory_space<vmem>>, vector<1x1x16xf32>,
        %get3A_993 = vector.shape_cast %get3A_992 : vector<1x1x16xf32> to vector<16xf32>
        %add3A_994 = arith.addf %get3A_977, %get3A_993 : vector<16xf32>
        %add3A_995 = arith.constant 96 : i32
        %add3A_996 = arith.addi %add3A_995, %scan3A_972 : i32
        %get3A_997 = arith.constant 0 : i32
        %get3A_998 = arith.index_cast %get3A_997 : i32 to index
        %get3A_999 = arith.index_cast %add3A_996 : i32 to index
        %get3A_1000 = arith.constant 0 : index
        %get3A_1001 = tpu.vector_load %arg8[%get3A_998, %get3A_999, %get3A_1000] {strides = array<i32>} : memref<2x640x64xf32, #tpu.memory_space<vmem>>, vector<1x1x16xf32>,
        %get3A_1002 = vector.shape_cast %get3A_1001 : vector<1x1x16xf32> to vector<16xf32>
        %add3A_1003 = arith.addf %get3A_985, %get3A_1002 : vector<16xf32>
        %add3A_1004 = arith.constant 128 : i32
        %add3A_1005 = arith.addi %add3A_1004, %scan3A_972 : i32
        %get3A_1006 = arith.constant 0 : i32
        %get3A_1007 = arith.index_cast %get3A_1006 : i32 to index
        %get3A_1008 = arith.index_cast %add3A_1005 : i32 to index
        %get3A_1009 = arith.constant 0 : index
        %get3A_1010 = tpu.vector_load %arg8[%get3A_1007, %get3A_1008, %get3A_1009] {strides = array<i32>} : memref<2x640x64xf32, #tpu.memory_space<vmem>>, vector<1x1x16xf32>,
        %get3A_1011 = vector.shape_cast %get3A_1010 : vector<1x1x16xf32> to vector<16xf32>
        %add3A_1012 = arith.addf %add3A_994, %get3A_1011 : vector<16xf32>
        %add3A_1013 = arith.constant 160 : i32
        %add3A_1014 = arith.addi %add3A_1013, %scan3A_972 : i32
        %get3A_1015 = arith.constant 0 : i32
        %get3A_1016 = arith.index_cast %get3A_1015 : i32 to index
        %get3A_1017 = arith.index_cast %add3A_1014 : i32 to index
        %get3A_1018 = arith.constant 0 : index
        %get3A_1019 = tpu.vector_load %arg8[%get3A_1016, %get3A_1017, %get3A_1018] {strides = array<i32>} : memref<2x640x64xf32, #tpu.memory_space<vmem>>, vector<1x1x16xf32>,
        %get3A_1020 = vector.shape_cast %get3A_1019 : vector<1x1x16xf32> to vector<16xf32>
        %add3A_1021 = arith.addf %add3A_1003, %get3A_1020 : vector<16xf32>
        %add3A_1022 = arith.constant 192 : i32
        %add3A_1023 = arith.addi %add3A_1022, %scan3A_972 : i32
        %get3A_1024 = arith.constant 0 : i32
        %get3A_1025 = arith.index_cast %get3A_1024 : i32 to index
        %get3A_1026 = arith.index_cast %add3A_1023 : i32 to index
        %get3A_1027 = arith.constant 0 : index
        %get3A_1028 = tpu.vector_load %arg8[%get3A_1025, %get3A_1026, %get3A_1027] {strides = array<i32>} : memref<2x640x64xf32, #tpu.memory_space<vmem>>, vector<1x1x16xf32>,
        %get3A_1029 = vector.shape_cast %get3A_1028 : vector<1x1x16xf32> to vector<16xf32>
        %add3A_1030 = arith.addf %add3A_1012, %get3A_1029 : vector<16xf32>
        %add3A_1031 = arith.constant 224 : i32
        %add3A_1032 = arith.addi %add3A_1031, %scan3A_972 : i32
        %get3A_1033 = arith.constant 0 : i32
        %get3A_1034 = arith.index_cast %get3A_1033 : i32 to index
        %get3A_1035 = arith.index_cast %add3A_1032 : i32 to index
        %get3A_1036 = arith.constant 0 : index
        %get3A_1037 = tpu.vector_load %arg8[%get3A_1034, %get3A_1035, %get3A_1036] {strides = array<i32>} : memref<2x640x64xf32, #tpu.memory_space<vmem>>, vector<1x1x16xf32>,
        %get3A_1038 = vector.shape_cast %get3A_1037 : vector<1x1x16xf32> to vector<16xf32>
        %add3A_1039 = arith.addf %add3A_1021, %get3A_1038 : vector<16xf32>
        %add3A_1040 = arith.constant 256 : i32
        %add3A_1041 = arith.addi %add3A_1040, %scan3A_972 : i32
        %get3A_1042 = arith.constant 0 : i32
        %get3A_1043 = arith.index_cast %get3A_1042 : i32 to index
        %get3A_1044 = arith.index_cast %add3A_1041 : i32 to index
        %get3A_1045 = arith.constant 0 : index
        %get3A_1046 = tpu.vector_load %arg8[%get3A_1043, %get3A_1044, %get3A_1045] {strides = array<i32>} : memref<2x640x64xf32, #tpu.memory_space<vmem>>, vector<1x1x16xf32>,
        %get3A_1047 = vector.shape_cast %get3A_1046 : vector<1x1x16xf32> to vector<16xf32>
        %add3A_1048 = arith.addf %add3A_1030, %get3A_1047 : vector<16xf32>
        %add3A_1049 = arith.constant 288 : i32
        %add3A_1050 = arith.addi %add3A_1049, %scan3A_972 : i32
        %get3A_1051 = arith.constant 0 : i32
        %get3A_1052 = arith.index_cast %get3A_1051 : i32 to index
        %get3A_1053 = arith.index_cast %add3A_1050 : i32 to index
        %get3A_1054 = arith.constant 0 : index
        %get3A_1055 = tpu.vector_load %arg8[%get3A_1052, %get3A_1053, %get3A_1054] {strides = array<i32>} : memref<2x640x64xf32, #tpu.memory_space<vmem>>, vector<1x1x16xf32>,
        %get3A_1056 = vector.shape_cast %get3A_1055 : vector<1x1x16xf32> to vector<16xf32>
        %add3A_1057 = arith.addf %add3A_1039, %get3A_1056 : vector<16xf32>
        %add3A_1058 = arith.constant 320 : i32
        %add3A_1059 = arith.addi %add3A_1058, %scan3A_972 : i32
        %get3A_1060 = arith.constant 0 : i32
        %get3A_1061 = arith.index_cast %get3A_1060 : i32 to index
        %get3A_1062 = arith.index_cast %add3A_1059 : i32 to index
        %get3A_1063 = arith.constant 0 : index
        %get3A_1064 = tpu.vector_load %arg8[%get3A_1061, %get3A_1062, %get3A_1063] {strides = array<i32>} : memref<2x640x64xf32, #tpu.memory_space<vmem>>, vector<1x1x16xf32>,
        %get3A_1065 = vector.shape_cast %get3A_1064 : vector<1x1x16xf32> to vector<16xf32>
        %add3A_1066 = arith.addf %add3A_1048, %get3A_1065 : vector<16xf32>
        %add3A_1067 = arith.constant 352 : i32
        %add3A_1068 = arith.addi %add3A_1067, %scan3A_972 : i32
        %get3A_1069 = arith.constant 0 : i32
        %get3A_1070 = arith.index_cast %get3A_1069 : i32 to index
        %get3A_1071 = arith.index_cast %add3A_1068 : i32 to index
        %get3A_1072 = arith.constant 0 : index
        %get3A_1073 = tpu.vector_load %arg8[%get3A_1070, %get3A_1071, %get3A_1072] {strides = array<i32>} : memref<2x640x64xf32, #tpu.memory_space<vmem>>, vector<1x1x16xf32>,
        %get3A_1074 = vector.shape_cast %get3A_1073 : vector<1x1x16xf32> to vector<16xf32>
        %add3A_1075 = arith.addf %add3A_1057, %get3A_1074 : vector<16xf32>
        %add3A_1076 = arith.constant 384 : i32
        %add3A_1077 = arith.addi %add3A_1076, %scan3A_972 : i32
        %get3A_1078 = arith.constant 0 : i32
        %get3A_1079 = arith.index_cast %get3A_1078 : i32 to index
        %get3A_1080 = arith.index_cast %add3A_1077 : i32 to index
        %get3A_1081 = arith.constant 0 : index
        %get3A_1082 = tpu.vector_load %arg8[%get3A_1079, %get3A_1080, %get3A_1081] {strides = array<i32>} : memref<2x640x64xf32, #tpu.memory_space<vmem>>, vector<1x1x16xf32>,
        %get3A_1083 = vector.shape_cast %get3A_1082 : vector<1x1x16xf32> to vector<16xf32>
        %add3A_1084 = arith.addf %add3A_1066, %get3A_1083 : vector<16xf32>
        %add3A_1085 = arith.constant 416 : i32
        %add3A_1086 = arith.addi %add3A_1085, %scan3A_972 : i32
        %get3A_1087 = arith.constant 0 : i32
        %get3A_1088 = arith.index_cast %get3A_1087 : i32 to index
        %get3A_1089 = arith.index_cast %add3A_1086 : i32 to index
        %get3A_1090 = arith.constant 0 : index
        %get3A_1091 = tpu.vector_load %arg8[%get3A_1088, %get3A_1089, %get3A_1090] {strides = array<i32>} : memref<2x640x64xf32, #tpu.memory_space<vmem>>, vector<1x1x16xf32>,
        %get3A_1092 = vector.shape_cast %get3A_1091 : vector<1x1x16xf32> to vector<16xf32>
        %add3A_1093 = arith.addf %add3A_1075, %get3A_1092 : vector<16xf32>
        %add3A_1094 = arith.constant 448 : i32
        %add3A_1095 = arith.addi %add3A_1094, %scan3A_972 : i32
        %get3A_1096 = arith.constant 0 : i32
        %get3A_1097 = arith.index_cast %get3A_1096 : i32 to index
        %get3A_1098 = arith.index_cast %add3A_1095 : i32 to index
        %get3A_1099 = arith.constant 0 : index
        %get3A_1100 = tpu.vector_load %arg8[%get3A_1097, %get3A_1098, %get3A_1099] {strides = array<i32>} : memref<2x640x64xf32, #tpu.memory_space<vmem>>, vector<1x1x16xf32>,
        %get3A_1101 = vector.shape_cast %get3A_1100 : vector<1x1x16xf32> to vector<16xf32>
        %add3A_1102 = arith.addf %add3A_1084, %get3A_1101 : vector<16xf32>
        %add3A_1103 = arith.constant 480 : i32
        %add3A_1104 = arith.addi %add3A_1103, %scan3A_972 : i32
        %get3A_1105 = arith.constant 0 : i32
        %get3A_1106 = arith.index_cast %get3A_1105 : i32 to index
        %get3A_1107 = arith.index_cast %add3A_1104 : i32 to index
        %get3A_1108 = arith.constant 0 : index
        %get3A_1109 = tpu.vector_load %arg8[%get3A_1106, %get3A_1107, %get3A_1108] {strides = array<i32>} : memref<2x640x64xf32, #tpu.memory_space<vmem>>, vector<1x1x16xf32>,
        %get3A_1110 = vector.shape_cast %get3A_1109 : vector<1x1x16xf32> to vector<16xf32>
        %add3A_1111 = arith.addf %add3A_1093, %get3A_1110 : vector<16xf32>
        %add3A_1112 = arith.constant 512 : i32
        %add3A_1113 = arith.addi %add3A_1112, %scan3A_972 : i32
        %get3A_1114 = arith.constant 0 : i32
        %get3A_1115 = arith.index_cast %get3A_1114 : i32 to index
        %get3A_1116 = arith.index_cast %add3A_1113 : i32 to index
        %get3A_1117 = arith.constant 0 : index
        %get3A_1118 = tpu.vector_load %arg8[%get3A_1115, %get3A_1116, %get3A_1117] {strides = array<i32>} : memref<2x640x64xf32, #tpu.memory_space<vmem>>, vector<1x1x16xf32>,
        %get3A_1119 = vector.shape_cast %get3A_1118 : vector<1x1x16xf32> to vector<16xf32>
        %add3A_1120 = arith.addf %add3A_1102, %get3A_1119 : vector<16xf32>
        %add3A_1121 = arith.constant 544 : i32
        %add3A_1122 = arith.addi %add3A_1121, %scan3A_972 : i32
        %get3A_1123 = arith.constant 0 : i32
        %get3A_1124 = arith.index_cast %get3A_1123 : i32 to index
        %get3A_1125 = arith.index_cast %add3A_1122 : i32 to index
        %get3A_1126 = arith.constant 0 : index
        %get3A_1127 = tpu.vector_load %arg8[%get3A_1124, %get3A_1125, %get3A_1126] {strides = array<i32>} : memref<2x640x64xf32, #tpu.memory_space<vmem>>, vector<1x1x16xf32>,
        %get3A_1128 = vector.shape_cast %get3A_1127 : vector<1x1x16xf32> to vector<16xf32>
        %add3A_1129 = arith.addf %add3A_1111, %get3A_1128 : vector<16xf32>
        %add3A_1130 = arith.constant 576 : i32
        %add3A_1131 = arith.addi %add3A_1130, %scan3A_972 : i32
        %get3A_1132 = arith.constant 0 : i32
        %get3A_1133 = arith.index_cast %get3A_1132 : i32 to index
        %get3A_1134 = arith.index_cast %add3A_1131 : i32 to index
        %get3A_1135 = arith.constant 0 : index
        %get3A_1136 = tpu.vector_load %arg8[%get3A_1133, %get3A_1134, %get3A_1135] {strides = array<i32>} : memref<2x640x64xf32, #tpu.memory_space<vmem>>, vector<1x1x16xf32>,
        %get3A_1137 = vector.shape_cast %get3A_1136 : vector<1x1x16xf32> to vector<16xf32>
        %add3A_1138 = arith.addf %add3A_1120, %get3A_1137 : vector<16xf32>
        %add3A_1139 = arith.constant 608 : i32
        %add3A_1140 = arith.addi %add3A_1139, %scan3A_972 : i32
        %get3A_1141 = arith.constant 0 : i32
        %get3A_1142 = arith.index_cast %get3A_1141 : i32 to index
        %get3A_1143 = arith.index_cast %add3A_1140 : i32 to index
        %get3A_1144 = arith.constant 0 : index
        %get3A_1145 = tpu.vector_load %arg8[%get3A_1142, %get3A_1143, %get3A_1144] {strides = array<i32>} : memref<2x640x64xf32, #tpu.memory_space<vmem>>, vector<1x1x16xf32>,
        %get3A_1146 = vector.shape_cast %get3A_1145 : vector<1x1x16xf32> to vector<16xf32>
        %add3A_1147 = arith.addf %add3A_1129, %get3A_1146 : vector<16xf32>
        %add3A_1148 = arith.addf %add3A_1138, %add3A_1147 : vector<16xf32>
        %swap3A = arith.constant 0 : i32
        %swap3A_1149 = arith.constant 0 : i32
        %swap3A_1150 = arith.index_cast %swap3A : i32 to index
        %swap3A_1151 = arith.index_cast %scan3A_972 : i32 to index
        %swap3A_1152 = arith.index_cast %swap3A_1149 : i32 to index
        %swap3A_1153 = arith.constant 0 : index
        %swap3A_1154 = tpu.vector_load %arg9[%swap3A_1150, %swap3A_1151, %swap3A_1152, %swap3A_1153] {strides = array<i32>} : memref<2x32x1x64xf32, #tpu.memory_space<vmem>>, vector<1x1x1x16xf32>,
        %swap3A_1155 = vector.shape_cast %swap3A_1154 : vector<1x1x1x16xf32> to vector<16xf32>
        %swap3A_1156 = vector.shape_cast %add3A_1148 : vector<16xf32> to vector<1x1x1x16xf32>
        tpu.vector_store %arg9[%swap3A_1150, %swap3A_1151, %swap3A_1152, %swap3A_1153], %swap3A_1156 {strides = array<i32>} : memref<2x32x1x64xf32, #tpu.memory_space<vmem>>, vector<1x1x1x16xf32>,
        %get3A_1157 = arith.constant 0 : i32
        %get3A_1158 = arith.index_cast %get3A_1157 : i32 to index
        %get3A_1159 = arith.index_cast %scan3A_972 : i32 to index
        %get3A_1160 = arith.constant 16 : index
        %get3A_1161 = tpu.vector_load %arg8[%get3A_1158, %get3A_1159, %get3A_1160] {strides = array<i32>} : memref<2x640x64xf32, #tpu.memory_space<vmem>>, vector<1x1x16xf32>,
        %get3A_1162 = vector.shape_cast %get3A_1161 : vector<1x1x16xf32> to vector<16xf32>
        %add3A_1163 = arith.constant 32 : i32
        %add3A_1164 = arith.addi %add3A_1163, %scan3A_972 : i32
        %get3A_1165 = arith.constant 0 : i32
        %get3A_1166 = arith.index_cast %get3A_1165 : i32 to index
        %get3A_1167 = arith.index_cast %add3A_1164 : i32 to index
        %get3A_1168 = arith.constant 16 : index
        %get3A_1169 = tpu.vector_load %arg8[%get3A_1166, %get3A_1167, %get3A_1168] {strides = array<i32>} : memref<2x640x64xf32, #tpu.memory_space<vmem>>, vector<1x1x16xf32>,
        %get3A_1170 = vector.shape_cast %get3A_1169 : vector<1x1x16xf32> to vector<16xf32>
        %add3A_1171 = arith.constant 64 : i32
        %add3A_1172 = arith.addi %add3A_1171, %scan3A_972 : i32
        %get3A_1173 = arith.constant 0 : i32
        %get3A_1174 = arith.index_cast %get3A_1173 : i32 to index
        %get3A_1175 = arith.index_cast %add3A_1172 : i32 to index
        %get3A_1176 = arith.constant 16 : index
        %get3A_1177 = tpu.vector_load %arg8[%get3A_1174, %get3A_1175, %get3A_1176] {strides = array<i32>} : memref<2x640x64xf32, #tpu.memory_space<vmem>>, vector<1x1x16xf32>,
        %get3A_1178 = vector.shape_cast %get3A_1177 : vector<1x1x16xf32> to vector<16xf32>
        %add3A_1179 = arith.addf %get3A_1162, %get3A_1178 : vector<16xf32>
        %add3A_1180 = arith.constant 96 : i32
        %add3A_1181 = arith.addi %add3A_1180, %scan3A_972 : i32
        %get3A_1182 = arith.constant 0 : i32
        %get3A_1183 = arith.index_cast %get3A_1182 : i32 to index
        %get3A_1184 = arith.index_cast %add3A_1181 : i32 to index
        %get3A_1185 = arith.constant 16 : index
        %get3A_1186 = tpu.vector_load %arg8[%get3A_1183, %get3A_1184, %get3A_1185] {strides = array<i32>} : memref<2x640x64xf32, #tpu.memory_space<vmem>>, vector<1x1x16xf32>,
        %get3A_1187 = vector.shape_cast %get3A_1186 : vector<1x1x16xf32> to vector<16xf32>
        %add3A_1188 = arith.addf %get3A_1170, %get3A_1187 : vector<16xf32>
        %add3A_1189 = arith.constant 128 : i32
        %add3A_1190 = arith.addi %add3A_1189, %scan3A_972 : i32
        %get3A_1191 = arith.constant 0 : i32
        %get3A_1192 = arith.index_cast %get3A_1191 : i32 to index
        %get3A_1193 = arith.index_cast %add3A_1190 : i32 to index
        %get3A_1194 = arith.constant 16 : index
        %get3A_1195 = tpu.vector_load %arg8[%get3A_1192, %get3A_1193, %get3A_1194] {strides = array<i32>} : memref<2x640x64xf32, #tpu.memory_space<vmem>>, vector<1x1x16xf32>,
        %get3A_1196 = vector.shape_cast %get3A_1195 : vector<1x1x16xf32> to vector<16xf32>
        %add3A_1197 = arith.addf %add3A_1179, %get3A_1196 : vector<16xf32>
        %add3A_1198 = arith.constant 160 : i32
        %add3A_1199 = arith.addi %add3A_1198, %scan3A_972 : i32
        %get3A_1200 = arith.constant 0 : i32
        %get3A_1201 = arith.index_cast %get3A_1200 : i32 to index
        %get3A_1202 = arith.index_cast %add3A_1199 : i32 to index
        %get3A_1203 = arith.constant 16 : index
        %get3A_1204 = tpu.vector_load %arg8[%get3A_1201, %get3A_1202, %get3A_1203] {strides = array<i32>} : memref<2x640x64xf32, #tpu.memory_space<vmem>>, vector<1x1x16xf32>,
        %get3A_1205 = vector.shape_cast %get3A_1204 : vector<1x1x16xf32> to vector<16xf32>
        %add3A_1206 = arith.addf %add3A_1188, %get3A_1205 : vector<16xf32>
        %add3A_1207 = arith.constant 192 : i32
        %add3A_1208 = arith.addi %add3A_1207, %scan3A_972 : i32
        %get3A_1209 = arith.constant 0 : i32
        %get3A_1210 = arith.index_cast %get3A_1209 : i32 to index
        %get3A_1211 = arith.index_cast %add3A_1208 : i32 to index
        %get3A_1212 = arith.constant 16 : index
        %get3A_1213 = tpu.vector_load %arg8[%get3A_1210, %get3A_1211, %get3A_1212] {strides = array<i32>} : memref<2x640x64xf32, #tpu.memory_space<vmem>>, vector<1x1x16xf32>,
        %get3A_1214 = vector.shape_cast %get3A_1213 : vector<1x1x16xf32> to vector<16xf32>
        %add3A_1215 = arith.addf %add3A_1197, %get3A_1214 : vector<16xf32>
        %add3A_1216 = arith.constant 224 : i32
        %add3A_1217 = arith.addi %add3A_1216, %scan3A_972 : i32
        %get3A_1218 = arith.constant 0 : i32
        %get3A_1219 = arith.index_cast %get3A_1218 : i32 to index
        %get3A_1220 = arith.index_cast %add3A_1217 : i32 to index
        %get3A_1221 = arith.constant 16 : index
        %get3A_1222 = tpu.vector_load %arg8[%get3A_1219, %get3A_1220, %get3A_1221] {strides = array<i32>} : memref<2x640x64xf32, #tpu.memory_space<vmem>>, vector<1x1x16xf32>,
        %get3A_1223 = vector.shape_cast %get3A_1222 : vector<1x1x16xf32> to vector<16xf32>
        %add3A_1224 = arith.addf %add3A_1206, %get3A_1223 : vector<16xf32>
        %add3A_1225 = arith.constant 256 : i32
        %add3A_1226 = arith.addi %add3A_1225, %scan3A_972 : i32
        %get3A_1227 = arith.constant 0 : i32
        %get3A_1228 = arith.index_cast %get3A_1227 : i32 to index
        %get3A_1229 = arith.index_cast %add3A_1226 : i32 to index
        %get3A_1230 = arith.constant 16 : index
        %get3A_1231 = tpu.vector_load %arg8[%get3A_1228, %get3A_1229, %get3A_1230] {strides = array<i32>} : memref<2x640x64xf32, #tpu.memory_space<vmem>>, vector<1x1x16xf32>,
        %get3A_1232 = vector.shape_cast %get3A_1231 : vector<1x1x16xf32> to vector<16xf32>
        %add3A_1233 = arith.addf %add3A_1215, %get3A_1232 : vector<16xf32>
        %add3A_1234 = arith.constant 288 : i32
        %add3A_1235 = arith.addi %add3A_1234, %scan3A_972 : i32
        %get3A_1236 = arith.constant 0 : i32
        %get3A_1237 = arith.index_cast %get3A_1236 : i32 to index
        %get3A_1238 = arith.index_cast %add3A_1235 : i32 to index
        %get3A_1239 = arith.constant 16 : index
        %get3A_1240 = tpu.vector_load %arg8[%get3A_1237, %get3A_1238, %get3A_1239] {strides = array<i32>} : memref<2x640x64xf32, #tpu.memory_space<vmem>>, vector<1x1x16xf32>,
        %get3A_1241 = vector.shape_cast %get3A_1240 : vector<1x1x16xf32> to vector<16xf32>
        %add3A_1242 = arith.addf %add3A_1224, %get3A_1241 : vector<16xf32>
        %add3A_1243 = arith.constant 320 : i32
        %add3A_1244 = arith.addi %add3A_1243, %scan3A_972 : i32
        %get3A_1245 = arith.constant 0 : i32
        %get3A_1246 = arith.index_cast %get3A_1245 : i32 to index
        %get3A_1247 = arith.index_cast %add3A_1244 : i32 to index
        %get3A_1248 = arith.constant 16 : index
        %get3A_1249 = tpu.vector_load %arg8[%get3A_1246, %get3A_1247, %get3A_1248] {strides = array<i32>} : memref<2x640x64xf32, #tpu.memory_space<vmem>>, vector<1x1x16xf32>,
        %get3A_1250 = vector.shape_cast %get3A_1249 : vector<1x1x16xf32> to vector<16xf32>
        %add3A_1251 = arith.addf %add3A_1233, %get3A_1250 : vector<16xf32>
        %add3A_1252 = arith.constant 352 : i32
        %add3A_1253 = arith.addi %add3A_1252, %scan3A_972 : i32
        %get3A_1254 = arith.constant 0 : i32
        %get3A_1255 = arith.index_cast %get3A_1254 : i32 to index
        %get3A_1256 = arith.index_cast %add3A_1253 : i32 to index
        %get3A_1257 = arith.constant 16 : index
        %get3A_1258 = tpu.vector_load %arg8[%get3A_1255, %get3A_1256, %get3A_1257] {strides = array<i32>} : memref<2x640x64xf32, #tpu.memory_space<vmem>>, vector<1x1x16xf32>,
        %get3A_1259 = vector.shape_cast %get3A_1258 : vector<1x1x16xf32> to vector<16xf32>
        %add3A_1260 = arith.addf %add3A_1242, %get3A_1259 : vector<16xf32>
        %add3A_1261 = arith.constant 384 : i32
        %add3A_1262 = arith.addi %add3A_1261, %scan3A_972 : i32
        %get3A_1263 = arith.constant 0 : i32
        %get3A_1264 = arith.index_cast %get3A_1263 : i32 to index
        %get3A_1265 = arith.index_cast %add3A_1262 : i32 to index
        %get3A_1266 = arith.constant 16 : index
        %get3A_1267 = tpu.vector_load %arg8[%get3A_1264, %get3A_1265, %get3A_1266] {strides = array<i32>} : memref<2x640x64xf32, #tpu.memory_space<vmem>>, vector<1x1x16xf32>,
        %get3A_1268 = vector.shape_cast %get3A_1267 : vector<1x1x16xf32> to vector<16xf32>
        %add3A_1269 = arith.addf %add3A_1251, %get3A_1268 : vector<16xf32>
        %add3A_1270 = arith.constant 416 : i32
        %add3A_1271 = arith.addi %add3A_1270, %scan3A_972 : i32
        %get3A_1272 = arith.constant 0 : i32
        %get3A_1273 = arith.index_cast %get3A_1272 : i32 to index
        %get3A_1274 = arith.index_cast %add3A_1271 : i32 to index
        %get3A_1275 = arith.constant 16 : index
        %get3A_1276 = tpu.vector_load %arg8[%get3A_1273, %get3A_1274, %get3A_1275] {strides = array<i32>} : memref<2x640x64xf32, #tpu.memory_space<vmem>>, vector<1x1x16xf32>,
        %get3A_1277 = vector.shape_cast %get3A_1276 : vector<1x1x16xf32> to vector<16xf32>
        %add3A_1278 = arith.addf %add3A_1260, %get3A_1277 : vector<16xf32>
        %add3A_1279 = arith.constant 448 : i32
        %add3A_1280 = arith.addi %add3A_1279, %scan3A_972 : i32
        %get3A_1281 = arith.constant 0 : i32
        %get3A_1282 = arith.index_cast %get3A_1281 : i32 to index
        %get3A_1283 = arith.index_cast %add3A_1280 : i32 to index
        %get3A_1284 = arith.constant 16 : index
        %get3A_1285 = tpu.vector_load %arg8[%get3A_1282, %get3A_1283, %get3A_1284] {strides = array<i32>} : memref<2x640x64xf32, #tpu.memory_space<vmem>>, vector<1x1x16xf32>,
        %get3A_1286 = vector.shape_cast %get3A_1285 : vector<1x1x16xf32> to vector<16xf32>
        %add3A_1287 = arith.addf %add3A_1269, %get3A_1286 : vector<16xf32>
        %add3A_1288 = arith.constant 480 : i32
        %add3A_1289 = arith.addi %add3A_1288, %scan3A_972 : i32
        %get3A_1290 = arith.constant 0 : i32
        %get3A_1291 = arith.index_cast %get3A_1290 : i32 to index
        %get3A_1292 = arith.index_cast %add3A_1289 : i32 to index
        %get3A_1293 = arith.constant 16 : index
        %get3A_1294 = tpu.vector_load %arg8[%get3A_1291, %get3A_1292, %get3A_1293] {strides = array<i32>} : memref<2x640x64xf32, #tpu.memory_space<vmem>>, vector<1x1x16xf32>,
        %get3A_1295 = vector.shape_cast %get3A_1294 : vector<1x1x16xf32> to vector<16xf32>
        %add3A_1296 = arith.addf %add3A_1278, %get3A_1295 : vector<16xf32>
        %add3A_1297 = arith.constant 512 : i32
        %add3A_1298 = arith.addi %add3A_1297, %scan3A_972 : i32
        %get3A_1299 = arith.constant 0 : i32
        %get3A_1300 = arith.index_cast %get3A_1299 : i32 to index
        %get3A_1301 = arith.index_cast %add3A_1298 : i32 to index
        %get3A_1302 = arith.constant 16 : index
        %get3A_1303 = tpu.vector_load %arg8[%get3A_1300, %get3A_1301, %get3A_1302] {strides = array<i32>} : memref<2x640x64xf32, #tpu.memory_space<vmem>>, vector<1x1x16xf32>,
        %get3A_1304 = vector.shape_cast %get3A_1303 : vector<1x1x16xf32> to vector<16xf32>
        %add3A_1305 = arith.addf %add3A_1287, %get3A_1304 : vector<16xf32>
        %add3A_1306 = arith.constant 544 : i32
        %add3A_1307 = arith.addi %add3A_1306, %scan3A_972 : i32
        %get3A_1308 = arith.constant 0 : i32
        %get3A_1309 = arith.index_cast %get3A_1308 : i32 to index
        %get3A_1310 = arith.index_cast %add3A_1307 : i32 to index
        %get3A_1311 = arith.constant 16 : index
        %get3A_1312 = tpu.vector_load %arg8[%get3A_1309, %get3A_1310, %get3A_1311] {strides = array<i32>} : memref<2x640x64xf32, #tpu.memory_space<vmem>>, vector<1x1x16xf32>,
        %get3A_1313 = vector.shape_cast %get3A_1312 : vector<1x1x16xf32> to vector<16xf32>
        %add3A_1314 = arith.addf %add3A_1296, %get3A_1313 : vector<16xf32>
        %add3A_1315 = arith.constant 576 : i32
        %add3A_1316 = arith.addi %add3A_1315, %scan3A_972 : i32
        %get3A_1317 = arith.constant 0 : i32
        %get3A_1318 = arith.index_cast %get3A_1317 : i32 to index
        %get3A_1319 = arith.index_cast %add3A_1316 : i32 to index
        %get3A_1320 = arith.constant 16 : index
        %get3A_1321 = tpu.vector_load %arg8[%get3A_1318, %get3A_1319, %get3A_1320] {strides = array<i32>} : memref<2x640x64xf32, #tpu.memory_space<vmem>>, vector<1x1x16xf32>,
        %get3A_1322 = vector.shape_cast %get3A_1321 : vector<1x1x16xf32> to vector<16xf32>
        %add3A_1323 = arith.addf %add3A_1305, %get3A_1322 : vector<16xf32>
        %add3A_1324 = arith.constant 608 : i32
        %add3A_1325 = arith.addi %add3A_1324, %scan3A_972 : i32
        %get3A_1326 = arith.constant 0 : i32
        %get3A_1327 = arith.index_cast %get3A_1326 : i32 to index
        %get3A_1328 = arith.index_cast %add3A_1325 : i32 to index
        %get3A_1329 = arith.constant 16 : index
        %get3A_1330 = tpu.vector_load %arg8[%get3A_1327, %get3A_1328, %get3A_1329] {strides = array<i32>} : memref<2x640x64xf32, #tpu.memory_space<vmem>>, vector<1x1x16xf32>,
        %get3A_1331 = vector.shape_cast %get3A_1330 : vector<1x1x16xf32> to vector<16xf32>
        %add3A_1332 = arith.addf %add3A_1314, %get3A_1331 : vector<16xf32>
        %add3A_1333 = arith.addf %add3A_1323, %add3A_1332 : vector<16xf32>
        %swap3A_1334 = arith.constant 0 : i32
        %swap3A_1335 = arith.constant 0 : i32
        %swap3A_1336 = arith.index_cast %swap3A_1334 : i32 to index
        %swap3A_1337 = arith.index_cast %scan3A_972 : i32 to index
        %swap3A_1338 = arith.index_cast %swap3A_1335 : i32 to index
        %swap3A_1339 = arith.constant 16 : index
        %swap3A_1340 = tpu.vector_load %arg9[%swap3A_1336, %swap3A_1337, %swap3A_1338, %swap3A_1339] {strides = array<i32>} : memref<2x32x1x64xf32, #tpu.memory_space<vmem>>, vector<1x1x1x16xf32>,
        %swap3A_1341 = vector.shape_cast %swap3A_1340 : vector<1x1x1x16xf32> to vector<16xf32>
        %swap3A_1342 = vector.shape_cast %add3A_1333 : vector<16xf32> to vector<1x1x1x16xf32>
        tpu.vector_store %arg9[%swap3A_1336, %swap3A_1337, %swap3A_1338, %swap3A_1339], %swap3A_1342 {strides = array<i32>} : memref<2x32x1x64xf32, #tpu.memory_space<vmem>>, vector<1x1x1x16xf32>,
        %get3A_1343 = arith.constant 0 : i32
        %get3A_1344 = arith.index_cast %get3A_1343 : i32 to index
        %get3A_1345 = arith.index_cast %scan3A_972 : i32 to index
        %get3A_1346 = arith.constant 32 : index
        %get3A_1347 = tpu.vector_load %arg8[%get3A_1344, %get3A_1345, %get3A_1346] {strides = array<i32>} : memref<2x640x64xf32, #tpu.memory_space<vmem>>, vector<1x1x16xf32>,
        %get3A_1348 = vector.shape_cast %get3A_1347 : vector<1x1x16xf32> to vector<16xf32>
        %add3A_1349 = arith.constant 32 : i32
        %add3A_1350 = arith.addi %add3A_1349, %scan3A_972 : i32
        %get3A_1351 = arith.constant 0 : i32
        %get3A_1352 = arith.index_cast %get3A_1351 : i32 to index
        %get3A_1353 = arith.index_cast %add3A_1350 : i32 to index
        %get3A_1354 = arith.constant 32 : index
        %get3A_1355 = tpu.vector_load %arg8[%get3A_1352, %get3A_1353, %get3A_1354] {strides = array<i32>} : memref<2x640x64xf32, #tpu.memory_space<vmem>>, vector<1x1x16xf32>,
        %get3A_1356 = vector.shape_cast %get3A_1355 : vector<1x1x16xf32> to vector<16xf32>
        %add3A_1357 = arith.constant 64 : i32
        %add3A_1358 = arith.addi %add3A_1357, %scan3A_972 : i32
        %get3A_1359 = arith.constant 0 : i32
        %get3A_1360 = arith.index_cast %get3A_1359 : i32 to index
        %get3A_1361 = arith.index_cast %add3A_1358 : i32 to index
        %get3A_1362 = arith.constant 32 : index
        %get3A_1363 = tpu.vector_load %arg8[%get3A_1360, %get3A_1361, %get3A_1362] {strides = array<i32>} : memref<2x640x64xf32, #tpu.memory_space<vmem>>, vector<1x1x16xf32>,
        %get3A_1364 = vector.shape_cast %get3A_1363 : vector<1x1x16xf32> to vector<16xf32>
        %add3A_1365 = arith.addf %get3A_1348, %get3A_1364 : vector<16xf32>
        %add3A_1366 = arith.constant 96 : i32
        %add3A_1367 = arith.addi %add3A_1366, %scan3A_972 : i32
        %get3A_1368 = arith.constant 0 : i32
        %get3A_1369 = arith.index_cast %get3A_1368 : i32 to index
        %get3A_1370 = arith.index_cast %add3A_1367 : i32 to index
        %get3A_1371 = arith.constant 32 : index
        %get3A_1372 = tpu.vector_load %arg8[%get3A_1369, %get3A_1370, %get3A_1371] {strides = array<i32>} : memref<2x640x64xf32, #tpu.memory_space<vmem>>, vector<1x1x16xf32>,
        %get3A_1373 = vector.shape_cast %get3A_1372 : vector<1x1x16xf32> to vector<16xf32>
        %add3A_1374 = arith.addf %get3A_1356, %get3A_1373 : vector<16xf32>
        %add3A_1375 = arith.constant 128 : i32
        %add3A_1376 = arith.addi %add3A_1375, %scan3A_972 : i32
        %get3A_1377 = arith.constant 0 : i32
        %get3A_1378 = arith.index_cast %get3A_1377 : i32 to index
        %get3A_1379 = arith.index_cast %add3A_1376 : i32 to index
        %get3A_1380 = arith.constant 32 : index
        %get3A_1381 = tpu.vector_load %arg8[%get3A_1378, %get3A_1379, %get3A_1380] {strides = array<i32>} : memref<2x640x64xf32, #tpu.memory_space<vmem>>, vector<1x1x16xf32>,
        %get3A_1382 = vector.shape_cast %get3A_1381 : vector<1x1x16xf32> to vector<16xf32>
        %add3A_1383 = arith.addf %add3A_1365, %get3A_1382 : vector<16xf32>
        %add3A_1384 = arith.constant 160 : i32
        %add3A_1385 = arith.addi %add3A_1384, %scan3A_972 : i32
        %get3A_1386 = arith.constant 0 : i32
        %get3A_1387 = arith.index_cast %get3A_1386 : i32 to index
        %get3A_1388 = arith.index_cast %add3A_1385 : i32 to index
        %get3A_1389 = arith.constant 32 : index
        %get3A_1390 = tpu.vector_load %arg8[%get3A_1387, %get3A_1388, %get3A_1389] {strides = array<i32>} : memref<2x640x64xf32, #tpu.memory_space<vmem>>, vector<1x1x16xf32>,
        %get3A_1391 = vector.shape_cast %get3A_1390 : vector<1x1x16xf32> to vector<16xf32>
        %add3A_1392 = arith.addf %add3A_1374, %get3A_1391 : vector<16xf32>
        %add3A_1393 = arith.constant 192 : i32
        %add3A_1394 = arith.addi %add3A_1393, %scan3A_972 : i32
        %get3A_1395 = arith.constant 0 : i32
        %get3A_1396 = arith.index_cast %get3A_1395 : i32 to index
        %get3A_1397 = arith.index_cast %add3A_1394 : i32 to index
        %get3A_1398 = arith.constant 32 : index
        %get3A_1399 = tpu.vector_load %arg8[%get3A_1396, %get3A_1397, %get3A_1398] {strides = array<i32>} : memref<2x640x64xf32, #tpu.memory_space<vmem>>, vector<1x1x16xf32>,
        %get3A_1400 = vector.shape_cast %get3A_1399 : vector<1x1x16xf32> to vector<16xf32>
        %add3A_1401 = arith.addf %add3A_1383, %get3A_1400 : vector<16xf32>
        %add3A_1402 = arith.constant 224 : i32
        %add3A_1403 = arith.addi %add3A_1402, %scan3A_972 : i32
        %get3A_1404 = arith.constant 0 : i32
        %get3A_1405 = arith.index_cast %get3A_1404 : i32 to index
        %get3A_1406 = arith.index_cast %add3A_1403 : i32 to index
        %get3A_1407 = arith.constant 32 : index
        %get3A_1408 = tpu.vector_load %arg8[%get3A_1405, %get3A_1406, %get3A_1407] {strides = array<i32>} : memref<2x640x64xf32, #tpu.memory_space<vmem>>, vector<1x1x16xf32>,
        %get3A_1409 = vector.shape_cast %get3A_1408 : vector<1x1x16xf32> to vector<16xf32>
        %add3A_1410 = arith.addf %add3A_1392, %get3A_1409 : vector<16xf32>
        %add3A_1411 = arith.constant 256 : i32
        %add3A_1412 = arith.addi %add3A_1411, %scan3A_972 : i32
        %get3A_1413 = arith.constant 0 : i32
        %get3A_1414 = arith.index_cast %get3A_1413 : i32 to index
        %get3A_1415 = arith.index_cast %add3A_1412 : i32 to index
        %get3A_1416 = arith.constant 32 : index
        %get3A_1417 = tpu.vector_load %arg8[%get3A_1414, %get3A_1415, %get3A_1416] {strides = array<i32>} : memref<2x640x64xf32, #tpu.memory_space<vmem>>, vector<1x1x16xf32>,
        %get3A_1418 = vector.shape_cast %get3A_1417 : vector<1x1x16xf32> to vector<16xf32>
        %add3A_1419 = arith.addf %add3A_1401, %get3A_1418 : vector<16xf32>
        %add3A_1420 = arith.constant 288 : i32
        %add3A_1421 = arith.addi %add3A_1420, %scan3A_972 : i32
        %get3A_1422 = arith.constant 0 : i32
        %get3A_1423 = arith.index_cast %get3A_1422 : i32 to index
        %get3A_1424 = arith.index_cast %add3A_1421 : i32 to index
        %get3A_1425 = arith.constant 32 : index
        %get3A_1426 = tpu.vector_load %arg8[%get3A_1423, %get3A_1424, %get3A_1425] {strides = array<i32>} : memref<2x640x64xf32, #tpu.memory_space<vmem>>, vector<1x1x16xf32>,
        %get3A_1427 = vector.shape_cast %get3A_1426 : vector<1x1x16xf32> to vector<16xf32>
        %add3A_1428 = arith.addf %add3A_1410, %get3A_1427 : vector<16xf32>
        %add3A_1429 = arith.constant 320 : i32
        %add3A_1430 = arith.addi %add3A_1429, %scan3A_972 : i32
        %get3A_1431 = arith.constant 0 : i32
        %get3A_1432 = arith.index_cast %get3A_1431 : i32 to index
        %get3A_1433 = arith.index_cast %add3A_1430 : i32 to index
        %get3A_1434 = arith.constant 32 : index
        %get3A_1435 = tpu.vector_load %arg8[%get3A_1432, %get3A_1433, %get3A_1434] {strides = array<i32>} : memref<2x640x64xf32, #tpu.memory_space<vmem>>, vector<1x1x16xf32>,
        %get3A_1436 = vector.shape_cast %get3A_1435 : vector<1x1x16xf32> to vector<16xf32>
        %add3A_1437 = arith.addf %add3A_1419, %get3A_1436 : vector<16xf32>
        %add3A_1438 = arith.constant 352 : i32
        %add3A_1439 = arith.addi %add3A_1438, %scan3A_972 : i32
        %get3A_1440 = arith.constant 0 : i32
        %get3A_1441 = arith.index_cast %get3A_1440 : i32 to index
        %get3A_1442 = arith.index_cast %add3A_1439 : i32 to index
        %get3A_1443 = arith.constant 32 : index
        %get3A_1444 = tpu.vector_load %arg8[%get3A_1441, %get3A_1442, %get3A_1443] {strides = array<i32>} : memref<2x640x64xf32, #tpu.memory_space<vmem>>, vector<1x1x16xf32>,
        %get3A_1445 = vector.shape_cast %get3A_1444 : vector<1x1x16xf32> to vector<16xf32>
        %add3A_1446 = arith.addf %add3A_1428, %get3A_1445 : vector<16xf32>
        %add3A_1447 = arith.constant 384 : i32
        %add3A_1448 = arith.addi %add3A_1447, %scan3A_972 : i32
        %get3A_1449 = arith.constant 0 : i32
        %get3A_1450 = arith.index_cast %get3A_1449 : i32 to index
        %get3A_1451 = arith.index_cast %add3A_1448 : i32 to index
        %get3A_1452 = arith.constant 32 : index
        %get3A_1453 = tpu.vector_load %arg8[%get3A_1450, %get3A_1451, %get3A_1452] {strides = array<i32>} : memref<2x640x64xf32, #tpu.memory_space<vmem>>, vector<1x1x16xf32>,
        %get3A_1454 = vector.shape_cast %get3A_1453 : vector<1x1x16xf32> to vector<16xf32>
        %add3A_1455 = arith.addf %add3A_1437, %get3A_1454 : vector<16xf32>
        %add3A_1456 = arith.constant 416 : i32
        %add3A_1457 = arith.addi %add3A_1456, %scan3A_972 : i32
        %get3A_1458 = arith.constant 0 : i32
        %get3A_1459 = arith.index_cast %get3A_1458 : i32 to index
        %get3A_1460 = arith.index_cast %add3A_1457 : i32 to index
        %get3A_1461 = arith.constant 32 : index
        %get3A_1462 = tpu.vector_load %arg8[%get3A_1459, %get3A_1460, %get3A_1461] {strides = array<i32>} : memref<2x640x64xf32, #tpu.memory_space<vmem>>, vector<1x1x16xf32>,
        %get3A_1463 = vector.shape_cast %get3A_1462 : vector<1x1x16xf32> to vector<16xf32>
        %add3A_1464 = arith.addf %add3A_1446, %get3A_1463 : vector<16xf32>
        %add3A_1465 = arith.constant 448 : i32
        %add3A_1466 = arith.addi %add3A_1465, %scan3A_972 : i32
        %get3A_1467 = arith.constant 0 : i32
        %get3A_1468 = arith.index_cast %get3A_1467 : i32 to index
        %get3A_1469 = arith.index_cast %add3A_1466 : i32 to index
        %get3A_1470 = arith.constant 32 : index
        %get3A_1471 = tpu.vector_load %arg8[%get3A_1468, %get3A_1469, %get3A_1470] {strides = array<i32>} : memref<2x640x64xf32, #tpu.memory_space<vmem>>, vector<1x1x16xf32>,
        %get3A_1472 = vector.shape_cast %get3A_1471 : vector<1x1x16xf32> to vector<16xf32>
        %add3A_1473 = arith.addf %add3A_1455, %get3A_1472 : vector<16xf32>
        %add3A_1474 = arith.constant 480 : i32
        %add3A_1475 = arith.addi %add3A_1474, %scan3A_972 : i32
        %get3A_1476 = arith.constant 0 : i32
        %get3A_1477 = arith.index_cast %get3A_1476 : i32 to index
        %get3A_1478 = arith.index_cast %add3A_1475 : i32 to index
        %get3A_1479 = arith.constant 32 : index
        %get3A_1480 = tpu.vector_load %arg8[%get3A_1477, %get3A_1478, %get3A_1479] {strides = array<i32>} : memref<2x640x64xf32, #tpu.memory_space<vmem>>, vector<1x1x16xf32>,
        %get3A_1481 = vector.shape_cast %get3A_1480 : vector<1x1x16xf32> to vector<16xf32>
        %add3A_1482 = arith.addf %add3A_1464, %get3A_1481 : vector<16xf32>
        %add3A_1483 = arith.constant 512 : i32
        %add3A_1484 = arith.addi %add3A_1483, %scan3A_972 : i32
        %get3A_1485 = arith.constant 0 : i32
        %get3A_1486 = arith.index_cast %get3A_1485 : i32 to index
        %get3A_1487 = arith.index_cast %add3A_1484 : i32 to index
        %get3A_1488 = arith.constant 32 : index
        %get3A_1489 = tpu.vector_load %arg8[%get3A_1486, %get3A_1487, %get3A_1488] {strides = array<i32>} : memref<2x640x64xf32, #tpu.memory_space<vmem>>, vector<1x1x16xf32>,
        %get3A_1490 = vector.shape_cast %get3A_1489 : vector<1x1x16xf32> to vector<16xf32>
        %add3A_1491 = arith.addf %add3A_1473, %get3A_1490 : vector<16xf32>
        %add3A_1492 = arith.constant 544 : i32
        %add3A_1493 = arith.addi %add3A_1492, %scan3A_972 : i32
        %get3A_1494 = arith.constant 0 : i32
        %get3A_1495 = arith.index_cast %get3A_1494 : i32 to index
        %get3A_1496 = arith.index_cast %add3A_1493 : i32 to index
        %get3A_1497 = arith.constant 32 : index
        %get3A_1498 = tpu.vector_load %arg8[%get3A_1495, %get3A_1496, %get3A_1497] {strides = array<i32>} : memref<2x640x64xf32, #tpu.memory_space<vmem>>, vector<1x1x16xf32>,
        %get3A_1499 = vector.shape_cast %get3A_1498 : vector<1x1x16xf32> to vector<16xf32>
        %add3A_1500 = arith.addf %add3A_1482, %get3A_1499 : vector<16xf32>
        %add3A_1501 = arith.constant 576 : i32
        %add3A_1502 = arith.addi %add3A_1501, %scan3A_972 : i32
        %get3A_1503 = arith.constant 0 : i32
        %get3A_1504 = arith.index_cast %get3A_1503 : i32 to index
        %get3A_1505 = arith.index_cast %add3A_1502 : i32 to index
        %get3A_1506 = arith.constant 32 : index
        %get3A_1507 = tpu.vector_load %arg8[%get3A_1504, %get3A_1505, %get3A_1506] {strides = array<i32>} : memref<2x640x64xf32, #tpu.memory_space<vmem>>, vector<1x1x16xf32>,
        %get3A_1508 = vector.shape_cast %get3A_1507 : vector<1x1x16xf32> to vector<16xf32>
        %add3A_1509 = arith.addf %add3A_1491, %get3A_1508 : vector<16xf32>
        %add3A_1510 = arith.constant 608 : i32
        %add3A_1511 = arith.addi %add3A_1510, %scan3A_972 : i32
        %get3A_1512 = arith.constant 0 : i32
        %get3A_1513 = arith.index_cast %get3A_1512 : i32 to index
        %get3A_1514 = arith.index_cast %add3A_1511 : i32 to index
        %get3A_1515 = arith.constant 32 : index
        %get3A_1516 = tpu.vector_load %arg8[%get3A_1513, %get3A_1514, %get3A_1515] {strides = array<i32>} : memref<2x640x64xf32, #tpu.memory_space<vmem>>, vector<1x1x16xf32>,
        %get3A_1517 = vector.shape_cast %get3A_1516 : vector<1x1x16xf32> to vector<16xf32>
        %add3A_1518 = arith.addf %add3A_1500, %get3A_1517 : vector<16xf32>
        %add3A_1519 = arith.addf %add3A_1509, %add3A_1518 : vector<16xf32>
        %swap3A_1520 = arith.constant 0 : i32
        %swap3A_1521 = arith.constant 0 : i32
        %swap3A_1522 = arith.index_cast %swap3A_1520 : i32 to index
        %swap3A_1523 = arith.index_cast %scan3A_972 : i32 to index
        %swap3A_1524 = arith.index_cast %swap3A_1521 : i32 to index
        %swap3A_1525 = arith.constant 32 : index
        %swap3A_1526 = tpu.vector_load %arg9[%swap3A_1522, %swap3A_1523, %swap3A_1524, %swap3A_1525] {strides = array<i32>} : memref<2x32x1x64xf32, #tpu.memory_space<vmem>>, vector<1x1x1x16xf32>,
        %swap3A_1527 = vector.shape_cast %swap3A_1526 : vector<1x1x1x16xf32> to vector<16xf32>
        %swap3A_1528 = vector.shape_cast %add3A_1519 : vector<16xf32> to vector<1x1x1x16xf32>
        tpu.vector_store %arg9[%swap3A_1522, %swap3A_1523, %swap3A_1524, %swap3A_1525], %swap3A_1528 {strides = array<i32>} : memref<2x32x1x64xf32, #tpu.memory_space<vmem>>, vector<1x1x1x16xf32>,
        %get3A_1529 = arith.constant 0 : i32
        %get3A_1530 = arith.index_cast %get3A_1529 : i32 to index
        %get3A_1531 = arith.index_cast %scan3A_972 : i32 to index
        %get3A_1532 = arith.constant 48 : index
        %get3A_1533 = tpu.vector_load %arg8[%get3A_1530, %get3A_1531, %get3A_1532] {strides = array<i32>} : memref<2x640x64xf32, #tpu.memory_space<vmem>>, vector<1x1x16xf32>,
        %get3A_1534 = vector.shape_cast %get3A_1533 : vector<1x1x16xf32> to vector<16xf32>
        %add3A_1535 = arith.constant 32 : i32
        %add3A_1536 = arith.addi %add3A_1535, %scan3A_972 : i32
        %get3A_1537 = arith.constant 0 : i32
        %get3A_1538 = arith.index_cast %get3A_1537 : i32 to index
        %get3A_1539 = arith.index_cast %add3A_1536 : i32 to index
        %get3A_1540 = arith.constant 48 : index
        %get3A_1541 = tpu.vector_load %arg8[%get3A_1538, %get3A_1539, %get3A_1540] {strides = array<i32>} : memref<2x640x64xf32, #tpu.memory_space<vmem>>, vector<1x1x16xf32>,
        %get3A_1542 = vector.shape_cast %get3A_1541 : vector<1x1x16xf32> to vector<16xf32>
        %add3A_1543 = arith.constant 64 : i32
        %add3A_1544 = arith.addi %add3A_1543, %scan3A_972 : i32
        %get3A_1545 = arith.constant 0 : i32
        %get3A_1546 = arith.index_cast %get3A_1545 : i32 to index
        %get3A_1547 = arith.index_cast %add3A_1544 : i32 to index
        %get3A_1548 = arith.constant 48 : index
        %get3A_1549 = tpu.vector_load %arg8[%get3A_1546, %get3A_1547, %get3A_1548] {strides = array<i32>} : memref<2x640x64xf32, #tpu.memory_space<vmem>>, vector<1x1x16xf32>,
        %get3A_1550 = vector.shape_cast %get3A_1549 : vector<1x1x16xf32> to vector<16xf32>
        %add3A_1551 = arith.addf %get3A_1534, %get3A_1550 : vector<16xf32>
        %add3A_1552 = arith.constant 96 : i32
        %add3A_1553 = arith.addi %add3A_1552, %scan3A_972 : i32
        %get3A_1554 = arith.constant 0 : i32
        %get3A_1555 = arith.index_cast %get3A_1554 : i32 to index
        %get3A_1556 = arith.index_cast %add3A_1553 : i32 to index
        %get3A_1557 = arith.constant 48 : index
        %get3A_1558 = tpu.vector_load %arg8[%get3A_1555, %get3A_1556, %get3A_1557] {strides = array<i32>} : memref<2x640x64xf32, #tpu.memory_space<vmem>>, vector<1x1x16xf32>,
        %get3A_1559 = vector.shape_cast %get3A_1558 : vector<1x1x16xf32> to vector<16xf32>
        %add3A_1560 = arith.addf %get3A_1542, %get3A_1559 : vector<16xf32>
        %add3A_1561 = arith.constant 128 : i32
        %add3A_1562 = arith.addi %add3A_1561, %scan3A_972 : i32
        %get3A_1563 = arith.constant 0 : i32
        %get3A_1564 = arith.index_cast %get3A_1563 : i32 to index
        %get3A_1565 = arith.index_cast %add3A_1562 : i32 to index
        %get3A_1566 = arith.constant 48 : index
        %get3A_1567 = tpu.vector_load %arg8[%get3A_1564, %get3A_1565, %get3A_1566] {strides = array<i32>} : memref<2x640x64xf32, #tpu.memory_space<vmem>>, vector<1x1x16xf32>,
        %get3A_1568 = vector.shape_cast %get3A_1567 : vector<1x1x16xf32> to vector<16xf32>
        %add3A_1569 = arith.addf %add3A_1551, %get3A_1568 : vector<16xf32>
        %add3A_1570 = arith.constant 160 : i32
        %add3A_1571 = arith.addi %add3A_1570, %scan3A_972 : i32
        %get3A_1572 = arith.constant 0 : i32
        %get3A_1573 = arith.index_cast %get3A_1572 : i32 to index
        %get3A_1574 = arith.index_cast %add3A_1571 : i32 to index
        %get3A_1575 = arith.constant 48 : index
        %get3A_1576 = tpu.vector_load %arg8[%get3A_1573, %get3A_1574, %get3A_1575] {strides = array<i32>} : memref<2x640x64xf32, #tpu.memory_space<vmem>>, vector<1x1x16xf32>,
        %get3A_1577 = vector.shape_cast %get3A_1576 : vector<1x1x16xf32> to vector<16xf32>
        %add3A_1578 = arith.addf %add3A_1560, %get3A_1577 : vector<16xf32>
        %add3A_1579 = arith.constant 192 : i32
        %add3A_1580 = arith.addi %add3A_1579, %scan3A_972 : i32
        %get3A_1581 = arith.constant 0 : i32
        %get3A_1582 = arith.index_cast %get3A_1581 : i32 to index
        %get3A_1583 = arith.index_cast %add3A_1580 : i32 to index
        %get3A_1584 = arith.constant 48 : index
        %get3A_1585 = tpu.vector_load %arg8[%get3A_1582, %get3A_1583, %get3A_1584] {strides = array<i32>} : memref<2x640x64xf32, #tpu.memory_space<vmem>>, vector<1x1x16xf32>,
        %get3A_1586 = vector.shape_cast %get3A_1585 : vector<1x1x16xf32> to vector<16xf32>
        %add3A_1587 = arith.addf %add3A_1569, %get3A_1586 : vector<16xf32>
        %add3A_1588 = arith.constant 224 : i32
        %add3A_1589 = arith.addi %add3A_1588, %scan3A_972 : i32
        %get3A_1590 = arith.constant 0 : i32
        %get3A_1591 = arith.index_cast %get3A_1590 : i32 to index
        %get3A_1592 = arith.index_cast %add3A_1589 : i32 to index
        %get3A_1593 = arith.constant 48 : index
        %get3A_1594 = tpu.vector_load %arg8[%get3A_1591, %get3A_1592, %get3A_1593] {strides = array<i32>} : memref<2x640x64xf32, #tpu.memory_space<vmem>>, vector<1x1x16xf32>,
        %get3A_1595 = vector.shape_cast %get3A_1594 : vector<1x1x16xf32> to vector<16xf32>
        %add3A_1596 = arith.addf %add3A_1578, %get3A_1595 : vector<16xf32>
        %add3A_1597 = arith.constant 256 : i32
        %add3A_1598 = arith.addi %add3A_1597, %scan3A_972 : i32
        %get3A_1599 = arith.constant 0 : i32
        %get3A_1600 = arith.index_cast %get3A_1599 : i32 to index
        %get3A_1601 = arith.index_cast %add3A_1598 : i32 to index
        %get3A_1602 = arith.constant 48 : index
        %get3A_1603 = tpu.vector_load %arg8[%get3A_1600, %get3A_1601, %get3A_1602] {strides = array<i32>} : memref<2x640x64xf32, #tpu.memory_space<vmem>>, vector<1x1x16xf32>,
        %get3A_1604 = vector.shape_cast %get3A_1603 : vector<1x1x16xf32> to vector<16xf32>
        %add3A_1605 = arith.addf %add3A_1587, %get3A_1604 : vector<16xf32>
        %add3A_1606 = arith.constant 288 : i32
        %add3A_1607 = arith.addi %add3A_1606, %scan3A_972 : i32
        %get3A_1608 = arith.constant 0 : i32
        %get3A_1609 = arith.index_cast %get3A_1608 : i32 to index
        %get3A_1610 = arith.index_cast %add3A_1607 : i32 to index
        %get3A_1611 = arith.constant 48 : index
        %get3A_1612 = tpu.vector_load %arg8[%get3A_1609, %get3A_1610, %get3A_1611] {strides = array<i32>} : memref<2x640x64xf32, #tpu.memory_space<vmem>>, vector<1x1x16xf32>,
        %get3A_1613 = vector.shape_cast %get3A_1612 : vector<1x1x16xf32> to vector<16xf32>
        %add3A_1614 = arith.addf %add3A_1596, %get3A_1613 : vector<16xf32>
        %add3A_1615 = arith.constant 320 : i32
        %add3A_1616 = arith.addi %add3A_1615, %scan3A_972 : i32
        %get3A_1617 = arith.constant 0 : i32
        %get3A_1618 = arith.index_cast %get3A_1617 : i32 to index
        %get3A_1619 = arith.index_cast %add3A_1616 : i32 to index
        %get3A_1620 = arith.constant 48 : index
        %get3A_1621 = tpu.vector_load %arg8[%get3A_1618, %get3A_1619, %get3A_1620] {strides = array<i32>} : memref<2x640x64xf32, #tpu.memory_space<vmem>>, vector<1x1x16xf32>,
        %get3A_1622 = vector.shape_cast %get3A_1621 : vector<1x1x16xf32> to vector<16xf32>
        %add3A_1623 = arith.addf %add3A_1605, %get3A_1622 : vector<16xf32>
        %add3A_1624 = arith.constant 352 : i32
        %add3A_1625 = arith.addi %add3A_1624, %scan3A_972 : i32
        %get3A_1626 = arith.constant 0 : i32
        %get3A_1627 = arith.index_cast %get3A_1626 : i32 to index
        %get3A_1628 = arith.index_cast %add3A_1625 : i32 to index
        %get3A_1629 = arith.constant 48 : index
        %get3A_1630 = tpu.vector_load %arg8[%get3A_1627, %get3A_1628, %get3A_1629] {strides = array<i32>} : memref<2x640x64xf32, #tpu.memory_space<vmem>>, vector<1x1x16xf32>,
        %get3A_1631 = vector.shape_cast %get3A_1630 : vector<1x1x16xf32> to vector<16xf32>
        %add3A_1632 = arith.addf %add3A_1614, %get3A_1631 : vector<16xf32>
        %add3A_1633 = arith.constant 384 : i32
        %add3A_1634 = arith.addi %add3A_1633, %scan3A_972 : i32
        %get3A_1635 = arith.constant 0 : i32
        %get3A_1636 = arith.index_cast %get3A_1635 : i32 to index
        %get3A_1637 = arith.index_cast %add3A_1634 : i32 to index
        %get3A_1638 = arith.constant 48 : index
        %get3A_1639 = tpu.vector_load %arg8[%get3A_1636, %get3A_1637, %get3A_1638] {strides = array<i32>} : memref<2x640x64xf32, #tpu.memory_space<vmem>>, vector<1x1x16xf32>,
        %get3A_1640 = vector.shape_cast %get3A_1639 : vector<1x1x16xf32> to vector<16xf32>
        %add3A_1641 = arith.addf %add3A_1623, %get3A_1640 : vector<16xf32>
        %add3A_1642 = arith.constant 416 : i32
        %add3A_1643 = arith.addi %add3A_1642, %scan3A_972 : i32
        %get3A_1644 = arith.constant 0 : i32
        %get3A_1645 = arith.index_cast %get3A_1644 : i32 to index
        %get3A_1646 = arith.index_cast %add3A_1643 : i32 to index
        %get3A_1647 = arith.constant 48 : index
        %get3A_1648 = tpu.vector_load %arg8[%get3A_1645, %get3A_1646, %get3A_1647] {strides = array<i32>} : memref<2x640x64xf32, #tpu.memory_space<vmem>>, vector<1x1x16xf32>,
        %get3A_1649 = vector.shape_cast %get3A_1648 : vector<1x1x16xf32> to vector<16xf32>
        %add3A_1650 = arith.addf %add3A_1632, %get3A_1649 : vector<16xf32>
        %add3A_1651 = arith.constant 448 : i32
        %add3A_1652 = arith.addi %add3A_1651, %scan3A_972 : i32
        %get3A_1653 = arith.constant 0 : i32
        %get3A_1654 = arith.index_cast %get3A_1653 : i32 to index
        %get3A_1655 = arith.index_cast %add3A_1652 : i32 to index
        %get3A_1656 = arith.constant 48 : index
        %get3A_1657 = tpu.vector_load %arg8[%get3A_1654, %get3A_1655, %get3A_1656] {strides = array<i32>} : memref<2x640x64xf32, #tpu.memory_space<vmem>>, vector<1x1x16xf32>,
        %get3A_1658 = vector.shape_cast %get3A_1657 : vector<1x1x16xf32> to vector<16xf32>
        %add3A_1659 = arith.addf %add3A_1641, %get3A_1658 : vector<16xf32>
        %add3A_1660 = arith.constant 480 : i32
        %add3A_1661 = arith.addi %add3A_1660, %scan3A_972 : i32
        %get3A_1662 = arith.constant 0 : i32
        %get3A_1663 = arith.index_cast %get3A_1662 : i32 to index
        %get3A_1664 = arith.index_cast %add3A_1661 : i32 to index
        %get3A_1665 = arith.constant 48 : index
        %get3A_1666 = tpu.vector_load %arg8[%get3A_1663, %get3A_1664, %get3A_1665] {strides = array<i32>} : memref<2x640x64xf32, #tpu.memory_space<vmem>>, vector<1x1x16xf32>,
        %get3A_1667 = vector.shape_cast %get3A_1666 : vector<1x1x16xf32> to vector<16xf32>
        %add3A_1668 = arith.addf %add3A_1650, %get3A_1667 : vector<16xf32>
        %add3A_1669 = arith.constant 512 : i32
        %add3A_1670 = arith.addi %add3A_1669, %scan3A_972 : i32
        %get3A_1671 = arith.constant 0 : i32
        %get3A_1672 = arith.index_cast %get3A_1671 : i32 to index
        %get3A_1673 = arith.index_cast %add3A_1670 : i32 to index
        %get3A_1674 = arith.constant 48 : index
        %get3A_1675 = tpu.vector_load %arg8[%get3A_1672, %get3A_1673, %get3A_1674] {strides = array<i32>} : memref<2x640x64xf32, #tpu.memory_space<vmem>>, vector<1x1x16xf32>,
        %get3A_1676 = vector.shape_cast %get3A_1675 : vector<1x1x16xf32> to vector<16xf32>
        %add3A_1677 = arith.addf %add3A_1659, %get3A_1676 : vector<16xf32>
        %add3A_1678 = arith.constant 544 : i32
        %add3A_1679 = arith.addi %add3A_1678, %scan3A_972 : i32
        %get3A_1680 = arith.constant 0 : i32
        %get3A_1681 = arith.index_cast %get3A_1680 : i32 to index
        %get3A_1682 = arith.index_cast %add3A_1679 : i32 to index
        %get3A_1683 = arith.constant 48 : index
        %get3A_1684 = tpu.vector_load %arg8[%get3A_1681, %get3A_1682, %get3A_1683] {strides = array<i32>} : memref<2x640x64xf32, #tpu.memory_space<vmem>>, vector<1x1x16xf32>,
        %get3A_1685 = vector.shape_cast %get3A_1684 : vector<1x1x16xf32> to vector<16xf32>
        %add3A_1686 = arith.addf %add3A_1668, %get3A_1685 : vector<16xf32>
        %add3A_1687 = arith.constant 576 : i32
        %add3A_1688 = arith.addi %add3A_1687, %scan3A_972 : i32
        %get3A_1689 = arith.constant 0 : i32
        %get3A_1690 = arith.index_cast %get3A_1689 : i32 to index
        %get3A_1691 = arith.index_cast %add3A_1688 : i32 to index
        %get3A_1692 = arith.constant 48 : index
        %get3A_1693 = tpu.vector_load %arg8[%get3A_1690, %get3A_1691, %get3A_1692] {strides = array<i32>} : memref<2x640x64xf32, #tpu.memory_space<vmem>>, vector<1x1x16xf32>,
        %get3A_1694 = vector.shape_cast %get3A_1693 : vector<1x1x16xf32> to vector<16xf32>
        %add3A_1695 = arith.addf %add3A_1677, %get3A_1694 : vector<16xf32>
        %add3A_1696 = arith.constant 608 : i32
        %add3A_1697 = arith.addi %add3A_1696, %scan3A_972 : i32
        %get3A_1698 = arith.constant 0 : i32
        %get3A_1699 = arith.index_cast %get3A_1698 : i32 to index
        %get3A_1700 = arith.index_cast %add3A_1697 : i32 to index
        %get3A_1701 = arith.constant 48 : index
        %get3A_1702 = tpu.vector_load %arg8[%get3A_1699, %get3A_1700, %get3A_1701] {strides = array<i32>} : memref<2x640x64xf32, #tpu.memory_space<vmem>>, vector<1x1x16xf32>,
        %get3A_1703 = vector.shape_cast %get3A_1702 : vector<1x1x16xf32> to vector<16xf32>
        %add3A_1704 = arith.addf %add3A_1686, %get3A_1703 : vector<16xf32>
        %add3A_1705 = arith.addf %add3A_1695, %add3A_1704 : vector<16xf32>
        %swap3A_1706 = arith.constant 0 : i32
        %swap3A_1707 = arith.constant 0 : i32
        %swap3A_1708 = arith.index_cast %swap3A_1706 : i32 to index
        %swap3A_1709 = arith.index_cast %scan3A_972 : i32 to index
        %swap3A_1710 = arith.index_cast %swap3A_1707 : i32 to index
        %swap3A_1711 = arith.constant 48 : index
        %swap3A_1712 = tpu.vector_load %arg9[%swap3A_1708, %swap3A_1709, %swap3A_1710, %swap3A_1711] {strides = array<i32>} : memref<2x32x1x64xf32, #tpu.memory_space<vmem>>, vector<1x1x1x16xf32>,
        %swap3A_1713 = vector.shape_cast %swap3A_1712 : vector<1x1x1x16xf32> to vector<16xf32>
        %swap3A_1714 = vector.shape_cast %add3A_1705 : vector<16xf32> to vector<1x1x1x16xf32>
        tpu.vector_store %arg9[%swap3A_1708, %swap3A_1709, %swap3A_1710, %swap3A_1711], %swap3A_1714 {strides = array<i32>} : memref<2x32x1x64xf32, #tpu.memory_space<vmem>>, vector<1x1x1x16xf32>,
      }
      %scan3A_737 = arith.constant 32 : i32
      %jit3A = arith.constant 12 : i32
      %div3A = arith.divsi %mul3A_714, %jit3A : i32
      %sign3A = arith.constant 0 : i32
      %sign3A_738 = arith.cmpi sgt, %mul3A_714, %sign3A : i32
      %sign3A_739 = arith.extui %sign3A_738 : i1 to i32
      %sign3A_740 = arith.constant 0 : i32
      %sign3A_741 = arith.cmpi slt, %mul3A_714, %sign3A_740 : i32
      %sign3A_742 = arith.extui %sign3A_741 : i1 to i32
      %sign3A_743 = arith.subi %sign3A_739, %sign3A_742 : i32
      %sign3A_744 = arith.constant 0 : i32
      %sign3A_745 = arith.cmpi sgt, %jit3A, %sign3A_744 : i32
      %sign3A_746 = arith.extui %sign3A_745 : i1 to i32
      %sign3A_747 = arith.constant 0 : i32
      %sign3A_748 = arith.cmpi slt, %jit3A, %sign3A_747 : i32
      %sign3A_749 = arith.extui %sign3A_748 : i1 to i32
      %sign3A_750 = arith.subi %sign3A_746, %sign3A_749 : i32
      %ne3A = arith.cmpi ne, %sign3A_743, %sign3A_750 : i32
      %rem3A = arith.remsi %mul3A_714, %jit3A : i32
      %ne3A_751 = arith.constant 0 : i32
      %ne3A_752 = arith.cmpi ne, %rem3A, %ne3A_751 : i32
      %and3A = arith.andi %ne3A, %ne3A_752 : i1
      %sub3A = arith.constant 1 : i32
      %sub3A_753 = arith.subi %div3A, %sub3A : i32
      %select_n3A = arith.select %and3A, %sub3A_753, %div3A : i32
      %jit3A_754 = arith.constant 4 : i32
      %div3A_755 = arith.divsi %mul3A_714, %jit3A_754 : i32
      %sign3A_756 = arith.constant 0 : i32
      %sign3A_757 = arith.cmpi sgt, %mul3A_714, %sign3A_756 : i32
      %sign3A_758 = arith.extui %sign3A_757 : i1 to i32
      %sign3A_759 = arith.constant 0 : i32
      %sign3A_760 = arith.cmpi slt, %mul3A_714, %sign3A_759 : i32
      %sign3A_761 = arith.extui %sign3A_760 : i1 to i32
      %sign3A_762 = arith.subi %sign3A_758, %sign3A_761 : i32
      %sign3A_763 = arith.constant 0 : i32
      %sign3A_764 = arith.cmpi sgt, %jit3A_754, %sign3A_763 : i32
      %sign3A_765 = arith.extui %sign3A_764 : i1 to i32
      %sign3A_766 = arith.constant 0 : i32
      %sign3A_767 = arith.cmpi slt, %jit3A_754, %sign3A_766 : i32
      %sign3A_768 = arith.extui %sign3A_767 : i1 to i32
      %sign3A_769 = arith.subi %sign3A_765, %sign3A_768 : i32
      %ne3A_770 = arith.cmpi ne, %sign3A_762, %sign3A_769 : i32
      %rem3A_771 = arith.remsi %mul3A_714, %jit3A_754 : i32
      %ne3A_772 = arith.constant 0 : i32
      %ne3A_773 = arith.cmpi ne, %rem3A_771, %ne3A_772 : i32
      %and3A_774 = arith.andi %ne3A_770, %ne3A_773 : i1
      %sub3A_775 = arith.constant 1 : i32
      %sub3A_776 = arith.subi %div3A_755, %sub3A_775 : i32
      %select_n3A_777 = arith.select %and3A_774, %sub3A_776, %div3A_755 : i32
      %jit3A_778 = arith.constant 3 : i32
      %eq3A = arith.constant 0 : i32
      %eq3A_779 = arith.cmpi eq, %jit3A_778, %eq3A : i32
      %jit3A_780 = arith.constant 1 : i32
      %select_n3A_781 = arith.select %eq3A_779, %jit3A_780, %jit3A_778 : i32
      %rem3A_782 = arith.remsi %select_n3A_777, %select_n3A_781 : i32
      %ne3A_783 = arith.constant 0 : i32
      %ne3A_784 = arith.cmpi ne, %rem3A_782, %ne3A_783 : i32
      %lt3A = arith.constant 0 : i32
      %lt3A_785 = arith.cmpi slt, %rem3A_782, %lt3A : i32
      %lt3A_786 = arith.constant 0 : i32
      %lt3A_787 = arith.cmpi slt, %select_n3A_781, %lt3A_786 : i32
      %ne3A_788 = arith.xori %lt3A_785, %lt3A_787 : i1
      %and3A_789 = arith.andi %ne3A_788, %ne3A_784 : i1
      %add3A_790 = arith.addi %rem3A_782, %select_n3A_781 : i32
      %select_n3A_791 = arith.select %and3A_789, %add3A_790, %rem3A_782 : i32
      %jit3A_792 = arith.constant 4 : i32
      %eq3A_793 = arith.constant 0 : i32
      %eq3A_794 = arith.cmpi eq, %jit3A_792, %eq3A_793 : i32
      %jit3A_795 = arith.constant 1 : i32
      %select_n3A_796 = arith.select %eq3A_794, %jit3A_795, %jit3A_792 : i32
      %rem3A_797 = arith.remsi %mul3A_714, %select_n3A_796 : i32
      %ne3A_798 = arith.constant 0 : i32
      %ne3A_799 = arith.cmpi ne, %rem3A_797, %ne3A_798 : i32
      %lt3A_800 = arith.constant 0 : i32
      %lt3A_801 = arith.cmpi slt, %rem3A_797, %lt3A_800 : i32
      %lt3A_802 = arith.constant 0 : i32
      %lt3A_803 = arith.cmpi slt, %select_n3A_796, %lt3A_802 : i32
      %ne3A_804 = arith.xori %lt3A_801, %lt3A_803 : i1
      %and3A_805 = arith.andi %ne3A_804, %ne3A_799 : i1
      %add3A_806 = arith.addi %rem3A_797, %select_n3A_796 : i32
      %select_n3A_807 = arith.select %and3A_805, %add3A_806, %rem3A_797 : i32
      %mul3A_808 = arith.constant 32 : i32
      %mul3A_809 = arith.muli %select_n3A_807, %mul3A_808 : i32
      %add3A_810 = arith.addi %mul3A_2, %mul3A_809 : i32
      %dma_start3A_811 = arith.constant 0 : i32
      %dma_start3A_812 = arith.constant 0 : i32
      %dma_start3A_813 = arith.constant 0 : i32
      %dma_start3A_814 = arith.constant 0 : i32
      %dma_start3A_815 = tpu.memref_slice %arg9[%dma_start3A_811, %dma_start3A_812, %dma_start3A_813, %dma_start3A_814] : memref<2x32x1x64xf32, #tpu.memory_space<vmem>> -> memref<1x32x1x64xf32, #tpu.memory_space<vmem>>
      %dma_start3A_816 = tpu.memref_squeeze %dma_start3A_815 : memref<1x32x1x64xf32, #tpu.memory_space<vmem>> -> memref<32x1x64xf32, #tpu.memory_space<vmem>>
      %dma_start3A_817 = arith.constant 0 : i32
      %dma_start3A_818 = tpu.memref_slice %arg6[%select_n3A, %add3A_810, %select_n3A_791, %dma_start3A_817] : memref<3x4096x3x64xf32, #tpu.memory_space<hbm>> -> memref<1x32x1x64xf32, #tpu.memory_space<hbm>>
      %dma_start3A_819 = tpu.memref_squeeze %dma_start3A_818 : memref<1x32x1x64xf32, #tpu.memory_space<hbm>> -> memref<32x1x64xf32, #tpu.memory_space<hbm>>
      %dma_start3A_820 = arith.constant 0 : i32
      %dma_start3A_821 = tpu.memref_slice %arg6[%select_n3A, %add3A_810, %select_n3A_791, %dma_start3A_820] : memref<3x4096x3x64xf32, #tpu.memory_space<hbm>> -> memref<1x32x1x64xf32, #tpu.memory_space<hbm>>
      %dma_start3A_822 = tpu.memref_squeeze %dma_start3A_821 : memref<1x32x1x64xf32, #tpu.memory_space<hbm>> -> memref<32x1x64xf32, #tpu.memory_space<hbm>>
      %dma_start3A_823 = arith.constant 0 : i32
      %dma_start3A_824 = arith.constant 0 : i32
      %dma_start3A_825 = arith.constant 0 : i32
      %dma_start3A_826 = tpu.memref_slice %arg9[%dma_start3A_811, %dma_start3A_823, %dma_start3A_824, %dma_start3A_825] : memref<2x32x1x64xf32, #tpu.memory_space<vmem>> -> memref<1x32x1x64xf32, #tpu.memory_space<vmem>>
      %dma_start3A_827 = tpu.memref_squeeze %dma_start3A_826 : memref<1x32x1x64xf32, #tpu.memory_space<vmem>> -> memref<32x1x64xf32, #tpu.memory_space<vmem>>
      tpu.enqueue_dma source(%dma_start3A_827 : memref<32x1x64xf32, #tpu.memory_space<vmem>>) target(%dma_start3A_822 : memref<32x1x64xf32, #tpu.memory_space<hbm>>) target_semaphore(%arg13 : memref<!tpu.dma_semaphore, #tpu.memory_space<semaphore_mem>>)
      %add3A_828 = arith.constant 2 : i32
      %add3A_829 = arith.addi %mul3A_714, %add3A_828 : i32
      %lt3A_830 = arith.constant 36 : i32
      %lt3A_831 = arith.cmpi slt, %add3A_829, %lt3A_830 : i32
      %convert_element_type3A_832 = arith.extui %lt3A_831 : i1 to i32
      %cond3A_833 = arith.constant 0 : i32
      %cond3A_834 = arith.cmpi ne, %convert_element_type3A_832, %cond3A_833 : i32
      scf.if %cond3A_834 {
        %add3A_972 = arith.constant 2 : i32
        %add3A_973 = arith.addi %mul3A_714, %add3A_972 : i32
        %jit3A_974 = arith.constant 12 : i32
        %div3A_975 = arith.divsi %add3A_973, %jit3A_974 : i32
        %sign3A_976 = arith.constant 0 : i32
        %sign3A_977 = arith.cmpi sgt, %add3A_973, %sign3A_976 : i32
        %sign3A_978 = arith.extui %sign3A_977 : i1 to i32
        %sign3A_979 = arith.constant 0 : i32
        %sign3A_980 = arith.cmpi slt, %add3A_973, %sign3A_979 : i32
        %sign3A_981 = arith.extui %sign3A_980 : i1 to i32
        %sign3A_982 = arith.subi %sign3A_978, %sign3A_981 : i32
        %sign3A_983 = arith.constant 0 : i32
        %sign3A_984 = arith.cmpi sgt, %jit3A_974, %sign3A_983 : i32
        %sign3A_985 = arith.extui %sign3A_984 : i1 to i32
        %sign3A_986 = arith.constant 0 : i32
        %sign3A_987 = arith.cmpi slt, %jit3A_974, %sign3A_986 : i32
        %sign3A_988 = arith.extui %sign3A_987 : i1 to i32
        %sign3A_989 = arith.subi %sign3A_985, %sign3A_988 : i32
        %ne3A_990 = arith.cmpi ne, %sign3A_982, %sign3A_989 : i32
        %rem3A_991 = arith.remsi %add3A_973, %jit3A_974 : i32
        %ne3A_992 = arith.constant 0 : i32
        %ne3A_993 = arith.cmpi ne, %rem3A_991, %ne3A_992 : i32
        %and3A_994 = arith.andi %ne3A_990, %ne3A_993 : i1
        %sub3A_995 = arith.constant 1 : i32
        %sub3A_996 = arith.subi %div3A_975, %sub3A_995 : i32
        %select_n3A_997 = arith.select %and3A_994, %sub3A_996, %div3A_975 : i32
        %jit3A_998 = arith.constant 4 : i32
        %div3A_999 = arith.divsi %add3A_973, %jit3A_998 : i32
        %sign3A_1000 = arith.constant 0 : i32
        %sign3A_1001 = arith.cmpi sgt, %add3A_973, %sign3A_1000 : i32
        %sign3A_1002 = arith.extui %sign3A_1001 : i1 to i32
        %sign3A_1003 = arith.constant 0 : i32
        %sign3A_1004 = arith.cmpi slt, %add3A_973, %sign3A_1003 : i32
        %sign3A_1005 = arith.extui %sign3A_1004 : i1 to i32
        %sign3A_1006 = arith.subi %sign3A_1002, %sign3A_1005 : i32
        %sign3A_1007 = arith.constant 0 : i32
        %sign3A_1008 = arith.cmpi sgt, %jit3A_998, %sign3A_1007 : i32
        %sign3A_1009 = arith.extui %sign3A_1008 : i1 to i32
        %sign3A_1010 = arith.constant 0 : i32
        %sign3A_1011 = arith.cmpi slt, %jit3A_998, %sign3A_1010 : i32
        %sign3A_1012 = arith.extui %sign3A_1011 : i1 to i32
        %sign3A_1013 = arith.subi %sign3A_1009, %sign3A_1012 : i32
        %ne3A_1014 = arith.cmpi ne, %sign3A_1006, %sign3A_1013 : i32
        %rem3A_1015 = arith.remsi %add3A_973, %jit3A_998 : i32
        %ne3A_1016 = arith.constant 0 : i32
        %ne3A_1017 = arith.cmpi ne, %rem3A_1015, %ne3A_1016 : i32
        %and3A_1018 = arith.andi %ne3A_1014, %ne3A_1017 : i1
        %sub3A_1019 = arith.constant 1 : i32
        %sub3A_1020 = arith.subi %div3A_999, %sub3A_1019 : i32
        %select_n3A_1021 = arith.select %and3A_1018, %sub3A_1020, %div3A_999 : i32
        %jit3A_1022 = arith.constant 3 : i32
        %eq3A_1023 = arith.constant 0 : i32
        %eq3A_1024 = arith.cmpi eq, %jit3A_1022, %eq3A_1023 : i32
        %jit3A_1025 = arith.constant 1 : i32
        %select_n3A_1026 = arith.select %eq3A_1024, %jit3A_1025, %jit3A_1022 : i32
        %rem3A_1027 = arith.remsi %select_n3A_1021, %select_n3A_1026 : i32
        %ne3A_1028 = arith.constant 0 : i32
        %ne3A_1029 = arith.cmpi ne, %rem3A_1027, %ne3A_1028 : i32
        %lt3A_1030 = arith.constant 0 : i32
        %lt3A_1031 = arith.cmpi slt, %rem3A_1027, %lt3A_1030 : i32
        %lt3A_1032 = arith.constant 0 : i32
        %lt3A_1033 = arith.cmpi slt, %select_n3A_1026, %lt3A_1032 : i32
        %ne3A_1034 = arith.xori %lt3A_1031, %lt3A_1033 : i1
        %and3A_1035 = arith.andi %ne3A_1034, %ne3A_1029 : i1
        %add3A_1036 = arith.addi %rem3A_1027, %select_n3A_1026 : i32
        %select_n3A_1037 = arith.select %and3A_1035, %add3A_1036, %rem3A_1027 : i32
        %jit3A_1038 = arith.constant 4 : i32
        %eq3A_1039 = arith.constant 0 : i32
        %eq3A_1040 = arith.cmpi eq, %jit3A_1038, %eq3A_1039 : i32
        %jit3A_1041 = arith.constant 1 : i32
        %select_n3A_1042 = arith.select %eq3A_1040, %jit3A_1041, %jit3A_1038 : i32
        %rem3A_1043 = arith.remsi %add3A_973, %select_n3A_1042 : i32
        %ne3A_1044 = arith.constant 0 : i32
        %ne3A_1045 = arith.cmpi ne, %rem3A_1043, %ne3A_1044 : i32
        %lt3A_1046 = arith.constant 0 : i32
        %lt3A_1047 = arith.cmpi slt, %rem3A_1043, %lt3A_1046 : i32
        %lt3A_1048 = arith.constant 0 : i32
        %lt3A_1049 = arith.cmpi slt, %select_n3A_1042, %lt3A_1048 : i32
        %ne3A_1050 = arith.xori %lt3A_1047, %lt3A_1049 : i1
        %and3A_1051 = arith.andi %ne3A_1050, %ne3A_1045 : i1
        %add3A_1052 = arith.addi %rem3A_1043, %select_n3A_1042 : i32
        %select_n3A_1053 = arith.select %and3A_1051, %add3A_1052, %rem3A_1043 : i32
        %mul3A_1054 = arith.constant 32 : i32
        %mul3A_1055 = arith.muli %select_n3A_1053, %mul3A_1054 : i32
        %dma_start3A_1056 = arith.constant 0 : i32
        %dma_start3A_1057 = arith.constant 0 : i32
        %dma_start3A_1058 = arith.constant 0 : i32
        %dma_start3A_1059 = arith.constant 0 : i32
        %dma_start3A_1060 = tpu.memref_slice %arg8[%dma_start3A_1057, %dma_start3A_1058, %dma_start3A_1059] : memref<2x640x64xf32, #tpu.memory_space<vmem>> -> memref<1x32x64xf32, #tpu.memory_space<vmem>>
        %dma_start3A_1061 = tpu.memref_squeeze %dma_start3A_1060 : memref<1x32x64xf32, #tpu.memory_space<vmem>> -> memref<32x64xf32, #tpu.memory_space<vmem>>
        %dma_start3A_1062 = tpu.memref_slice %arg7[%select_n3A_997, %select_n3A_1037, %dma_start3A_1056, %mul3A_1055] : memref<3x3x20x128xi32, #tpu.memory_space<vmem>> -> memref<1x1x1x32xi32, #tpu.memory_space<vmem>>
        %dma_start3A_1063 = tpu.memref_squeeze %dma_start3A_1062 : memref<1x1x1x32xi32, #tpu.memory_space<vmem>> -> memref<32xi32, #tpu.memory_space<vmem>>
        %dma_start3A_1064 = arith.constant 0 : i32
        %dma_start3A_1065 = arith.constant 0 : i32
        %dma_start3A_1066 = tpu.memref_slice %arg2[%dma_start3A_1064, %dma_start3A_1065] : memref<1015808x64xf32, #tpu.memory_space<hbm>> -> memref<1015808x64xf32, #tpu.memory_space<hbm>>
        tpu.enqueue_indirect_dma source(%dma_start3A_1066 : memref<1015808x64xf32, #tpu.memory_space<hbm>>) target(%dma_start3A_1061 : memref<32x64xf32, #tpu.memory_space<vmem>>) offsets(%dma_start3A_1063 : memref<32xi32, #tpu.memory_space<vmem>>) semaphore(%arg11 : memref<!tpu.dma_semaphore, #tpu.memory_space<semaphore_mem>>)
        %mul3A_1067 = arith.constant 32 : i32
        %mul3A_1068 = arith.muli %select_n3A_1053, %mul3A_1067 : i32
        %dma_start3A_1069 = arith.constant 1 : i32
        %dma_start3A_1070 = arith.constant 0 : i32
        %dma_start3A_1071 = arith.constant 32 : i32
        %dma_start3A_1072 = arith.constant 0 : i32
        %dma_start3A_1073 = tpu.memref_slice %arg8[%dma_start3A_1070, %dma_start3A_1071, %dma_start3A_1072] : memref<2x640x64xf32, #tpu.memory_space<vmem>> -> memref<1x32x64xf32, #tpu.memory_space<vmem>>
        %dma_start3A_1074 = tpu.memref_squeeze %dma_start3A_1073 : memref<1x32x64xf32, #tpu.memory_space<vmem>> -> memref<32x64xf32, #tpu.memory_space<vmem>>
        %dma_start3A_1075 = tpu.memref_slice %arg7[%select_n3A_997, %select_n3A_1037, %dma_start3A_1069, %mul3A_1068] : memref<3x3x20x128xi32, #tpu.memory_space<vmem>> -> memref<1x1x1x32xi32, #tpu.memory_space<vmem>>
        %dma_start3A_1076 = tpu.memref_squeeze %dma_start3A_1075 : memref<1x1x1x32xi32, #tpu.memory_space<vmem>> -> memref<32xi32, #tpu.memory_space<vmem>>
        %dma_start3A_1077 = arith.constant 0 : i32
        %dma_start3A_1078 = arith.constant 0 : i32
        %dma_start3A_1079 = tpu.memref_slice %arg2[%dma_start3A_1077, %dma_start3A_1078] : memref<1015808x64xf32, #tpu.memory_space<hbm>> -> memref<1015808x64xf32, #tpu.memory_space<hbm>>
        tpu.enqueue_indirect_dma source(%dma_start3A_1079 : memref<1015808x64xf32, #tpu.memory_space<hbm>>) target(%dma_start3A_1074 : memref<32x64xf32, #tpu.memory_space<vmem>>) offsets(%dma_start3A_1076 : memref<32xi32, #tpu.memory_space<vmem>>) semaphore(%arg11 : memref<!tpu.dma_semaphore, #tpu.memory_space<semaphore_mem>>)
        %mul3A_1080 = arith.constant 32 : i32
        %mul3A_1081 = arith.muli %select_n3A_1053, %mul3A_1080 : i32
        %dma_start3A_1082 = arith.constant 2 : i32
        %dma_start3A_1083 = arith.constant 0 : i32
        %dma_start3A_1084 = arith.constant 64 : i32
        %dma_start3A_1085 = arith.constant 0 : i32
        %dma_start3A_1086 = tpu.memref_slice %arg8[%dma_start3A_1083, %dma_start3A_1084, %dma_start3A_1085] : memref<2x640x64xf32, #tpu.memory_space<vmem>> -> memref<1x32x64xf32, #tpu.memory_space<vmem>>
        %dma_start3A_1087 = tpu.memref_squeeze %dma_start3A_1086 : memref<1x32x64xf32, #tpu.memory_space<vmem>> -> memref<32x64xf32, #tpu.memory_space<vmem>>
        %dma_start3A_1088 = tpu.memref_slice %arg7[%select_n3A_997, %select_n3A_1037, %dma_start3A_1082, %mul3A_1081] : memref<3x3x20x128xi32, #tpu.memory_space<vmem>> -> memref<1x1x1x32xi32, #tpu.memory_space<vmem>>
        %dma_start3A_1089 = tpu.memref_squeeze %dma_start3A_1088 : memref<1x1x1x32xi32, #tpu.memory_space<vmem>> -> memref<32xi32, #tpu.memory_space<vmem>>
        %dma_start3A_1090 = arith.constant 0 : i32
        %dma_start3A_1091 = arith.constant 0 : i32
        %dma_start3A_1092 = tpu.memref_slice %arg2[%dma_start3A_1090, %dma_start3A_1091] : memref<1015808x64xf32, #tpu.memory_space<hbm>> -> memref<1015808x64xf32, #tpu.memory_space<hbm>>
        tpu.enqueue_indirect_dma source(%dma_start3A_1092 : memref<1015808x64xf32, #tpu.memory_space<hbm>>) target(%dma_start3A_1087 : memref<32x64xf32, #tpu.memory_space<vmem>>) offsets(%dma_start3A_1089 : memref<32xi32, #tpu.memory_space<vmem>>) semaphore(%arg11 : memref<!tpu.dma_semaphore, #tpu.memory_space<semaphore_mem>>)
        %mul3A_1093 = arith.constant 32 : i32
        %mul3A_1094 = arith.muli %select_n3A_1053, %mul3A_1093 : i32
        %dma_start3A_1095 = arith.constant 3 : i32
        %dma_start3A_1096 = arith.constant 0 : i32
        %dma_start3A_1097 = arith.constant 96 : i32
        %dma_start3A_1098 = arith.constant 0 : i32
        %dma_start3A_1099 = tpu.memref_slice %arg8[%dma_start3A_1096, %dma_start3A_1097, %dma_start3A_1098] : memref<2x640x64xf32, #tpu.memory_space<vmem>> -> memref<1x32x64xf32, #tpu.memory_space<vmem>>
        %dma_start3A_1100 = tpu.memref_squeeze %dma_start3A_1099 : memref<1x32x64xf32, #tpu.memory_space<vmem>> -> memref<32x64xf32, #tpu.memory_space<vmem>>
        %dma_start3A_1101 = tpu.memref_slice %arg7[%select_n3A_997, %select_n3A_1037, %dma_start3A_1095, %mul3A_1094] : memref<3x3x20x128xi32, #tpu.memory_space<vmem>> -> memref<1x1x1x32xi32, #tpu.memory_space<vmem>>
        %dma_start3A_1102 = tpu.memref_squeeze %dma_start3A_1101 : memref<1x1x1x32xi32, #tpu.memory_space<vmem>> -> memref<32xi32, #tpu.memory_space<vmem>>
        %dma_start3A_1103 = arith.constant 0 : i32
        %dma_start3A_1104 = arith.constant 0 : i32
        %dma_start3A_1105 = tpu.memref_slice %arg2[%dma_start3A_1103, %dma_start3A_1104] : memref<1015808x64xf32, #tpu.memory_space<hbm>> -> memref<1015808x64xf32, #tpu.memory_space<hbm>>
        tpu.enqueue_indirect_dma source(%dma_start3A_1105 : memref<1015808x64xf32, #tpu.memory_space<hbm>>) target(%dma_start3A_1100 : memref<32x64xf32, #tpu.memory_space<vmem>>) offsets(%dma_start3A_1102 : memref<32xi32, #tpu.memory_space<vmem>>) semaphore(%arg11 : memref<!tpu.dma_semaphore, #tpu.memory_space<semaphore_mem>>)
        %mul3A_1106 = arith.constant 32 : i32
        %mul3A_1107 = arith.muli %select_n3A_1053, %mul3A_1106 : i32
        %dma_start3A_1108 = arith.constant 4 : i32
        %dma_start3A_1109 = arith.constant 0 : i32
        %dma_start3A_1110 = arith.constant 128 : i32
        %dma_start3A_1111 = arith.constant 0 : i32
        %dma_start3A_1112 = tpu.memref_slice %arg8[%dma_start3A_1109, %dma_start3A_1110, %dma_start3A_1111] : memref<2x640x64xf32, #tpu.memory_space<vmem>> -> memref<1x32x64xf32, #tpu.memory_space<vmem>>
        %dma_start3A_1113 = tpu.memref_squeeze %dma_start3A_1112 : memref<1x32x64xf32, #tpu.memory_space<vmem>> -> memref<32x64xf32, #tpu.memory_space<vmem>>
        %dma_start3A_1114 = tpu.memref_slice %arg7[%select_n3A_997, %select_n3A_1037, %dma_start3A_1108, %mul3A_1107] : memref<3x3x20x128xi32, #tpu.memory_space<vmem>> -> memref<1x1x1x32xi32, #tpu.memory_space<vmem>>
        %dma_start3A_1115 = tpu.memref_squeeze %dma_start3A_1114 : memref<1x1x1x32xi32, #tpu.memory_space<vmem>> -> memref<32xi32, #tpu.memory_space<vmem>>
        %dma_start3A_1116 = arith.constant 0 : i32
        %dma_start3A_1117 = arith.constant 0 : i32
        %dma_start3A_1118 = tpu.memref_slice %arg2[%dma_start3A_1116, %dma_start3A_1117] : memref<1015808x64xf32, #tpu.memory_space<hbm>> -> memref<1015808x64xf32, #tpu.memory_space<hbm>>
        tpu.enqueue_indirect_dma source(%dma_start3A_1118 : memref<1015808x64xf32, #tpu.memory_space<hbm>>) target(%dma_start3A_1113 : memref<32x64xf32, #tpu.memory_space<vmem>>) offsets(%dma_start3A_1115 : memref<32xi32, #tpu.memory_space<vmem>>) semaphore(%arg11 : memref<!tpu.dma_semaphore, #tpu.memory_space<semaphore_mem>>)
        %mul3A_1119 = arith.constant 32 : i32
        %mul3A_1120 = arith.muli %select_n3A_1053, %mul3A_1119 : i32
        %dma_start3A_1121 = arith.constant 5 : i32
        %dma_start3A_1122 = arith.constant 0 : i32
        %dma_start3A_1123 = arith.constant 160 : i32
        %dma_start3A_1124 = arith.constant 0 : i32
        %dma_start3A_1125 = tpu.memref_slice %arg8[%dma_start3A_1122, %dma_start3A_1123, %dma_start3A_1124] : memref<2x640x64xf32, #tpu.memory_space<vmem>> -> memref<1x32x64xf32, #tpu.memory_space<vmem>>
        %dma_start3A_1126 = tpu.memref_squeeze %dma_start3A_1125 : memref<1x32x64xf32, #tpu.memory_space<vmem>> -> memref<32x64xf32, #tpu.memory_space<vmem>>
        %dma_start3A_1127 = tpu.memref_slice %arg7[%select_n3A_997, %select_n3A_1037, %dma_start3A_1121, %mul3A_1120] : memref<3x3x20x128xi32, #tpu.memory_space<vmem>> -> memref<1x1x1x32xi32, #tpu.memory_space<vmem>>
        %dma_start3A_1128 = tpu.memref_squeeze %dma_start3A_1127 : memref<1x1x1x32xi32, #tpu.memory_space<vmem>> -> memref<32xi32, #tpu.memory_space<vmem>>
        %dma_start3A_1129 = arith.constant 0 : i32
        %dma_start3A_1130 = arith.constant 0 : i32
        %dma_start3A_1131 = tpu.memref_slice %arg2[%dma_start3A_1129, %dma_start3A_1130] : memref<1015808x64xf32, #tpu.memory_space<hbm>> -> memref<1015808x64xf32, #tpu.memory_space<hbm>>
        tpu.enqueue_indirect_dma source(%dma_start3A_1131 : memref<1015808x64xf32, #tpu.memory_space<hbm>>) target(%dma_start3A_1126 : memref<32x64xf32, #tpu.memory_space<vmem>>) offsets(%dma_start3A_1128 : memref<32xi32, #tpu.memory_space<vmem>>) semaphore(%arg11 : memref<!tpu.dma_semaphore, #tpu.memory_space<semaphore_mem>>)
        %mul3A_1132 = arith.constant 32 : i32
        %mul3A_1133 = arith.muli %select_n3A_1053, %mul3A_1132 : i32
        %dma_start3A_1134 = arith.constant 6 : i32
        %dma_start3A_1135 = arith.constant 0 : i32
        %dma_start3A_1136 = arith.constant 192 : i32
        %dma_start3A_1137 = arith.constant 0 : i32
        %dma_start3A_1138 = tpu.memref_slice %arg8[%dma_start3A_1135, %dma_start3A_1136, %dma_start3A_1137] : memref<2x640x64xf32, #tpu.memory_space<vmem>> -> memref<1x32x64xf32, #tpu.memory_space<vmem>>
        %dma_start3A_1139 = tpu.memref_squeeze %dma_start3A_1138 : memref<1x32x64xf32, #tpu.memory_space<vmem>> -> memref<32x64xf32, #tpu.memory_space<vmem>>
        %dma_start3A_1140 = tpu.memref_slice %arg7[%select_n3A_997, %select_n3A_1037, %dma_start3A_1134, %mul3A_1133] : memref<3x3x20x128xi32, #tpu.memory_space<vmem>> -> memref<1x1x1x32xi32, #tpu.memory_space<vmem>>
        %dma_start3A_1141 = tpu.memref_squeeze %dma_start3A_1140 : memref<1x1x1x32xi32, #tpu.memory_space<vmem>> -> memref<32xi32, #tpu.memory_space<vmem>>
        %dma_start3A_1142 = arith.constant 0 : i32
        %dma_start3A_1143 = arith.constant 0 : i32
        %dma_start3A_1144 = tpu.memref_slice %arg2[%dma_start3A_1142, %dma_start3A_1143] : memref<1015808x64xf32, #tpu.memory_space<hbm>> -> memref<1015808x64xf32, #tpu.memory_space<hbm>>
        tpu.enqueue_indirect_dma source(%dma_start3A_1144 : memref<1015808x64xf32, #tpu.memory_space<hbm>>) target(%dma_start3A_1139 : memref<32x64xf32, #tpu.memory_space<vmem>>) offsets(%dma_start3A_1141 : memref<32xi32, #tpu.memory_space<vmem>>) semaphore(%arg11 : memref<!tpu.dma_semaphore, #tpu.memory_space<semaphore_mem>>)
        %mul3A_1145 = arith.constant 32 : i32
        %mul3A_1146 = arith.muli %select_n3A_1053, %mul3A_1145 : i32
        %dma_start3A_1147 = arith.constant 7 : i32
        %dma_start3A_1148 = arith.constant 0 : i32
        %dma_start3A_1149 = arith.constant 224 : i32
        %dma_start3A_1150 = arith.constant 0 : i32
        %dma_start3A_1151 = tpu.memref_slice %arg8[%dma_start3A_1148, %dma_start3A_1149, %dma_start3A_1150] : memref<2x640x64xf32, #tpu.memory_space<vmem>> -> memref<1x32x64xf32, #tpu.memory_space<vmem>>
        %dma_start3A_1152 = tpu.memref_squeeze %dma_start3A_1151 : memref<1x32x64xf32, #tpu.memory_space<vmem>> -> memref<32x64xf32, #tpu.memory_space<vmem>>
        %dma_start3A_1153 = tpu.memref_slice %arg7[%select_n3A_997, %select_n3A_1037, %dma_start3A_1147, %mul3A_1146] : memref<3x3x20x128xi32, #tpu.memory_space<vmem>> -> memref<1x1x1x32xi32, #tpu.memory_space<vmem>>
        %dma_start3A_1154 = tpu.memref_squeeze %dma_start3A_1153 : memref<1x1x1x32xi32, #tpu.memory_space<vmem>> -> memref<32xi32, #tpu.memory_space<vmem>>
        %dma_start3A_1155 = arith.constant 0 : i32
        %dma_start3A_1156 = arith.constant 0 : i32
        %dma_start3A_1157 = tpu.memref_slice %arg2[%dma_start3A_1155, %dma_start3A_1156] : memref<1015808x64xf32, #tpu.memory_space<hbm>> -> memref<1015808x64xf32, #tpu.memory_space<hbm>>
        tpu.enqueue_indirect_dma source(%dma_start3A_1157 : memref<1015808x64xf32, #tpu.memory_space<hbm>>) target(%dma_start3A_1152 : memref<32x64xf32, #tpu.memory_space<vmem>>) offsets(%dma_start3A_1154 : memref<32xi32, #tpu.memory_space<vmem>>) semaphore(%arg11 : memref<!tpu.dma_semaphore, #tpu.memory_space<semaphore_mem>>)
        %mul3A_1158 = arith.constant 32 : i32
        %mul3A_1159 = arith.muli %select_n3A_1053, %mul3A_1158 : i32
        %dma_start3A_1160 = arith.constant 8 : i32
        %dma_start3A_1161 = arith.constant 0 : i32
        %dma_start3A_1162 = arith.constant 256 : i32
        %dma_start3A_1163 = arith.constant 0 : i32
        %dma_start3A_1164 = tpu.memref_slice %arg8[%dma_start3A_1161, %dma_start3A_1162, %dma_start3A_1163] : memref<2x640x64xf32, #tpu.memory_space<vmem>> -> memref<1x32x64xf32, #tpu.memory_space<vmem>>
        %dma_start3A_1165 = tpu.memref_squeeze %dma_start3A_1164 : memref<1x32x64xf32, #tpu.memory_space<vmem>> -> memref<32x64xf32, #tpu.memory_space<vmem>>
        %dma_start3A_1166 = tpu.memref_slice %arg7[%select_n3A_997, %select_n3A_1037, %dma_start3A_1160, %mul3A_1159] : memref<3x3x20x128xi32, #tpu.memory_space<vmem>> -> memref<1x1x1x32xi32, #tpu.memory_space<vmem>>
        %dma_start3A_1167 = tpu.memref_squeeze %dma_start3A_1166 : memref<1x1x1x32xi32, #tpu.memory_space<vmem>> -> memref<32xi32, #tpu.memory_space<vmem>>
        %dma_start3A_1168 = arith.constant 0 : i32
        %dma_start3A_1169 = arith.constant 0 : i32
        %dma_start3A_1170 = tpu.memref_slice %arg2[%dma_start3A_1168, %dma_start3A_1169] : memref<1015808x64xf32, #tpu.memory_space<hbm>> -> memref<1015808x64xf32, #tpu.memory_space<hbm>>
        tpu.enqueue_indirect_dma source(%dma_start3A_1170 : memref<1015808x64xf32, #tpu.memory_space<hbm>>) target(%dma_start3A_1165 : memref<32x64xf32, #tpu.memory_space<vmem>>) offsets(%dma_start3A_1167 : memref<32xi32, #tpu.memory_space<vmem>>) semaphore(%arg11 : memref<!tpu.dma_semaphore, #tpu.memory_space<semaphore_mem>>)
        %mul3A_1171 = arith.constant 32 : i32
        %mul3A_1172 = arith.muli %select_n3A_1053, %mul3A_1171 : i32
        %dma_start3A_1173 = arith.constant 9 : i32
        %dma_start3A_1174 = arith.constant 0 : i32
        %dma_start3A_1175 = arith.constant 288 : i32
        %dma_start3A_1176 = arith.constant 0 : i32
        %dma_start3A_1177 = tpu.memref_slice %arg8[%dma_start3A_1174, %dma_start3A_1175, %dma_start3A_1176] : memref<2x640x64xf32, #tpu.memory_space<vmem>> -> memref<1x32x64xf32, #tpu.memory_space<vmem>>
        %dma_start3A_1178 = tpu.memref_squeeze %dma_start3A_1177 : memref<1x32x64xf32, #tpu.memory_space<vmem>> -> memref<32x64xf32, #tpu.memory_space<vmem>>
        %dma_start3A_1179 = tpu.memref_slice %arg7[%select_n3A_997, %select_n3A_1037, %dma_start3A_1173, %mul3A_1172] : memref<3x3x20x128xi32, #tpu.memory_space<vmem>> -> memref<1x1x1x32xi32, #tpu.memory_space<vmem>>
        %dma_start3A_1180 = tpu.memref_squeeze %dma_start3A_1179 : memref<1x1x1x32xi32, #tpu.memory_space<vmem>> -> memref<32xi32, #tpu.memory_space<vmem>>
        %dma_start3A_1181 = arith.constant 0 : i32
        %dma_start3A_1182 = arith.constant 0 : i32
        %dma_start3A_1183 = tpu.memref_slice %arg2[%dma_start3A_1181, %dma_start3A_1182] : memref<1015808x64xf32, #tpu.memory_space<hbm>> -> memref<1015808x64xf32, #tpu.memory_space<hbm>>
        tpu.enqueue_indirect_dma source(%dma_start3A_1183 : memref<1015808x64xf32, #tpu.memory_space<hbm>>) target(%dma_start3A_1178 : memref<32x64xf32, #tpu.memory_space<vmem>>) offsets(%dma_start3A_1180 : memref<32xi32, #tpu.memory_space<vmem>>) semaphore(%arg11 : memref<!tpu.dma_semaphore, #tpu.memory_space<semaphore_mem>>)
        %mul3A_1184 = arith.constant 32 : i32
        %mul3A_1185 = arith.muli %select_n3A_1053, %mul3A_1184 : i32
        %dma_start3A_1186 = arith.constant 10 : i32
        %dma_start3A_1187 = arith.constant 0 : i32
        %dma_start3A_1188 = arith.constant 320 : i32
        %dma_start3A_1189 = arith.constant 0 : i32
        %dma_start3A_1190 = tpu.memref_slice %arg8[%dma_start3A_1187, %dma_start3A_1188, %dma_start3A_1189] : memref<2x640x64xf32, #tpu.memory_space<vmem>> -> memref<1x32x64xf32, #tpu.memory_space<vmem>>
        %dma_start3A_1191 = tpu.memref_squeeze %dma_start3A_1190 : memref<1x32x64xf32, #tpu.memory_space<vmem>> -> memref<32x64xf32, #tpu.memory_space<vmem>>
        %dma_start3A_1192 = tpu.memref_slice %arg7[%select_n3A_997, %select_n3A_1037, %dma_start3A_1186, %mul3A_1185] : memref<3x3x20x128xi32, #tpu.memory_space<vmem>> -> memref<1x1x1x32xi32, #tpu.memory_space<vmem>>
        %dma_start3A_1193 = tpu.memref_squeeze %dma_start3A_1192 : memref<1x1x1x32xi32, #tpu.memory_space<vmem>> -> memref<32xi32, #tpu.memory_space<vmem>>
        %dma_start3A_1194 = arith.constant 0 : i32
        %dma_start3A_1195 = arith.constant 0 : i32
        %dma_start3A_1196 = tpu.memref_slice %arg2[%dma_start3A_1194, %dma_start3A_1195] : memref<1015808x64xf32, #tpu.memory_space<hbm>> -> memref<1015808x64xf32, #tpu.memory_space<hbm>>
        tpu.enqueue_indirect_dma source(%dma_start3A_1196 : memref<1015808x64xf32, #tpu.memory_space<hbm>>) target(%dma_start3A_1191 : memref<32x64xf32, #tpu.memory_space<vmem>>) offsets(%dma_start3A_1193 : memref<32xi32, #tpu.memory_space<vmem>>) semaphore(%arg11 : memref<!tpu.dma_semaphore, #tpu.memory_space<semaphore_mem>>)
        %mul3A_1197 = arith.constant 32 : i32
        %mul3A_1198 = arith.muli %select_n3A_1053, %mul3A_1197 : i32
        %dma_start3A_1199 = arith.constant 11 : i32
        %dma_start3A_1200 = arith.constant 0 : i32
        %dma_start3A_1201 = arith.constant 352 : i32
        %dma_start3A_1202 = arith.constant 0 : i32
        %dma_start3A_1203 = tpu.memref_slice %arg8[%dma_start3A_1200, %dma_start3A_1201, %dma_start3A_1202] : memref<2x640x64xf32, #tpu.memory_space<vmem>> -> memref<1x32x64xf32, #tpu.memory_space<vmem>>
        %dma_start3A_1204 = tpu.memref_squeeze %dma_start3A_1203 : memref<1x32x64xf32, #tpu.memory_space<vmem>> -> memref<32x64xf32, #tpu.memory_space<vmem>>
        %dma_start3A_1205 = tpu.memref_slice %arg7[%select_n3A_997, %select_n3A_1037, %dma_start3A_1199, %mul3A_1198] : memref<3x3x20x128xi32, #tpu.memory_space<vmem>> -> memref<1x1x1x32xi32, #tpu.memory_space<vmem>>
        %dma_start3A_1206 = tpu.memref_squeeze %dma_start3A_1205 : memref<1x1x1x32xi32, #tpu.memory_space<vmem>> -> memref<32xi32, #tpu.memory_space<vmem>>
        %dma_start3A_1207 = arith.constant 0 : i32
        %dma_start3A_1208 = arith.constant 0 : i32
        %dma_start3A_1209 = tpu.memref_slice %arg2[%dma_start3A_1207, %dma_start3A_1208] : memref<1015808x64xf32, #tpu.memory_space<hbm>> -> memref<1015808x64xf32, #tpu.memory_space<hbm>>
        tpu.enqueue_indirect_dma source(%dma_start3A_1209 : memref<1015808x64xf32, #tpu.memory_space<hbm>>) target(%dma_start3A_1204 : memref<32x64xf32, #tpu.memory_space<vmem>>) offsets(%dma_start3A_1206 : memref<32xi32, #tpu.memory_space<vmem>>) semaphore(%arg11 : memref<!tpu.dma_semaphore, #tpu.memory_space<semaphore_mem>>)
        %mul3A_1210 = arith.constant 32 : i32
        %mul3A_1211 = arith.muli %select_n3A_1053, %mul3A_1210 : i32
        %dma_start3A_1212 = arith.constant 12 : i32
        %dma_start3A_1213 = arith.constant 0 : i32
        %dma_start3A_1214 = arith.constant 384 : i32
        %dma_start3A_1215 = arith.constant 0 : i32
        %dma_start3A_1216 = tpu.memref_slice %arg8[%dma_start3A_1213, %dma_start3A_1214, %dma_start3A_1215] : memref<2x640x64xf32, #tpu.memory_space<vmem>> -> memref<1x32x64xf32, #tpu.memory_space<vmem>>
        %dma_start3A_1217 = tpu.memref_squeeze %dma_start3A_1216 : memref<1x32x64xf32, #tpu.memory_space<vmem>> -> memref<32x64xf32, #tpu.memory_space<vmem>>
        %dma_start3A_1218 = tpu.memref_slice %arg7[%select_n3A_997, %select_n3A_1037, %dma_start3A_1212, %mul3A_1211] : memref<3x3x20x128xi32, #tpu.memory_space<vmem>> -> memref<1x1x1x32xi32, #tpu.memory_space<vmem>>
        %dma_start3A_1219 = tpu.memref_squeeze %dma_start3A_1218 : memref<1x1x1x32xi32, #tpu.memory_space<vmem>> -> memref<32xi32, #tpu.memory_space<vmem>>
        %dma_start3A_1220 = arith.constant 0 : i32
        %dma_start3A_1221 = arith.constant 0 : i32
        %dma_start3A_1222 = tpu.memref_slice %arg2[%dma_start3A_1220, %dma_start3A_1221] : memref<1015808x64xf32, #tpu.memory_space<hbm>> -> memref<1015808x64xf32, #tpu.memory_space<hbm>>
        tpu.enqueue_indirect_dma source(%dma_start3A_1222 : memref<1015808x64xf32, #tpu.memory_space<hbm>>) target(%dma_start3A_1217 : memref<32x64xf32, #tpu.memory_space<vmem>>) offsets(%dma_start3A_1219 : memref<32xi32, #tpu.memory_space<vmem>>) semaphore(%arg11 : memref<!tpu.dma_semaphore, #tpu.memory_space<semaphore_mem>>)
        %mul3A_1223 = arith.constant 32 : i32
        %mul3A_1224 = arith.muli %select_n3A_1053, %mul3A_1223 : i32
        %dma_start3A_1225 = arith.constant 13 : i32
        %dma_start3A_1226 = arith.constant 0 : i32
        %dma_start3A_1227 = arith.constant 416 : i32
        %dma_start3A_1228 = arith.constant 0 : i32
        %dma_start3A_1229 = tpu.memref_slice %arg8[%dma_start3A_1226, %dma_start3A_1227, %dma_start3A_1228] : memref<2x640x64xf32, #tpu.memory_space<vmem>> -> memref<1x32x64xf32, #tpu.memory_space<vmem>>
        %dma_start3A_1230 = tpu.memref_squeeze %dma_start3A_1229 : memref<1x32x64xf32, #tpu.memory_space<vmem>> -> memref<32x64xf32, #tpu.memory_space<vmem>>
        %dma_start3A_1231 = tpu.memref_slice %arg7[%select_n3A_997, %select_n3A_1037, %dma_start3A_1225, %mul3A_1224] : memref<3x3x20x128xi32, #tpu.memory_space<vmem>> -> memref<1x1x1x32xi32, #tpu.memory_space<vmem>>
        %dma_start3A_1232 = tpu.memref_squeeze %dma_start3A_1231 : memref<1x1x1x32xi32, #tpu.memory_space<vmem>> -> memref<32xi32, #tpu.memory_space<vmem>>
        %dma_start3A_1233 = arith.constant 0 : i32
        %dma_start3A_1234 = arith.constant 0 : i32
        %dma_start3A_1235 = tpu.memref_slice %arg2[%dma_start3A_1233, %dma_start3A_1234] : memref<1015808x64xf32, #tpu.memory_space<hbm>> -> memref<1015808x64xf32, #tpu.memory_space<hbm>>
        tpu.enqueue_indirect_dma source(%dma_start3A_1235 : memref<1015808x64xf32, #tpu.memory_space<hbm>>) target(%dma_start3A_1230 : memref<32x64xf32, #tpu.memory_space<vmem>>) offsets(%dma_start3A_1232 : memref<32xi32, #tpu.memory_space<vmem>>) semaphore(%arg11 : memref<!tpu.dma_semaphore, #tpu.memory_space<semaphore_mem>>)
        %mul3A_1236 = arith.constant 32 : i32
        %mul3A_1237 = arith.muli %select_n3A_1053, %mul3A_1236 : i32
        %dma_start3A_1238 = arith.constant 14 : i32
        %dma_start3A_1239 = arith.constant 0 : i32
        %dma_start3A_1240 = arith.constant 448 : i32
        %dma_start3A_1241 = arith.constant 0 : i32
        %dma_start3A_1242 = tpu.memref_slice %arg8[%dma_start3A_1239, %dma_start3A_1240, %dma_start3A_1241] : memref<2x640x64xf32, #tpu.memory_space<vmem>> -> memref<1x32x64xf32, #tpu.memory_space<vmem>>
        %dma_start3A_1243 = tpu.memref_squeeze %dma_start3A_1242 : memref<1x32x64xf32, #tpu.memory_space<vmem>> -> memref<32x64xf32, #tpu.memory_space<vmem>>
        %dma_start3A_1244 = tpu.memref_slice %arg7[%select_n3A_997, %select_n3A_1037, %dma_start3A_1238, %mul3A_1237] : memref<3x3x20x128xi32, #tpu.memory_space<vmem>> -> memref<1x1x1x32xi32, #tpu.memory_space<vmem>>
        %dma_start3A_1245 = tpu.memref_squeeze %dma_start3A_1244 : memref<1x1x1x32xi32, #tpu.memory_space<vmem>> -> memref<32xi32, #tpu.memory_space<vmem>>
        %dma_start3A_1246 = arith.constant 0 : i32
        %dma_start3A_1247 = arith.constant 0 : i32
        %dma_start3A_1248 = tpu.memref_slice %arg2[%dma_start3A_1246, %dma_start3A_1247] : memref<1015808x64xf32, #tpu.memory_space<hbm>> -> memref<1015808x64xf32, #tpu.memory_space<hbm>>
        tpu.enqueue_indirect_dma source(%dma_start3A_1248 : memref<1015808x64xf32, #tpu.memory_space<hbm>>) target(%dma_start3A_1243 : memref<32x64xf32, #tpu.memory_space<vmem>>) offsets(%dma_start3A_1245 : memref<32xi32, #tpu.memory_space<vmem>>) semaphore(%arg11 : memref<!tpu.dma_semaphore, #tpu.memory_space<semaphore_mem>>)
        %mul3A_1249 = arith.constant 32 : i32
        %mul3A_1250 = arith.muli %select_n3A_1053, %mul3A_1249 : i32
        %dma_start3A_1251 = arith.constant 15 : i32
        %dma_start3A_1252 = arith.constant 0 : i32
        %dma_start3A_1253 = arith.constant 480 : i32
        %dma_start3A_1254 = arith.constant 0 : i32
        %dma_start3A_1255 = tpu.memref_slice %arg8[%dma_start3A_1252, %dma_start3A_1253, %dma_start3A_1254] : memref<2x640x64xf32, #tpu.memory_space<vmem>> -> memref<1x32x64xf32, #tpu.memory_space<vmem>>
        %dma_start3A_1256 = tpu.memref_squeeze %dma_start3A_1255 : memref<1x32x64xf32, #tpu.memory_space<vmem>> -> memref<32x64xf32, #tpu.memory_space<vmem>>
        %dma_start3A_1257 = tpu.memref_slice %arg7[%select_n3A_997, %select_n3A_1037, %dma_start3A_1251, %mul3A_1250] : memref<3x3x20x128xi32, #tpu.memory_space<vmem>> -> memref<1x1x1x32xi32, #tpu.memory_space<vmem>>
        %dma_start3A_1258 = tpu.memref_squeeze %dma_start3A_1257 : memref<1x1x1x32xi32, #tpu.memory_space<vmem>> -> memref<32xi32, #tpu.memory_space<vmem>>
        %dma_start3A_1259 = arith.constant 0 : i32
        %dma_start3A_1260 = arith.constant 0 : i32
        %dma_start3A_1261 = tpu.memref_slice %arg2[%dma_start3A_1259, %dma_start3A_1260] : memref<1015808x64xf32, #tpu.memory_space<hbm>> -> memref<1015808x64xf32, #tpu.memory_space<hbm>>
        tpu.enqueue_indirect_dma source(%dma_start3A_1261 : memref<1015808x64xf32, #tpu.memory_space<hbm>>) target(%dma_start3A_1256 : memref<32x64xf32, #tpu.memory_space<vmem>>) offsets(%dma_start3A_1258 : memref<32xi32, #tpu.memory_space<vmem>>) semaphore(%arg11 : memref<!tpu.dma_semaphore, #tpu.memory_space<semaphore_mem>>)
        %mul3A_1262 = arith.constant 32 : i32
        %mul3A_1263 = arith.muli %select_n3A_1053, %mul3A_1262 : i32
        %dma_start3A_1264 = arith.constant 16 : i32
        %dma_start3A_1265 = arith.constant 0 : i32
        %dma_start3A_1266 = arith.constant 512 : i32
        %dma_start3A_1267 = arith.constant 0 : i32
        %dma_start3A_1268 = tpu.memref_slice %arg8[%dma_start3A_1265, %dma_start3A_1266, %dma_start3A_1267] : memref<2x640x64xf32, #tpu.memory_space<vmem>> -> memref<1x32x64xf32, #tpu.memory_space<vmem>>
        %dma_start3A_1269 = tpu.memref_squeeze %dma_start3A_1268 : memref<1x32x64xf32, #tpu.memory_space<vmem>> -> memref<32x64xf32, #tpu.memory_space<vmem>>
        %dma_start3A_1270 = tpu.memref_slice %arg7[%select_n3A_997, %select_n3A_1037, %dma_start3A_1264, %mul3A_1263] : memref<3x3x20x128xi32, #tpu.memory_space<vmem>> -> memref<1x1x1x32xi32, #tpu.memory_space<vmem>>
        %dma_start3A_1271 = tpu.memref_squeeze %dma_start3A_1270 : memref<1x1x1x32xi32, #tpu.memory_space<vmem>> -> memref<32xi32, #tpu.memory_space<vmem>>
        %dma_start3A_1272 = arith.constant 0 : i32
        %dma_start3A_1273 = arith.constant 0 : i32
        %dma_start3A_1274 = tpu.memref_slice %arg2[%dma_start3A_1272, %dma_start3A_1273] : memref<1015808x64xf32, #tpu.memory_space<hbm>> -> memref<1015808x64xf32, #tpu.memory_space<hbm>>
        tpu.enqueue_indirect_dma source(%dma_start3A_1274 : memref<1015808x64xf32, #tpu.memory_space<hbm>>) target(%dma_start3A_1269 : memref<32x64xf32, #tpu.memory_space<vmem>>) offsets(%dma_start3A_1271 : memref<32xi32, #tpu.memory_space<vmem>>) semaphore(%arg11 : memref<!tpu.dma_semaphore, #tpu.memory_space<semaphore_mem>>)
        %mul3A_1275 = arith.constant 32 : i32
        %mul3A_1276 = arith.muli %select_n3A_1053, %mul3A_1275 : i32
        %dma_start3A_1277 = arith.constant 17 : i32
        %dma_start3A_1278 = arith.constant 0 : i32
        %dma_start3A_1279 = arith.constant 544 : i32
        %dma_start3A_1280 = arith.constant 0 : i32
        %dma_start3A_1281 = tpu.memref_slice %arg8[%dma_start3A_1278, %dma_start3A_1279, %dma_start3A_1280] : memref<2x640x64xf32, #tpu.memory_space<vmem>> -> memref<1x32x64xf32, #tpu.memory_space<vmem>>
        %dma_start3A_1282 = tpu.memref_squeeze %dma_start3A_1281 : memref<1x32x64xf32, #tpu.memory_space<vmem>> -> memref<32x64xf32, #tpu.memory_space<vmem>>
        %dma_start3A_1283 = tpu.memref_slice %arg7[%select_n3A_997, %select_n3A_1037, %dma_start3A_1277, %mul3A_1276] : memref<3x3x20x128xi32, #tpu.memory_space<vmem>> -> memref<1x1x1x32xi32, #tpu.memory_space<vmem>>
        %dma_start3A_1284 = tpu.memref_squeeze %dma_start3A_1283 : memref<1x1x1x32xi32, #tpu.memory_space<vmem>> -> memref<32xi32, #tpu.memory_space<vmem>>
        %dma_start3A_1285 = arith.constant 0 : i32
        %dma_start3A_1286 = arith.constant 0 : i32
        %dma_start3A_1287 = tpu.memref_slice %arg2[%dma_start3A_1285, %dma_start3A_1286] : memref<1015808x64xf32, #tpu.memory_space<hbm>> -> memref<1015808x64xf32, #tpu.memory_space<hbm>>
        tpu.enqueue_indirect_dma source(%dma_start3A_1287 : memref<1015808x64xf32, #tpu.memory_space<hbm>>) target(%dma_start3A_1282 : memref<32x64xf32, #tpu.memory_space<vmem>>) offsets(%dma_start3A_1284 : memref<32xi32, #tpu.memory_space<vmem>>) semaphore(%arg11 : memref<!tpu.dma_semaphore, #tpu.memory_space<semaphore_mem>>)
        %mul3A_1288 = arith.constant 32 : i32
        %mul3A_1289 = arith.muli %select_n3A_1053, %mul3A_1288 : i32
        %dma_start3A_1290 = arith.constant 18 : i32
        %dma_start3A_1291 = arith.constant 0 : i32
        %dma_start3A_1292 = arith.constant 576 : i32
        %dma_start3A_1293 = arith.constant 0 : i32
        %dma_start3A_1294 = tpu.memref_slice %arg8[%dma_start3A_1291, %dma_start3A_1292, %dma_start3A_1293] : memref<2x640x64xf32, #tpu.memory_space<vmem>> -> memref<1x32x64xf32, #tpu.memory_space<vmem>>
        %dma_start3A_1295 = tpu.memref_squeeze %dma_start3A_1294 : memref<1x32x64xf32, #tpu.memory_space<vmem>> -> memref<32x64xf32, #tpu.memory_space<vmem>>
        %dma_start3A_1296 = tpu.memref_slice %arg7[%select_n3A_997, %select_n3A_1037, %dma_start3A_1290, %mul3A_1289] : memref<3x3x20x128xi32, #tpu.memory_space<vmem>> -> memref<1x1x1x32xi32, #tpu.memory_space<vmem>>
        %dma_start3A_1297 = tpu.memref_squeeze %dma_start3A_1296 : memref<1x1x1x32xi32, #tpu.memory_space<vmem>> -> memref<32xi32, #tpu.memory_space<vmem>>
        %dma_start3A_1298 = arith.constant 0 : i32
        %dma_start3A_1299 = arith.constant 0 : i32
        %dma_start3A_1300 = tpu.memref_slice %arg2[%dma_start3A_1298, %dma_start3A_1299] : memref<1015808x64xf32, #tpu.memory_space<hbm>> -> memref<1015808x64xf32, #tpu.memory_space<hbm>>
        tpu.enqueue_indirect_dma source(%dma_start3A_1300 : memref<1015808x64xf32, #tpu.memory_space<hbm>>) target(%dma_start3A_1295 : memref<32x64xf32, #tpu.memory_space<vmem>>) offsets(%dma_start3A_1297 : memref<32xi32, #tpu.memory_space<vmem>>) semaphore(%arg11 : memref<!tpu.dma_semaphore, #tpu.memory_space<semaphore_mem>>)
        %mul3A_1301 = arith.constant 32 : i32
        %mul3A_1302 = arith.muli %select_n3A_1053, %mul3A_1301 : i32
        %dma_start3A_1303 = arith.constant 19 : i32
        %dma_start3A_1304 = arith.constant 0 : i32
        %dma_start3A_1305 = arith.constant 608 : i32
        %dma_start3A_1306 = arith.constant 0 : i32
        %dma_start3A_1307 = tpu.memref_slice %arg8[%dma_start3A_1304, %dma_start3A_1305, %dma_start3A_1306] : memref<2x640x64xf32, #tpu.memory_space<vmem>> -> memref<1x32x64xf32, #tpu.memory_space<vmem>>
        %dma_start3A_1308 = tpu.memref_squeeze %dma_start3A_1307 : memref<1x32x64xf32, #tpu.memory_space<vmem>> -> memref<32x64xf32, #tpu.memory_space<vmem>>
        %dma_start3A_1309 = tpu.memref_slice %arg7[%select_n3A_997, %select_n3A_1037, %dma_start3A_1303, %mul3A_1302] : memref<3x3x20x128xi32, #tpu.memory_space<vmem>> -> memref<1x1x1x32xi32, #tpu.memory_space<vmem>>
        %dma_start3A_1310 = tpu.memref_squeeze %dma_start3A_1309 : memref<1x1x1x32xi32, #tpu.memory_space<vmem>> -> memref<32xi32, #tpu.memory_space<vmem>>
        %dma_start3A_1311 = arith.constant 0 : i32
        %dma_start3A_1312 = arith.constant 0 : i32
        %dma_start3A_1313 = tpu.memref_slice %arg2[%dma_start3A_1311, %dma_start3A_1312] : memref<1015808x64xf32, #tpu.memory_space<hbm>> -> memref<1015808x64xf32, #tpu.memory_space<hbm>>
        tpu.enqueue_indirect_dma source(%dma_start3A_1313 : memref<1015808x64xf32, #tpu.memory_space<hbm>>) target(%dma_start3A_1308 : memref<32x64xf32, #tpu.memory_space<vmem>>) offsets(%dma_start3A_1310 : memref<32xi32, #tpu.memory_space<vmem>>) semaphore(%arg11 : memref<!tpu.dma_semaphore, #tpu.memory_space<semaphore_mem>>)
      } else {
      }
      %mul3A_835 = arith.constant 2 : i32
      %mul3A_836 = arith.muli %mul3A_835, %scan3A_712 : i32
      %add3A_837 = arith.constant 1 : i32
      %add3A_838 = arith.addi %mul3A_836, %add3A_837 : i32
      %dma_wait3A_839 = arith.constant 1 : i32
      %dma_wait3A_840 = arith.constant 0 : i32
      %dma_wait3A_841 = arith.constant 0 : i32
      %dma_wait3A_842 = tpu.memref_slice %arg8[%dma_wait3A_839, %dma_wait3A_840, %dma_wait3A_841] : memref<2x640x64xf32, #tpu.memory_space<vmem>> -> memref<1x640x64xf32, #tpu.memory_space<vmem>>
      %dma_wait3A_843 = tpu.memref_squeeze %dma_wait3A_842 : memref<1x640x64xf32, #tpu.memory_space<vmem>> -> memref<640x64xf32, #tpu.memory_space<vmem>>
      %dma_wait3A_844 = arith.constant 0 : i32
      %dma_wait3A_845 = arith.constant 0 : i32
      %dma_wait3A_846 = tpu.memref_slice %arg2[%dma_wait3A_844, %dma_wait3A_845] : memref<1015808x64xf32, #tpu.memory_space<hbm>> -> memref<640x64xf32, #tpu.memory_space<hbm>>
      %dma_wait3A_847 = arith.constant 0 : i32
      %dma_wait3A_848 = arith.constant 0 : i32
      %dma_wait3A_849 = tpu.memref_slice %arg8[%dma_wait3A_839, %dma_wait3A_847, %dma_wait3A_848] : memref<2x640x64xf32, #tpu.memory_space<vmem>> -> memref<1x640x64xf32, #tpu.memory_space<vmem>>
      %dma_wait3A_850 = tpu.memref_squeeze %dma_wait3A_849 : memref<1x640x64xf32, #tpu.memory_space<vmem>> -> memref<640x64xf32, #tpu.memory_space<vmem>>
      %dma_wait3A_851 = arith.constant 0 : i32
      %dma_wait3A_852 = arith.constant 0 : i32
      %dma_wait3A_853 = tpu.memref_slice %arg2[%dma_wait3A_851, %dma_wait3A_852] : memref<1015808x64xf32, #tpu.memory_space<hbm>> -> memref<640x64xf32, #tpu.memory_space<hbm>>
      tpu.wait_dma2 semaphore(%arg12 : memref<!tpu.dma_semaphore, #tpu.memory_space<semaphore_mem>>) src(%dma_wait3A_853 : memref<640x64xf32, #tpu.memory_space<hbm>>) dst(%dma_wait3A_850 : memref<640x64xf32, #tpu.memory_space<vmem>>)
      %ge3A_854 = arith.constant 2 : i32
      %ge3A_855 = arith.cmpi sge, %add3A_838, %ge3A_854 : i32
      %convert_element_type3A_856 = arith.extui %ge3A_855 : i1 to i32
      %cond3A_857 = arith.constant 0 : i32
      %cond3A_858 = arith.cmpi ne, %convert_element_type3A_856, %cond3A_857 : i32
      scf.if %cond3A_858 {
        %sub3A_972 = arith.constant 2 : i32
        %sub3A_973 = arith.subi %add3A_838, %sub3A_972 : i32
        %jit3A_974 = arith.constant 12 : i32
        %div3A_975 = arith.divsi %sub3A_973, %jit3A_974 : i32
        %sign3A_976 = arith.constant 0 : i32
        %sign3A_977 = arith.cmpi sgt, %sub3A_973, %sign3A_976 : i32
        %sign3A_978 = arith.extui %sign3A_977 : i1 to i32
        %sign3A_979 = arith.constant 0 : i32
        %sign3A_980 = arith.cmpi slt, %sub3A_973, %sign3A_979 : i32
        %sign3A_981 = arith.extui %sign3A_980 : i1 to i32
        %sign3A_982 = arith.subi %sign3A_978, %sign3A_981 : i32
        %sign3A_983 = arith.constant 0 : i32
        %sign3A_984 = arith.cmpi sgt, %jit3A_974, %sign3A_983 : i32
        %sign3A_985 = arith.extui %sign3A_984 : i1 to i32
        %sign3A_986 = arith.constant 0 : i32
        %sign3A_987 = arith.cmpi slt, %jit3A_974, %sign3A_986 : i32
        %sign3A_988 = arith.extui %sign3A_987 : i1 to i32
        %sign3A_989 = arith.subi %sign3A_985, %sign3A_988 : i32
        %ne3A_990 = arith.cmpi ne, %sign3A_982, %sign3A_989 : i32
        %rem3A_991 = arith.remsi %sub3A_973, %jit3A_974 : i32
        %ne3A_992 = arith.constant 0 : i32
        %ne3A_993 = arith.cmpi ne, %rem3A_991, %ne3A_992 : i32
        %and3A_994 = arith.andi %ne3A_990, %ne3A_993 : i1
        %sub3A_995 = arith.constant 1 : i32
        %sub3A_996 = arith.subi %div3A_975, %sub3A_995 : i32
        %select_n3A_997 = arith.select %and3A_994, %sub3A_996, %div3A_975 : i32
        %jit3A_998 = arith.constant 4 : i32
        %div3A_999 = arith.divsi %sub3A_973, %jit3A_998 : i32
        %sign3A_1000 = arith.constant 0 : i32
        %sign3A_1001 = arith.cmpi sgt, %sub3A_973, %sign3A_1000 : i32
        %sign3A_1002 = arith.extui %sign3A_1001 : i1 to i32
        %sign3A_1003 = arith.constant 0 : i32
        %sign3A_1004 = arith.cmpi slt, %sub3A_973, %sign3A_1003 : i32
        %sign3A_1005 = arith.extui %sign3A_1004 : i1 to i32
        %sign3A_1006 = arith.subi %sign3A_1002, %sign3A_1005 : i32
        %sign3A_1007 = arith.constant 0 : i32
        %sign3A_1008 = arith.cmpi sgt, %jit3A_998, %sign3A_1007 : i32
        %sign3A_1009 = arith.extui %sign3A_1008 : i1 to i32
        %sign3A_1010 = arith.constant 0 : i32
        %sign3A_1011 = arith.cmpi slt, %jit3A_998, %sign3A_1010 : i32
        %sign3A_1012 = arith.extui %sign3A_1011 : i1 to i32
        %sign3A_1013 = arith.subi %sign3A_1009, %sign3A_1012 : i32
        %ne3A_1014 = arith.cmpi ne, %sign3A_1006, %sign3A_1013 : i32
        %rem3A_1015 = arith.remsi %sub3A_973, %jit3A_998 : i32
        %ne3A_1016 = arith.constant 0 : i32
        %ne3A_1017 = arith.cmpi ne, %rem3A_1015, %ne3A_1016 : i32
        %and3A_1018 = arith.andi %ne3A_1014, %ne3A_1017 : i1
        %sub3A_1019 = arith.constant 1 : i32
        %sub3A_1020 = arith.subi %div3A_999, %sub3A_1019 : i32
        %select_n3A_1021 = arith.select %and3A_1018, %sub3A_1020, %div3A_999 : i32
        %jit3A_1022 = arith.constant 3 : i32
        %eq3A_1023 = arith.constant 0 : i32
        %eq3A_1024 = arith.cmpi eq, %jit3A_1022, %eq3A_1023 : i32
        %jit3A_1025 = arith.constant 1 : i32
        %select_n3A_1026 = arith.select %eq3A_1024, %jit3A_1025, %jit3A_1022 : i32
        %rem3A_1027 = arith.remsi %select_n3A_1021, %select_n3A_1026 : i32
        %ne3A_1028 = arith.constant 0 : i32
        %ne3A_1029 = arith.cmpi ne, %rem3A_1027, %ne3A_1028 : i32
        %lt3A_1030 = arith.constant 0 : i32
        %lt3A_1031 = arith.cmpi slt, %rem3A_1027, %lt3A_1030 : i32
        %lt3A_1032 = arith.constant 0 : i32
        %lt3A_1033 = arith.cmpi slt, %select_n3A_1026, %lt3A_1032 : i32
        %ne3A_1034 = arith.xori %lt3A_1031, %lt3A_1033 : i1
        %and3A_1035 = arith.andi %ne3A_1034, %ne3A_1029 : i1
        %add3A_1036 = arith.addi %rem3A_1027, %select_n3A_1026 : i32
        %select_n3A_1037 = arith.select %and3A_1035, %add3A_1036, %rem3A_1027 : i32
        %jit3A_1038 = arith.constant 4 : i32
        %eq3A_1039 = arith.constant 0 : i32
        %eq3A_1040 = arith.cmpi eq, %jit3A_1038, %eq3A_1039 : i32
        %jit3A_1041 = arith.constant 1 : i32
        %select_n3A_1042 = arith.select %eq3A_1040, %jit3A_1041, %jit3A_1038 : i32
        %rem3A_1043 = arith.remsi %sub3A_973, %select_n3A_1042 : i32
        %ne3A_1044 = arith.constant 0 : i32
        %ne3A_1045 = arith.cmpi ne, %rem3A_1043, %ne3A_1044 : i32
        %lt3A_1046 = arith.constant 0 : i32
        %lt3A_1047 = arith.cmpi slt, %rem3A_1043, %lt3A_1046 : i32
        %lt3A_1048 = arith.constant 0 : i32
        %lt3A_1049 = arith.cmpi slt, %select_n3A_1042, %lt3A_1048 : i32
        %ne3A_1050 = arith.xori %lt3A_1047, %lt3A_1049 : i1
        %and3A_1051 = arith.andi %ne3A_1050, %ne3A_1045 : i1
        %add3A_1052 = arith.addi %rem3A_1043, %select_n3A_1042 : i32
        %select_n3A_1053 = arith.select %and3A_1051, %add3A_1052, %rem3A_1043 : i32
        %mul3A_1054 = arith.constant 32 : i32
        %mul3A_1055 = arith.muli %select_n3A_1053, %mul3A_1054 : i32
        %add3A_1056 = arith.addi %mul3A_2, %mul3A_1055 : i32
        %dma_wait3A_1057 = arith.constant 1 : i32
        %dma_wait3A_1058 = arith.constant 0 : i32
        %dma_wait3A_1059 = arith.constant 0 : i32
        %dma_wait3A_1060 = arith.constant 0 : i32
        %dma_wait3A_1061 = tpu.memref_slice %arg9[%dma_wait3A_1057, %dma_wait3A_1058, %dma_wait3A_1059, %dma_wait3A_1060] : memref<2x32x1x64xf32, #tpu.memory_space<vmem>> -> memref<1x32x1x64xf32, #tpu.memory_space<vmem>>
        %dma_wait3A_1062 = tpu.memref_squeeze %dma_wait3A_1061 : memref<1x32x1x64xf32, #tpu.memory_space<vmem>> -> memref<32x1x64xf32, #tpu.memory_space<vmem>>
        %dma_wait3A_1063 = arith.constant 0 : i32
        %dma_wait3A_1064 = tpu.memref_slice %arg6[%select_n3A_997, %add3A_1056, %select_n3A_1037, %dma_wait3A_1063] : memref<3x4096x3x64xf32, #tpu.memory_space<hbm>> -> memref<1x32x1x64xf32, #tpu.memory_space<hbm>>
        %dma_wait3A_1065 = tpu.memref_squeeze %dma_wait3A_1064 : memref<1x32x1x64xf32, #tpu.memory_space<hbm>> -> memref<32x1x64xf32, #tpu.memory_space<hbm>>
        %dma_wait3A_1066 = arith.constant 0 : i32
        %dma_wait3A_1067 = tpu.memref_slice %arg6[%select_n3A_997, %add3A_1056, %select_n3A_1037, %dma_wait3A_1066] : memref<3x4096x3x64xf32, #tpu.memory_space<hbm>> -> memref<1x32x1x64xf32, #tpu.memory_space<hbm>>
        %dma_wait3A_1068 = tpu.memref_squeeze %dma_wait3A_1067 : memref<1x32x1x64xf32, #tpu.memory_space<hbm>> -> memref<32x1x64xf32, #tpu.memory_space<hbm>>
        %dma_wait3A_1069 = arith.constant 0 : i32
        %dma_wait3A_1070 = arith.constant 0 : i32
        %dma_wait3A_1071 = arith.constant 0 : i32
        %dma_wait3A_1072 = tpu.memref_slice %arg9[%dma_wait3A_1057, %dma_wait3A_1069, %dma_wait3A_1070, %dma_wait3A_1071] : memref<2x32x1x64xf32, #tpu.memory_space<vmem>> -> memref<1x32x1x64xf32, #tpu.memory_space<vmem>>
        %dma_wait3A_1073 = tpu.memref_squeeze %dma_wait3A_1072 : memref<1x32x1x64xf32, #tpu.memory_space<vmem>> -> memref<32x1x64xf32, #tpu.memory_space<vmem>>
        tpu.wait_dma2 semaphore(%arg14 : memref<!tpu.dma_semaphore, #tpu.memory_space<semaphore_mem>>) src(%dma_wait3A_1073 : memref<32x1x64xf32, #tpu.memory_space<vmem>>) dst(%dma_wait3A_1068 : memref<32x1x64xf32, #tpu.memory_space<hbm>>)
      } else {
      }
      %scan3A_859 = arith.constant 0 : i32
      %scan3A_860 = arith.constant 0 : i32
      %scan3A_861 = arith.constant 32 : i32
      %scan3A_862 = arith.addi %scan3A_860, %scan3A_861 : i32
      %scan3A_863 = arith.constant 1 : i32
      scf.for %scan3A_972 = %scan3A_860 to %scan3A_862 step %scan3A_863  : i32 {
        %get3A = arith.constant 1 : i32
        %get3A_973 = arith.index_cast %get3A : i32 to index
        %get3A_974 = arith.index_cast %scan3A_972 : i32 to index
        %get3A_975 = arith.constant 0 : index
        %get3A_976 = tpu.vector_load %arg8[%get3A_973, %get3A_974, %get3A_975] {strides = array<i32>} : memref<2x640x64xf32, #tpu.memory_space<vmem>>, vector<1x1x16xf32>,
        %get3A_977 = vector.shape_cast %get3A_976 : vector<1x1x16xf32> to vector<16xf32>
        %add3A_978 = arith.constant 32 : i32
        %add3A_979 = arith.addi %add3A_978, %scan3A_972 : i32
        %get3A_980 = arith.constant 1 : i32
        %get3A_981 = arith.index_cast %get3A_980 : i32 to index
        %get3A_982 = arith.index_cast %add3A_979 : i32 to index
        %get3A_983 = arith.constant 0 : index
        %get3A_984 = tpu.vector_load %arg8[%get3A_981, %get3A_982, %get3A_983] {strides = array<i32>} : memref<2x640x64xf32, #tpu.memory_space<vmem>>, vector<1x1x16xf32>,
        %get3A_985 = vector.shape_cast %get3A_984 : vector<1x1x16xf32> to vector<16xf32>
        %add3A_986 = arith.constant 64 : i32
        %add3A_987 = arith.addi %add3A_986, %scan3A_972 : i32
        %get3A_988 = arith.constant 1 : i32
        %get3A_989 = arith.index_cast %get3A_988 : i32 to index
        %get3A_990 = arith.index_cast %add3A_987 : i32 to index
        %get3A_991 = arith.constant 0 : index
        %get3A_992 = tpu.vector_load %arg8[%get3A_989, %get3A_990, %get3A_991] {strides = array<i32>} : memref<2x640x64xf32, #tpu.memory_space<vmem>>, vector<1x1x16xf32>,
        %get3A_993 = vector.shape_cast %get3A_992 : vector<1x1x16xf32> to vector<16xf32>
        %add3A_994 = arith.addf %get3A_977, %get3A_993 : vector<16xf32>
        %add3A_995 = arith.constant 96 : i32
        %add3A_996 = arith.addi %add3A_995, %scan3A_972 : i32
        %get3A_997 = arith.constant 1 : i32
        %get3A_998 = arith.index_cast %get3A_997 : i32 to index
        %get3A_999 = arith.index_cast %add3A_996 : i32 to index
        %get3A_1000 = arith.constant 0 : index
        %get3A_1001 = tpu.vector_load %arg8[%get3A_998, %get3A_999, %get3A_1000] {strides = array<i32>} : memref<2x640x64xf32, #tpu.memory_space<vmem>>, vector<1x1x16xf32>,
        %get3A_1002 = vector.shape_cast %get3A_1001 : vector<1x1x16xf32> to vector<16xf32>
        %add3A_1003 = arith.addf %get3A_985, %get3A_1002 : vector<16xf32>
        %add3A_1004 = arith.constant 128 : i32
        %add3A_1005 = arith.addi %add3A_1004, %scan3A_972 : i32
        %get3A_1006 = arith.constant 1 : i32
        %get3A_1007 = arith.index_cast %get3A_1006 : i32 to index
        %get3A_1008 = arith.index_cast %add3A_1005 : i32 to index
        %get3A_1009 = arith.constant 0 : index
        %get3A_1010 = tpu.vector_load %arg8[%get3A_1007, %get3A_1008, %get3A_1009] {strides = array<i32>} : memref<2x640x64xf32, #tpu.memory_space<vmem>>, vector<1x1x16xf32>,
        %get3A_1011 = vector.shape_cast %get3A_1010 : vector<1x1x16xf32> to vector<16xf32>
        %add3A_1012 = arith.addf %add3A_994, %get3A_1011 : vector<16xf32>
        %add3A_1013 = arith.constant 160 : i32
        %add3A_1014 = arith.addi %add3A_1013, %scan3A_972 : i32
        %get3A_1015 = arith.constant 1 : i32
        %get3A_1016 = arith.index_cast %get3A_1015 : i32 to index
        %get3A_1017 = arith.index_cast %add3A_1014 : i32 to index
        %get3A_1018 = arith.constant 0 : index
        %get3A_1019 = tpu.vector_load %arg8[%get3A_1016, %get3A_1017, %get3A_1018] {strides = array<i32>} : memref<2x640x64xf32, #tpu.memory_space<vmem>>, vector<1x1x16xf32>,
        %get3A_1020 = vector.shape_cast %get3A_1019 : vector<1x1x16xf32> to vector<16xf32>
        %add3A_1021 = arith.addf %add3A_1003, %get3A_1020 : vector<16xf32>
        %add3A_1022 = arith.constant 192 : i32
        %add3A_1023 = arith.addi %add3A_1022, %scan3A_972 : i32
        %get3A_1024 = arith.constant 1 : i32
        %get3A_1025 = arith.index_cast %get3A_1024 : i32 to index
        %get3A_1026 = arith.index_cast %add3A_1023 : i32 to index
        %get3A_1027 = arith.constant 0 : index
        %get3A_1028 = tpu.vector_load %arg8[%get3A_1025, %get3A_1026, %get3A_1027] {strides = array<i32>} : memref<2x640x64xf32, #tpu.memory_space<vmem>>, vector<1x1x16xf32>,
        %get3A_1029 = vector.shape_cast %get3A_1028 : vector<1x1x16xf32> to vector<16xf32>
        %add3A_1030 = arith.addf %add3A_1012, %get3A_1029 : vector<16xf32>
        %add3A_1031 = arith.constant 224 : i32
        %add3A_1032 = arith.addi %add3A_1031, %scan3A_972 : i32
        %get3A_1033 = arith.constant 1 : i32
        %get3A_1034 = arith.index_cast %get3A_1033 : i32 to index
        %get3A_1035 = arith.index_cast %add3A_1032 : i32 to index
        %get3A_1036 = arith.constant 0 : index
        %get3A_1037 = tpu.vector_load %arg8[%get3A_1034, %get3A_1035, %get3A_1036] {strides = array<i32>} : memref<2x640x64xf32, #tpu.memory_space<vmem>>, vector<1x1x16xf32>,
        %get3A_1038 = vector.shape_cast %get3A_1037 : vector<1x1x16xf32> to vector<16xf32>
        %add3A_1039 = arith.addf %add3A_1021, %get3A_1038 : vector<16xf32>
        %add3A_1040 = arith.constant 256 : i32
        %add3A_1041 = arith.addi %add3A_1040, %scan3A_972 : i32
        %get3A_1042 = arith.constant 1 : i32
        %get3A_1043 = arith.index_cast %get3A_1042 : i32 to index
        %get3A_1044 = arith.index_cast %add3A_1041 : i32 to index
        %get3A_1045 = arith.constant 0 : index
        %get3A_1046 = tpu.vector_load %arg8[%get3A_1043, %get3A_1044, %get3A_1045] {strides = array<i32>} : memref<2x640x64xf32, #tpu.memory_space<vmem>>, vector<1x1x16xf32>,
        %get3A_1047 = vector.shape_cast %get3A_1046 : vector<1x1x16xf32> to vector<16xf32>
        %add3A_1048 = arith.addf %add3A_1030, %get3A_1047 : vector<16xf32>
        %add3A_1049 = arith.constant 288 : i32
        %add3A_1050 = arith.addi %add3A_1049, %scan3A_972 : i32
        %get3A_1051 = arith.constant 1 : i32
        %get3A_1052 = arith.index_cast %get3A_1051 : i32 to index
        %get3A_1053 = arith.index_cast %add3A_1050 : i32 to index
        %get3A_1054 = arith.constant 0 : index
        %get3A_1055 = tpu.vector_load %arg8[%get3A_1052, %get3A_1053, %get3A_1054] {strides = array<i32>} : memref<2x640x64xf32, #tpu.memory_space<vmem>>, vector<1x1x16xf32>,
        %get3A_1056 = vector.shape_cast %get3A_1055 : vector<1x1x16xf32> to vector<16xf32>
        %add3A_1057 = arith.addf %add3A_1039, %get3A_1056 : vector<16xf32>
        %add3A_1058 = arith.constant 320 : i32
        %add3A_1059 = arith.addi %add3A_1058, %scan3A_972 : i32
        %get3A_1060 = arith.constant 1 : i32
        %get3A_1061 = arith.index_cast %get3A_1060 : i32 to index
        %get3A_1062 = arith.index_cast %add3A_1059 : i32 to index
        %get3A_1063 = arith.constant 0 : index
        %get3A_1064 = tpu.vector_load %arg8[%get3A_1061, %get3A_1062, %get3A_1063] {strides = array<i32>} : memref<2x640x64xf32, #tpu.memory_space<vmem>>, vector<1x1x16xf32>,
        %get3A_1065 = vector.shape_cast %get3A_1064 : vector<1x1x16xf32> to vector<16xf32>
        %add3A_1066 = arith.addf %add3A_1048, %get3A_1065 : vector<16xf32>
        %add3A_1067 = arith.constant 352 : i32
        %add3A_1068 = arith.addi %add3A_1067, %scan3A_972 : i32
        %get3A_1069 = arith.constant 1 : i32
        %get3A_1070 = arith.index_cast %get3A_1069 : i32 to index
        %get3A_1071 = arith.index_cast %add3A_1068 : i32 to index
        %get3A_1072 = arith.constant 0 : index
        %get3A_1073 = tpu.vector_load %arg8[%get3A_1070, %get3A_1071, %get3A_1072] {strides = array<i32>} : memref<2x640x64xf32, #tpu.memory_space<vmem>>, vector<1x1x16xf32>,
        %get3A_1074 = vector.shape_cast %get3A_1073 : vector<1x1x16xf32> to vector<16xf32>
        %add3A_1075 = arith.addf %add3A_1057, %get3A_1074 : vector<16xf32>
        %add3A_1076 = arith.constant 384 : i32
        %add3A_1077 = arith.addi %add3A_1076, %scan3A_972 : i32
        %get3A_1078 = arith.constant 1 : i32
        %get3A_1079 = arith.index_cast %get3A_1078 : i32 to index
        %get3A_1080 = arith.index_cast %add3A_1077 : i32 to index
        %get3A_1081 = arith.constant 0 : index
        %get3A_1082 = tpu.vector_load %arg8[%get3A_1079, %get3A_1080, %get3A_1081] {strides = array<i32>} : memref<2x640x64xf32, #tpu.memory_space<vmem>>, vector<1x1x16xf32>,
        %get3A_1083 = vector.shape_cast %get3A_1082 : vector<1x1x16xf32> to vector<16xf32>
        %add3A_1084 = arith.addf %add3A_1066, %get3A_1083 : vector<16xf32>
        %add3A_1085 = arith.constant 416 : i32
        %add3A_1086 = arith.addi %add3A_1085, %scan3A_972 : i32
        %get3A_1087 = arith.constant 1 : i32
        %get3A_1088 = arith.index_cast %get3A_1087 : i32 to index
        %get3A_1089 = arith.index_cast %add3A_1086 : i32 to index
        %get3A_1090 = arith.constant 0 : index
        %get3A_1091 = tpu.vector_load %arg8[%get3A_1088, %get3A_1089, %get3A_1090] {strides = array<i32>} : memref<2x640x64xf32, #tpu.memory_space<vmem>>, vector<1x1x16xf32>,
        %get3A_1092 = vector.shape_cast %get3A_1091 : vector<1x1x16xf32> to vector<16xf32>
        %add3A_1093 = arith.addf %add3A_1075, %get3A_1092 : vector<16xf32>
        %add3A_1094 = arith.constant 448 : i32
        %add3A_1095 = arith.addi %add3A_1094, %scan3A_972 : i32
        %get3A_1096 = arith.constant 1 : i32
        %get3A_1097 = arith.index_cast %get3A_1096 : i32 to index
        %get3A_1098 = arith.index_cast %add3A_1095 : i32 to index
        %get3A_1099 = arith.constant 0 : index
        %get3A_1100 = tpu.vector_load %arg8[%get3A_1097, %get3A_1098, %get3A_1099] {strides = array<i32>} : memref<2x640x64xf32, #tpu.memory_space<vmem>>, vector<1x1x16xf32>,
        %get3A_1101 = vector.shape_cast %get3A_1100 : vector<1x1x16xf32> to vector<16xf32>
        %add3A_1102 = arith.addf %add3A_1084, %get3A_1101 : vector<16xf32>
        %add3A_1103 = arith.constant 480 : i32
        %add3A_1104 = arith.addi %add3A_1103, %scan3A_972 : i32
        %get3A_1105 = arith.constant 1 : i32
        %get3A_1106 = arith.index_cast %get3A_1105 : i32 to index
        %get3A_1107 = arith.index_cast %add3A_1104 : i32 to index
        %get3A_1108 = arith.constant 0 : index
        %get3A_1109 = tpu.vector_load %arg8[%get3A_1106, %get3A_1107, %get3A_1108] {strides = array<i32>} : memref<2x640x64xf32, #tpu.memory_space<vmem>>, vector<1x1x16xf32>,
        %get3A_1110 = vector.shape_cast %get3A_1109 : vector<1x1x16xf32> to vector<16xf32>
        %add3A_1111 = arith.addf %add3A_1093, %get3A_1110 : vector<16xf32>
        %add3A_1112 = arith.constant 512 : i32
        %add3A_1113 = arith.addi %add3A_1112, %scan3A_972 : i32
        %get3A_1114 = arith.constant 1 : i32
        %get3A_1115 = arith.index_cast %get3A_1114 : i32 to index
        %get3A_1116 = arith.index_cast %add3A_1113 : i32 to index
        %get3A_1117 = arith.constant 0 : index
        %get3A_1118 = tpu.vector_load %arg8[%get3A_1115, %get3A_1116, %get3A_1117] {strides = array<i32>} : memref<2x640x64xf32, #tpu.memory_space<vmem>>, vector<1x1x16xf32>,
        %get3A_1119 = vector.shape_cast %get3A_1118 : vector<1x1x16xf32> to vector<16xf32>
        %add3A_1120 = arith.addf %add3A_1102, %get3A_1119 : vector<16xf32>
        %add3A_1121 = arith.constant 544 : i32
        %add3A_1122 = arith.addi %add3A_1121, %scan3A_972 : i32
        %get3A_1123 = arith.constant 1 : i32
        %get3A_1124 = arith.index_cast %get3A_1123 : i32 to index
        %get3A_1125 = arith.index_cast %add3A_1122 : i32 to index
        %get3A_1126 = arith.constant 0 : index
        %get3A_1127 = tpu.vector_load %arg8[%get3A_1124, %get3A_1125, %get3A_1126] {strides = array<i32>} : memref<2x640x64xf32, #tpu.memory_space<vmem>>, vector<1x1x16xf32>,
        %get3A_1128 = vector.shape_cast %get3A_1127 : vector<1x1x16xf32> to vector<16xf32>
        %add3A_1129 = arith.addf %add3A_1111, %get3A_1128 : vector<16xf32>
        %add3A_1130 = arith.constant 576 : i32
        %add3A_1131 = arith.addi %add3A_1130, %scan3A_972 : i32
        %get3A_1132 = arith.constant 1 : i32
        %get3A_1133 = arith.index_cast %get3A_1132 : i32 to index
        %get3A_1134 = arith.index_cast %add3A_1131 : i32 to index
        %get3A_1135 = arith.constant 0 : index
        %get3A_1136 = tpu.vector_load %arg8[%get3A_1133, %get3A_1134, %get3A_1135] {strides = array<i32>} : memref<2x640x64xf32, #tpu.memory_space<vmem>>, vector<1x1x16xf32>,
        %get3A_1137 = vector.shape_cast %get3A_1136 : vector<1x1x16xf32> to vector<16xf32>
        %add3A_1138 = arith.addf %add3A_1120, %get3A_1137 : vector<16xf32>
        %add3A_1139 = arith.constant 608 : i32
        %add3A_1140 = arith.addi %add3A_1139, %scan3A_972 : i32
        %get3A_1141 = arith.constant 1 : i32
        %get3A_1142 = arith.index_cast %get3A_1141 : i32 to index
        %get3A_1143 = arith.index_cast %add3A_1140 : i32 to index
        %get3A_1144 = arith.constant 0 : index
        %get3A_1145 = tpu.vector_load %arg8[%get3A_1142, %get3A_1143, %get3A_1144] {strides = array<i32>} : memref<2x640x64xf32, #tpu.memory_space<vmem>>, vector<1x1x16xf32>,
        %get3A_1146 = vector.shape_cast %get3A_1145 : vector<1x1x16xf32> to vector<16xf32>
        %add3A_1147 = arith.addf %add3A_1129, %get3A_1146 : vector<16xf32>
        %add3A_1148 = arith.addf %add3A_1138, %add3A_1147 : vector<16xf32>
        %swap3A = arith.constant 1 : i32
        %swap3A_1149 = arith.constant 0 : i32
        %swap3A_1150 = arith.index_cast %swap3A : i32 to index
        %swap3A_1151 = arith.index_cast %scan3A_972 : i32 to index
        %swap3A_1152 = arith.index_cast %swap3A_1149 : i32 to index
        %swap3A_1153 = arith.constant 0 : index
        %swap3A_1154 = tpu.vector_load %arg9[%swap3A_1150, %swap3A_1151, %swap3A_1152, %swap3A_1153] {strides = array<i32>} : memref<2x32x1x64xf32, #tpu.memory_space<vmem>>, vector<1x1x1x16xf32>,
        %swap3A_1155 = vector.shape_cast %swap3A_1154 : vector<1x1x1x16xf32> to vector<16xf32>
        %swap3A_1156 = vector.shape_cast %add3A_1148 : vector<16xf32> to vector<1x1x1x16xf32>
        tpu.vector_store %arg9[%swap3A_1150, %swap3A_1151, %swap3A_1152, %swap3A_1153], %swap3A_1156 {strides = array<i32>} : memref<2x32x1x64xf32, #tpu.memory_space<vmem>>, vector<1x1x1x16xf32>,
        %get3A_1157 = arith.constant 1 : i32
        %get3A_1158 = arith.index_cast %get3A_1157 : i32 to index
        %get3A_1159 = arith.index_cast %scan3A_972 : i32 to index
        %get3A_1160 = arith.constant 16 : index
        %get3A_1161 = tpu.vector_load %arg8[%get3A_1158, %get3A_1159, %get3A_1160] {strides = array<i32>} : memref<2x640x64xf32, #tpu.memory_space<vmem>>, vector<1x1x16xf32>,
        %get3A_1162 = vector.shape_cast %get3A_1161 : vector<1x1x16xf32> to vector<16xf32>
        %add3A_1163 = arith.constant 32 : i32
        %add3A_1164 = arith.addi %add3A_1163, %scan3A_972 : i32
        %get3A_1165 = arith.constant 1 : i32
        %get3A_1166 = arith.index_cast %get3A_1165 : i32 to index
        %get3A_1167 = arith.index_cast %add3A_1164 : i32 to index
        %get3A_1168 = arith.constant 16 : index
        %get3A_1169 = tpu.vector_load %arg8[%get3A_1166, %get3A_1167, %get3A_1168] {strides = array<i32>} : memref<2x640x64xf32, #tpu.memory_space<vmem>>, vector<1x1x16xf32>,
        %get3A_1170 = vector.shape_cast %get3A_1169 : vector<1x1x16xf32> to vector<16xf32>
        %add3A_1171 = arith.constant 64 : i32
        %add3A_1172 = arith.addi %add3A_1171, %scan3A_972 : i32
        %get3A_1173 = arith.constant 1 : i32
        %get3A_1174 = arith.index_cast %get3A_1173 : i32 to index
        %get3A_1175 = arith.index_cast %add3A_1172 : i32 to index
        %get3A_1176 = arith.constant 16 : index
        %get3A_1177 = tpu.vector_load %arg8[%get3A_1174, %get3A_1175, %get3A_1176] {strides = array<i32>} : memref<2x640x64xf32, #tpu.memory_space<vmem>>, vector<1x1x16xf32>,
        %get3A_1178 = vector.shape_cast %get3A_1177 : vector<1x1x16xf32> to vector<16xf32>
        %add3A_1179 = arith.addf %get3A_1162, %get3A_1178 : vector<16xf32>
        %add3A_1180 = arith.constant 96 : i32
        %add3A_1181 = arith.addi %add3A_1180, %scan3A_972 : i32
        %get3A_1182 = arith.constant 1 : i32
        %get3A_1183 = arith.index_cast %get3A_1182 : i32 to index
        %get3A_1184 = arith.index_cast %add3A_1181 : i32 to index
        %get3A_1185 = arith.constant 16 : index
        %get3A_1186 = tpu.vector_load %arg8[%get3A_1183, %get3A_1184, %get3A_1185] {strides = array<i32>} : memref<2x640x64xf32, #tpu.memory_space<vmem>>, vector<1x1x16xf32>,
        %get3A_1187 = vector.shape_cast %get3A_1186 : vector<1x1x16xf32> to vector<16xf32>
        %add3A_1188 = arith.addf %get3A_1170, %get3A_1187 : vector<16xf32>
        %add3A_1189 = arith.constant 128 : i32
        %add3A_1190 = arith.addi %add3A_1189, %scan3A_972 : i32
        %get3A_1191 = arith.constant 1 : i32
        %get3A_1192 = arith.index_cast %get3A_1191 : i32 to index
        %get3A_1193 = arith.index_cast %add3A_1190 : i32 to index
        %get3A_1194 = arith.constant 16 : index
        %get3A_1195 = tpu.vector_load %arg8[%get3A_1192, %get3A_1193, %get3A_1194] {strides = array<i32>} : memref<2x640x64xf32, #tpu.memory_space<vmem>>, vector<1x1x16xf32>,
        %get3A_1196 = vector.shape_cast %get3A_1195 : vector<1x1x16xf32> to vector<16xf32>
        %add3A_1197 = arith.addf %add3A_1179, %get3A_1196 : vector<16xf32>
        %add3A_1198 = arith.constant 160 : i32
        %add3A_1199 = arith.addi %add3A_1198, %scan3A_972 : i32
        %get3A_1200 = arith.constant 1 : i32
        %get3A_1201 = arith.index_cast %get3A_1200 : i32 to index
        %get3A_1202 = arith.index_cast %add3A_1199 : i32 to index
        %get3A_1203 = arith.constant 16 : index
        %get3A_1204 = tpu.vector_load %arg8[%get3A_1201, %get3A_1202, %get3A_1203] {strides = array<i32>} : memref<2x640x64xf32, #tpu.memory_space<vmem>>, vector<1x1x16xf32>,
        %get3A_1205 = vector.shape_cast %get3A_1204 : vector<1x1x16xf32> to vector<16xf32>
        %add3A_1206 = arith.addf %add3A_1188, %get3A_1205 : vector<16xf32>
        %add3A_1207 = arith.constant 192 : i32
        %add3A_1208 = arith.addi %add3A_1207, %scan3A_972 : i32
        %get3A_1209 = arith.constant 1 : i32
        %get3A_1210 = arith.index_cast %get3A_1209 : i32 to index
        %get3A_1211 = arith.index_cast %add3A_1208 : i32 to index
        %get3A_1212 = arith.constant 16 : index
        %get3A_1213 = tpu.vector_load %arg8[%get3A_1210, %get3A_1211, %get3A_1212] {strides = array<i32>} : memref<2x640x64xf32, #tpu.memory_space<vmem>>, vector<1x1x16xf32>,
        %get3A_1214 = vector.shape_cast %get3A_1213 : vector<1x1x16xf32> to vector<16xf32>
        %add3A_1215 = arith.addf %add3A_1197, %get3A_1214 : vector<16xf32>
        %add3A_1216 = arith.constant 224 : i32
        %add3A_1217 = arith.addi %add3A_1216, %scan3A_972 : i32
        %get3A_1218 = arith.constant 1 : i32
        %get3A_1219 = arith.index_cast %get3A_1218 : i32 to index
        %get3A_1220 = arith.index_cast %add3A_1217 : i32 to index
        %get3A_1221 = arith.constant 16 : index
        %get3A_1222 = tpu.vector_load %arg8[%get3A_1219, %get3A_1220, %get3A_1221] {strides = array<i32>} : memref<2x640x64xf32, #tpu.memory_space<vmem>>, vector<1x1x16xf32>,
        %get3A_1223 = vector.shape_cast %get3A_1222 : vector<1x1x16xf32> to vector<16xf32>
        %add3A_1224 = arith.addf %add3A_1206, %get3A_1223 : vector<16xf32>
        %add3A_1225 = arith.constant 256 : i32
        %add3A_1226 = arith.addi %add3A_1225, %scan3A_972 : i32
        %get3A_1227 = arith.constant 1 : i32
        %get3A_1228 = arith.index_cast %get3A_1227 : i32 to index
        %get3A_1229 = arith.index_cast %add3A_1226 : i32 to index
        %get3A_1230 = arith.constant 16 : index
        %get3A_1231 = tpu.vector_load %arg8[%get3A_1228, %get3A_1229, %get3A_1230] {strides = array<i32>} : memref<2x640x64xf32, #tpu.memory_space<vmem>>, vector<1x1x16xf32>,
        %get3A_1232 = vector.shape_cast %get3A_1231 : vector<1x1x16xf32> to vector<16xf32>
        %add3A_1233 = arith.addf %add3A_1215, %get3A_1232 : vector<16xf32>
        %add3A_1234 = arith.constant 288 : i32
        %add3A_1235 = arith.addi %add3A_1234, %scan3A_972 : i32
        %get3A_1236 = arith.constant 1 : i32
        %get3A_1237 = arith.index_cast %get3A_1236 : i32 to index
        %get3A_1238 = arith.index_cast %add3A_1235 : i32 to index
        %get3A_1239 = arith.constant 16 : index
        %get3A_1240 = tpu.vector_load %arg8[%get3A_1237, %get3A_1238, %get3A_1239] {strides = array<i32>} : memref<2x640x64xf32, #tpu.memory_space<vmem>>, vector<1x1x16xf32>,
        %get3A_1241 = vector.shape_cast %get3A_1240 : vector<1x1x16xf32> to vector<16xf32>
        %add3A_1242 = arith.addf %add3A_1224, %get3A_1241 : vector<16xf32>
        %add3A_1243 = arith.constant 320 : i32
        %add3A_1244 = arith.addi %add3A_1243, %scan3A_972 : i32
        %get3A_1245 = arith.constant 1 : i32
        %get3A_1246 = arith.index_cast %get3A_1245 : i32 to index
        %get3A_1247 = arith.index_cast %add3A_1244 : i32 to index
        %get3A_1248 = arith.constant 16 : index
        %get3A_1249 = tpu.vector_load %arg8[%get3A_1246, %get3A_1247, %get3A_1248] {strides = array<i32>} : memref<2x640x64xf32, #tpu.memory_space<vmem>>, vector<1x1x16xf32>,
        %get3A_1250 = vector.shape_cast %get3A_1249 : vector<1x1x16xf32> to vector<16xf32>
        %add3A_1251 = arith.addf %add3A_1233, %get3A_1250 : vector<16xf32>
        %add3A_1252 = arith.constant 352 : i32
        %add3A_1253 = arith.addi %add3A_1252, %scan3A_972 : i32
        %get3A_1254 = arith.constant 1 : i32
        %get3A_1255 = arith.index_cast %get3A_1254 : i32 to index
        %get3A_1256 = arith.index_cast %add3A_1253 : i32 to index
        %get3A_1257 = arith.constant 16 : index
        %get3A_1258 = tpu.vector_load %arg8[%get3A_1255, %get3A_1256, %get3A_1257] {strides = array<i32>} : memref<2x640x64xf32, #tpu.memory_space<vmem>>, vector<1x1x16xf32>,
        %get3A_1259 = vector.shape_cast %get3A_1258 : vector<1x1x16xf32> to vector<16xf32>
        %add3A_1260 = arith.addf %add3A_1242, %get3A_1259 : vector<16xf32>
        %add3A_1261 = arith.constant 384 : i32
        %add3A_1262 = arith.addi %add3A_1261, %scan3A_972 : i32
        %get3A_1263 = arith.constant 1 : i32
        %get3A_1264 = arith.index_cast %get3A_1263 : i32 to index
        %get3A_1265 = arith.index_cast %add3A_1262 : i32 to index
        %get3A_1266 = arith.constant 16 : index
        %get3A_1267 = tpu.vector_load %arg8[%get3A_1264, %get3A_1265, %get3A_1266] {strides = array<i32>} : memref<2x640x64xf32, #tpu.memory_space<vmem>>, vector<1x1x16xf32>,
        %get3A_1268 = vector.shape_cast %get3A_1267 : vector<1x1x16xf32> to vector<16xf32>
        %add3A_1269 = arith.addf %add3A_1251, %get3A_1268 : vector<16xf32>
        %add3A_1270 = arith.constant 416 : i32
        %add3A_1271 = arith.addi %add3A_1270, %scan3A_972 : i32
        %get3A_1272 = arith.constant 1 : i32
        %get3A_1273 = arith.index_cast %get3A_1272 : i32 to index
        %get3A_1274 = arith.index_cast %add3A_1271 : i32 to index
        %get3A_1275 = arith.constant 16 : index
        %get3A_1276 = tpu.vector_load %arg8[%get3A_1273, %get3A_1274, %get3A_1275] {strides = array<i32>} : memref<2x640x64xf32, #tpu.memory_space<vmem>>, vector<1x1x16xf32>,
        %get3A_1277 = vector.shape_cast %get3A_1276 : vector<1x1x16xf32> to vector<16xf32>
        %add3A_1278 = arith.addf %add3A_1260, %get3A_1277 : vector<16xf32>
        %add3A_1279 = arith.constant 448 : i32
        %add3A_1280 = arith.addi %add3A_1279, %scan3A_972 : i32
        %get3A_1281 = arith.constant 1 : i32
        %get3A_1282 = arith.index_cast %get3A_1281 : i32 to index
        %get3A_1283 = arith.index_cast %add3A_1280 : i32 to index
        %get3A_1284 = arith.constant 16 : index
        %get3A_1285 = tpu.vector_load %arg8[%get3A_1282, %get3A_1283, %get3A_1284] {strides = array<i32>} : memref<2x640x64xf32, #tpu.memory_space<vmem>>, vector<1x1x16xf32>,
        %get3A_1286 = vector.shape_cast %get3A_1285 : vector<1x1x16xf32> to vector<16xf32>
        %add3A_1287 = arith.addf %add3A_1269, %get3A_1286 : vector<16xf32>
        %add3A_1288 = arith.constant 480 : i32
        %add3A_1289 = arith.addi %add3A_1288, %scan3A_972 : i32
        %get3A_1290 = arith.constant 1 : i32
        %get3A_1291 = arith.index_cast %get3A_1290 : i32 to index
        %get3A_1292 = arith.index_cast %add3A_1289 : i32 to index
        %get3A_1293 = arith.constant 16 : index
        %get3A_1294 = tpu.vector_load %arg8[%get3A_1291, %get3A_1292, %get3A_1293] {strides = array<i32>} : memref<2x640x64xf32, #tpu.memory_space<vmem>>, vector<1x1x16xf32>,
        %get3A_1295 = vector.shape_cast %get3A_1294 : vector<1x1x16xf32> to vector<16xf32>
        %add3A_1296 = arith.addf %add3A_1278, %get3A_1295 : vector<16xf32>
        %add3A_1297 = arith.constant 512 : i32
        %add3A_1298 = arith.addi %add3A_1297, %scan3A_972 : i32
        %get3A_1299 = arith.constant 1 : i32
        %get3A_1300 = arith.index_cast %get3A_1299 : i32 to index
        %get3A_1301 = arith.index_cast %add3A_1298 : i32 to index
        %get3A_1302 = arith.constant 16 : index
        %get3A_1303 = tpu.vector_load %arg8[%get3A_1300, %get3A_1301, %get3A_1302] {strides = array<i32>} : memref<2x640x64xf32, #tpu.memory_space<vmem>>, vector<1x1x16xf32>,
        %get3A_1304 = vector.shape_cast %get3A_1303 : vector<1x1x16xf32> to vector<16xf32>
        %add3A_1305 = arith.addf %add3A_1287, %get3A_1304 : vector<16xf32>
        %add3A_1306 = arith.constant 544 : i32
        %add3A_1307 = arith.addi %add3A_1306, %scan3A_972 : i32
        %get3A_1308 = arith.constant 1 : i32
        %get3A_1309 = arith.index_cast %get3A_1308 : i32 to index
        %get3A_1310 = arith.index_cast %add3A_1307 : i32 to index
        %get3A_1311 = arith.constant 16 : index
        %get3A_1312 = tpu.vector_load %arg8[%get3A_1309, %get3A_1310, %get3A_1311] {strides = array<i32>} : memref<2x640x64xf32, #tpu.memory_space<vmem>>, vector<1x1x16xf32>,
        %get3A_1313 = vector.shape_cast %get3A_1312 : vector<1x1x16xf32> to vector<16xf32>
        %add3A_1314 = arith.addf %add3A_1296, %get3A_1313 : vector<16xf32>
        %add3A_1315 = arith.constant 576 : i32
        %add3A_1316 = arith.addi %add3A_1315, %scan3A_972 : i32
        %get3A_1317 = arith.constant 1 : i32
        %get3A_1318 = arith.index_cast %get3A_1317 : i32 to index
        %get3A_1319 = arith.index_cast %add3A_1316 : i32 to index
        %get3A_1320 = arith.constant 16 : index
        %get3A_1321 = tpu.vector_load %arg8[%get3A_1318, %get3A_1319, %get3A_1320] {strides = array<i32>} : memref<2x640x64xf32, #tpu.memory_space<vmem>>, vector<1x1x16xf32>,
        %get3A_1322 = vector.shape_cast %get3A_1321 : vector<1x1x16xf32> to vector<16xf32>
        %add3A_1323 = arith.addf %add3A_1305, %get3A_1322 : vector<16xf32>
        %add3A_1324 = arith.constant 608 : i32
        %add3A_1325 = arith.addi %add3A_1324, %scan3A_972 : i32
        %get3A_1326 = arith.constant 1 : i32
        %get3A_1327 = arith.index_cast %get3A_1326 : i32 to index
        %get3A_1328 = arith.index_cast %add3A_1325 : i32 to index
        %get3A_1329 = arith.constant 16 : index
        %get3A_1330 = tpu.vector_load %arg8[%get3A_1327, %get3A_1328, %get3A_1329] {strides = array<i32>} : memref<2x640x64xf32, #tpu.memory_space<vmem>>, vector<1x1x16xf32>,
        %get3A_1331 = vector.shape_cast %get3A_1330 : vector<1x1x16xf32> to vector<16xf32>
        %add3A_1332 = arith.addf %add3A_1314, %get3A_1331 : vector<16xf32>
        %add3A_1333 = arith.addf %add3A_1323, %add3A_1332 : vector<16xf32>
        %swap3A_1334 = arith.constant 1 : i32
        %swap3A_1335 = arith.constant 0 : i32
        %swap3A_1336 = arith.index_cast %swap3A_1334 : i32 to index
        %swap3A_1337 = arith.index_cast %scan3A_972 : i32 to index
        %swap3A_1338 = arith.index_cast %swap3A_1335 : i32 to index
        %swap3A_1339 = arith.constant 16 : index
        %swap3A_1340 = tpu.vector_load %arg9[%swap3A_1336, %swap3A_1337, %swap3A_1338, %swap3A_1339] {strides = array<i32>} : memref<2x32x1x64xf32, #tpu.memory_space<vmem>>, vector<1x1x1x16xf32>,
        %swap3A_1341 = vector.shape_cast %swap3A_1340 : vector<1x1x1x16xf32> to vector<16xf32>
        %swap3A_1342 = vector.shape_cast %add3A_1333 : vector<16xf32> to vector<1x1x1x16xf32>
        tpu.vector_store %arg9[%swap3A_1336, %swap3A_1337, %swap3A_1338, %swap3A_1339], %swap3A_1342 {strides = array<i32>} : memref<2x32x1x64xf32, #tpu.memory_space<vmem>>, vector<1x1x1x16xf32>,
        %get3A_1343 = arith.constant 1 : i32
        %get3A_1344 = arith.index_cast %get3A_1343 : i32 to index
        %get3A_1345 = arith.index_cast %scan3A_972 : i32 to index
        %get3A_1346 = arith.constant 32 : index
        %get3A_1347 = tpu.vector_load %arg8[%get3A_1344, %get3A_1345, %get3A_1346] {strides = array<i32>} : memref<2x640x64xf32, #tpu.memory_space<vmem>>, vector<1x1x16xf32>,
        %get3A_1348 = vector.shape_cast %get3A_1347 : vector<1x1x16xf32> to vector<16xf32>
        %add3A_1349 = arith.constant 32 : i32
        %add3A_1350 = arith.addi %add3A_1349, %scan3A_972 : i32
        %get3A_1351 = arith.constant 1 : i32
        %get3A_1352 = arith.index_cast %get3A_1351 : i32 to index
        %get3A_1353 = arith.index_cast %add3A_1350 : i32 to index
        %get3A_1354 = arith.constant 32 : index
        %get3A_1355 = tpu.vector_load %arg8[%get3A_1352, %get3A_1353, %get3A_1354] {strides = array<i32>} : memref<2x640x64xf32, #tpu.memory_space<vmem>>, vector<1x1x16xf32>,
        %get3A_1356 = vector.shape_cast %get3A_1355 : vector<1x1x16xf32> to vector<16xf32>
        %add3A_1357 = arith.constant 64 : i32
        %add3A_1358 = arith.addi %add3A_1357, %scan3A_972 : i32
        %get3A_1359 = arith.constant 1 : i32
        %get3A_1360 = arith.index_cast %get3A_1359 : i32 to index
        %get3A_1361 = arith.index_cast %add3A_1358 : i32 to index
        %get3A_1362 = arith.constant 32 : index
        %get3A_1363 = tpu.vector_load %arg8[%get3A_1360, %get3A_1361, %get3A_1362] {strides = array<i32>} : memref<2x640x64xf32, #tpu.memory_space<vmem>>, vector<1x1x16xf32>,
        %get3A_1364 = vector.shape_cast %get3A_1363 : vector<1x1x16xf32> to vector<16xf32>
        %add3A_1365 = arith.addf %get3A_1348, %get3A_1364 : vector<16xf32>
        %add3A_1366 = arith.constant 96 : i32
        %add3A_1367 = arith.addi %add3A_1366, %scan3A_972 : i32
        %get3A_1368 = arith.constant 1 : i32
        %get3A_1369 = arith.index_cast %get3A_1368 : i32 to index
        %get3A_1370 = arith.index_cast %add3A_1367 : i32 to index
        %get3A_1371 = arith.constant 32 : index
        %get3A_1372 = tpu.vector_load %arg8[%get3A_1369, %get3A_1370, %get3A_1371] {strides = array<i32>} : memref<2x640x64xf32, #tpu.memory_space<vmem>>, vector<1x1x16xf32>,
        %get3A_1373 = vector.shape_cast %get3A_1372 : vector<1x1x16xf32> to vector<16xf32>
        %add3A_1374 = arith.addf %get3A_1356, %get3A_1373 : vector<16xf32>
        %add3A_1375 = arith.constant 128 : i32
        %add3A_1376 = arith.addi %add3A_1375, %scan3A_972 : i32
        %get3A_1377 = arith.constant 1 : i32
        %get3A_1378 = arith.index_cast %get3A_1377 : i32 to index
        %get3A_1379 = arith.index_cast %add3A_1376 : i32 to index
        %get3A_1380 = arith.constant 32 : index
        %get3A_1381 = tpu.vector_load %arg8[%get3A_1378, %get3A_1379, %get3A_1380] {strides = array<i32>} : memref<2x640x64xf32, #tpu.memory_space<vmem>>, vector<1x1x16xf32>,
        %get3A_1382 = vector.shape_cast %get3A_1381 : vector<1x1x16xf32> to vector<16xf32>
        %add3A_1383 = arith.addf %add3A_1365, %get3A_1382 : vector<16xf32>
        %add3A_1384 = arith.constant 160 : i32
        %add3A_1385 = arith.addi %add3A_1384, %scan3A_972 : i32
        %get3A_1386 = arith.constant 1 : i32
        %get3A_1387 = arith.index_cast %get3A_1386 : i32 to index
        %get3A_1388 = arith.index_cast %add3A_1385 : i32 to index
        %get3A_1389 = arith.constant 32 : index
        %get3A_1390 = tpu.vector_load %arg8[%get3A_1387, %get3A_1388, %get3A_1389] {strides = array<i32>} : memref<2x640x64xf32, #tpu.memory_space<vmem>>, vector<1x1x16xf32>,
        %get3A_1391 = vector.shape_cast %get3A_1390 : vector<1x1x16xf32> to vector<16xf32>
        %add3A_1392 = arith.addf %add3A_1374, %get3A_1391 : vector<16xf32>
        %add3A_1393 = arith.constant 192 : i32
        %add3A_1394 = arith.addi %add3A_1393, %scan3A_972 : i32
        %get3A_1395 = arith.constant 1 : i32
        %get3A_1396 = arith.index_cast %get3A_1395 : i32 to index
        %get3A_1397 = arith.index_cast %add3A_1394 : i32 to index
        %get3A_1398 = arith.constant 32 : index
        %get3A_1399 = tpu.vector_load %arg8[%get3A_1396, %get3A_1397, %get3A_1398] {strides = array<i32>} : memref<2x640x64xf32, #tpu.memory_space<vmem>>, vector<1x1x16xf32>,
        %get3A_1400 = vector.shape_cast %get3A_1399 : vector<1x1x16xf32> to vector<16xf32>
        %add3A_1401 = arith.addf %add3A_1383, %get3A_1400 : vector<16xf32>
        %add3A_1402 = arith.constant 224 : i32
        %add3A_1403 = arith.addi %add3A_1402, %scan3A_972 : i32
        %get3A_1404 = arith.constant 1 : i32
        %get3A_1405 = arith.index_cast %get3A_1404 : i32 to index
        %get3A_1406 = arith.index_cast %add3A_1403 : i32 to index
        %get3A_1407 = arith.constant 32 : index
        %get3A_1408 = tpu.vector_load %arg8[%get3A_1405, %get3A_1406, %get3A_1407] {strides = array<i32>} : memref<2x640x64xf32, #tpu.memory_space<vmem>>, vector<1x1x16xf32>,
        %get3A_1409 = vector.shape_cast %get3A_1408 : vector<1x1x16xf32> to vector<16xf32>
        %add3A_1410 = arith.addf %add3A_1392, %get3A_1409 : vector<16xf32>
        %add3A_1411 = arith.constant 256 : i32
        %add3A_1412 = arith.addi %add3A_1411, %scan3A_972 : i32
        %get3A_1413 = arith.constant 1 : i32
        %get3A_1414 = arith.index_cast %get3A_1413 : i32 to index
        %get3A_1415 = arith.index_cast %add3A_1412 : i32 to index
        %get3A_1416 = arith.constant 32 : index
        %get3A_1417 = tpu.vector_load %arg8[%get3A_1414, %get3A_1415, %get3A_1416] {strides = array<i32>} : memref<2x640x64xf32, #tpu.memory_space<vmem>>, vector<1x1x16xf32>,
        %get3A_1418 = vector.shape_cast %get3A_1417 : vector<1x1x16xf32> to vector<16xf32>
        %add3A_1419 = arith.addf %add3A_1401, %get3A_1418 : vector<16xf32>
        %add3A_1420 = arith.constant 288 : i32
        %add3A_1421 = arith.addi %add3A_1420, %scan3A_972 : i32
        %get3A_1422 = arith.constant 1 : i32
        %get3A_1423 = arith.index_cast %get3A_1422 : i32 to index
        %get3A_1424 = arith.index_cast %add3A_1421 : i32 to index
        %get3A_1425 = arith.constant 32 : index
        %get3A_1426 = tpu.vector_load %arg8[%get3A_1423, %get3A_1424, %get3A_1425] {strides = array<i32>} : memref<2x640x64xf32, #tpu.memory_space<vmem>>, vector<1x1x16xf32>,
        %get3A_1427 = vector.shape_cast %get3A_1426 : vector<1x1x16xf32> to vector<16xf32>
        %add3A_1428 = arith.addf %add3A_1410, %get3A_1427 : vector<16xf32>
        %add3A_1429 = arith.constant 320 : i32
        %add3A_1430 = arith.addi %add3A_1429, %scan3A_972 : i32
        %get3A_1431 = arith.constant 1 : i32
        %get3A_1432 = arith.index_cast %get3A_1431 : i32 to index
        %get3A_1433 = arith.index_cast %add3A_1430 : i32 to index
        %get3A_1434 = arith.constant 32 : index
        %get3A_1435 = tpu.vector_load %arg8[%get3A_1432, %get3A_1433, %get3A_1434] {strides = array<i32>} : memref<2x640x64xf32, #tpu.memory_space<vmem>>, vector<1x1x16xf32>,
        %get3A_1436 = vector.shape_cast %get3A_1435 : vector<1x1x16xf32> to vector<16xf32>
        %add3A_1437 = arith.addf %add3A_1419, %get3A_1436 : vector<16xf32>
        %add3A_1438 = arith.constant 352 : i32
        %add3A_1439 = arith.addi %add3A_1438, %scan3A_972 : i32
        %get3A_1440 = arith.constant 1 : i32
        %get3A_1441 = arith.index_cast %get3A_1440 : i32 to index
        %get3A_1442 = arith.index_cast %add3A_1439 : i32 to index
        %get3A_1443 = arith.constant 32 : index
        %get3A_1444 = tpu.vector_load %arg8[%get3A_1441, %get3A_1442, %get3A_1443] {strides = array<i32>} : memref<2x640x64xf32, #tpu.memory_space<vmem>>, vector<1x1x16xf32>,
        %get3A_1445 = vector.shape_cast %get3A_1444 : vector<1x1x16xf32> to vector<16xf32>
        %add3A_1446 = arith.addf %add3A_1428, %get3A_1445 : vector<16xf32>
        %add3A_1447 = arith.constant 384 : i32
        %add3A_1448 = arith.addi %add3A_1447, %scan3A_972 : i32
        %get3A_1449 = arith.constant 1 : i32
        %get3A_1450 = arith.index_cast %get3A_1449 : i32 to index
        %get3A_1451 = arith.index_cast %add3A_1448 : i32 to index
        %get3A_1452 = arith.constant 32 : index
        %get3A_1453 = tpu.vector_load %arg8[%get3A_1450, %get3A_1451, %get3A_1452] {strides = array<i32>} : memref<2x640x64xf32, #tpu.memory_space<vmem>>, vector<1x1x16xf32>,
        %get3A_1454 = vector.shape_cast %get3A_1453 : vector<1x1x16xf32> to vector<16xf32>
        %add3A_1455 = arith.addf %add3A_1437, %get3A_1454 : vector<16xf32>
        %add3A_1456 = arith.constant 416 : i32
        %add3A_1457 = arith.addi %add3A_1456, %scan3A_972 : i32
        %get3A_1458 = arith.constant 1 : i32
        %get3A_1459 = arith.index_cast %get3A_1458 : i32 to index
        %get3A_1460 = arith.index_cast %add3A_1457 : i32 to index
        %get3A_1461 = arith.constant 32 : index
        %get3A_1462 = tpu.vector_load %arg8[%get3A_1459, %get3A_1460, %get3A_1461] {strides = array<i32>} : memref<2x640x64xf32, #tpu.memory_space<vmem>>, vector<1x1x16xf32>,
        %get3A_1463 = vector.shape_cast %get3A_1462 : vector<1x1x16xf32> to vector<16xf32>
        %add3A_1464 = arith.addf %add3A_1446, %get3A_1463 : vector<16xf32>
        %add3A_1465 = arith.constant 448 : i32
        %add3A_1466 = arith.addi %add3A_1465, %scan3A_972 : i32
        %get3A_1467 = arith.constant 1 : i32
        %get3A_1468 = arith.index_cast %get3A_1467 : i32 to index
        %get3A_1469 = arith.index_cast %add3A_1466 : i32 to index
        %get3A_1470 = arith.constant 32 : index
        %get3A_1471 = tpu.vector_load %arg8[%get3A_1468, %get3A_1469, %get3A_1470] {strides = array<i32>} : memref<2x640x64xf32, #tpu.memory_space<vmem>>, vector<1x1x16xf32>,
        %get3A_1472 = vector.shape_cast %get3A_1471 : vector<1x1x16xf32> to vector<16xf32>
        %add3A_1473 = arith.addf %add3A_1455, %get3A_1472 : vector<16xf32>
        %add3A_1474 = arith.constant 480 : i32
        %add3A_1475 = arith.addi %add3A_1474, %scan3A_972 : i32
        %get3A_1476 = arith.constant 1 : i32
        %get3A_1477 = arith.index_cast %get3A_1476 : i32 to index
        %get3A_1478 = arith.index_cast %add3A_1475 : i32 to index
        %get3A_1479 = arith.constant 32 : index
        %get3A_1480 = tpu.vector_load %arg8[%get3A_1477, %get3A_1478, %get3A_1479] {strides = array<i32>} : memref<2x640x64xf32, #tpu.memory_space<vmem>>, vector<1x1x16xf32>,
        %get3A_1481 = vector.shape_cast %get3A_1480 : vector<1x1x16xf32> to vector<16xf32>
        %add3A_1482 = arith.addf %add3A_1464, %get3A_1481 : vector<16xf32>
        %add3A_1483 = arith.constant 512 : i32
        %add3A_1484 = arith.addi %add3A_1483, %scan3A_972 : i32
        %get3A_1485 = arith.constant 1 : i32
        %get3A_1486 = arith.index_cast %get3A_1485 : i32 to index
        %get3A_1487 = arith.index_cast %add3A_1484 : i32 to index
        %get3A_1488 = arith.constant 32 : index
        %get3A_1489 = tpu.vector_load %arg8[%get3A_1486, %get3A_1487, %get3A_1488] {strides = array<i32>} : memref<2x640x64xf32, #tpu.memory_space<vmem>>, vector<1x1x16xf32>,
        %get3A_1490 = vector.shape_cast %get3A_1489 : vector<1x1x16xf32> to vector<16xf32>
        %add3A_1491 = arith.addf %add3A_1473, %get3A_1490 : vector<16xf32>
        %add3A_1492 = arith.constant 544 : i32
        %add3A_1493 = arith.addi %add3A_1492, %scan3A_972 : i32
        %get3A_1494 = arith.constant 1 : i32
        %get3A_1495 = arith.index_cast %get3A_1494 : i32 to index
        %get3A_1496 = arith.index_cast %add3A_1493 : i32 to index
        %get3A_1497 = arith.constant 32 : index
        %get3A_1498 = tpu.vector_load %arg8[%get3A_1495, %get3A_1496, %get3A_1497] {strides = array<i32>} : memref<2x640x64xf32, #tpu.memory_space<vmem>>, vector<1x1x16xf32>,
        %get3A_1499 = vector.shape_cast %get3A_1498 : vector<1x1x16xf32> to vector<16xf32>
        %add3A_1500 = arith.addf %add3A_1482, %get3A_1499 : vector<16xf32>
        %add3A_1501 = arith.constant 576 : i32
        %add3A_1502 = arith.addi %add3A_1501, %scan3A_972 : i32
        %get3A_1503 = arith.constant 1 : i32
        %get3A_1504 = arith.index_cast %get3A_1503 : i32 to index
        %get3A_1505 = arith.index_cast %add3A_1502 : i32 to index
        %get3A_1506 = arith.constant 32 : index
        %get3A_1507 = tpu.vector_load %arg8[%get3A_1504, %get3A_1505, %get3A_1506] {strides = array<i32>} : memref<2x640x64xf32, #tpu.memory_space<vmem>>, vector<1x1x16xf32>,
        %get3A_1508 = vector.shape_cast %get3A_1507 : vector<1x1x16xf32> to vector<16xf32>
        %add3A_1509 = arith.addf %add3A_1491, %get3A_1508 : vector<16xf32>
        %add3A_1510 = arith.constant 608 : i32
        %add3A_1511 = arith.addi %add3A_1510, %scan3A_972 : i32
        %get3A_1512 = arith.constant 1 : i32
        %get3A_1513 = arith.index_cast %get3A_1512 : i32 to index
        %get3A_1514 = arith.index_cast %add3A_1511 : i32 to index
        %get3A_1515 = arith.constant 32 : index
        %get3A_1516 = tpu.vector_load %arg8[%get3A_1513, %get3A_1514, %get3A_1515] {strides = array<i32>} : memref<2x640x64xf32, #tpu.memory_space<vmem>>, vector<1x1x16xf32>,
        %get3A_1517 = vector.shape_cast %get3A_1516 : vector<1x1x16xf32> to vector<16xf32>
        %add3A_1518 = arith.addf %add3A_1500, %get3A_1517 : vector<16xf32>
        %add3A_1519 = arith.addf %add3A_1509, %add3A_1518 : vector<16xf32>
        %swap3A_1520 = arith.constant 1 : i32
        %swap3A_1521 = arith.constant 0 : i32
        %swap3A_1522 = arith.index_cast %swap3A_1520 : i32 to index
        %swap3A_1523 = arith.index_cast %scan3A_972 : i32 to index
        %swap3A_1524 = arith.index_cast %swap3A_1521 : i32 to index
        %swap3A_1525 = arith.constant 32 : index
        %swap3A_1526 = tpu.vector_load %arg9[%swap3A_1522, %swap3A_1523, %swap3A_1524, %swap3A_1525] {strides = array<i32>} : memref<2x32x1x64xf32, #tpu.memory_space<vmem>>, vector<1x1x1x16xf32>,
        %swap3A_1527 = vector.shape_cast %swap3A_1526 : vector<1x1x1x16xf32> to vector<16xf32>
        %swap3A_1528 = vector.shape_cast %add3A_1519 : vector<16xf32> to vector<1x1x1x16xf32>
        tpu.vector_store %arg9[%swap3A_1522, %swap3A_1523, %swap3A_1524, %swap3A_1525], %swap3A_1528 {strides = array<i32>} : memref<2x32x1x64xf32, #tpu.memory_space<vmem>>, vector<1x1x1x16xf32>,
        %get3A_1529 = arith.constant 1 : i32
        %get3A_1530 = arith.index_cast %get3A_1529 : i32 to index
        %get3A_1531 = arith.index_cast %scan3A_972 : i32 to index
        %get3A_1532 = arith.constant 48 : index
        %get3A_1533 = tpu.vector_load %arg8[%get3A_1530, %get3A_1531, %get3A_1532] {strides = array<i32>} : memref<2x640x64xf32, #tpu.memory_space<vmem>>, vector<1x1x16xf32>,
        %get3A_1534 = vector.shape_cast %get3A_1533 : vector<1x1x16xf32> to vector<16xf32>
        %add3A_1535 = arith.constant 32 : i32
        %add3A_1536 = arith.addi %add3A_1535, %scan3A_972 : i32
        %get3A_1537 = arith.constant 1 : i32
        %get3A_1538 = arith.index_cast %get3A_1537 : i32 to index
        %get3A_1539 = arith.index_cast %add3A_1536 : i32 to index
        %get3A_1540 = arith.constant 48 : index
        %get3A_1541 = tpu.vector_load %arg8[%get3A_1538, %get3A_1539, %get3A_1540] {strides = array<i32>} : memref<2x640x64xf32, #tpu.memory_space<vmem>>, vector<1x1x16xf32>,
        %get3A_1542 = vector.shape_cast %get3A_1541 : vector<1x1x16xf32> to vector<16xf32>
        %add3A_1543 = arith.constant 64 : i32
        %add3A_1544 = arith.addi %add3A_1543, %scan3A_972 : i32
        %get3A_1545 = arith.constant 1 : i32
        %get3A_1546 = arith.index_cast %get3A_1545 : i32 to index
        %get3A_1547 = arith.index_cast %add3A_1544 : i32 to index
        %get3A_1548 = arith.constant 48 : index
        %get3A_1549 = tpu.vector_load %arg8[%get3A_1546, %get3A_1547, %get3A_1548] {strides = array<i32>} : memref<2x640x64xf32, #tpu.memory_space<vmem>>, vector<1x1x16xf32>,
        %get3A_1550 = vector.shape_cast %get3A_1549 : vector<1x1x16xf32> to vector<16xf32>
        %add3A_1551 = arith.addf %get3A_1534, %get3A_1550 : vector<16xf32>
        %add3A_1552 = arith.constant 96 : i32
        %add3A_1553 = arith.addi %add3A_1552, %scan3A_972 : i32
        %get3A_1554 = arith.constant 1 : i32
        %get3A_1555 = arith.index_cast %get3A_1554 : i32 to index
        %get3A_1556 = arith.index_cast %add3A_1553 : i32 to index
        %get3A_1557 = arith.constant 48 : index
        %get3A_1558 = tpu.vector_load %arg8[%get3A_1555, %get3A_1556, %get3A_1557] {strides = array<i32>} : memref<2x640x64xf32, #tpu.memory_space<vmem>>, vector<1x1x16xf32>,
        %get3A_1559 = vector.shape_cast %get3A_1558 : vector<1x1x16xf32> to vector<16xf32>
        %add3A_1560 = arith.addf %get3A_1542, %get3A_1559 : vector<16xf32>
        %add3A_1561 = arith.constant 128 : i32
        %add3A_1562 = arith.addi %add3A_1561, %scan3A_972 : i32
        %get3A_1563 = arith.constant 1 : i32
        %get3A_1564 = arith.index_cast %get3A_1563 : i32 to index
        %get3A_1565 = arith.index_cast %add3A_1562 : i32 to index
        %get3A_1566 = arith.constant 48 : index
        %get3A_1567 = tpu.vector_load %arg8[%get3A_1564, %get3A_1565, %get3A_1566] {strides = array<i32>} : memref<2x640x64xf32, #tpu.memory_space<vmem>>, vector<1x1x16xf32>,
        %get3A_1568 = vector.shape_cast %get3A_1567 : vector<1x1x16xf32> to vector<16xf32>
        %add3A_1569 = arith.addf %add3A_1551, %get3A_1568 : vector<16xf32>
        %add3A_1570 = arith.constant 160 : i32
        %add3A_1571 = arith.addi %add3A_1570, %scan3A_972 : i32
        %get3A_1572 = arith.constant 1 : i32
        %get3A_1573 = arith.index_cast %get3A_1572 : i32 to index
        %get3A_1574 = arith.index_cast %add3A_1571 : i32 to index
        %get3A_1575 = arith.constant 48 : index
        %get3A_1576 = tpu.vector_load %arg8[%get3A_1573, %get3A_1574, %get3A_1575] {strides = array<i32>} : memref<2x640x64xf32, #tpu.memory_space<vmem>>, vector<1x1x16xf32>,
        %get3A_1577 = vector.shape_cast %get3A_1576 : vector<1x1x16xf32> to vector<16xf32>
        %add3A_1578 = arith.addf %add3A_1560, %get3A_1577 : vector<16xf32>
        %add3A_1579 = arith.constant 192 : i32
        %add3A_1580 = arith.addi %add3A_1579, %scan3A_972 : i32
        %get3A_1581 = arith.constant 1 : i32
        %get3A_1582 = arith.index_cast %get3A_1581 : i32 to index
        %get3A_1583 = arith.index_cast %add3A_1580 : i32 to index
        %get3A_1584 = arith.constant 48 : index
        %get3A_1585 = tpu.vector_load %arg8[%get3A_1582, %get3A_1583, %get3A_1584] {strides = array<i32>} : memref<2x640x64xf32, #tpu.memory_space<vmem>>, vector<1x1x16xf32>,
        %get3A_1586 = vector.shape_cast %get3A_1585 : vector<1x1x16xf32> to vector<16xf32>
        %add3A_1587 = arith.addf %add3A_1569, %get3A_1586 : vector<16xf32>
        %add3A_1588 = arith.constant 224 : i32
        %add3A_1589 = arith.addi %add3A_1588, %scan3A_972 : i32
        %get3A_1590 = arith.constant 1 : i32
        %get3A_1591 = arith.index_cast %get3A_1590 : i32 to index
        %get3A_1592 = arith.index_cast %add3A_1589 : i32 to index
        %get3A_1593 = arith.constant 48 : index
        %get3A_1594 = tpu.vector_load %arg8[%get3A_1591, %get3A_1592, %get3A_1593] {strides = array<i32>} : memref<2x640x64xf32, #tpu.memory_space<vmem>>, vector<1x1x16xf32>,
        %get3A_1595 = vector.shape_cast %get3A_1594 : vector<1x1x16xf32> to vector<16xf32>
        %add3A_1596 = arith.addf %add3A_1578, %get3A_1595 : vector<16xf32>
        %add3A_1597 = arith.constant 256 : i32
        %add3A_1598 = arith.addi %add3A_1597, %scan3A_972 : i32
        %get3A_1599 = arith.constant 1 : i32
        %get3A_1600 = arith.index_cast %get3A_1599 : i32 to index
        %get3A_1601 = arith.index_cast %add3A_1598 : i32 to index
        %get3A_1602 = arith.constant 48 : index
        %get3A_1603 = tpu.vector_load %arg8[%get3A_1600, %get3A_1601, %get3A_1602] {strides = array<i32>} : memref<2x640x64xf32, #tpu.memory_space<vmem>>, vector<1x1x16xf32>,
        %get3A_1604 = vector.shape_cast %get3A_1603 : vector<1x1x16xf32> to vector<16xf32>
        %add3A_1605 = arith.addf %add3A_1587, %get3A_1604 : vector<16xf32>
        %add3A_1606 = arith.constant 288 : i32
        %add3A_1607 = arith.addi %add3A_1606, %scan3A_972 : i32
        %get3A_1608 = arith.constant 1 : i32
        %get3A_1609 = arith.index_cast %get3A_1608 : i32 to index
        %get3A_1610 = arith.index_cast %add3A_1607 : i32 to index
        %get3A_1611 = arith.constant 48 : index
        %get3A_1612 = tpu.vector_load %arg8[%get3A_1609, %get3A_1610, %get3A_1611] {strides = array<i32>} : memref<2x640x64xf32, #tpu.memory_space<vmem>>, vector<1x1x16xf32>,
        %get3A_1613 = vector.shape_cast %get3A_1612 : vector<1x1x16xf32> to vector<16xf32>
        %add3A_1614 = arith.addf %add3A_1596, %get3A_1613 : vector<16xf32>
        %add3A_1615 = arith.constant 320 : i32
        %add3A_1616 = arith.addi %add3A_1615, %scan3A_972 : i32
        %get3A_1617 = arith.constant 1 : i32
        %get3A_1618 = arith.index_cast %get3A_1617 : i32 to index
        %get3A_1619 = arith.index_cast %add3A_1616 : i32 to index
        %get3A_1620 = arith.constant 48 : index
        %get3A_1621 = tpu.vector_load %arg8[%get3A_1618, %get3A_1619, %get3A_1620] {strides = array<i32>} : memref<2x640x64xf32, #tpu.memory_space<vmem>>, vector<1x1x16xf32>,
        %get3A_1622 = vector.shape_cast %get3A_1621 : vector<1x1x16xf32> to vector<16xf32>
        %add3A_1623 = arith.addf %add3A_1605, %get3A_1622 : vector<16xf32>
        %add3A_1624 = arith.constant 352 : i32
        %add3A_1625 = arith.addi %add3A_1624, %scan3A_972 : i32
        %get3A_1626 = arith.constant 1 : i32
        %get3A_1627 = arith.index_cast %get3A_1626 : i32 to index
        %get3A_1628 = arith.index_cast %add3A_1625 : i32 to index
        %get3A_1629 = arith.constant 48 : index
        %get3A_1630 = tpu.vector_load %arg8[%get3A_1627, %get3A_1628, %get3A_1629] {strides = array<i32>} : memref<2x640x64xf32, #tpu.memory_space<vmem>>, vector<1x1x16xf32>,
        %get3A_1631 = vector.shape_cast %get3A_1630 : vector<1x1x16xf32> to vector<16xf32>
        %add3A_1632 = arith.addf %add3A_1614, %get3A_1631 : vector<16xf32>
        %add3A_1633 = arith.constant 384 : i32
        %add3A_1634 = arith.addi %add3A_1633, %scan3A_972 : i32
        %get3A_1635 = arith.constant 1 : i32
        %get3A_1636 = arith.index_cast %get3A_1635 : i32 to index
        %get3A_1637 = arith.index_cast %add3A_1634 : i32 to index
        %get3A_1638 = arith.constant 48 : index
        %get3A_1639 = tpu.vector_load %arg8[%get3A_1636, %get3A_1637, %get3A_1638] {strides = array<i32>} : memref<2x640x64xf32, #tpu.memory_space<vmem>>, vector<1x1x16xf32>,
        %get3A_1640 = vector.shape_cast %get3A_1639 : vector<1x1x16xf32> to vector<16xf32>
        %add3A_1641 = arith.addf %add3A_1623, %get3A_1640 : vector<16xf32>
        %add3A_1642 = arith.constant 416 : i32
        %add3A_1643 = arith.addi %add3A_1642, %scan3A_972 : i32
        %get3A_1644 = arith.constant 1 : i32
        %get3A_1645 = arith.index_cast %get3A_1644 : i32 to index
        %get3A_1646 = arith.index_cast %add3A_1643 : i32 to index
        %get3A_1647 = arith.constant 48 : index
        %get3A_1648 = tpu.vector_load %arg8[%get3A_1645, %get3A_1646, %get3A_1647] {strides = array<i32>} : memref<2x640x64xf32, #tpu.memory_space<vmem>>, vector<1x1x16xf32>,
        %get3A_1649 = vector.shape_cast %get3A_1648 : vector<1x1x16xf32> to vector<16xf32>
        %add3A_1650 = arith.addf %add3A_1632, %get3A_1649 : vector<16xf32>
        %add3A_1651 = arith.constant 448 : i32
        %add3A_1652 = arith.addi %add3A_1651, %scan3A_972 : i32
        %get3A_1653 = arith.constant 1 : i32
        %get3A_1654 = arith.index_cast %get3A_1653 : i32 to index
        %get3A_1655 = arith.index_cast %add3A_1652 : i32 to index
        %get3A_1656 = arith.constant 48 : index
        %get3A_1657 = tpu.vector_load %arg8[%get3A_1654, %get3A_1655, %get3A_1656] {strides = array<i32>} : memref<2x640x64xf32, #tpu.memory_space<vmem>>, vector<1x1x16xf32>,
        %get3A_1658 = vector.shape_cast %get3A_1657 : vector<1x1x16xf32> to vector<16xf32>
        %add3A_1659 = arith.addf %add3A_1641, %get3A_1658 : vector<16xf32>
        %add3A_1660 = arith.constant 480 : i32
        %add3A_1661 = arith.addi %add3A_1660, %scan3A_972 : i32
        %get3A_1662 = arith.constant 1 : i32
        %get3A_1663 = arith.index_cast %get3A_1662 : i32 to index
        %get3A_1664 = arith.index_cast %add3A_1661 : i32 to index
        %get3A_1665 = arith.constant 48 : index
        %get3A_1666 = tpu.vector_load %arg8[%get3A_1663, %get3A_1664, %get3A_1665] {strides = array<i32>} : memref<2x640x64xf32, #tpu.memory_space<vmem>>, vector<1x1x16xf32>,
        %get3A_1667 = vector.shape_cast %get3A_1666 : vector<1x1x16xf32> to vector<16xf32>
        %add3A_1668 = arith.addf %add3A_1650, %get3A_1667 : vector<16xf32>
        %add3A_1669 = arith.constant 512 : i32
        %add3A_1670 = arith.addi %add3A_1669, %scan3A_972 : i32
        %get3A_1671 = arith.constant 1 : i32
        %get3A_1672 = arith.index_cast %get3A_1671 : i32 to index
        %get3A_1673 = arith.index_cast %add3A_1670 : i32 to index
        %get3A_1674 = arith.constant 48 : index
        %get3A_1675 = tpu.vector_load %arg8[%get3A_1672, %get3A_1673, %get3A_1674] {strides = array<i32>} : memref<2x640x64xf32, #tpu.memory_space<vmem>>, vector<1x1x16xf32>,
        %get3A_1676 = vector.shape_cast %get3A_1675 : vector<1x1x16xf32> to vector<16xf32>
        %add3A_1677 = arith.addf %add3A_1659, %get3A_1676 : vector<16xf32>
        %add3A_1678 = arith.constant 544 : i32
        %add3A_1679 = arith.addi %add3A_1678, %scan3A_972 : i32
        %get3A_1680 = arith.constant 1 : i32
        %get3A_1681 = arith.index_cast %get3A_1680 : i32 to index
        %get3A_1682 = arith.index_cast %add3A_1679 : i32 to index
        %get3A_1683 = arith.constant 48 : index
        %get3A_1684 = tpu.vector_load %arg8[%get3A_1681, %get3A_1682, %get3A_1683] {strides = array<i32>} : memref<2x640x64xf32, #tpu.memory_space<vmem>>, vector<1x1x16xf32>,
        %get3A_1685 = vector.shape_cast %get3A_1684 : vector<1x1x16xf32> to vector<16xf32>
        %add3A_1686 = arith.addf %add3A_1668, %get3A_1685 : vector<16xf32>
        %add3A_1687 = arith.constant 576 : i32
        %add3A_1688 = arith.addi %add3A_1687, %scan3A_972 : i32
        %get3A_1689 = arith.constant 1 : i32
        %get3A_1690 = arith.index_cast %get3A_1689 : i32 to index
        %get3A_1691 = arith.index_cast %add3A_1688 : i32 to index
        %get3A_1692 = arith.constant 48 : index
        %get3A_1693 = tpu.vector_load %arg8[%get3A_1690, %get3A_1691, %get3A_1692] {strides = array<i32>} : memref<2x640x64xf32, #tpu.memory_space<vmem>>, vector<1x1x16xf32>,
        %get3A_1694 = vector.shape_cast %get3A_1693 : vector<1x1x16xf32> to vector<16xf32>
        %add3A_1695 = arith.addf %add3A_1677, %get3A_1694 : vector<16xf32>
        %add3A_1696 = arith.constant 608 : i32
        %add3A_1697 = arith.addi %add3A_1696, %scan3A_972 : i32
        %get3A_1698 = arith.constant 1 : i32
        %get3A_1699 = arith.index_cast %get3A_1698 : i32 to index
        %get3A_1700 = arith.index_cast %add3A_1697 : i32 to index
        %get3A_1701 = arith.constant 48 : index
        %get3A_1702 = tpu.vector_load %arg8[%get3A_1699, %get3A_1700, %get3A_1701] {strides = array<i32>} : memref<2x640x64xf32, #tpu.memory_space<vmem>>, vector<1x1x16xf32>,
        %get3A_1703 = vector.shape_cast %get3A_1702 : vector<1x1x16xf32> to vector<16xf32>
        %add3A_1704 = arith.addf %add3A_1686, %get3A_1703 : vector<16xf32>
        %add3A_1705 = arith.addf %add3A_1695, %add3A_1704 : vector<16xf32>
        %swap3A_1706 = arith.constant 1 : i32
        %swap3A_1707 = arith.constant 0 : i32
        %swap3A_1708 = arith.index_cast %swap3A_1706 : i32 to index
        %swap3A_1709 = arith.index_cast %scan3A_972 : i32 to index
        %swap3A_1710 = arith.index_cast %swap3A_1707 : i32 to index
        %swap3A_1711 = arith.constant 48 : index
        %swap3A_1712 = tpu.vector_load %arg9[%swap3A_1708, %swap3A_1709, %swap3A_1710, %swap3A_1711] {strides = array<i32>} : memref<2x32x1x64xf32, #tpu.memory_space<vmem>>, vector<1x1x1x16xf32>,
        %swap3A_1713 = vector.shape_cast %swap3A_1712 : vector<1x1x1x16xf32> to vector<16xf32>
        %swap3A_1714 = vector.shape_cast %add3A_1705 : vector<16xf32> to vector<1x1x1x16xf32>
        tpu.vector_store %arg9[%swap3A_1708, %swap3A_1709, %swap3A_1710, %swap3A_1711], %swap3A_1714 {strides = array<i32>} : memref<2x32x1x64xf32, #tpu.memory_space<vmem>>, vector<1x1x1x16xf32>,
      }
      %scan3A_864 = arith.constant 32 : i32
      %jit3A_865 = arith.constant 12 : i32
      %div3A_866 = arith.divsi %add3A_838, %jit3A_865 : i32
      %sign3A_867 = arith.constant 0 : i32
      %sign3A_868 = arith.cmpi sgt, %add3A_838, %sign3A_867 : i32
      %sign3A_869 = arith.extui %sign3A_868 : i1 to i32
      %sign3A_870 = arith.constant 0 : i32
      %sign3A_871 = arith.cmpi slt, %add3A_838, %sign3A_870 : i32
      %sign3A_872 = arith.extui %sign3A_871 : i1 to i32
      %sign3A_873 = arith.subi %sign3A_869, %sign3A_872 : i32
      %sign3A_874 = arith.constant 0 : i32
      %sign3A_875 = arith.cmpi sgt, %jit3A_865, %sign3A_874 : i32
      %sign3A_876 = arith.extui %sign3A_875 : i1 to i32
      %sign3A_877 = arith.constant 0 : i32
      %sign3A_878 = arith.cmpi slt, %jit3A_865, %sign3A_877 : i32
      %sign3A_879 = arith.extui %sign3A_878 : i1 to i32
      %sign3A_880 = arith.subi %sign3A_876, %sign3A_879 : i32
      %ne3A_881 = arith.cmpi ne, %sign3A_873, %sign3A_880 : i32
      %rem3A_882 = arith.remsi %add3A_838, %jit3A_865 : i32
      %ne3A_883 = arith.constant 0 : i32
      %ne3A_884 = arith.cmpi ne, %rem3A_882, %ne3A_883 : i32
      %and3A_885 = arith.andi %ne3A_881, %ne3A_884 : i1
      %sub3A_886 = arith.constant 1 : i32
      %sub3A_887 = arith.subi %div3A_866, %sub3A_886 : i32
      %select_n3A_888 = arith.select %and3A_885, %sub3A_887, %div3A_866 : i32
      %jit3A_889 = arith.constant 4 : i32
      %div3A_890 = arith.divsi %add3A_838, %jit3A_889 : i32
      %sign3A_891 = arith.constant 0 : i32
      %sign3A_892 = arith.cmpi sgt, %add3A_838, %sign3A_891 : i32
      %sign3A_893 = arith.extui %sign3A_892 : i1 to i32
      %sign3A_894 = arith.constant 0 : i32
      %sign3A_895 = arith.cmpi slt, %add3A_838, %sign3A_894 : i32
      %sign3A_896 = arith.extui %sign3A_895 : i1 to i32
      %sign3A_897 = arith.subi %sign3A_893, %sign3A_896 : i32
      %sign3A_898 = arith.constant 0 : i32
      %sign3A_899 = arith.cmpi sgt, %jit3A_889, %sign3A_898 : i32
      %sign3A_900 = arith.extui %sign3A_899 : i1 to i32
      %sign3A_901 = arith.constant 0 : i32
      %sign3A_902 = arith.cmpi slt, %jit3A_889, %sign3A_901 : i32
      %sign3A_903 = arith.extui %sign3A_902 : i1 to i32
      %sign3A_904 = arith.subi %sign3A_900, %sign3A_903 : i32
      %ne3A_905 = arith.cmpi ne, %sign3A_897, %sign3A_904 : i32
      %rem3A_906 = arith.remsi %add3A_838, %jit3A_889 : i32
      %ne3A_907 = arith.constant 0 : i32
      %ne3A_908 = arith.cmpi ne, %rem3A_906, %ne3A_907 : i32
      %and3A_909 = arith.andi %ne3A_905, %ne3A_908 : i1
      %sub3A_910 = arith.constant 1 : i32
      %sub3A_911 = arith.subi %div3A_890, %sub3A_910 : i32
      %select_n3A_912 = arith.select %and3A_909, %sub3A_911, %div3A_890 : i32
      %jit3A_913 = arith.constant 3 : i32
      %eq3A_914 = arith.constant 0 : i32
      %eq3A_915 = arith.cmpi eq, %jit3A_913, %eq3A_914 : i32
      %jit3A_916 = arith.constant 1 : i32
      %select_n3A_917 = arith.select %eq3A_915, %jit3A_916, %jit3A_913 : i32
      %rem3A_918 = arith.remsi %select_n3A_912, %select_n3A_917 : i32
      %ne3A_919 = arith.constant 0 : i32
      %ne3A_920 = arith.cmpi ne, %rem3A_918, %ne3A_919 : i32
      %lt3A_921 = arith.constant 0 : i32
      %lt3A_922 = arith.cmpi slt, %rem3A_918, %lt3A_921 : i32
      %lt3A_923 = arith.constant 0 : i32
      %lt3A_924 = arith.cmpi slt, %select_n3A_917, %lt3A_923 : i32
      %ne3A_925 = arith.xori %lt3A_922, %lt3A_924 : i1
      %and3A_926 = arith.andi %ne3A_925, %ne3A_920 : i1
      %add3A_927 = arith.addi %rem3A_918, %select_n3A_917 : i32
      %select_n3A_928 = arith.select %and3A_926, %add3A_927, %rem3A_918 : i32
      %jit3A_929 = arith.constant 4 : i32
      %eq3A_930 = arith.constant 0 : i32
      %eq3A_931 = arith.cmpi eq, %jit3A_929, %eq3A_930 : i32
      %jit3A_932 = arith.constant 1 : i32
      %select_n3A_933 = arith.select %eq3A_931, %jit3A_932, %jit3A_929 : i32
      %rem3A_934 = arith.remsi %add3A_838, %select_n3A_933 : i32
      %ne3A_935 = arith.constant 0 : i32
      %ne3A_936 = arith.cmpi ne, %rem3A_934, %ne3A_935 : i32
      %lt3A_937 = arith.constant 0 : i32
      %lt3A_938 = arith.cmpi slt, %rem3A_934, %lt3A_937 : i32
      %lt3A_939 = arith.constant 0 : i32
      %lt3A_940 = arith.cmpi slt, %select_n3A_933, %lt3A_939 : i32
      %ne3A_941 = arith.xori %lt3A_938, %lt3A_940 : i1
      %and3A_942 = arith.andi %ne3A_941, %ne3A_936 : i1
      %add3A_943 = arith.addi %rem3A_934, %select_n3A_933 : i32
      %select_n3A_944 = arith.select %and3A_942, %add3A_943, %rem3A_934 : i32
      %mul3A_945 = arith.constant 32 : i32
      %mul3A_946 = arith.muli %select_n3A_944, %mul3A_945 : i32
      %add3A_947 = arith.addi %mul3A_2, %mul3A_946 : i32
      %dma_start3A_948 = arith.constant 1 : i32
      %dma_start3A_949 = arith.constant 0 : i32
      %dma_start3A_950 = arith.constant 0 : i32
      %dma_start3A_951 = arith.constant 0 : i32
      %dma_start3A_952 = tpu.memref_slice %arg9[%dma_start3A_948, %dma_start3A_949, %dma_start3A_950, %dma_start3A_951] : memref<2x32x1x64xf32, #tpu.memory_space<vmem>> -> memref<1x32x1x64xf32, #tpu.memory_space<vmem>>
      %dma_start3A_953 = tpu.memref_squeeze %dma_start3A_952 : memref<1x32x1x64xf32, #tpu.memory_space<vmem>> -> memref<32x1x64xf32, #tpu.memory_space<vmem>>
      %dma_start3A_954 = arith.constant 0 : i32
      %dma_start3A_955 = tpu.memref_slice %arg6[%select_n3A_888, %add3A_947, %select_n3A_928, %dma_start3A_954] : memref<3x4096x3x64xf32, #tpu.memory_space<hbm>> -> memref<1x32x1x64xf32, #tpu.memory_space<hbm>>
      %dma_start3A_956 = tpu.memref_squeeze %dma_start3A_955 : memref<1x32x1x64xf32, #tpu.memory_space<hbm>> -> memref<32x1x64xf32, #tpu.memory_space<hbm>>
      %dma_start3A_957 = arith.constant 0 : i32
      %dma_start3A_958 = tpu.memref_slice %arg6[%select_n3A_888, %add3A_947, %select_n3A_928, %dma_start3A_957] : memref<3x4096x3x64xf32, #tpu.memory_space<hbm>> -> memref<1x32x1x64xf32, #tpu.memory_space<hbm>>
      %dma_start3A_959 = tpu.memref_squeeze %dma_start3A_958 : memref<1x32x1x64xf32, #tpu.memory_space<hbm>> -> memref<32x1x64xf32, #tpu.memory_space<hbm>>
      %dma_start3A_960 = arith.constant 0 : i32
      %dma_start3A_961 = arith.constant 0 : i32
      %dma_start3A_962 = arith.constant 0 : i32
      %dma_start3A_963 = tpu.memref_slice %arg9[%dma_start3A_948, %dma_start3A_960, %dma_start3A_961, %dma_start3A_962] : memref<2x32x1x64xf32, #tpu.memory_space<vmem>> -> memref<1x32x1x64xf32, #tpu.memory_space<vmem>>
      %dma_start3A_964 = tpu.memref_squeeze %dma_start3A_963 : memref<1x32x1x64xf32, #tpu.memory_space<vmem>> -> memref<32x1x64xf32, #tpu.memory_space<vmem>>
      tpu.enqueue_dma source(%dma_start3A_964 : memref<32x1x64xf32, #tpu.memory_space<vmem>>) target(%dma_start3A_959 : memref<32x1x64xf32, #tpu.memory_space<hbm>>) target_semaphore(%arg14 : memref<!tpu.dma_semaphore, #tpu.memory_space<semaphore_mem>>)
      %add3A_965 = arith.constant 2 : i32
      %add3A_966 = arith.addi %add3A_838, %add3A_965 : i32
      %lt3A_967 = arith.constant 36 : i32
      %lt3A_968 = arith.cmpi slt, %add3A_966, %lt3A_967 : i32
      %convert_element_type3A_969 = arith.extui %lt3A_968 : i1 to i32
      %cond3A_970 = arith.constant 0 : i32
      %cond3A_971 = arith.cmpi ne, %convert_element_type3A_969, %cond3A_970 : i32
      scf.if %cond3A_971 {
        %add3A_972 = arith.constant 2 : i32
        %add3A_973 = arith.addi %add3A_838, %add3A_972 : i32
        %jit3A_974 = arith.constant 12 : i32
        %div3A_975 = arith.divsi %add3A_973, %jit3A_974 : i32
        %sign3A_976 = arith.constant 0 : i32
        %sign3A_977 = arith.cmpi sgt, %add3A_973, %sign3A_976 : i32
        %sign3A_978 = arith.extui %sign3A_977 : i1 to i32
        %sign3A_979 = arith.constant 0 : i32
        %sign3A_980 = arith.cmpi slt, %add3A_973, %sign3A_979 : i32
        %sign3A_981 = arith.extui %sign3A_980 : i1 to i32
        %sign3A_982 = arith.subi %sign3A_978, %sign3A_981 : i32
        %sign3A_983 = arith.constant 0 : i32
        %sign3A_984 = arith.cmpi sgt, %jit3A_974, %sign3A_983 : i32
        %sign3A_985 = arith.extui %sign3A_984 : i1 to i32
        %sign3A_986 = arith.constant 0 : i32
        %sign3A_987 = arith.cmpi slt, %jit3A_974, %sign3A_986 : i32
        %sign3A_988 = arith.extui %sign3A_987 : i1 to i32
        %sign3A_989 = arith.subi %sign3A_985, %sign3A_988 : i32
        %ne3A_990 = arith.cmpi ne, %sign3A_982, %sign3A_989 : i32
        %rem3A_991 = arith.remsi %add3A_973, %jit3A_974 : i32
        %ne3A_992 = arith.constant 0 : i32
        %ne3A_993 = arith.cmpi ne, %rem3A_991, %ne3A_992 : i32
        %and3A_994 = arith.andi %ne3A_990, %ne3A_993 : i1
        %sub3A_995 = arith.constant 1 : i32
        %sub3A_996 = arith.subi %div3A_975, %sub3A_995 : i32
        %select_n3A_997 = arith.select %and3A_994, %sub3A_996, %div3A_975 : i32
        %jit3A_998 = arith.constant 4 : i32
        %div3A_999 = arith.divsi %add3A_973, %jit3A_998 : i32
        %sign3A_1000 = arith.constant 0 : i32
        %sign3A_1001 = arith.cmpi sgt, %add3A_973, %sign3A_1000 : i32
        %sign3A_1002 = arith.extui %sign3A_1001 : i1 to i32
        %sign3A_1003 = arith.constant 0 : i32
        %sign3A_1004 = arith.cmpi slt, %add3A_973, %sign3A_1003 : i32
        %sign3A_1005 = arith.extui %sign3A_1004 : i1 to i32
        %sign3A_1006 = arith.subi %sign3A_1002, %sign3A_1005 : i32
        %sign3A_1007 = arith.constant 0 : i32
        %sign3A_1008 = arith.cmpi sgt, %jit3A_998, %sign3A_1007 : i32
        %sign3A_1009 = arith.extui %sign3A_1008 : i1 to i32
        %sign3A_1010 = arith.constant 0 : i32
        %sign3A_1011 = arith.cmpi slt, %jit3A_998, %sign3A_1010 : i32
        %sign3A_1012 = arith.extui %sign3A_1011 : i1 to i32
        %sign3A_1013 = arith.subi %sign3A_1009, %sign3A_1012 : i32
        %ne3A_1014 = arith.cmpi ne, %sign3A_1006, %sign3A_1013 : i32
        %rem3A_1015 = arith.remsi %add3A_973, %jit3A_998 : i32
        %ne3A_1016 = arith.constant 0 : i32
        %ne3A_1017 = arith.cmpi ne, %rem3A_1015, %ne3A_1016 : i32
        %and3A_1018 = arith.andi %ne3A_1014, %ne3A_1017 : i1
        %sub3A_1019 = arith.constant 1 : i32
        %sub3A_1020 = arith.subi %div3A_999, %sub3A_1019 : i32
        %select_n3A_1021 = arith.select %and3A_1018, %sub3A_1020, %div3A_999 : i32
        %jit3A_1022 = arith.constant 3 : i32
        %eq3A_1023 = arith.constant 0 : i32
        %eq3A_1024 = arith.cmpi eq, %jit3A_1022, %eq3A_1023 : i32
        %jit3A_1025 = arith.constant 1 : i32
        %select_n3A_1026 = arith.select %eq3A_1024, %jit3A_1025, %jit3A_1022 : i32
        %rem3A_1027 = arith.remsi %select_n3A_1021, %select_n3A_1026 : i32
        %ne3A_1028 = arith.constant 0 : i32
        %ne3A_1029 = arith.cmpi ne, %rem3A_1027, %ne3A_1028 : i32
        %lt3A_1030 = arith.constant 0 : i32
        %lt3A_1031 = arith.cmpi slt, %rem3A_1027, %lt3A_1030 : i32
        %lt3A_1032 = arith.constant 0 : i32
        %lt3A_1033 = arith.cmpi slt, %select_n3A_1026, %lt3A_1032 : i32
        %ne3A_1034 = arith.xori %lt3A_1031, %lt3A_1033 : i1
        %and3A_1035 = arith.andi %ne3A_1034, %ne3A_1029 : i1
        %add3A_1036 = arith.addi %rem3A_1027, %select_n3A_1026 : i32
        %select_n3A_1037 = arith.select %and3A_1035, %add3A_1036, %rem3A_1027 : i32
        %jit3A_1038 = arith.constant 4 : i32
        %eq3A_1039 = arith.constant 0 : i32
        %eq3A_1040 = arith.cmpi eq, %jit3A_1038, %eq3A_1039 : i32
        %jit3A_1041 = arith.constant 1 : i32
        %select_n3A_1042 = arith.select %eq3A_1040, %jit3A_1041, %jit3A_1038 : i32
        %rem3A_1043 = arith.remsi %add3A_973, %select_n3A_1042 : i32
        %ne3A_1044 = arith.constant 0 : i32
        %ne3A_1045 = arith.cmpi ne, %rem3A_1043, %ne3A_1044 : i32
        %lt3A_1046 = arith.constant 0 : i32
        %lt3A_1047 = arith.cmpi slt, %rem3A_1043, %lt3A_1046 : i32
        %lt3A_1048 = arith.constant 0 : i32
        %lt3A_1049 = arith.cmpi slt, %select_n3A_1042, %lt3A_1048 : i32
        %ne3A_1050 = arith.xori %lt3A_1047, %lt3A_1049 : i1
        %and3A_1051 = arith.andi %ne3A_1050, %ne3A_1045 : i1
        %add3A_1052 = arith.addi %rem3A_1043, %select_n3A_1042 : i32
        %select_n3A_1053 = arith.select %and3A_1051, %add3A_1052, %rem3A_1043 : i32
        %mul3A_1054 = arith.constant 32 : i32
        %mul3A_1055 = arith.muli %select_n3A_1053, %mul3A_1054 : i32
        %dma_start3A_1056 = arith.constant 0 : i32
        %dma_start3A_1057 = arith.constant 1 : i32
        %dma_start3A_1058 = arith.constant 0 : i32
        %dma_start3A_1059 = arith.constant 0 : i32
        %dma_start3A_1060 = tpu.memref_slice %arg8[%dma_start3A_1057, %dma_start3A_1058, %dma_start3A_1059] : memref<2x640x64xf32, #tpu.memory_space<vmem>> -> memref<1x32x64xf32, #tpu.memory_space<vmem>>
        %dma_start3A_1061 = tpu.memref_squeeze %dma_start3A_1060 : memref<1x32x64xf32, #tpu.memory_space<vmem>> -> memref<32x64xf32, #tpu.memory_space<vmem>>
        %dma_start3A_1062 = tpu.memref_slice %arg7[%select_n3A_997, %select_n3A_1037, %dma_start3A_1056, %mul3A_1055] : memref<3x3x20x128xi32, #tpu.memory_space<vmem>> -> memref<1x1x1x32xi32, #tpu.memory_space<vmem>>
        %dma_start3A_1063 = tpu.memref_squeeze %dma_start3A_1062 : memref<1x1x1x32xi32, #tpu.memory_space<vmem>> -> memref<32xi32, #tpu.memory_space<vmem>>
        %dma_start3A_1064 = arith.constant 0 : i32
        %dma_start3A_1065 = arith.constant 0 : i32
        %dma_start3A_1066 = tpu.memref_slice %arg2[%dma_start3A_1064, %dma_start3A_1065] : memref<1015808x64xf32, #tpu.memory_space<hbm>> -> memref<1015808x64xf32, #tpu.memory_space<hbm>>
        tpu.enqueue_indirect_dma source(%dma_start3A_1066 : memref<1015808x64xf32, #tpu.memory_space<hbm>>) target(%dma_start3A_1061 : memref<32x64xf32, #tpu.memory_space<vmem>>) offsets(%dma_start3A_1063 : memref<32xi32, #tpu.memory_space<vmem>>) semaphore(%arg12 : memref<!tpu.dma_semaphore, #tpu.memory_space<semaphore_mem>>)
        %mul3A_1067 = arith.constant 32 : i32
        %mul3A_1068 = arith.muli %select_n3A_1053, %mul3A_1067 : i32
        %dma_start3A_1069 = arith.constant 1 : i32
        %dma_start3A_1070 = arith.constant 1 : i32
        %dma_start3A_1071 = arith.constant 32 : i32
        %dma_start3A_1072 = arith.constant 0 : i32
        %dma_start3A_1073 = tpu.memref_slice %arg8[%dma_start3A_1070, %dma_start3A_1071, %dma_start3A_1072] : memref<2x640x64xf32, #tpu.memory_space<vmem>> -> memref<1x32x64xf32, #tpu.memory_space<vmem>>
        %dma_start3A_1074 = tpu.memref_squeeze %dma_start3A_1073 : memref<1x32x64xf32, #tpu.memory_space<vmem>> -> memref<32x64xf32, #tpu.memory_space<vmem>>
        %dma_start3A_1075 = tpu.memref_slice %arg7[%select_n3A_997, %select_n3A_1037, %dma_start3A_1069, %mul3A_1068] : memref<3x3x20x128xi32, #tpu.memory_space<vmem>> -> memref<1x1x1x32xi32, #tpu.memory_space<vmem>>
        %dma_start3A_1076 = tpu.memref_squeeze %dma_start3A_1075 : memref<1x1x1x32xi32, #tpu.memory_space<vmem>> -> memref<32xi32, #tpu.memory_space<vmem>>
        %dma_start3A_1077 = arith.constant 0 : i32
        %dma_start3A_1078 = arith.constant 0 : i32
        %dma_start3A_1079 = tpu.memref_slice %arg2[%dma_start3A_1077, %dma_start3A_1078] : memref<1015808x64xf32, #tpu.memory_space<hbm>> -> memref<1015808x64xf32, #tpu.memory_space<hbm>>
        tpu.enqueue_indirect_dma source(%dma_start3A_1079 : memref<1015808x64xf32, #tpu.memory_space<hbm>>) target(%dma_start3A_1074 : memref<32x64xf32, #tpu.memory_space<vmem>>) offsets(%dma_start3A_1076 : memref<32xi32, #tpu.memory_space<vmem>>) semaphore(%arg12 : memref<!tpu.dma_semaphore, #tpu.memory_space<semaphore_mem>>)
        %mul3A_1080 = arith.constant 32 : i32
        %mul3A_1081 = arith.muli %select_n3A_1053, %mul3A_1080 : i32
        %dma_start3A_1082 = arith.constant 2 : i32
        %dma_start3A_1083 = arith.constant 1 : i32
        %dma_start3A_1084 = arith.constant 64 : i32
        %dma_start3A_1085 = arith.constant 0 : i32
        %dma_start3A_1086 = tpu.memref_slice %arg8[%dma_start3A_1083, %dma_start3A_1084, %dma_start3A_1085] : memref<2x640x64xf32, #tpu.memory_space<vmem>> -> memref<1x32x64xf32, #tpu.memory_space<vmem>>
        %dma_start3A_1087 = tpu.memref_squeeze %dma_start3A_1086 : memref<1x32x64xf32, #tpu.memory_space<vmem>> -> memref<32x64xf32, #tpu.memory_space<vmem>>
        %dma_start3A_1088 = tpu.memref_slice %arg7[%select_n3A_997, %select_n3A_1037, %dma_start3A_1082, %mul3A_1081] : memref<3x3x20x128xi32, #tpu.memory_space<vmem>> -> memref<1x1x1x32xi32, #tpu.memory_space<vmem>>
        %dma_start3A_1089 = tpu.memref_squeeze %dma_start3A_1088 : memref<1x1x1x32xi32, #tpu.memory_space<vmem>> -> memref<32xi32, #tpu.memory_space<vmem>>
        %dma_start3A_1090 = arith.constant 0 : i32
        %dma_start3A_1091 = arith.constant 0 : i32
        %dma_start3A_1092 = tpu.memref_slice %arg2[%dma_start3A_1090, %dma_start3A_1091] : memref<1015808x64xf32, #tpu.memory_space<hbm>> -> memref<1015808x64xf32, #tpu.memory_space<hbm>>
        tpu.enqueue_indirect_dma source(%dma_start3A_1092 : memref<1015808x64xf32, #tpu.memory_space<hbm>>) target(%dma_start3A_1087 : memref<32x64xf32, #tpu.memory_space<vmem>>) offsets(%dma_start3A_1089 : memref<32xi32, #tpu.memory_space<vmem>>) semaphore(%arg12 : memref<!tpu.dma_semaphore, #tpu.memory_space<semaphore_mem>>)
        %mul3A_1093 = arith.constant 32 : i32
        %mul3A_1094 = arith.muli %select_n3A_1053, %mul3A_1093 : i32
        %dma_start3A_1095 = arith.constant 3 : i32
        %dma_start3A_1096 = arith.constant 1 : i32
        %dma_start3A_1097 = arith.constant 96 : i32
        %dma_start3A_1098 = arith.constant 0 : i32
        %dma_start3A_1099 = tpu.memref_slice %arg8[%dma_start3A_1096, %dma_start3A_1097, %dma_start3A_1098] : memref<2x640x64xf32, #tpu.memory_space<vmem>> -> memref<1x32x64xf32, #tpu.memory_space<vmem>>
        %dma_start3A_1100 = tpu.memref_squeeze %dma_start3A_1099 : memref<1x32x64xf32, #tpu.memory_space<vmem>> -> memref<32x64xf32, #tpu.memory_space<vmem>>
        %dma_start3A_1101 = tpu.memref_slice %arg7[%select_n3A_997, %select_n3A_1037, %dma_start3A_1095, %mul3A_1094] : memref<3x3x20x128xi32, #tpu.memory_space<vmem>> -> memref<1x1x1x32xi32, #tpu.memory_space<vmem>>
        %dma_start3A_1102 = tpu.memref_squeeze %dma_start3A_1101 : memref<1x1x1x32xi32, #tpu.memory_space<vmem>> -> memref<32xi32, #tpu.memory_space<vmem>>
        %dma_start3A_1103 = arith.constant 0 : i32
        %dma_start3A_1104 = arith.constant 0 : i32
        %dma_start3A_1105 = tpu.memref_slice %arg2[%dma_start3A_1103, %dma_start3A_1104] : memref<1015808x64xf32, #tpu.memory_space<hbm>> -> memref<1015808x64xf32, #tpu.memory_space<hbm>>
        tpu.enqueue_indirect_dma source(%dma_start3A_1105 : memref<1015808x64xf32, #tpu.memory_space<hbm>>) target(%dma_start3A_1100 : memref<32x64xf32, #tpu.memory_space<vmem>>) offsets(%dma_start3A_1102 : memref<32xi32, #tpu.memory_space<vmem>>) semaphore(%arg12 : memref<!tpu.dma_semaphore, #tpu.memory_space<semaphore_mem>>)
        %mul3A_1106 = arith.constant 32 : i32
        %mul3A_1107 = arith.muli %select_n3A_1053, %mul3A_1106 : i32
        %dma_start3A_1108 = arith.constant 4 : i32
        %dma_start3A_1109 = arith.constant 1 : i32
        %dma_start3A_1110 = arith.constant 128 : i32
        %dma_start3A_1111 = arith.constant 0 : i32
        %dma_start3A_1112 = tpu.memref_slice %arg8[%dma_start3A_1109, %dma_start3A_1110, %dma_start3A_1111] : memref<2x640x64xf32, #tpu.memory_space<vmem>> -> memref<1x32x64xf32, #tpu.memory_space<vmem>>
        %dma_start3A_1113 = tpu.memref_squeeze %dma_start3A_1112 : memref<1x32x64xf32, #tpu.memory_space<vmem>> -> memref<32x64xf32, #tpu.memory_space<vmem>>
        %dma_start3A_1114 = tpu.memref_slice %arg7[%select_n3A_997, %select_n3A_1037, %dma_start3A_1108, %mul3A_1107] : memref<3x3x20x128xi32, #tpu.memory_space<vmem>> -> memref<1x1x1x32xi32, #tpu.memory_space<vmem>>
        %dma_start3A_1115 = tpu.memref_squeeze %dma_start3A_1114 : memref<1x1x1x32xi32, #tpu.memory_space<vmem>> -> memref<32xi32, #tpu.memory_space<vmem>>
        %dma_start3A_1116 = arith.constant 0 : i32
        %dma_start3A_1117 = arith.constant 0 : i32
        %dma_start3A_1118 = tpu.memref_slice %arg2[%dma_start3A_1116, %dma_start3A_1117] : memref<1015808x64xf32, #tpu.memory_space<hbm>> -> memref<1015808x64xf32, #tpu.memory_space<hbm>>
        tpu.enqueue_indirect_dma source(%dma_start3A_1118 : memref<1015808x64xf32, #tpu.memory_space<hbm>>) target(%dma_start3A_1113 : memref<32x64xf32, #tpu.memory_space<vmem>>) offsets(%dma_start3A_1115 : memref<32xi32, #tpu.memory_space<vmem>>) semaphore(%arg12 : memref<!tpu.dma_semaphore, #tpu.memory_space<semaphore_mem>>)
        %mul3A_1119 = arith.constant 32 : i32
        %mul3A_1120 = arith.muli %select_n3A_1053, %mul3A_1119 : i32
        %dma_start3A_1121 = arith.constant 5 : i32
        %dma_start3A_1122 = arith.constant 1 : i32
        %dma_start3A_1123 = arith.constant 160 : i32
        %dma_start3A_1124 = arith.constant 0 : i32
        %dma_start3A_1125 = tpu.memref_slice %arg8[%dma_start3A_1122, %dma_start3A_1123, %dma_start3A_1124] : memref<2x640x64xf32, #tpu.memory_space<vmem>> -> memref<1x32x64xf32, #tpu.memory_space<vmem>>
        %dma_start3A_1126 = tpu.memref_squeeze %dma_start3A_1125 : memref<1x32x64xf32, #tpu.memory_space<vmem>> -> memref<32x64xf32, #tpu.memory_space<vmem>>
        %dma_start3A_1127 = tpu.memref_slice %arg7[%select_n3A_997, %select_n3A_1037, %dma_start3A_1121, %mul3A_1120] : memref<3x3x20x128xi32, #tpu.memory_space<vmem>> -> memref<1x1x1x32xi32, #tpu.memory_space<vmem>>
        %dma_start3A_1128 = tpu.memref_squeeze %dma_start3A_1127 : memref<1x1x1x32xi32, #tpu.memory_space<vmem>> -> memref<32xi32, #tpu.memory_space<vmem>>
        %dma_start3A_1129 = arith.constant 0 : i32
        %dma_start3A_1130 = arith.constant 0 : i32
        %dma_start3A_1131 = tpu.memref_slice %arg2[%dma_start3A_1129, %dma_start3A_1130] : memref<1015808x64xf32, #tpu.memory_space<hbm>> -> memref<1015808x64xf32, #tpu.memory_space<hbm>>
        tpu.enqueue_indirect_dma source(%dma_start3A_1131 : memref<1015808x64xf32, #tpu.memory_space<hbm>>) target(%dma_start3A_1126 : memref<32x64xf32, #tpu.memory_space<vmem>>) offsets(%dma_start3A_1128 : memref<32xi32, #tpu.memory_space<vmem>>) semaphore(%arg12 : memref<!tpu.dma_semaphore, #tpu.memory_space<semaphore_mem>>)
        %mul3A_1132 = arith.constant 32 : i32
        %mul3A_1133 = arith.muli %select_n3A_1053, %mul3A_1132 : i32
        %dma_start3A_1134 = arith.constant 6 : i32
        %dma_start3A_1135 = arith.constant 1 : i32
        %dma_start3A_1136 = arith.constant 192 : i32
        %dma_start3A_1137 = arith.constant 0 : i32
        %dma_start3A_1138 = tpu.memref_slice %arg8[%dma_start3A_1135, %dma_start3A_1136, %dma_start3A_1137] : memref<2x640x64xf32, #tpu.memory_space<vmem>> -> memref<1x32x64xf32, #tpu.memory_space<vmem>>
        %dma_start3A_1139 = tpu.memref_squeeze %dma_start3A_1138 : memref<1x32x64xf32, #tpu.memory_space<vmem>> -> memref<32x64xf32, #tpu.memory_space<vmem>>
        %dma_start3A_1140 = tpu.memref_slice %arg7[%select_n3A_997, %select_n3A_1037, %dma_start3A_1134, %mul3A_1133] : memref<3x3x20x128xi32, #tpu.memory_space<vmem>> -> memref<1x1x1x32xi32, #tpu.memory_space<vmem>>
        %dma_start3A_1141 = tpu.memref_squeeze %dma_start3A_1140 : memref<1x1x1x32xi32, #tpu.memory_space<vmem>> -> memref<32xi32, #tpu.memory_space<vmem>>
        %dma_start3A_1142 = arith.constant 0 : i32
        %dma_start3A_1143 = arith.constant 0 : i32
        %dma_start3A_1144 = tpu.memref_slice %arg2[%dma_start3A_1142, %dma_start3A_1143] : memref<1015808x64xf32, #tpu.memory_space<hbm>> -> memref<1015808x64xf32, #tpu.memory_space<hbm>>
        tpu.enqueue_indirect_dma source(%dma_start3A_1144 : memref<1015808x64xf32, #tpu.memory_space<hbm>>) target(%dma_start3A_1139 : memref<32x64xf32, #tpu.memory_space<vmem>>) offsets(%dma_start3A_1141 : memref<32xi32, #tpu.memory_space<vmem>>) semaphore(%arg12 : memref<!tpu.dma_semaphore, #tpu.memory_space<semaphore_mem>>)
        %mul3A_1145 = arith.constant 32 : i32
        %mul3A_1146 = arith.muli %select_n3A_1053, %mul3A_1145 : i32
        %dma_start3A_1147 = arith.constant 7 : i32
        %dma_start3A_1148 = arith.constant 1 : i32
        %dma_start3A_1149 = arith.constant 224 : i32
        %dma_start3A_1150 = arith.constant 0 : i32
        %dma_start3A_1151 = tpu.memref_slice %arg8[%dma_start3A_1148, %dma_start3A_1149, %dma_start3A_1150] : memref<2x640x64xf32, #tpu.memory_space<vmem>> -> memref<1x32x64xf32, #tpu.memory_space<vmem>>
        %dma_start3A_1152 = tpu.memref_squeeze %dma_start3A_1151 : memref<1x32x64xf32, #tpu.memory_space<vmem>> -> memref<32x64xf32, #tpu.memory_space<vmem>>
        %dma_start3A_1153 = tpu.memref_slice %arg7[%select_n3A_997, %select_n3A_1037, %dma_start3A_1147, %mul3A_1146] : memref<3x3x20x128xi32, #tpu.memory_space<vmem>> -> memref<1x1x1x32xi32, #tpu.memory_space<vmem>>
        %dma_start3A_1154 = tpu.memref_squeeze %dma_start3A_1153 : memref<1x1x1x32xi32, #tpu.memory_space<vmem>> -> memref<32xi32, #tpu.memory_space<vmem>>
        %dma_start3A_1155 = arith.constant 0 : i32
        %dma_start3A_1156 = arith.constant 0 : i32
        %dma_start3A_1157 = tpu.memref_slice %arg2[%dma_start3A_1155, %dma_start3A_1156] : memref<1015808x64xf32, #tpu.memory_space<hbm>> -> memref<1015808x64xf32, #tpu.memory_space<hbm>>
        tpu.enqueue_indirect_dma source(%dma_start3A_1157 : memref<1015808x64xf32, #tpu.memory_space<hbm>>) target(%dma_start3A_1152 : memref<32x64xf32, #tpu.memory_space<vmem>>) offsets(%dma_start3A_1154 : memref<32xi32, #tpu.memory_space<vmem>>) semaphore(%arg12 : memref<!tpu.dma_semaphore, #tpu.memory_space<semaphore_mem>>)
        %mul3A_1158 = arith.constant 32 : i32
        %mul3A_1159 = arith.muli %select_n3A_1053, %mul3A_1158 : i32
        %dma_start3A_1160 = arith.constant 8 : i32
        %dma_start3A_1161 = arith.constant 1 : i32
        %dma_start3A_1162 = arith.constant 256 : i32
        %dma_start3A_1163 = arith.constant 0 : i32
        %dma_start3A_1164 = tpu.memref_slice %arg8[%dma_start3A_1161, %dma_start3A_1162, %dma_start3A_1163] : memref<2x640x64xf32, #tpu.memory_space<vmem>> -> memref<1x32x64xf32, #tpu.memory_space<vmem>>
        %dma_start3A_1165 = tpu.memref_squeeze %dma_start3A_1164 : memref<1x32x64xf32, #tpu.memory_space<vmem>> -> memref<32x64xf32, #tpu.memory_space<vmem>>
        %dma_start3A_1166 = tpu.memref_slice %arg7[%select_n3A_997, %select_n3A_1037, %dma_start3A_1160, %mul3A_1159] : memref<3x3x20x128xi32, #tpu.memory_space<vmem>> -> memref<1x1x1x32xi32, #tpu.memory_space<vmem>>
        %dma_start3A_1167 = tpu.memref_squeeze %dma_start3A_1166 : memref<1x1x1x32xi32, #tpu.memory_space<vmem>> -> memref<32xi32, #tpu.memory_space<vmem>>
        %dma_start3A_1168 = arith.constant 0 : i32
        %dma_start3A_1169 = arith.constant 0 : i32
        %dma_start3A_1170 = tpu.memref_slice %arg2[%dma_start3A_1168, %dma_start3A_1169] : memref<1015808x64xf32, #tpu.memory_space<hbm>> -> memref<1015808x64xf32, #tpu.memory_space<hbm>>
        tpu.enqueue_indirect_dma source(%dma_start3A_1170 : memref<1015808x64xf32, #tpu.memory_space<hbm>>) target(%dma_start3A_1165 : memref<32x64xf32, #tpu.memory_space<vmem>>) offsets(%dma_start3A_1167 : memref<32xi32, #tpu.memory_space<vmem>>) semaphore(%arg12 : memref<!tpu.dma_semaphore, #tpu.memory_space<semaphore_mem>>)
        %mul3A_1171 = arith.constant 32 : i32
        %mul3A_1172 = arith.muli %select_n3A_1053, %mul3A_1171 : i32
        %dma_start3A_1173 = arith.constant 9 : i32
        %dma_start3A_1174 = arith.constant 1 : i32
        %dma_start3A_1175 = arith.constant 288 : i32
        %dma_start3A_1176 = arith.constant 0 : i32
        %dma_start3A_1177 = tpu.memref_slice %arg8[%dma_start3A_1174, %dma_start3A_1175, %dma_start3A_1176] : memref<2x640x64xf32, #tpu.memory_space<vmem>> -> memref<1x32x64xf32, #tpu.memory_space<vmem>>
        %dma_start3A_1178 = tpu.memref_squeeze %dma_start3A_1177 : memref<1x32x64xf32, #tpu.memory_space<vmem>> -> memref<32x64xf32, #tpu.memory_space<vmem>>
        %dma_start3A_1179 = tpu.memref_slice %arg7[%select_n3A_997, %select_n3A_1037, %dma_start3A_1173, %mul3A_1172] : memref<3x3x20x128xi32, #tpu.memory_space<vmem>> -> memref<1x1x1x32xi32, #tpu.memory_space<vmem>>
        %dma_start3A_1180 = tpu.memref_squeeze %dma_start3A_1179 : memref<1x1x1x32xi32, #tpu.memory_space<vmem>> -> memref<32xi32, #tpu.memory_space<vmem>>
        %dma_start3A_1181 = arith.constant 0 : i32
        %dma_start3A_1182 = arith.constant 0 : i32
        %dma_start3A_1183 = tpu.memref_slice %arg2[%dma_start3A_1181, %dma_start3A_1182] : memref<1015808x64xf32, #tpu.memory_space<hbm>> -> memref<1015808x64xf32, #tpu.memory_space<hbm>>
        tpu.enqueue_indirect_dma source(%dma_start3A_1183 : memref<1015808x64xf32, #tpu.memory_space<hbm>>) target(%dma_start3A_1178 : memref<32x64xf32, #tpu.memory_space<vmem>>) offsets(%dma_start3A_1180 : memref<32xi32, #tpu.memory_space<vmem>>) semaphore(%arg12 : memref<!tpu.dma_semaphore, #tpu.memory_space<semaphore_mem>>)
        %mul3A_1184 = arith.constant 32 : i32
        %mul3A_1185 = arith.muli %select_n3A_1053, %mul3A_1184 : i32
        %dma_start3A_1186 = arith.constant 10 : i32
        %dma_start3A_1187 = arith.constant 1 : i32
        %dma_start3A_1188 = arith.constant 320 : i32
        %dma_start3A_1189 = arith.constant 0 : i32
        %dma_start3A_1190 = tpu.memref_slice %arg8[%dma_start3A_1187, %dma_start3A_1188, %dma_start3A_1189] : memref<2x640x64xf32, #tpu.memory_space<vmem>> -> memref<1x32x64xf32, #tpu.memory_space<vmem>>
        %dma_start3A_1191 = tpu.memref_squeeze %dma_start3A_1190 : memref<1x32x64xf32, #tpu.memory_space<vmem>> -> memref<32x64xf32, #tpu.memory_space<vmem>>
        %dma_start3A_1192 = tpu.memref_slice %arg7[%select_n3A_997, %select_n3A_1037, %dma_start3A_1186, %mul3A_1185] : memref<3x3x20x128xi32, #tpu.memory_space<vmem>> -> memref<1x1x1x32xi32, #tpu.memory_space<vmem>>
        %dma_start3A_1193 = tpu.memref_squeeze %dma_start3A_1192 : memref<1x1x1x32xi32, #tpu.memory_space<vmem>> -> memref<32xi32, #tpu.memory_space<vmem>>
        %dma_start3A_1194 = arith.constant 0 : i32
        %dma_start3A_1195 = arith.constant 0 : i32
        %dma_start3A_1196 = tpu.memref_slice %arg2[%dma_start3A_1194, %dma_start3A_1195] : memref<1015808x64xf32, #tpu.memory_space<hbm>> -> memref<1015808x64xf32, #tpu.memory_space<hbm>>
        tpu.enqueue_indirect_dma source(%dma_start3A_1196 : memref<1015808x64xf32, #tpu.memory_space<hbm>>) target(%dma_start3A_1191 : memref<32x64xf32, #tpu.memory_space<vmem>>) offsets(%dma_start3A_1193 : memref<32xi32, #tpu.memory_space<vmem>>) semaphore(%arg12 : memref<!tpu.dma_semaphore, #tpu.memory_space<semaphore_mem>>)
        %mul3A_1197 = arith.constant 32 : i32
        %mul3A_1198 = arith.muli %select_n3A_1053, %mul3A_1197 : i32
        %dma_start3A_1199 = arith.constant 11 : i32
        %dma_start3A_1200 = arith.constant 1 : i32
        %dma_start3A_1201 = arith.constant 352 : i32
        %dma_start3A_1202 = arith.constant 0 : i32
        %dma_start3A_1203 = tpu.memref_slice %arg8[%dma_start3A_1200, %dma_start3A_1201, %dma_start3A_1202] : memref<2x640x64xf32, #tpu.memory_space<vmem>> -> memref<1x32x64xf32, #tpu.memory_space<vmem>>
        %dma_start3A_1204 = tpu.memref_squeeze %dma_start3A_1203 : memref<1x32x64xf32, #tpu.memory_space<vmem>> -> memref<32x64xf32, #tpu.memory_space<vmem>>
        %dma_start3A_1205 = tpu.memref_slice %arg7[%select_n3A_997, %select_n3A_1037, %dma_start3A_1199, %mul3A_1198] : memref<3x3x20x128xi32, #tpu.memory_space<vmem>> -> memref<1x1x1x32xi32, #tpu.memory_space<vmem>>
        %dma_start3A_1206 = tpu.memref_squeeze %dma_start3A_1205 : memref<1x1x1x32xi32, #tpu.memory_space<vmem>> -> memref<32xi32, #tpu.memory_space<vmem>>
        %dma_start3A_1207 = arith.constant 0 : i32
        %dma_start3A_1208 = arith.constant 0 : i32
        %dma_start3A_1209 = tpu.memref_slice %arg2[%dma_start3A_1207, %dma_start3A_1208] : memref<1015808x64xf32, #tpu.memory_space<hbm>> -> memref<1015808x64xf32, #tpu.memory_space<hbm>>
        tpu.enqueue_indirect_dma source(%dma_start3A_1209 : memref<1015808x64xf32, #tpu.memory_space<hbm>>) target(%dma_start3A_1204 : memref<32x64xf32, #tpu.memory_space<vmem>>) offsets(%dma_start3A_1206 : memref<32xi32, #tpu.memory_space<vmem>>) semaphore(%arg12 : memref<!tpu.dma_semaphore, #tpu.memory_space<semaphore_mem>>)
        %mul3A_1210 = arith.constant 32 : i32
        %mul3A_1211 = arith.muli %select_n3A_1053, %mul3A_1210 : i32
        %dma_start3A_1212 = arith.constant 12 : i32
        %dma_start3A_1213 = arith.constant 1 : i32
        %dma_start3A_1214 = arith.constant 384 : i32
        %dma_start3A_1215 = arith.constant 0 : i32
        %dma_start3A_1216 = tpu.memref_slice %arg8[%dma_start3A_1213, %dma_start3A_1214, %dma_start3A_1215] : memref<2x640x64xf32, #tpu.memory_space<vmem>> -> memref<1x32x64xf32, #tpu.memory_space<vmem>>
        %dma_start3A_1217 = tpu.memref_squeeze %dma_start3A_1216 : memref<1x32x64xf32, #tpu.memory_space<vmem>> -> memref<32x64xf32, #tpu.memory_space<vmem>>
        %dma_start3A_1218 = tpu.memref_slice %arg7[%select_n3A_997, %select_n3A_1037, %dma_start3A_1212, %mul3A_1211] : memref<3x3x20x128xi32, #tpu.memory_space<vmem>> -> memref<1x1x1x32xi32, #tpu.memory_space<vmem>>
        %dma_start3A_1219 = tpu.memref_squeeze %dma_start3A_1218 : memref<1x1x1x32xi32, #tpu.memory_space<vmem>> -> memref<32xi32, #tpu.memory_space<vmem>>
        %dma_start3A_1220 = arith.constant 0 : i32
        %dma_start3A_1221 = arith.constant 0 : i32
        %dma_start3A_1222 = tpu.memref_slice %arg2[%dma_start3A_1220, %dma_start3A_1221] : memref<1015808x64xf32, #tpu.memory_space<hbm>> -> memref<1015808x64xf32, #tpu.memory_space<hbm>>
        tpu.enqueue_indirect_dma source(%dma_start3A_1222 : memref<1015808x64xf32, #tpu.memory_space<hbm>>) target(%dma_start3A_1217 : memref<32x64xf32, #tpu.memory_space<vmem>>) offsets(%dma_start3A_1219 : memref<32xi32, #tpu.memory_space<vmem>>) semaphore(%arg12 : memref<!tpu.dma_semaphore, #tpu.memory_space<semaphore_mem>>)
        %mul3A_1223 = arith.constant 32 : i32
        %mul3A_1224 = arith.muli %select_n3A_1053, %mul3A_1223 : i32
        %dma_start3A_1225 = arith.constant 13 : i32
        %dma_start3A_1226 = arith.constant 1 : i32
        %dma_start3A_1227 = arith.constant 416 : i32
        %dma_start3A_1228 = arith.constant 0 : i32
        %dma_start3A_1229 = tpu.memref_slice %arg8[%dma_start3A_1226, %dma_start3A_1227, %dma_start3A_1228] : memref<2x640x64xf32, #tpu.memory_space<vmem>> -> memref<1x32x64xf32, #tpu.memory_space<vmem>>
        %dma_start3A_1230 = tpu.memref_squeeze %dma_start3A_1229 : memref<1x32x64xf32, #tpu.memory_space<vmem>> -> memref<32x64xf32, #tpu.memory_space<vmem>>
        %dma_start3A_1231 = tpu.memref_slice %arg7[%select_n3A_997, %select_n3A_1037, %dma_start3A_1225, %mul3A_1224] : memref<3x3x20x128xi32, #tpu.memory_space<vmem>> -> memref<1x1x1x32xi32, #tpu.memory_space<vmem>>
        %dma_start3A_1232 = tpu.memref_squeeze %dma_start3A_1231 : memref<1x1x1x32xi32, #tpu.memory_space<vmem>> -> memref<32xi32, #tpu.memory_space<vmem>>
        %dma_start3A_1233 = arith.constant 0 : i32
        %dma_start3A_1234 = arith.constant 0 : i32
        %dma_start3A_1235 = tpu.memref_slice %arg2[%dma_start3A_1233, %dma_start3A_1234] : memref<1015808x64xf32, #tpu.memory_space<hbm>> -> memref<1015808x64xf32, #tpu.memory_space<hbm>>
        tpu.enqueue_indirect_dma source(%dma_start3A_1235 : memref<1015808x64xf32, #tpu.memory_space<hbm>>) target(%dma_start3A_1230 : memref<32x64xf32, #tpu.memory_space<vmem>>) offsets(%dma_start3A_1232 : memref<32xi32, #tpu.memory_space<vmem>>) semaphore(%arg12 : memref<!tpu.dma_semaphore, #tpu.memory_space<semaphore_mem>>)
        %mul3A_1236 = arith.constant 32 : i32
        %mul3A_1237 = arith.muli %select_n3A_1053, %mul3A_1236 : i32
        %dma_start3A_1238 = arith.constant 14 : i32
        %dma_start3A_1239 = arith.constant 1 : i32
        %dma_start3A_1240 = arith.constant 448 : i32
        %dma_start3A_1241 = arith.constant 0 : i32
        %dma_start3A_1242 = tpu.memref_slice %arg8[%dma_start3A_1239, %dma_start3A_1240, %dma_start3A_1241] : memref<2x640x64xf32, #tpu.memory_space<vmem>> -> memref<1x32x64xf32, #tpu.memory_space<vmem>>
        %dma_start3A_1243 = tpu.memref_squeeze %dma_start3A_1242 : memref<1x32x64xf32, #tpu.memory_space<vmem>> -> memref<32x64xf32, #tpu.memory_space<vmem>>
        %dma_start3A_1244 = tpu.memref_slice %arg7[%select_n3A_997, %select_n3A_1037, %dma_start3A_1238, %mul3A_1237] : memref<3x3x20x128xi32, #tpu.memory_space<vmem>> -> memref<1x1x1x32xi32, #tpu.memory_space<vmem>>
        %dma_start3A_1245 = tpu.memref_squeeze %dma_start3A_1244 : memref<1x1x1x32xi32, #tpu.memory_space<vmem>> -> memref<32xi32, #tpu.memory_space<vmem>>
        %dma_start3A_1246 = arith.constant 0 : i32
        %dma_start3A_1247 = arith.constant 0 : i32
        %dma_start3A_1248 = tpu.memref_slice %arg2[%dma_start3A_1246, %dma_start3A_1247] : memref<1015808x64xf32, #tpu.memory_space<hbm>> -> memref<1015808x64xf32, #tpu.memory_space<hbm>>
        tpu.enqueue_indirect_dma source(%dma_start3A_1248 : memref<1015808x64xf32, #tpu.memory_space<hbm>>) target(%dma_start3A_1243 : memref<32x64xf32, #tpu.memory_space<vmem>>) offsets(%dma_start3A_1245 : memref<32xi32, #tpu.memory_space<vmem>>) semaphore(%arg12 : memref<!tpu.dma_semaphore, #tpu.memory_space<semaphore_mem>>)
        %mul3A_1249 = arith.constant 32 : i32
        %mul3A_1250 = arith.muli %select_n3A_1053, %mul3A_1249 : i32
        %dma_start3A_1251 = arith.constant 15 : i32
        %dma_start3A_1252 = arith.constant 1 : i32
        %dma_start3A_1253 = arith.constant 480 : i32
        %dma_start3A_1254 = arith.constant 0 : i32
        %dma_start3A_1255 = tpu.memref_slice %arg8[%dma_start3A_1252, %dma_start3A_1253, %dma_start3A_1254] : memref<2x640x64xf32, #tpu.memory_space<vmem>> -> memref<1x32x64xf32, #tpu.memory_space<vmem>>
        %dma_start3A_1256 = tpu.memref_squeeze %dma_start3A_1255 : memref<1x32x64xf32, #tpu.memory_space<vmem>> -> memref<32x64xf32, #tpu.memory_space<vmem>>
        %dma_start3A_1257 = tpu.memref_slice %arg7[%select_n3A_997, %select_n3A_1037, %dma_start3A_1251, %mul3A_1250] : memref<3x3x20x128xi32, #tpu.memory_space<vmem>> -> memref<1x1x1x32xi32, #tpu.memory_space<vmem>>
        %dma_start3A_1258 = tpu.memref_squeeze %dma_start3A_1257 : memref<1x1x1x32xi32, #tpu.memory_space<vmem>> -> memref<32xi32, #tpu.memory_space<vmem>>
        %dma_start3A_1259 = arith.constant 0 : i32
        %dma_start3A_1260 = arith.constant 0 : i32
        %dma_start3A_1261 = tpu.memref_slice %arg2[%dma_start3A_1259, %dma_start3A_1260] : memref<1015808x64xf32, #tpu.memory_space<hbm>> -> memref<1015808x64xf32, #tpu.memory_space<hbm>>
        tpu.enqueue_indirect_dma source(%dma_start3A_1261 : memref<1015808x64xf32, #tpu.memory_space<hbm>>) target(%dma_start3A_1256 : memref<32x64xf32, #tpu.memory_space<vmem>>) offsets(%dma_start3A_1258 : memref<32xi32, #tpu.memory_space<vmem>>) semaphore(%arg12 : memref<!tpu.dma_semaphore, #tpu.memory_space<semaphore_mem>>)
        %mul3A_1262 = arith.constant 32 : i32
        %mul3A_1263 = arith.muli %select_n3A_1053, %mul3A_1262 : i32
        %dma_start3A_1264 = arith.constant 16 : i32
        %dma_start3A_1265 = arith.constant 1 : i32
        %dma_start3A_1266 = arith.constant 512 : i32
        %dma_start3A_1267 = arith.constant 0 : i32
        %dma_start3A_1268 = tpu.memref_slice %arg8[%dma_start3A_1265, %dma_start3A_1266, %dma_start3A_1267] : memref<2x640x64xf32, #tpu.memory_space<vmem>> -> memref<1x32x64xf32, #tpu.memory_space<vmem>>
        %dma_start3A_1269 = tpu.memref_squeeze %dma_start3A_1268 : memref<1x32x64xf32, #tpu.memory_space<vmem>> -> memref<32x64xf32, #tpu.memory_space<vmem>>
        %dma_start3A_1270 = tpu.memref_slice %arg7[%select_n3A_997, %select_n3A_1037, %dma_start3A_1264, %mul3A_1263] : memref<3x3x20x128xi32, #tpu.memory_space<vmem>> -> memref<1x1x1x32xi32, #tpu.memory_space<vmem>>
        %dma_start3A_1271 = tpu.memref_squeeze %dma_start3A_1270 : memref<1x1x1x32xi32, #tpu.memory_space<vmem>> -> memref<32xi32, #tpu.memory_space<vmem>>
        %dma_start3A_1272 = arith.constant 0 : i32
        %dma_start3A_1273 = arith.constant 0 : i32
        %dma_start3A_1274 = tpu.memref_slice %arg2[%dma_start3A_1272, %dma_start3A_1273] : memref<1015808x64xf32, #tpu.memory_space<hbm>> -> memref<1015808x64xf32, #tpu.memory_space<hbm>>
        tpu.enqueue_indirect_dma source(%dma_start3A_1274 : memref<1015808x64xf32, #tpu.memory_space<hbm>>) target(%dma_start3A_1269 : memref<32x64xf32, #tpu.memory_space<vmem>>) offsets(%dma_start3A_1271 : memref<32xi32, #tpu.memory_space<vmem>>) semaphore(%arg12 : memref<!tpu.dma_semaphore, #tpu.memory_space<semaphore_mem>>)
        %mul3A_1275 = arith.constant 32 : i32
        %mul3A_1276 = arith.muli %select_n3A_1053, %mul3A_1275 : i32
        %dma_start3A_1277 = arith.constant 17 : i32
        %dma_start3A_1278 = arith.constant 1 : i32
        %dma_start3A_1279 = arith.constant 544 : i32
        %dma_start3A_1280 = arith.constant 0 : i32
        %dma_start3A_1281 = tpu.memref_slice %arg8[%dma_start3A_1278, %dma_start3A_1279, %dma_start3A_1280] : memref<2x640x64xf32, #tpu.memory_space<vmem>> -> memref<1x32x64xf32, #tpu.memory_space<vmem>>
        %dma_start3A_1282 = tpu.memref_squeeze %dma_start3A_1281 : memref<1x32x64xf32, #tpu.memory_space<vmem>> -> memref<32x64xf32, #tpu.memory_space<vmem>>
        %dma_start3A_1283 = tpu.memref_slice %arg7[%select_n3A_997, %select_n3A_1037, %dma_start3A_1277, %mul3A_1276] : memref<3x3x20x128xi32, #tpu.memory_space<vmem>> -> memref<1x1x1x32xi32, #tpu.memory_space<vmem>>
        %dma_start3A_1284 = tpu.memref_squeeze %dma_start3A_1283 : memref<1x1x1x32xi32, #tpu.memory_space<vmem>> -> memref<32xi32, #tpu.memory_space<vmem>>
        %dma_start3A_1285 = arith.constant 0 : i32
        %dma_start3A_1286 = arith.constant 0 : i32
        %dma_start3A_1287 = tpu.memref_slice %arg2[%dma_start3A_1285, %dma_start3A_1286] : memref<1015808x64xf32, #tpu.memory_space<hbm>> -> memref<1015808x64xf32, #tpu.memory_space<hbm>>
        tpu.enqueue_indirect_dma source(%dma_start3A_1287 : memref<1015808x64xf32, #tpu.memory_space<hbm>>) target(%dma_start3A_1282 : memref<32x64xf32, #tpu.memory_space<vmem>>) offsets(%dma_start3A_1284 : memref<32xi32, #tpu.memory_space<vmem>>) semaphore(%arg12 : memref<!tpu.dma_semaphore, #tpu.memory_space<semaphore_mem>>)
        %mul3A_1288 = arith.constant 32 : i32
        %mul3A_1289 = arith.muli %select_n3A_1053, %mul3A_1288 : i32
        %dma_start3A_1290 = arith.constant 18 : i32
        %dma_start3A_1291 = arith.constant 1 : i32
        %dma_start3A_1292 = arith.constant 576 : i32
        %dma_start3A_1293 = arith.constant 0 : i32
        %dma_start3A_1294 = tpu.memref_slice %arg8[%dma_start3A_1291, %dma_start3A_1292, %dma_start3A_1293] : memref<2x640x64xf32, #tpu.memory_space<vmem>> -> memref<1x32x64xf32, #tpu.memory_space<vmem>>
        %dma_start3A_1295 = tpu.memref_squeeze %dma_start3A_1294 : memref<1x32x64xf32, #tpu.memory_space<vmem>> -> memref<32x64xf32, #tpu.memory_space<vmem>>
        %dma_start3A_1296 = tpu.memref_slice %arg7[%select_n3A_997, %select_n3A_1037, %dma_start3A_1290, %mul3A_1289] : memref<3x3x20x128xi32, #tpu.memory_space<vmem>> -> memref<1x1x1x32xi32, #tpu.memory_space<vmem>>
        %dma_start3A_1297 = tpu.memref_squeeze %dma_start3A_1296 : memref<1x1x1x32xi32, #tpu.memory_space<vmem>> -> memref<32xi32, #tpu.memory_space<vmem>>
        %dma_start3A_1298 = arith.constant 0 : i32
        %dma_start3A_1299 = arith.constant 0 : i32
        %dma_start3A_1300 = tpu.memref_slice %arg2[%dma_start3A_1298, %dma_start3A_1299] : memref<1015808x64xf32, #tpu.memory_space<hbm>> -> memref<1015808x64xf32, #tpu.memory_space<hbm>>
        tpu.enqueue_indirect_dma source(%dma_start3A_1300 : memref<1015808x64xf32, #tpu.memory_space<hbm>>) target(%dma_start3A_1295 : memref<32x64xf32, #tpu.memory_space<vmem>>) offsets(%dma_start3A_1297 : memref<32xi32, #tpu.memory_space<vmem>>) semaphore(%arg12 : memref<!tpu.dma_semaphore, #tpu.memory_space<semaphore_mem>>)
        %mul3A_1301 = arith.constant 32 : i32
        %mul3A_1302 = arith.muli %select_n3A_1053, %mul3A_1301 : i32
        %dma_start3A_1303 = arith.constant 19 : i32
        %dma_start3A_1304 = arith.constant 1 : i32
        %dma_start3A_1305 = arith.constant 608 : i32
        %dma_start3A_1306 = arith.constant 0 : i32
        %dma_start3A_1307 = tpu.memref_slice %arg8[%dma_start3A_1304, %dma_start3A_1305, %dma_start3A_1306] : memref<2x640x64xf32, #tpu.memory_space<vmem>> -> memref<1x32x64xf32, #tpu.memory_space<vmem>>
        %dma_start3A_1308 = tpu.memref_squeeze %dma_start3A_1307 : memref<1x32x64xf32, #tpu.memory_space<vmem>> -> memref<32x64xf32, #tpu.memory_space<vmem>>
        %dma_start3A_1309 = tpu.memref_slice %arg7[%select_n3A_997, %select_n3A_1037, %dma_start3A_1303, %mul3A_1302] : memref<3x3x20x128xi32, #tpu.memory_space<vmem>> -> memref<1x1x1x32xi32, #tpu.memory_space<vmem>>
        %dma_start3A_1310 = tpu.memref_squeeze %dma_start3A_1309 : memref<1x1x1x32xi32, #tpu.memory_space<vmem>> -> memref<32xi32, #tpu.memory_space<vmem>>
        %dma_start3A_1311 = arith.constant 0 : i32
        %dma_start3A_1312 = arith.constant 0 : i32
        %dma_start3A_1313 = tpu.memref_slice %arg2[%dma_start3A_1311, %dma_start3A_1312] : memref<1015808x64xf32, #tpu.memory_space<hbm>> -> memref<1015808x64xf32, #tpu.memory_space<hbm>>
        tpu.enqueue_indirect_dma source(%dma_start3A_1313 : memref<1015808x64xf32, #tpu.memory_space<hbm>>) target(%dma_start3A_1308 : memref<32x64xf32, #tpu.memory_space<vmem>>) offsets(%dma_start3A_1310 : memref<32xi32, #tpu.memory_space<vmem>>) semaphore(%arg12 : memref<!tpu.dma_semaphore, #tpu.memory_space<semaphore_mem>>)
      } else {
      }
    }
    %scan3A_667 = arith.constant 18 : i32
    %add3A_668 = arith.constant 64 : i32
    %add3A_669 = arith.addi %mul3A_2, %add3A_668 : i32
    %dma_wait3A_670 = arith.constant 0 : i32
    %dma_wait3A_671 = arith.constant 2 : i32
    %dma_wait3A_672 = arith.constant 0 : i32
    %dma_wait3A_673 = arith.constant 0 : i32
    %dma_wait3A_674 = arith.constant 0 : i32
    %dma_wait3A_675 = tpu.memref_slice %arg9[%dma_wait3A_670, %dma_wait3A_672, %dma_wait3A_673, %dma_wait3A_674] : memref<2x32x1x64xf32, #tpu.memory_space<vmem>> -> memref<1x32x1x64xf32, #tpu.memory_space<vmem>>
    %dma_wait3A_676 = tpu.memref_squeeze %dma_wait3A_675 : memref<1x32x1x64xf32, #tpu.memory_space<vmem>> -> memref<32x1x64xf32, #tpu.memory_space<vmem>>
    %dma_wait3A_677 = arith.constant 2 : i32
    %dma_wait3A_678 = arith.constant 0 : i32
    %dma_wait3A_679 = tpu.memref_slice %arg6[%dma_wait3A_671, %add3A_669, %dma_wait3A_677, %dma_wait3A_678] : memref<3x4096x3x64xf32, #tpu.memory_space<hbm>> -> memref<1x32x1x64xf32, #tpu.memory_space<hbm>>
    %dma_wait3A_680 = tpu.memref_squeeze %dma_wait3A_679 : memref<1x32x1x64xf32, #tpu.memory_space<hbm>> -> memref<32x1x64xf32, #tpu.memory_space<hbm>>
    %dma_wait3A_681 = arith.constant 2 : i32
    %dma_wait3A_682 = arith.constant 0 : i32
    %dma_wait3A_683 = tpu.memref_slice %arg6[%dma_wait3A_671, %add3A_669, %dma_wait3A_681, %dma_wait3A_682] : memref<3x4096x3x64xf32, #tpu.memory_space<hbm>> -> memref<1x32x1x64xf32, #tpu.memory_space<hbm>>
    %dma_wait3A_684 = tpu.memref_squeeze %dma_wait3A_683 : memref<1x32x1x64xf32, #tpu.memory_space<hbm>> -> memref<32x1x64xf32, #tpu.memory_space<hbm>>
    %dma_wait3A_685 = arith.constant 0 : i32
    %dma_wait3A_686 = arith.constant 0 : i32
    %dma_wait3A_687 = arith.constant 0 : i32
    %dma_wait3A_688 = tpu.memref_slice %arg9[%dma_wait3A_670, %dma_wait3A_685, %dma_wait3A_686, %dma_wait3A_687] : memref<2x32x1x64xf32, #tpu.memory_space<vmem>> -> memref<1x32x1x64xf32, #tpu.memory_space<vmem>>
    %dma_wait3A_689 = tpu.memref_squeeze %dma_wait3A_688 : memref<1x32x1x64xf32, #tpu.memory_space<vmem>> -> memref<32x1x64xf32, #tpu.memory_space<vmem>>
    tpu.wait_dma2 semaphore(%arg13 : memref<!tpu.dma_semaphore, #tpu.memory_space<semaphore_mem>>) src(%dma_wait3A_689 : memref<32x1x64xf32, #tpu.memory_space<vmem>>) dst(%dma_wait3A_684 : memref<32x1x64xf32, #tpu.memory_space<hbm>>)
    %add3A_690 = arith.constant 96 : i32
    %add3A_691 = arith.addi %mul3A_2, %add3A_690 : i32
    %dma_wait3A_692 = arith.constant 1 : i32
    %dma_wait3A_693 = arith.constant 2 : i32
    %dma_wait3A_694 = arith.constant 0 : i32
    %dma_wait3A_695 = arith.constant 0 : i32
    %dma_wait3A_696 = arith.constant 0 : i32
    %dma_wait3A_697 = tpu.memref_slice %arg9[%dma_wait3A_692, %dma_wait3A_694, %dma_wait3A_695, %dma_wait3A_696] : memref<2x32x1x64xf32, #tpu.memory_space<vmem>> -> memref<1x32x1x64xf32, #tpu.memory_space<vmem>>
    %dma_wait3A_698 = tpu.memref_squeeze %dma_wait3A_697 : memref<1x32x1x64xf32, #tpu.memory_space<vmem>> -> memref<32x1x64xf32, #tpu.memory_space<vmem>>
    %dma_wait3A_699 = arith.constant 2 : i32
    %dma_wait3A_700 = arith.constant 0 : i32
    %dma_wait3A_701 = tpu.memref_slice %arg6[%dma_wait3A_693, %add3A_691, %dma_wait3A_699, %dma_wait3A_700] : memref<3x4096x3x64xf32, #tpu.memory_space<hbm>> -> memref<1x32x1x64xf32, #tpu.memory_space<hbm>>
    %dma_wait3A_702 = tpu.memref_squeeze %dma_wait3A_701 : memref<1x32x1x64xf32, #tpu.memory_space<hbm>> -> memref<32x1x64xf32, #tpu.memory_space<hbm>>
    %dma_wait3A_703 = arith.constant 2 : i32
    %dma_wait3A_704 = arith.constant 0 : i32
    %dma_wait3A_705 = tpu.memref_slice %arg6[%dma_wait3A_693, %add3A_691, %dma_wait3A_703, %dma_wait3A_704] : memref<3x4096x3x64xf32, #tpu.memory_space<hbm>> -> memref<1x32x1x64xf32, #tpu.memory_space<hbm>>
    %dma_wait3A_706 = tpu.memref_squeeze %dma_wait3A_705 : memref<1x32x1x64xf32, #tpu.memory_space<hbm>> -> memref<32x1x64xf32, #tpu.memory_space<hbm>>
    %dma_wait3A_707 = arith.constant 0 : i32
    %dma_wait3A_708 = arith.constant 0 : i32
    %dma_wait3A_709 = arith.constant 0 : i32
    %dma_wait3A_710 = tpu.memref_slice %arg9[%dma_wait3A_692, %dma_wait3A_707, %dma_wait3A_708, %dma_wait3A_709] : memref<2x32x1x64xf32, #tpu.memory_space<vmem>> -> memref<1x32x1x64xf32, #tpu.memory_space<vmem>>
    %dma_wait3A_711 = tpu.memref_squeeze %dma_wait3A_710 : memref<1x32x1x64xf32, #tpu.memory_space<vmem>> -> memref<32x1x64xf32, #tpu.memory_space<vmem>>
    tpu.wait_dma2 semaphore(%arg14 : memref<!tpu.dma_semaphore, #tpu.memory_space<semaphore_mem>>) src(%dma_wait3A_711 : memref<32x1x64xf32, #tpu.memory_space<vmem>>) dst(%dma_wait3A_706 : memref<32x1x64xf32, #tpu.memory_space<hbm>>)
    return
  }
}

module attributes {stable_mosaic.version = 14 : i64} {
  func.func @_tr_body(%arg0: i32, %arg1: memref<64x16384xf32, #tpu.memory_space<vmem>>, %arg2: memref<64x16384xf32, #tpu.memory_space<vmem>>, %arg3: memref<16384x128xf32, #tpu.memory_space<vmem>>) attributes {dimension_semantics = [#tpu.dimension_semantics<arbitrary>], iteration_bounds = array<i64: 31>, scalar_prefetch = 0 : i64, scratch_operands = 0 : i64, tpu.core_type = #tpu.core_type<tc>, window_params = [{transform_indices = @transform_0, window_bounds = array<i64: 64, 16384>}, {transform_indices = @transform_1, window_bounds = array<i64: 64, 16384>}, {transform_indices = @transform_2, window_bounds = array<i64: 16384, 128>}]} {
    %get3A = arith.constant 0 : index
    %get3A_0 = arith.constant 0 : index
    %get3A_1 = vector.load %arg1[%get3A, %get3A_0] : memref<64x16384xf32, #tpu.memory_space<vmem>>, vector<64x16384xf32>
    %get3A_2 = arith.constant 0 : index
    %get3A_3 = arith.constant 0 : index
    %get3A_4 = vector.load %arg2[%get3A_2, %get3A_3] : memref<64x16384xf32, #tpu.memory_space<vmem>>, vector<64x16384xf32>
    %concatenate3A = tpu.concatenate %get3A_1, %get3A_4 in 0 : vector<64x16384xf32>, vector<64x16384xf32> -> vector<128x16384xf32>
    %transpose3A = tpu.transpose %concatenate3A, [1, 0] : vector<128x16384xf32> -> vector<16384x128xf32>
    %swap3A = arith.constant 0 : index
    %swap3A_5 = arith.constant 0 : index
    %swap3A_6 = vector.load %arg3[%swap3A, %swap3A_5] : memref<16384x128xf32, #tpu.memory_space<vmem>>, vector<16384x128xf32>
    tpu.vector_store %arg3[%swap3A, %swap3A_5], %transpose3A {strides = array<i32>} : memref<16384x128xf32, #tpu.memory_space<vmem>>, vector<16384x128xf32>,
    return
  }
  func.func @transform_0(%arg0: i32) -> (i32, i32) {
    %c0_i32 = arith.constant 0 : i32
    %c0_i32_0 = arith.constant 0 : i32
    return %c0_i32, %arg0 : i32, i32
  }
  func.func @transform_1(%arg0: i32) -> (i32, i32) {
    %add3A = arith.constant 31 : i32
    %add3A_0 = arith.addi %arg0, %add3A : i32
    %c0_i32 = arith.constant 0 : i32
    %c0_i32_1 = arith.constant 0 : i32
    return %c0_i32, %add3A_0 : i32, i32
  }
  func.func @transform_2(%arg0: i32) -> (i32, i32) {
    %c0_i32 = arith.constant 0 : i32
    %c0_i32_0 = arith.constant 0 : i32
    return %arg0, %c0_i32 : i32, i32
  }
}

module attributes {stable_mosaic.version = 14 : i64} {
  func.func @_mlp_body(%arg0: i32, %arg1: memref<1x512x192xf32, #tpu.memory_space<vmem>>, %arg2: memref<1x512x192xf32, #tpu.memory_space<vmem>>, %arg3: memref<1x512x192xf32, #tpu.memory_space<vmem>>, %arg4: memref<192x128xf32, #tpu.memory_space<vmem>>, %arg5: memref<1x128xf32, #tpu.memory_space<vmem>>, %arg6: memref<384x1xf32, #tpu.memory_space<vmem>>, %arg7: memref<1x1xf32, #tpu.memory_space<vmem>>, %arg8: memref<512x1xf32, #tpu.memory_space<vmem>>) attributes {dimension_semantics = [#tpu.dimension_semantics<arbitrary>], iteration_bounds = array<i64: 8>, scalar_prefetch = 0 : i64, scratch_operands = 0 : i64, tpu.core_type = #tpu.core_type<tc>, window_params = [{transform_indices = @transform_0, window_bounds = array<i64: 1, 512, 192>}, {transform_indices = @transform_1, window_bounds = array<i64: 1, 512, 192>}, {transform_indices = @transform_2, window_bounds = array<i64: 1, 512, 192>}, {pipeline_mode = #tpu.pipeline_mode<synchronous>, transform_indices = @transform_3, window_bounds = array<i64: 192, 128>}, {pipeline_mode = #tpu.pipeline_mode<synchronous>, transform_indices = @transform_4, window_bounds = array<i64: 1, 128>}, {pipeline_mode = #tpu.pipeline_mode<synchronous>, transform_indices = @transform_5, window_bounds = array<i64: 384, 1>}, {pipeline_mode = #tpu.pipeline_mode<synchronous>, transform_indices = @transform_6, window_bounds = array<i64: 1, 1>}, {transform_indices = @transform_7, window_bounds = array<i64: 512, 1>}]} {
    %get3A = arith.constant 0 : index
    %get3A_0 = arith.constant 0 : index
    %get3A_1 = arith.constant 0 : index
    %get3A_2 = vector.load %arg1[%get3A, %get3A_0, %get3A_1] : memref<1x512x192xf32, #tpu.memory_space<vmem>>, vector<1x512x192xf32>
    %get3A_3 = vector.shape_cast %get3A_2 : vector<1x512x192xf32> to vector<512x192xf32>
    %mul3A = arith.constant 5.000000e-02 : f32
    %mul3A_4 = vector.broadcast %mul3A : f32 to vector<512x192xf32>
    %mul3A_5 = arith.mulf %get3A_3, %mul3A_4 : vector<512x192xf32>
    %get3A_6 = arith.constant 0 : index
    %get3A_7 = arith.constant 0 : index
    %get3A_8 = vector.load %arg4[%get3A_6, %get3A_7] : memref<192x128xf32, #tpu.memory_space<vmem>>, vector<192x128xf32>
    %dot_general3A = arith.constant dense<0.000000e+00> : vector<512x128xf32>
    %dot_general3A_9 = tpu.matmul %mul3A_5, %get3A_8, %dot_general3A {dimension_numbers = #tpu.dot_dimension_numbers<[1], [0], [0], [1], [0, 0, 1, 1], [], []>, transpose_lhs_hint = false} : vector<512x192xf32>, vector<192x128xf32>, vector<512x128xf32> -> vector<512x128xf32>
    %get3A_10 = arith.constant 0 : index
    %get3A_11 = arith.constant 0 : index
    %get3A_12 = vector.load %arg5[%get3A_10, %get3A_11] : memref<1x128xf32, #tpu.memory_space<vmem>>, vector<1x128xf32>
    %add3A = vector.broadcast %get3A_12 : vector<1x128xf32> to vector<512x128xf32>
    %add3A_13 = arith.addf %dot_general3A_9, %add3A : vector<512x128xf32>
    %tanh3A = math.tanh %add3A_13 : vector<512x128xf32>
    %get3A_14 = arith.constant 0 : index
    %get3A_15 = arith.constant 0 : index
    %get3A_16 = vector.load %arg6[%get3A_14, %get3A_15] : memref<384x1xf32, #tpu.memory_space<vmem>>, vector<128x1xf32>
    %dot_general3A_17 = arith.constant dense<0.000000e+00> : vector<512x1xf32>
    %dot_general3A_18 = tpu.matmul %tanh3A, %get3A_16, %dot_general3A_17 {dimension_numbers = #tpu.dot_dimension_numbers<[1], [0], [0], [1], [0, 0, 1, 1], [], []>, transpose_lhs_hint = false} : vector<512x128xf32>, vector<128x1xf32>, vector<512x1xf32> -> vector<512x1xf32>
    %get3A_19 = arith.constant 0 : index
    %get3A_20 = arith.constant 0 : index
    %get3A_21 = arith.constant 0 : index
    %get3A_22 = vector.load %arg2[%get3A_19, %get3A_20, %get3A_21] : memref<1x512x192xf32, #tpu.memory_space<vmem>>, vector<1x512x192xf32>
    %get3A_23 = vector.shape_cast %get3A_22 : vector<1x512x192xf32> to vector<512x192xf32>
    %mul3A_24 = arith.constant 5.000000e-02 : f32
    %mul3A_25 = vector.broadcast %mul3A_24 : f32 to vector<512x192xf32>
    %mul3A_26 = arith.mulf %get3A_23, %mul3A_25 : vector<512x192xf32>
    %get3A_27 = arith.constant 0 : index
    %get3A_28 = arith.constant 0 : index
    %get3A_29 = vector.load %arg4[%get3A_27, %get3A_28] : memref<192x128xf32, #tpu.memory_space<vmem>>, vector<192x128xf32>
    %dot_general3A_30 = arith.constant dense<0.000000e+00> : vector<512x128xf32>
    %dot_general3A_31 = tpu.matmul %mul3A_26, %get3A_29, %dot_general3A_30 {dimension_numbers = #tpu.dot_dimension_numbers<[1], [0], [0], [1], [0, 0, 1, 1], [], []>, transpose_lhs_hint = false} : vector<512x192xf32>, vector<192x128xf32>, vector<512x128xf32> -> vector<512x128xf32>
    %get3A_32 = arith.constant 0 : index
    %get3A_33 = arith.constant 0 : index
    %get3A_34 = vector.load %arg5[%get3A_32, %get3A_33] : memref<1x128xf32, #tpu.memory_space<vmem>>, vector<1x128xf32>
    %add3A_35 = vector.broadcast %get3A_34 : vector<1x128xf32> to vector<512x128xf32>
    %add3A_36 = arith.addf %dot_general3A_31, %add3A_35 : vector<512x128xf32>
    %tanh3A_37 = math.tanh %add3A_36 : vector<512x128xf32>
    %get3A_38 = arith.constant 128 : index
    %get3A_39 = arith.constant 0 : index
    %get3A_40 = vector.load %arg6[%get3A_38, %get3A_39] : memref<384x1xf32, #tpu.memory_space<vmem>>, vector<128x1xf32>
    %dot_general3A_41 = arith.constant dense<0.000000e+00> : vector<512x1xf32>
    %dot_general3A_42 = tpu.matmul %tanh3A_37, %get3A_40, %dot_general3A_41 {dimension_numbers = #tpu.dot_dimension_numbers<[1], [0], [0], [1], [0, 0, 1, 1], [], []>, transpose_lhs_hint = false} : vector<512x128xf32>, vector<128x1xf32>, vector<512x1xf32> -> vector<512x1xf32>
    %add3A_43 = arith.addf %dot_general3A_18, %dot_general3A_42 : vector<512x1xf32>
    %get3A_44 = arith.constant 0 : index
    %get3A_45 = arith.constant 0 : index
    %get3A_46 = arith.constant 0 : index
    %get3A_47 = vector.load %arg3[%get3A_44, %get3A_45, %get3A_46] : memref<1x512x192xf32, #tpu.memory_space<vmem>>, vector<1x512x192xf32>
    %get3A_48 = vector.shape_cast %get3A_47 : vector<1x512x192xf32> to vector<512x192xf32>
    %mul3A_49 = arith.constant 5.000000e-02 : f32
    %mul3A_50 = vector.broadcast %mul3A_49 : f32 to vector<512x192xf32>
    %mul3A_51 = arith.mulf %get3A_48, %mul3A_50 : vector<512x192xf32>
    %get3A_52 = arith.constant 0 : index
    %get3A_53 = arith.constant 0 : index
    %get3A_54 = vector.load %arg4[%get3A_52, %get3A_53] : memref<192x128xf32, #tpu.memory_space<vmem>>, vector<192x128xf32>
    %dot_general3A_55 = arith.constant dense<0.000000e+00> : vector<512x128xf32>
    %dot_general3A_56 = tpu.matmul %mul3A_51, %get3A_54, %dot_general3A_55 {dimension_numbers = #tpu.dot_dimension_numbers<[1], [0], [0], [1], [0, 0, 1, 1], [], []>, transpose_lhs_hint = false} : vector<512x192xf32>, vector<192x128xf32>, vector<512x128xf32> -> vector<512x128xf32>
    %get3A_57 = arith.constant 0 : index
    %get3A_58 = arith.constant 0 : index
    %get3A_59 = vector.load %arg5[%get3A_57, %get3A_58] : memref<1x128xf32, #tpu.memory_space<vmem>>, vector<1x128xf32>
    %add3A_60 = vector.broadcast %get3A_59 : vector<1x128xf32> to vector<512x128xf32>
    %add3A_61 = arith.addf %dot_general3A_56, %add3A_60 : vector<512x128xf32>
    %tanh3A_62 = math.tanh %add3A_61 : vector<512x128xf32>
    %get3A_63 = arith.constant 256 : index
    %get3A_64 = arith.constant 0 : index
    %get3A_65 = vector.load %arg6[%get3A_63, %get3A_64] : memref<384x1xf32, #tpu.memory_space<vmem>>, vector<128x1xf32>
    %dot_general3A_66 = arith.constant dense<0.000000e+00> : vector<512x1xf32>
    %dot_general3A_67 = tpu.matmul %tanh3A_62, %get3A_65, %dot_general3A_66 {dimension_numbers = #tpu.dot_dimension_numbers<[1], [0], [0], [1], [0, 0, 1, 1], [], []>, transpose_lhs_hint = false} : vector<512x128xf32>, vector<128x1xf32>, vector<512x1xf32> -> vector<512x1xf32>
    %add3A_68 = arith.addf %add3A_43, %dot_general3A_67 : vector<512x1xf32>
    %get3A_69 = arith.constant 0 : index
    %get3A_70 = arith.constant 0 : index
    %get3A_71 = vector.load %arg7[%get3A_69, %get3A_70] : memref<1x1xf32, #tpu.memory_space<vmem>>, vector<1x1xf32>
    %add3A_72 = vector.broadcast %get3A_71 : vector<1x1xf32> to vector<512x1xf32>
    %add3A_73 = arith.addf %add3A_68, %add3A_72 : vector<512x1xf32>
    %swap3A = arith.constant 0 : index
    %swap3A_74 = arith.constant 0 : index
    %swap3A_75 = vector.load %arg8[%swap3A, %swap3A_74] : memref<512x1xf32, #tpu.memory_space<vmem>>, vector<512x1xf32>
    tpu.vector_store %arg8[%swap3A, %swap3A_74], %add3A_73 {strides = array<i32>} : memref<512x1xf32, #tpu.memory_space<vmem>>, vector<512x1xf32>,
    return
  }
  func.func @transform_0(%arg0: i32) -> (i32, i32, i32) {
    %c0_i32 = arith.constant 0 : i32
    %c0_i32_0 = arith.constant 0 : i32
    %c0_i32_1 = arith.constant 0 : i32
    return %c0_i32, %arg0, %c0_i32_0 : i32, i32, i32
  }
  func.func @transform_1(%arg0: i32) -> (i32, i32, i32) {
    %c1_i32 = arith.constant 1 : i32
    %c0_i32 = arith.constant 0 : i32
    %c0_i32_0 = arith.constant 0 : i32
    return %c1_i32, %arg0, %c0_i32 : i32, i32, i32
  }
  func.func @transform_2(%arg0: i32) -> (i32, i32, i32) {
    %c2_i32 = arith.constant 2 : i32
    %c0_i32 = arith.constant 0 : i32
    %c0_i32_0 = arith.constant 0 : i32
    return %c2_i32, %arg0, %c0_i32 : i32, i32, i32
  }
  func.func @transform_3(%arg0: i32) -> (i32, i32) {
    %c0_i32 = arith.constant 0 : i32
    %c0_i32_0 = arith.constant 0 : i32
    %c0_i32_1 = arith.constant 0 : i32
    return %c0_i32, %c0_i32_0 : i32, i32
  }
  func.func @transform_4(%arg0: i32) -> (i32, i32) {
    %c0_i32 = arith.constant 0 : i32
    %c0_i32_0 = arith.constant 0 : i32
    %c0_i32_1 = arith.constant 0 : i32
    return %c0_i32, %c0_i32_0 : i32, i32
  }
  func.func @transform_5(%arg0: i32) -> (i32, i32) {
    %c0_i32 = arith.constant 0 : i32
    %c0_i32_0 = arith.constant 0 : i32
    %c0_i32_1 = arith.constant 0 : i32
    return %c0_i32, %c0_i32_0 : i32, i32
  }
  func.func @transform_6(%arg0: i32) -> (i32, i32) {
    %c0_i32 = arith.constant 0 : i32
    %c0_i32_0 = arith.constant 0 : i32
    %c0_i32_1 = arith.constant 0 : i32
    return %c0_i32, %c0_i32_0 : i32, i32
  }
  func.func @transform_7(%arg0: i32) -> (i32, i32) {
    %c0_i32 = arith.constant 0 : i32
    %c0_i32_0 = arith.constant 0 : i32
    return %arg0, %c0_i32 : i32, i32
  }
}

</mosaic_0001>

<sc_bundles>
// kernel: kernel.5.cloned.1.call-start
scs
__scs_entry_jumppad:
0x0: {  	(pc) =	sbr.rel $0x88, $3  }
0x1: {  	(tag) =	ssettag $0x0;
	lr =	simm.s32 $0x1  }
0x2: {  	[smem:$0x3F99] =	sst lr;
	_ =	strace $0xD0000000  }
0x3: {  	_ = 	snop  }
0x4: {  	_ = 	snop  }
0x5: {  	_ = 	snop  }
0x6: {  	_ = 	snop  }
0x7: {  	_ = 	snop  }
__scs_overlays_trampoline_lowered:
0x8: {  	[smem:$0x3FA8] =	sst s0  }
0x9: {  	[smem:$0x3FA9] =	sst s1  }
0xa: {  	[smem:$0x3FAA] =	sst s2  }
0xb: {  	[smem:$0x3FAB] =	sst s3  }
0xc: {  	[smem:$0x3FAC] =	sst s4  }
0xd: {  	[smem:$0x3FAD] =	sst s5  }
0xe: {  	[smem:$0x3FAE] =	sst s6  }
0xf: {  	[smem:$0x3FAF] =	sst s7  }
0x10: {  	[smem:$0x3FB0] =	sst s8  }
0x11: {  	[smem:$0x3FB1] =	sst s9;
	s0 =	simm.s32 @!p0 $0x0  }
0x12: {  	s1 =	sld [smem:$0x3F97];
	s0 =	simm.s32 @p0 $0x1  }
0x13: {  	[smem:$0x3FB2] =	sst s0;
	s0 =	simm.s32 @!p1 $0x0  }
0x14: {  	s2 =	sld [smem:$0x3F96];
	s0 =	simm.s32 @p1 $0x1  }
0x15: {  	[smem:$0x3FB3] =	sst s0;
	s0 =	simm.s32 @!p2 $0x0  }
0x16: {  	s3 =	sld [smem:$0x3FDB];
	s0 =	simm.s32 @p2 $0x1  }
0x17: {  	s4 =	simm.s32 $0x1BF5;
	[smem:$0x3FB5] =	sst s0  }
0x18: {  	s0 =	sld [smem:$0x3F98];
	_ =	swait.ge [sflag:s4], $0x0  }
0x19: {  	s7 =	sld [smem:$0x3F99]  }
0x1a: {  	s8 =	sadd.s32 $0xFFFFE003, lr  }
0x1b: {  	s9 =	sadd.s32 $0xFFFFFEF7, lr;
	s5 =	simm.s32 $0xFFFFFFFF;
	p2 =	slt.u32 s8, $0xFFFFF086  }
0x1c: {  	p1 =	slt.u32 s9, $0xF7A;
	s5 =	simm.s32 @!p2 $0x0  }
0x1d: {  	s5 =	simm.s32 @p1 $0x1;
	p0 =	seq.s32 s7, s2  }
0x1e: {  	s7 =	smul.u32 @!p0 $0xF7A, s2;
	p2 =	seq.s32 @!p0 s5, $0x0  }
0x1f: {  	s9 =	smul.u32 $0xF7A, s1;
	s8 =	simm.s32 @!p0 $0x1BF5;
	p2 =	por !p2, p0  }
0x20: {  	[sflag:s8] =	ssyncset.s32 @!p0 $0xFFFFF086;
	s6 =	sadd.s32 @!p0 s3, s7;
	s7 =	simm.s32 @!p0 $0x108  }
0x21: {  	s3 =	sadd.s32 s3, s9;
	s6 =	sadd.s32 @!p0 $0x88, s6;
	s7 =	simm.s32 @p2 $0x1082  }
0x22: {  	[simem:s7], [sflag:s8] =	dma.local @!p0 [hbm:s6], $0xF7A  }
0x23: {  	s9 =	sor.u32 $0xD0000000, s2;
	s6 =	simm.s32 $0x108;
	_ =	swait.ge @!p0 [sflag:s8], $0x0  }
0x24: {  	s3 =	sadd.s32 $0x88, s3;
	s6 =	simm.s32 @!p1 $0x1082;
	[sflag:s4] =	ssyncset.s32 $0xFFFFF086  }
0x25: {  	[simem:s6], [sflag:s4] =	dma.local [hbm:s3], $0xF7A  }
0x26: {  	[smem:$0x3F99] =	sst s1;
	(tag) =	ssettag s2;
	_ =	strace s9  }
0x27: {  	s1 =	sld [smem:$0x3FA9]  }
0x28: {  	s2 =	sld [smem:$0x3FAA]  }
0x29: {  	s4 =	sld [smem:$0x3FAC]  }
0x2a: {  	p0 =	seq.s32 s5, $0x0;
	s5 =	sld [smem:$0x3FAD]  }
0x2b: {  	s6 =	sld [smem:$0x3FAE]  }
0x2c: {  	s7 =	sld [smem:$0x3FAF]  }
0x2d: {  	s3 =	simm.s32 $0x108;
	s8 =	sld [smem:$0x3FB0]  }
0x2e: {  	s3 =	simm.s32 @!p0 $0x1082;
	s9 =	sld [smem:$0x3FB1]  }
0x2f: {  	lr =	sadd.s32 s0, s3;
	s0 =	sld [smem:$0x3FA8]  }
0x30: {  	s3 =	sld [smem:$0x3FAB]  }
0x31: {  	[smem:$0x3FB4] =	sst s10  }
0x32: {  	s10 =	sld [smem:$0x3FB2];
	_ =	sdelay $0x3  }
0x33: {  	p0 =	seq.s32 s10, $0x1;
	s10 =	sld [smem:$0x3FB4];
	_ =	sdelay $0x3  }
0x34: {  	[smem:$0x3FB4] =	sst s10  }
0x35: {  	s10 =	sld [smem:$0x3FB3];
	_ =	sdelay $0x3  }
0x36: {  	p1 =	seq.s32 s10, $0x1;
	s10 =	sld [smem:$0x3FB4];
	_ =	sdelay $0x3  }
0x37: {  	[smem:$0x3FB4] =	sst s10  }
0x38: {  	s10 =	sld [smem:$0x3FB5]  }
0x39: {  	_ = 	snop;
	(pc) =	sbr.ind lr, $3  }
0x3a: {  	_ = 	snop  }
0x3b: {  	_ = 	snop  }
0x3c: {  	p2 =	seq.s32 s10, $0x1;
	s10 =	sld [smem:$0x3FB4]  }
0x3d: {  	_ =	shalt  }
0x3e: {  	_ =	shalt  }
0x3f: {  	_ =	shalt  }
0x40: {  	_ =	shalt  }
0x41: {  	_ =	shalt  }
0x42: {  	_ =	shalt  }
0x43: {  	_ =	shalt  }
0x44: {  	_ =	shalt  }
0x45: {  	_ =	shalt  }
0x46: {  	_ =	shalt  }
0x47: {  	_ =	shalt  }
0x48: {  	_ =	shalt  }
0x49: {  	_ =	shalt  }
0x4a: {  	_ =	shalt  }
0x4b: {  	_ =	shalt  }
0x4c: {  	_ =	shalt  }
0x4d: {  	_ =	shalt  }
0x4e: {  	_ =	shalt  }
0x4f: {  	_ =	shalt  }
0x50: {  	_ =	shalt  }
0x51: {  	_ =	shalt  }
0x52: {  	_ =	shalt  }
0x53: {  	_ =	shalt  }
0x54: {  	_ =	shalt  }
0x55: {  	_ =	shalt  }
0x56: {  	_ =	shalt  }
0x57: {  	_ =	shalt  }
0x58: {  	_ =	shalt  }
0x59: {  	_ =	shalt  }
0x5a: {  	_ =	shalt  }
0x5b: {  	_ =	shalt  }
0x5c: {  	_ =	shalt  }
0x5d: {  	_ =	shalt  }
0x5e: {  	_ =	shalt  }
0x5f: {  	_ =	shalt  }
0x60: {  	_ =	shalt  }
0x61: {  	_ =	shalt  }
0x62: {  	_ =	shalt  }
0x63: {  	_ =	shalt  }
0x64: {  	_ =	shalt  }
0x65: {  	_ =	shalt  }
0x66: {  	_ =	shalt  }
0x67: {  	_ =	shalt  }
0x68: {  	_ =	shalt  }
0x69: {  	_ =	shalt  }
0x6a: {  	_ =	shalt  }
0x6b: {  	_ =	shalt  }
0x6c: {  	_ =	shalt  }
0x6d: {  	_ =	shalt  }
0x6e: {  	_ =	shalt  }
0x6f: {  	_ =	shalt  }
0x70: {  	_ =	shalt  }
0x71: {  	_ =	shalt  }
0x72: {  	_ =	shalt  }
0x73: {  	_ =	shalt  }
0x74: {  	_ =	shalt  }
0x75: {  	_ =	shalt  }
0x76: {  	_ =	shalt  }
0x77: {  	_ =	shalt  }
0x78: {  	_ =	shalt  }
0x79: {  	_ =	shalt  }
0x7a: {  	_ =	shalt  }
0x7b: {  	_ =	shalt  }
0x7c: {  	_ =	shalt  }
0x7d: {  	_ =	shalt  }
0x7e: {  	_ =	shalt  }
0x7f: {  	_ =	shalt  }
0x80: {  	_ =	shalt  }
0x81: {  	_ =	shalt  }
0x82: {  	_ =	shalt  }
0x83: {  	_ =	shalt  }
0x84: {  	_ =	shalt  }
0x85: {  	_ =	shalt  }
0x86: {  	_ =	shalt  }
0x87: {  	_ =	shalt  }
.Lfunc_end0:
.L_simem_size_0:
called_computation_lowered:
.L_overlay_start_0:
0x88: {  	s2 =	sld [smem:$0x3FD9]  }
0x89: {  	s3 =	sld [smem:$0x3FFE];
	_ =	sdelay $0x1  }
0x8a: {  	s1 =	srdreg.scid  }
0x8b: {  	s0 =	sand.u32 $0x1, s1  }
0x8c: {  	s16 =	sshll.u32 s0, $0xA;
	s2 =	sadd.s32 s3, s2  }
0x8d: {  	s2 =	sadd.s32 s2, s16  }
0x8e: {  	[smem:$0x3FC0] =	sst s2  }
0x8f: {  	_ = 	snop  }
0x90: {  	(tm) =	ssettm $0x1  }
0x91: {  	s17 =	sld [smem:$0x3FFB];
	_ =	sdelay $0x3  }
0x92: {  	_ =	strace s17  }
0x93: {  	s2 =	sld [smem:$0x3FFC];
	_ =	sdelay $0x3  }
0x94: {  	_ =	strace s2  }
0x95: {  	s2 =	sld [smem:$0x3FFD];
	_ =	sdelay $0x3  }
0x96: {  	_ =	strace s2  }
0x97: {  	_ =	strace $0x8FFFFFFF  }
0x98: {  	s18 =	sld [smem:$0x3FDB];
	_ =	sdelay $0x1  }
0x99: {  	s19 =	simm.s32 $_scs_section_size  }
0x9a: {  	s4 =	simm.s32 $_size__tile_overlayer_lowered;
	s5 =	simm.s32 $_tile_overlayer_lowered  }
0x9b: {  	s22 =	simm.s32 $0x1BFF;
	s21 =	sshll.u32 s5, $0x1;
	s2 =	sadd.s32 s19, s18  }
0x9c: {  	s6 =	simm.s32 $0x0;
	s20 =	sshll.u32 s4, $0x1;
	s4 =	sadd.s32 s21, s2  }
0x9d: {  	[timem:s6], [sflag:s22] =	dma.local [hbm:s4], s20  }
0x9e: {  	_ =	swait.ge [sflag:s22], s20  }
0x9f: {  	s3 =	ssub.s32 $0x0, s20;
	[sflag:s22] =	ssyncset.done $0x0  }
0xa0: {  	[sflag:s22] =	ssyncadd.s32 s3;
	_ =	sdelay $0x1  }
0xa1: {  	s23 =	simm.s32 $0x1B8B  }
0xa2: {  	_ =	swait.ge [sflag:s23], $0x1  }
0xa3: {  	[sflag:s23] =	ssyncset.done $0x0  }
0xa4: {  	s25 =	simm.s32 $0x1B8E;
	s24 =	sld [smem:$0x3FFE];
	[sflag:s23] =	ssyncadd.s32 $0xFFFFFFFF  }
0xa5: {  	s26 =	simm.s32 $execute0_lowered;
	[smem:$0x3FD2] =	sst s25  }
0xa6: {  	s4 =	sshll.u32 s26, $0x1;
	_ =	strace $0x80000046;
	[dreg:$0x1] =	wrdreg $0xFFFFFFFF  }
0xa7: {  	s28 =	simm.s32 $_size_execute0_lowered;
	s2 =	sadd.s32 s2, s4;
	[dreg:$0x0] =	wrdreg $0x0  }
0xa8: {  	s4 =	sshll.u32 s28, $0x1;
	[dreg:$0x2] =	wrdreg s2  }
0xa9: {  	[dreg:$0x3] =	wrdreg s4  }
0xaa: {  	[dreg:$0x4] =	wrdreg $0xC0  }
0xab: {  	_ =	task [dreg:s6], $0x5FFFF  }
0xac: {  	[dreg:$0x1] =	wrdreg $0xFFFFFFFF  }
0xad: {  	[dreg:$0x0] =	wrdreg $0x60  }
0xae: {  	[dreg:$0x2] =	wrdreg s24  }
0xaf: {  	[dreg:$0x3] =	wrdreg $0x9  }
0xb0: {  	_ =	task.clear_ibuf [dreg:s6], $0x4FFFF;
	_ =	strace $0x90000046  }
0xb1: {  	s29 =	simm.s32 $0x9;
	_ =	strace $0x80000048  }
0xb2: {  	_ =	swait.ge [sflag:s29], $0x1  }
0xb3: {  	[sflag:s29] =	ssyncadd.s32 $0xFFFFFFFF  }
0xb4: {  	_ =	strace $0x90000048  }
0xb5: {  	_ =	sfence  }
0xb6: {  	s30 =	sld [smem:$0x0];
	_ =	sdelay $0x2  }
0xb7: {  	s31 =	sshll.u32 s1, $0xD;
	s1 =	sshrl.u32 s1, $0x2  }
0xb8: {  	s3 =	sand.u32 $0x4000, s31;
	s1 =	sadd.s32 s1, s30  }
0xb9: {  	s0 =	sor.u32 s3, s0;
	s1 =	sshll.u32 s1, $0x11  }
0xba: {  	s0 =	sor.u32 s1, s0  }
0xbb: {  	s0 =	sadd.s32 $0x8F2B, s0  }
0xbc: {  	[sflag:s0] =	ssyncadd.remote.s32 $0x1  }
0xbd: {  	_ =	sfence.sel $0xFFFF  }
0xbe: {  	[dreg:$0x0] =	wrdreg $0xFFFFFFFF;
	(pc) =	sbr.abs _section_cstart, $3  }
0xbf: {  	[dreg:$0x1] =	wrdreg $0xFFFFFFFF  }
0xc0: {  	_ =	task.clear_ibuf [dreg:s6], $0x2FFFF;
	_ =	strace $0x9FFFFFFF  }
0xc1: {  	(tm) =	ssettm $0x7FFFFFFF  }
tec
execute0_lowered:
.L_overlay_start_1:
0x0: {  	(tag) =	ssettag $0x1  }
0x1: {  	s0 =	rddreg [dreg:$0x0];
	s1 =	srdreg.scid;
	s3 =	simm.s32 $0x0  }
0x2: {  	s2 =	stileid.u32;
	s15 =	simm.s32 $0x20;
	s16 =	simm.s32 $0xFA00  }
0x3: {  	s17 =	simm.s32 $0x13A00;
	s19 =	simm.s32 $0x14200;
	s21 =	simm.s32 $0x14A00  }
0x4: {  	s28 =	simm.s32 $0x16200;
	s30 =	simm.s32 $0x16A00;
	s12 =	simm.s32 $0x17A00  }
0x5: {  	s18 =	simm.s32 $0x18200;
	s31 =	simm.s32 $0x2;
	s13 =	simm.s32 $0x40  }
0x6: {  	s29 =	simm.s32 $0x3;
	s20 =	simm.s32 $0x5;
	s7 =	simm.s32 $0x0  }
0x7: {  	s1 =	sand.u32 $0x1, s1;
	[smem:$0x7FF] =	sst s3;
	s2 =	sshll.u32 s2, $0x8  }
0x8: {  	s4 =	sadd.s32 $0x1000, s0;
	s22 =	sshll.u32 s1, $0x7;
	s1 =	ssub.s32 $0x2, s1  }
0x9: {  	s5 =	sadd.s32 $0x7D7800, s0;
	s3 =	sor.u32 s22, s2;
	s6 =	sshrl.u32 s1, $0x1  }
0xa: {  	_ =	strace $0x80000047;
	s2 =	sshrl.u32 s3, $0x3;
	s23 =	ssub.s32 s1, s6  }
0xb: {  	s22 =	simm.s32 $0x18A00;
	s2 =	sadd.s32 s2, s0;
	s0 =	smax.u32 s23, $0x1  }
.Ltmp0:
0xc: {  	s24 =	sadd.s32 $0x7D0000, s2;
	[dreg:$0x5] =	wrdreg s0;
	(pc) =	sbr.rel .LBB2_1-.Ltmp0, $4  }
0xd: {  	s1 =	simm.s32 $0x19A00;
	s25 =	sadd.s32 $0x7C8800, s2;
	[dreg:$0x2] =	wrdreg s24  }
0xe: {  	s23 =	simm.s32 $0x15200;
	s26 =	sadd.s32 $0x7C1000, s2;
	[dreg:$0x3] =	wrdreg s25  }
0xf: {  	s0 =	simm.s32 $0x17200;
	s2 =	simm.s32 $0x1A200;
	[dreg:$0x4] =	wrdreg s26  }
0x10: {  	s25 =	simm.s32 $0x15A00;
	s26 =	simm.s32 $0x19200;
	s24 =	simm.s32 $0xC0  }
.LBB2_12:
0x11: {  	s6 =	simm.s32 $0x4  }
0x12: {  	_ =	swait.ge [sflag:s6], $0x800  }
0x13: {  	[sflag:s6] =	ssyncset.done $0x0  }
0x14: {  	[sflag:s6] =	ssyncadd.s32 $0xFFFFF800  }
0x15: {  	_ =	swait.ge [sflag:s20], $0x800  }
0x16: {  	s7 =	rddreg [dreg:$0x6]  }
0x17: {  	s14 =	rddreg [dreg:$0x5];
	s7 =	sadd.s32 $0x1, s7  }
0x18: {  	p0 =	sne.s32 s7, s14  }
.Ltmp1:
0x19: {  	_ = 	snop;
	(pc) =	sbr.rel @!p0 .LBB2_13-.Ltmp1, $3  }
0x1a: {  	_ =	sdelay $0x1  }
0x1b: {  	[sflag:s20] =	ssyncset.done $0x0  }
0x1c: {  	[sflag:s20] =	ssyncadd.s32 $0xFFFFF800  }
.LBB2_1:
0x1d: {  	[dreg:$0x6] =	wrdreg s7;
	s6 =	simm.s32 $0x0  }
0x1e: {  	s11 =	rddreg [dreg:$0x2];
	s8 =	simm.s32 $0x80;
	s9 =	simm.s32 $0x1000  }
0x1f: {  	[tilespmem:s6], [sflag:$0x1] =	stream.strided.gather [hbm4b:s11+s8], $0x1E00, s9, s8, $0x38;
	[tilespmem:$0x1AA00] =	vst v63  }
0x20: {  	s14 =	rddreg [dreg:$0x3];
	s10 =	simm.s32 $0x1E00  }
0x21: {  	[tilespmem:s10], [sflag:$0x1] =	stream.strided.gather [hbm4b:s14+s8], $0x1E00, s9, s8, $0x38;
	[tilespmem:$0x1AA00] =	vst v63  }
0x22: {  	s11 =	simm.s32 $0x3C00;
	s10 =	rddreg [dreg:$0x4];
	s14 =	simm.s32 $0x1  }
0x23: {  	[tilespmem:s11], [sflag:$0x1] =	stream.strided.gather [hbm4b:s10+s8], $0x1E00, s9, s8, $0x38;
	[tilespmem:$0x1AA00] =	vst v63  }
0x24: {  	_ =	swait.ge [sflag:s14], $0x1E00  }
0x25: {  	[sflag:s14] =	ssyncset.done $0x0  }
0x26: {  	[sflag:s14] =	ssyncadd.s32 $0xFFFFE200  }
0x27: {  	_ =	swait.ge [sflag:s14], $0x1E00  }
0x28: {  	[sflag:s14] =	ssyncset.done $0x0  }
0x29: {  	[sflag:s14] =	ssyncadd.s32 $0xFFFFE200  }
0x2a: {  	_ =	swait.ge [sflag:s14], $0x1E00  }
0x2b: {  	[sflag:s14] =	ssyncset.done $0x0  }
0x2c: {  	s9 =	simm.s32 $0x5A00;
	[sflag:s14] =	ssyncadd.s32 $0xFFFFE200  }
0x2d: {  	[tilespmem:s9], [sflag:$0x2] =	stream.indirect.gather [hbm4b:s4+s15], $0x40, s6, s15, $0xb8;
	[tilespmem:$0x1AA00] =	vst v63  }
0x2e: {  	s10 =	simm.s32 $0x6200  }
0x2f: {  	[tilespmem:s10], [sflag:$0x2] =	stream.indirect.gather [hbm4b:s4+s15], $0x40, s8, s15, $0xb8;
	[tilespmem:$0x1AA00] =	vst v63  }
0x30: {  	s11 =	simm.s32 $0x100;
	s14 =	simm.s32 $0x6A00  }
0x31: {  	[tilespmem:s14], [sflag:$0x2] =	stream.indirect.gather [hbm4b:s4+s15], $0x40, s11, s15, $0xb8;
	[tilespmem:$0x1AA00] =	vst v63  }
0x32: {  	s7 =	simm.s32 $0x180;
	s8 =	simm.s32 $0x7200  }
0x33: {  	[tilespmem:s8], [sflag:$0x2] =	stream.indirect.gather [hbm4b:s4+s15], $0x40, s7, s15, $0xb8;
	[tilespmem:$0x1AA00] =	vst v63  }
0x34: {  	s9 =	simm.s32 $0x200;
	s10 =	simm.s32 $0x7A00  }
0x35: {  	[tilespmem:s10], [sflag:$0x2] =	stream.indirect.gather [hbm4b:s4+s15], $0x40, s9, s15, $0xb8;
	[tilespmem:$0x1AA00] =	vst v63  }
0x36: {  	s11 =	simm.s32 $0x280;
	s14 =	simm.s32 $0x8200  }
0x37: {  	[tilespmem:s14], [sflag:$0x2] =	stream.indirect.gather [hbm4b:s4+s15], $0x40, s11, s15, $0xb8;
	[tilespmem:$0x1AA00] =	vst v63  }
0x38: {  	s7 =	simm.s32 $0x300;
	s8 =	simm.s32 $0x8A00  }
0x39: {  	[tilespmem:s8], [sflag:$0x2] =	stream.indirect.gather [hbm4b:s4+s15], $0x40, s7, s15, $0xb8;
	[tilespmem:$0x1AA00] =	vst v63  }
0x3a: {  	s9 =	simm.s32 $0x380;
	s10 =	simm.s32 $0x9200  }
0x3b: {  	[tilespmem:s10], [sflag:$0x2] =	stream.indirect.gather [hbm4b:s4+s15], $0x40, s9, s15, $0xb8;
	[tilespmem:$0x1AA00] =	vst v63  }
0x3c: {  	s11 =	simm.s32 $0x400;
	s14 =	simm.s32 $0x9A00  }
0x3d: {  	[tilespmem:s14], [sflag:$0x2] =	stream.indirect.gather [hbm4b:s4+s15], $0x40, s11, s15, $0xb8;
	[tilespmem:$0x1AA00] =	vst v63  }
0x3e: {  	s7 =	simm.s32 $0x480;
	s8 =	simm.s32 $0xA200  }
0x3f: {  	[tilespmem:s8], [sflag:$0x2] =	stream.indirect.gather [hbm4b:s4+s15], $0x40, s7, s15, $0xb8;
	[tilespmem:$0x1AA00] =	vst v63  }
0x40: {  	s9 =	simm.s32 $0x500;
	s10 =	simm.s32 $0xAA00  }
0x41: {  	[tilespmem:s10], [sflag:$0x2] =	stream.indirect.gather [hbm4b:s4+s15], $0x40, s9, s15, $0xb8;
	[tilespmem:$0x1AA00] =	vst v63  }
0x42: {  	s11 =	simm.s32 $0x580;
	s14 =	simm.s32 $0xB200  }
0x43: {  	[tilespmem:s14], [sflag:$0x2] =	stream.indirect.gather [hbm4b:s4+s15], $0x40, s11, s15, $0xb8;
	[tilespmem:$0x1AA00] =	vst v63  }
0x44: {  	s7 =	simm.s32 $0x600;
	s8 =	simm.s32 $0xBA00  }
0x45: {  	[tilespmem:s8], [sflag:$0x2] =	stream.indirect.gather [hbm4b:s4+s15], $0x40, s7, s15, $0xb8;
	[tilespmem:$0x1AA00] =	vst v63  }
0x46: {  	s9 =	simm.s32 $0x680;
	s10 =	simm.s32 $0xC200  }
0x47: {  	[tilespmem:s10], [sflag:$0x2] =	stream.indirect.gather [hbm4b:s4+s15], $0x40, s9, s15, $0xb8;
	[tilespmem:$0x1AA00] =	vst v63  }
0x48: {  	s11 =	simm.s32 $0x700;
	s14 =	simm.s32 $0xCA00  }
0x49: {  	[tilespmem:s14], [sflag:$0x2] =	stream.indirect.gather [hbm4b:s4+s15], $0x40, s11, s15, $0xb8;
	[tilespmem:$0x1AA00] =	vst v63  }
0x4a: {  	s7 =	simm.s32 $0x780;
	s8 =	simm.s32 $0xD200  }
0x4b: {  	[tilespmem:s8], [sflag:$0x2] =	stream.indirect.gather [hbm4b:s4+s15], $0x40, s7, s15, $0xb8;
	[tilespmem:$0x1AA00] =	vst v63  }
0x4c: {  	s9 =	simm.s32 $0x800;
	s10 =	simm.s32 $0xDA00  }
0x4d: {  	[tilespmem:s10], [sflag:$0x2] =	stream.indirect.gather [hbm4b:s4+s15], $0x40, s9, s15, $0xb8;
	[tilespmem:$0x1AA00] =	vst v63  }
0x4e: {  	s11 =	simm.s32 $0x880;
	s14 =	simm.s32 $0xE200  }
0x4f: {  	[tilespmem:s14], [sflag:$0x2] =	stream.indirect.gather [hbm4b:s4+s15], $0x40, s11, s15, $0xb8;
	[tilespmem:$0x1AA00] =	vst v63  }
0x50: {  	s7 =	simm.s32 $0x900;
	s8 =	simm.s32 $0xEA00  }
0x51: {  	[tilespmem:s8], [sflag:$0x2] =	stream.indirect.gather [hbm4b:s4+s15], $0x40, s7, s15, $0xb8;
	[tilespmem:$0x1AA00] =	vst v63  }
0x52: {  	s9 =	simm.s32 $0x980;
	s10 =	simm.s32 $0xF200  }
0x53: {  	[tilespmem:s10], [sflag:$0x2] =	stream.indirect.gather [hbm4b:s4+s15], $0x40, s9, s15, $0xb8;
	[tilespmem:$0x1AA00] =	vst v63  }
0x54: {  	_ = 	snop  }
0x55: {  	[tilespmem:s16], [sflag:$0x3] =	stream.indirect.gather [hbm4b:s4+s15], $0x40, s15, s15, $0xb8;
	[tilespmem:$0x1AA00] =	vst v63  }
0x56: {  	s11 =	simm.s32 $0xA0;
	s14 =	simm.s32 $0x10200  }
0x57: {  	[tilespmem:s14], [sflag:$0x3] =	stream.indirect.gather [hbm4b:s4+s15], $0x40, s11, s15, $0xb8;
	[tilespmem:$0x1AA00] =	vst v63  }
0x58: {  	s7 =	simm.s32 $0x120;
	s8 =	simm.s32 $0x10A00  }
0x59: {  	[tilespmem:s8], [sflag:$0x3] =	stream.indirect.gather [hbm4b:s4+s15], $0x40, s7, s15, $0xb8;
	[tilespmem:$0x1AA00] =	vst v63  }
0x5a: {  	s9 =	simm.s32 $0x1A0;
	s10 =	simm.s32 $0x11200  }
0x5b: {  	[tilespmem:s10], [sflag:$0x3] =	stream.indirect.gather [hbm4b:s4+s15], $0x40, s9, s15, $0xb8;
	[tilespmem:$0x1AA00] =	vst v63  }
0x5c: {  	s11 =	simm.s32 $0x220;
	s14 =	simm.s32 $0x11A00  }
0x5d: {  	[tilespmem:s14], [sflag:$0x3] =	stream.indirect.gather [hbm4b:s4+s15], $0x40, s11, s15, $0xb8;
	[tilespmem:$0x1AA00] =	vst v63  }
0x5e: {  	s7 =	simm.s32 $0x2A0;
	s8 =	simm.s32 $0x12200  }
0x5f: {  	[tilespmem:s8], [sflag:$0x3] =	stream.indirect.gather [hbm4b:s4+s15], $0x40, s7, s15, $0xb8;
	[tilespmem:$0x1AA00] =	vst v63  }
0x60: {  	s9 =	simm.s32 $0x320;
	s10 =	simm.s32 $0x12A00  }
0x61: {  	[tilespmem:s10], [sflag:$0x3] =	stream.indirect.gather [hbm4b:s4+s15], $0x40, s9, s15, $0xb8;
	[tilespmem:$0x1AA00] =	vst v63  }
0x62: {  	s11 =	simm.s32 $0x3A0;
	s14 =	simm.s32 $0x13200  }
0x63: {  	[tilespmem:s14], [sflag:$0x3] =	stream.indirect.gather [hbm4b:s4+s15], $0x40, s11, s15, $0xb8;
	[tilespmem:$0x1AA00] =	vst v63  }
0x64: {  	s7 =	simm.s32 $0x420  }
0x65: {  	[tilespmem:s17], [sflag:$0x3] =	stream.indirect.gather [hbm4b:s4+s15], $0x40, s7, s15, $0xb8;
	[tilespmem:$0x1AA00] =	vst v63  }
0x66: {  	s8 =	simm.s32 $0x4A0  }
0x67: {  	[tilespmem:s19], [sflag:$0x3] =	stream.indirect.gather [hbm4b:s4+s15], $0x40, s8, s15, $0xb8;
	[tilespmem:$0x1AA00] =	vst v63  }
0x68: {  	s9 =	simm.s32 $0x520  }
0x69: {  	[tilespmem:s21], [sflag:$0x3] =	stream.indirect.gather [hbm4b:s4+s15], $0x40, s9, s15, $0xb8;
	[tilespmem:$0x1AA00] =	vst v63  }
0x6a: {  	s10 =	simm.s32 $0x5A0  }
0x6b: {  	[tilespmem:s23], [sflag:$0x3] =	stream.indirect.gather [hbm4b:s4+s15], $0x40, s10, s15, $0xb8;
	[tilespmem:$0x1AA00] =	vst v63  }
0x6c: {  	s11 =	simm.s32 $0x620  }
0x6d: {  	[tilespmem:s25], [sflag:$0x3] =	stream.indirect.gather [hbm4b:s4+s15], $0x40, s11, s15, $0xb8;
	[tilespmem:$0x1AA00] =	vst v63  }
0x6e: {  	s14 =	simm.s32 $0x6A0  }
0x6f: {  	[tilespmem:s28], [sflag:$0x3] =	stream.indirect.gather [hbm4b:s4+s15], $0x40, s14, s15, $0xb8;
	[tilespmem:$0x1AA00] =	vst v63  }
0x70: {  	s7 =	simm.s32 $0x720  }
0x71: {  	[tilespmem:s30], [sflag:$0x3] =	stream.indirect.gather [hbm4b:s4+s15], $0x40, s7, s15, $0xb8;
	[tilespmem:$0x1AA00] =	vst v63  }
0x72: {  	s8 =	simm.s32 $0x7A0  }
0x73: {  	[tilespmem:s0], [sflag:$0x3] =	stream.indirect.gather [hbm4b:s4+s15], $0x40, s8, s15, $0xb8;
	[tilespmem:$0x1AA00] =	vst v63  }
0x74: {  	s9 =	simm.s32 $0x820  }
0x75: {  	[tilespmem:s12], [sflag:$0x3] =	stream.indirect.gather [hbm4b:s4+s15], $0x40, s9, s15, $0xb8;
	[tilespmem:$0x1AA00] =	vst v63  }
0x76: {  	s10 =	simm.s32 $0x8A0  }
0x77: {  	[tilespmem:s18], [sflag:$0x3] =	stream.indirect.gather [hbm4b:s4+s15], $0x40, s10, s15, $0xb8;
	[tilespmem:$0x1AA00] =	vst v63  }
0x78: {  	s11 =	simm.s32 $0x920  }
0x79: {  	[tilespmem:s22], [sflag:$0x3] =	stream.indirect.gather [hbm4b:s4+s15], $0x40, s11, s15, $0xb8;
	[tilespmem:$0x1AA00] =	vst v63  }
0x7a: {  	s6 =	simm.s32 $0x0;
	s14 =	simm.s32 $0x9A0  }
0x7b: {  	[tilespmem:s26], [sflag:$0x3] =	stream.indirect.gather [hbm4b:s4+s15], $0x40, s14, s15, $0xb8;
	[tilespmem:$0x1AA00] =	vst v63  }
.LBB2_2:
0x7c: {  	_ =	swait.ge [sflag:s31], $0xA000  }
0x7d: {  	p0 =	seq.s32 s6, $0x0;
	[sflag:s31] =	ssyncset.done $0x0  }
0x7e: {  	s7 =	simm.s32 @!p0 $0x4;
	[sflag:s31] =	ssyncadd.s32 $0xFFFF6000  }
0x7f: {  	_ =	swait.ge @!p0 [sflag:s7], $0x800  }
0x80: {  	[sflag:s7] =	ssyncset.done @!p0 $0x0  }
0x81: {  	s8 =	simm.s32 $0x0;
	[sflag:s7] =	ssyncadd.s32 @!p0 $0xFFFFF800  }
0x82: {  	v0 =	vld [tilespmem:s8+$0x5A30]  }
0x83: {  	v1 =	vld [tilespmem:s8+$0x6230]  }
0x84: {  	v2 =	vld [tilespmem:s8+$0x6A30]  }
0x85: {  	v3 =	vld [tilespmem:s8+$0x7230]  }
0x86: {  	v4 =	vld [tilespmem:s8+$0x7A30]  }
0x87: {  	v5 =	vld [tilespmem:s8+$0x8230]  }
0x88: {  	v6 =	vld [tilespmem:s8+$0x8A30]  }
0x89: {  	v7 =	vld [tilespmem:s8+$0x9230]  }
0x8a: {  	v8 =	vld [tilespmem:s8+$0x9A30]  }
0x8b: {  	v9 =	vld [tilespmem:s8+$0x5A20]  }
0x8c: {  	v10 =	vld [tilespmem:s8+$0x6A20]  }
0x8d: {  	v11 =	vld [tilespmem:s8+$0x7220]  }
0x8e: {  	v12 =	vld [tilespmem:s8+$0x7A00]  }
0x8f: {  	v13 =	vld [tilespmem:s8+$0x8200]  }
0x90: {  	v14 =	vld [tilespmem:s8+$0x7A10]  }
0x91: {  	v15 =	vld [tilespmem:s8+$0x8210]  }
0x92: {  	v16 =	vld [tilespmem:s8+$0x7A20]  }
0x93: {  	v17 =	vld [tilespmem:s8+$0x8220]  }
0x94: {  	v18 =	vld [tilespmem:s8+$0x8A00]  }
0x95: {  	v19 =	vld [tilespmem:s8+$0x9200]  }
0x96: {  	v20 =	vld [tilespmem:s8+$0x8A10]  }
0x97: {  	v21 =	vld [tilespmem:s8+$0x9210]  }
0x98: {  	v22 =	vld [tilespmem:s8+$0x8A20]  }
0x99: {  	v23 =	vld [tilespmem:s8+$0x9220]  }
0x9a: {  	v24 =	vld [tilespmem:s8+$0x9A00]  }
0x9b: {  	v25 =	vld [tilespmem:s8+$0xA200]  }
0x9c: {  	v26 =	vld [tilespmem:s8+$0x9A10]  }
0x9d: {  	v27 =	vld [tilespmem:s8+$0xA210]  }
0x9e: {  	v28 =	vld [tilespmem:s8+$0x9A20]  }
0x9f: {  	v29 =	vld [tilespmem:s8+$0xA220]  }
0xa0: {  	v30 =	vld [tilespmem:s8+$0xAA00]  }
0xa1: {  	v31 =	vld [tilespmem:s8+$0xB200]  }
0xa2: {  	v32 =	vld [tilespmem:s8+$0xAA10]  }
0xa3: {  	v33 =	vld [tilespmem:s8+$0xB210]  }
0xa4: {  	v34 =	vld [tilespmem:s8+$0xAA20]  }
0xa5: {  	v35 =	vld [tilespmem:s8+$0xB220]  }
0xa6: {  	v0 =	vadd.f32 v2, v0;
	v1 =	vadd.f32 v3, v1;
	v2 =	vld [tilespmem:s8+$0xA230]  }
0xa7: {  	v3 =	vld [tilespmem:s8+$0xAA30]  }
0xa8: {  	v0 =	vadd.f32 v4, v0;
	v1 =	vadd.f32 v5, v1;
	v4 =	vld [tilespmem:s8+$0xB230]  }
0xa9: {  	v5 =	vld [tilespmem:s8+$0xBA30]  }
0xaa: {  	v0 =	vadd.f32 v6, v0;
	v1 =	vadd.f32 v7, v1;
	v6 =	vld [tilespmem:s8+$0xC230]  }
0xab: {  	v7 =	vld [tilespmem:s8+$0xCA30]  }
0xac: {  	v0 =	vadd.f32 v8, v0;
	v1 =	vadd.f32 v2, v1;
	v2 =	vld [tilespmem:s8+$0xD230]  }
0xad: {  	v8 =	vld [tilespmem:s8+$0xDA30]  }
0xae: {  	v0 =	vadd.f32 v3, v0;
	v1 =	vadd.f32 v4, v1;
	v3 =	vld [tilespmem:s8+$0xE230]  }
0xaf: {  	v4 =	vld [tilespmem:s8+$0xEA30]  }
0xb0: {  	v0 =	vadd.f32 v5, v0;
	v1 =	vadd.f32 v6, v1;
	v5 =	vld [tilespmem:s8+$0xF230]  }
0xb1: {  	v6 =	vld [tilespmem:s8+$0x5A00]  }
0xb2: {  	v0 =	vadd.f32 v7, v0;
	v1 =	vadd.f32 v2, v1;
	v2 =	vld [tilespmem:s8+$0x6200]  }
0xb3: {  	v7 =	vld [tilespmem:s8+$0x6A00]  }
0xb4: {  	v0 =	vadd.f32 v8, v0;
	v1 =	vadd.f32 v3, v1;
	v3 =	vld [tilespmem:s8+$0x7200]  }
0xb5: {  	v8 =	vld [tilespmem:s8+$0x5A10]  }
0xb6: {  	v0 =	vadd.f32 v4, v0;
	v1 =	vadd.f32 v5, v1;
	v4 =	vld [tilespmem:s8+$0x6210]  }
0xb7: {  	v5 =	vld [tilespmem:s8+$0x6A10]  }
0xb8: {  	v0 =	vadd.f32 v1, v0;
	v1 =	vld [tilespmem:s8+$0x7210]  }
0xb9: {  	v50 =	vld [tilespmem:s8+$0xCA00];
	v6 =	vadd.f32 v7, v6  }
0xba: {  	v51 =	vld [tilespmem:s8+$0xD200];
	v2 =	vadd.f32 v3, v2  }
0xbb: {  	v6 =	vadd.f32 v12, v6;
	[tilespmem:s8+$0x19A30] =	vst v0;
	v0 =	vld [tilespmem:s8+$0x6220]  }
0xbc: {  	v52 =	vld [tilespmem:s8+$0xCA10];
	v3 =	vadd.f32 v5, v8;
	v2 =	vadd.f32 v13, v2  }
0xbd: {  	v53 =	vld [tilespmem:s8+$0xD210];
	v6 =	vadd.f32 v18, v6;
	v1 =	vadd.f32 v1, v4  }
0xbe: {  	v54 =	vld [tilespmem:s8+$0xCA20];
	v4 =	vadd.f32 v10, v9;
	v3 =	vadd.f32 v14, v3  }
0xbf: {  	v55 =	vld [tilespmem:s8+$0xD220];
	v2 =	vadd.f32 v19, v2;
	v6 =	vadd.f32 v24, v6  }
0xc0: {  	v7 =	vld [tilespmem:s8+$0xBA00];
	v0 =	vadd.f32 v11, v0;
	v1 =	vadd.f32 v15, v1  }
0xc1: {  	v56 =	vld [tilespmem:s8+$0xDA00];
	v4 =	vadd.f32 v16, v4;
	v3 =	vadd.f32 v20, v3  }
0xc2: {  	v57 =	vld [tilespmem:s8+$0xE200];
	v2 =	vadd.f32 v25, v2;
	v6 =	vadd.f32 v30, v6  }
0xc3: {  	v5 =	vld [tilespmem:s8+$0xC200];
	v0 =	vadd.f32 v17, v0;
	v1 =	vadd.f32 v21, v1  }
0xc4: {  	v58 =	vld [tilespmem:s8+$0xDA10];
	v4 =	vadd.f32 v22, v4;
	v3 =	vadd.f32 v26, v3  }
0xc5: {  	v8 =	vld [tilespmem:s8+$0xBA10];
	v2 =	vadd.f32 v31, v2;
	v6 =	vadd.f32 v7, v6  }
0xc6: {  	v9 =	vld [tilespmem:s8+$0xC210];
	v0 =	vadd.f32 v23, v0;
	v1 =	vadd.f32 v27, v1  }
0xc7: {  	v10 =	vld [tilespmem:s8+$0xBA20];
	v4 =	vadd.f32 v28, v4;
	v3 =	vadd.f32 v32, v3  }
0xc8: {  	v11 =	vld [tilespmem:s8+$0xC220];
	v2 =	vadd.f32 v5, v2;
	v6 =	vadd.f32 v50, v6  }
0xc9: {  	v7 =	vld [tilespmem:s8+$0xE210];
	v0 =	vadd.f32 v29, v0;
	v1 =	vadd.f32 v33, v1  }
0xca: {  	v5 =	vld [tilespmem:s8+$0xDA20];
	v4 =	vadd.f32 v34, v4;
	v3 =	vadd.f32 v8, v3  }
0xcb: {  	v8 =	vld [tilespmem:s8+$0xE220];
	v2 =	vadd.f32 v51, v2;
	v0 =	vadd.f32 v35, v0  }
0xcc: {  	v1 =	vadd.f32 v9, v1;
	v4 =	vadd.f32 v10, v4;
	v9 =	vld [tilespmem:s8+$0xEA00]  }
0xcd: {  	v3 =	vadd.f32 v52, v3;
	v10 =	vld [tilespmem:s8+$0xF200];
	v61 =	vadd.f32 v57, v2  }
0xce: {  	v0 =	vadd.f32 v11, v0;
	v1 =	vadd.f32 v53, v1;
	v11 =	vld [tilespmem:s8+$0xEA10]  }
0xcf: {  	v60 =	vld [tilespmem:s8+$0xF210];
	v4 =	vadd.f32 v54, v4;
	v62 =	vadd.f32 v58, v3  }
0xd0: {  	v3 =	vld [tilespmem:s8+$0xEA20];
	v59 =	vadd.f32 v55, v0;
	v0 =	vadd.f32 v56, v6  }
0xd1: {  	s10 =	simm.s32 $0x40;
	v63 =	vadd.f32 v7, v1;
	v2 =	vadd.f32 v5, v4;
	v6 =	vld [tilespmem:s8+$0xF220]  }
0xd2: {  	v1 =	vld [tilespmem:s10+$0x6230];
	v10 =	vadd.f32 v10, v61;
	v9 =	vadd.f32 v9, v0  }
0xd3: {  	v5 =	vld [tilespmem:s10+$0x6A30];
	v4 =	vadd.f32 v8, v59;
	v7 =	vadd.f32 v11, v62  }
0xd4: {  	s9 =	simm.s32 $0x200;
	s7 =	sshll.u32 s6, $0x1;
	v0 =	vld [tilespmem:s10+$0x5A30];
	v8 =	vadd.f32 v10, v9;
	v9 =	vadd.f32 v60, v63  }
.LBB2_3:
0xd5: {  	p1 =	sne.s32 s9, $0x1F00;
	v10 =	vld [tilespmem:s10+$0x7230];
	v2 =	vadd.f32 v3, v2  }
0xd6: {  	v3 =	vld [tilespmem:s10+$0x7A30];
	[tilespmem:s8+$0x19A00] =	vst v8;
	v7 =	vadd.f32 v9, v7;
	v4 =	vadd.f32 v6, v4  }
0xd7: {  	v6 =	vld [tilespmem:s10+$0x8230]  }
0xd8: {  	v8 =	vld [tilespmem:s10+$0x8A30];
	[tilespmem:s8+$0x19A10] =	vst v7;
	v2 =	vadd.f32 v4, v2  }
0xd9: {  	v4 =	vld [tilespmem:s10+$0x9230]  }
0xda: {  	v0 =	vadd.f32 v5, v0;
	v1 =	vadd.f32 v10, v1;
	v5 =	vld [tilespmem:s10+$0x9A30];
	[tilespmem:s8+$0x19A20] =	vst v2;
	s8 =	smov.u32 s10  }
0xdb: {  	v2 =	vld [tilespmem:s8+$0xA230]  }
0xdc: {  	v0 =	vadd.f32 v3, v0;
	v1 =	vadd.f32 v6, v1;
	v3 =	vld [tilespmem:s8+$0xAA30]  }
0xdd: {  	v6 =	vld [tilespmem:s8+$0xB230]  }
0xde: {  	v0 =	vadd.f32 v8, v0;
	v1 =	vadd.f32 v4, v1;
	v4 =	vld [tilespmem:s8+$0xBA30]  }
0xdf: {  	v7 =	vld [tilespmem:s8+$0xC230]  }
0xe0: {  	v0 =	vadd.f32 v5, v0;
	v1 =	vadd.f32 v2, v1;
	v2 =	vld [tilespmem:s8+$0xCA30]  }
0xe1: {  	v5 =	vld [tilespmem:s8+$0xD230]  }
0xe2: {  	v0 =	vadd.f32 v3, v0;
	v1 =	vadd.f32 v6, v1;
	v3 =	vld [tilespmem:s8+$0xDA30]  }
0xe3: {  	v6 =	vld [tilespmem:s8+$0xE230]  }
0xe4: {  	v0 =	vadd.f32 v4, v0;
	v1 =	vadd.f32 v7, v1;
	v4 =	vld [tilespmem:s8+$0xEA30]  }
0xe5: {  	v7 =	vld [tilespmem:s8+$0xF230]  }
0xe6: {  	v0 =	vadd.f32 v2, v0;
	v8 =	vld [tilespmem:s8+$0x5A00];
	v1 =	vadd.f32 v5, v1  }
0xe7: {  	v2 =	vld [tilespmem:s8+$0x6200]  }
0xe8: {  	v0 =	vadd.f32 v3, v0;
	v5 =	vld [tilespmem:s8+$0x6A00];
	v1 =	vadd.f32 v6, v1  }
0xe9: {  	v3 =	vld [tilespmem:s8+$0x7200]  }
0xea: {  	v0 =	vadd.f32 v4, v0;
	v6 =	vld [tilespmem:s8+$0x5A10];
	v1 =	vadd.f32 v7, v1  }
0xeb: {  	v4 =	vld [tilespmem:s8+$0x6210]  }
0xec: {  	v7 =	vld [tilespmem:s8+$0x6A10];
	v0 =	vadd.f32 v1, v0  }
0xed: {  	v1 =	vadd.f32 v5, v8;
	v5 =	vld [tilespmem:s8+$0x7210]  }
0xee: {  	v2 =	vadd.f32 v3, v2;
	v3 =	vld [tilespmem:s8+$0x5A20];
	[tilespmem:s8+$0x19A30] =	vst v0  }
0xef: {  	v0 =	vld [tilespmem:s8+$0x6220]  }
0xf0: {  	v8 =	vld [tilespmem:s8+$0x6A20]  }
0xf1: {  	v6 =	vadd.f32 v7, v6;
	v7 =	vld [tilespmem:s8+$0x7220]  }
0xf2: {  	v9 =	vld [tilespmem:s8+$0x7A00];
	v4 =	vadd.f32 v5, v4  }
0xf3: {  	v5 =	vld [tilespmem:s8+$0x8200]  }
0xf4: {  	v10 =	vld [tilespmem:s8+$0x7A10]  }
0xf5: {  	v11 =	vld [tilespmem:s8+$0x8210];
	v3 =	vadd.f32 v8, v3  }
0xf6: {  	v0 =	vadd.f32 v7, v0;
	v7 =	vld [tilespmem:s8+$0x7A20]  }
0xf7: {  	v1 =	vadd.f32 v9, v1;
	v8 =	vld [tilespmem:s8+$0x8220]  }
0xf8: {  	v2 =	vadd.f32 v5, v2;
	v5 =	vld [tilespmem:s8+$0x8A00]  }
0xf9: {  	v9 =	vld [tilespmem:s8+$0x9200];
	v6 =	vadd.f32 v10, v6  }
0xfa: {  	v4 =	vadd.f32 v11, v4;
	v10 =	vld [tilespmem:s8+$0x8A10]  }
0xfb: {  	v11 =	vld [tilespmem:s8+$0x9210];
	v3 =	vadd.f32 v7, v3  }
0xfc: {  	v0 =	vadd.f32 v8, v0;
	v7 =	vld [tilespmem:s8+$0x8A20]  }
0xfd: {  	v1 =	vadd.f32 v5, v1;
	v5 =	vld [tilespmem:s8+$0x9220]  }
0xfe: {  	v2 =	vadd.f32 v9, v2;
	v8 =	vld [tilespmem:s8+$0x9A00]  }
0xff: {  	v9 =	vld [tilespmem:s8+$0xA200];
	v6 =	vadd.f32 v10, v6  }
0x100: {  	v4 =	vadd.f32 v11, v4;
	v10 =	vld [tilespmem:s8+$0x9A10]  }
0x101: {  	v11 =	vld [tilespmem:s8+$0xA210];
	v3 =	vadd.f32 v7, v3  }
0x102: {  	v0 =	vadd.f32 v5, v0;
	v5 =	vld [tilespmem:s8+$0x9A20]  }
0x103: {  	v1 =	vadd.f32 v8, v1;
	v7 =	vld [tilespmem:s8+$0xA220]  }
0x104: {  	v2 =	vadd.f32 v9, v2;
	v8 =	vld [tilespmem:s8+$0xAA00]  }
0x105: {  	v9 =	vld [tilespmem:s8+$0xB200];
	v6 =	vadd.f32 v10, v6  }
0x106: {  	v4 =	vadd.f32 v11, v4;
	v10 =	vld [tilespmem:s8+$0xAA10]  }
0x107: {  	v11 =	vld [tilespmem:s8+$0xB210];
	v3 =	vadd.f32 v5, v3  }
0x108: {  	v0 =	vadd.f32 v7, v0;
	v5 =	vld [tilespmem:s8+$0xAA20]  }
0x109: {  	v1 =	vadd.f32 v8, v1;
	v7 =	vld [tilespmem:s8+$0xB220]  }
0x10a: {  	v2 =	vadd.f32 v9, v2;
	v8 =	vld [tilespmem:s8+$0xBA00]  }
0x10b: {  	v9 =	vld [tilespmem:s8+$0xC200];
	v6 =	vadd.f32 v10, v6  }
0x10c: {  	v4 =	vadd.f32 v11, v4;
	v10 =	vld [tilespmem:s8+$0xBA10]  }
0x10d: {  	v11 =	vld [tilespmem:s8+$0xC210];
	v3 =	vadd.f32 v5, v3  }
0x10e: {  	v0 =	vadd.f32 v7, v0;
	v5 =	vld [tilespmem:s8+$0xBA20]  }
0x10f: {  	v1 =	vadd.f32 v8, v1;
	v7 =	vld [tilespmem:s8+$0xC220]  }
0x110: {  	v2 =	vadd.f32 v9, v2;
	v8 =	vld [tilespmem:s8+$0xCA00]  }
0x111: {  	v9 =	vld [tilespmem:s8+$0xD200];
	v6 =	vadd.f32 v10, v6  }
0x112: {  	v4 =	vadd.f32 v11, v4;
	v10 =	vld [tilespmem:s8+$0xCA10]  }
0x113: {  	v11 =	vld [tilespmem:s8+$0xD210];
	v3 =	vadd.f32 v5, v3  }
0x114: {  	v0 =	vadd.f32 v7, v0;
	v5 =	vld [tilespmem:s8+$0xCA20]  }
0x115: {  	v1 =	vadd.f32 v8, v1;
	v7 =	vld [tilespmem:s8+$0xD220]  }
0x116: {  	v2 =	vadd.f32 v9, v2;
	v8 =	vld [tilespmem:s8+$0xDA00]  }
0x117: {  	v9 =	vld [tilespmem:s8+$0xE200];
	v6 =	vadd.f32 v10, v6  }
0x118: {  	v4 =	vadd.f32 v11, v4;
	v10 =	vld [tilespmem:s8+$0xDA10]  }
0x119: {  	v11 =	vld [tilespmem:s8+$0xE210];
	v3 =	vadd.f32 v5, v3  }
0x11a: {  	v0 =	vadd.f32 v7, v0;
	v5 =	vld [tilespmem:s8+$0xDA20]  }
0x11b: {  	v1 =	vadd.f32 v8, v1;
	v7 =	vld [tilespmem:s8+$0xE220]  }
0x11c: {  	v8 =	vadd.f32 v9, v2;
	v9 =	vld [tilespmem:s8+$0xEA00]  }
0x11d: {  	v12 =	vld [tilespmem:s8+$0xF200];
	v10 =	vadd.f32 v10, v6  }
0x11e: {  	v11 =	vadd.f32 v11, v4;
	v13 =	vld [tilespmem:s8+$0xEA10]  }
0x11f: {  	v14 =	vld [tilespmem:s8+$0xF210];
	v2 =	vadd.f32 v5, v3  }
.Ltmp2:
0x120: {  	v4 =	vadd.f32 v7, v0;
	v3 =	vld [tilespmem:s8+$0xEA20];
	(pc) =	sbr.rel @p1 .LBB2_3-.Ltmp2, $4  }
0x121: {  	s10 =	sshra.s32 s9, $0x2;
	v9 =	vadd.f32 v9, v1;
	v6 =	vld [tilespmem:s8+$0xF220]  }
0x122: {  	v0 =	vld [tilespmem:s10+$0x5A30];
	v8 =	vadd.f32 v12, v8  }
0x123: {  	v1 =	vld [tilespmem:s10+$0x6230];
	v7 =	vadd.f32 v13, v10  }
0x124: {  	s9 =	sadd.s32 $0x100, s9;
	v5 =	vld [tilespmem:s10+$0x6A30];
	v8 =	vadd.f32 v8, v9;
	v9 =	vadd.f32 v14, v11  }
0x125: {  	v10 =	vld [tilespmem:s10+$0x7230];
	v2 =	vadd.f32 v3, v2  }
0x126: {  	v11 =	vld [tilespmem:s10+$0x7A30];
	[tilespmem:s8+$0x19A00] =	vst v8;
	v7 =	vadd.f32 v9, v7;
	v39 =	vadd.f32 v6, v4  }
0x127: {  	v8 =	vld [tilespmem:s10+$0x8230]  }
0x128: {  	v40 =	vld [tilespmem:s10+$0x8A30];
	[tilespmem:s8+$0x19A10] =	vst v7;
	v2 =	vadd.f32 v39, v2  }
0x129: {  	v41 =	vld [tilespmem:s10+$0x9230]  }
0x12a: {  	v42 =	vld [tilespmem:s10+$0x9A30];
	[tilespmem:s8+$0x19A20] =	vst v2  }
0x12b: {  	v2 =	vld [tilespmem:s10+$0xA230]  }
0x12c: {  	v43 =	vld [tilespmem:s10+$0xAA30]  }
0x12d: {  	v7 =	vld [tilespmem:s10+$0xB230]  }
0x12e: {  	v44 =	vld [tilespmem:s10+$0xBA30]  }
0x12f: {  	v45 =	vld [tilespmem:s10+$0xC230]  }
0x130: {  	v46 =	vld [tilespmem:s10+$0xCA30]  }
0x131: {  	v47 =	vld [tilespmem:s10+$0xD230]  }
0x132: {  	v48 =	vld [tilespmem:s10+$0xDA30]  }
0x133: {  	v49 =	vld [tilespmem:s10+$0xE230]  }
0x134: {  	v50 =	vld [tilespmem:s10+$0xEA30]  }
0x135: {  	v51 =	vld [tilespmem:s10+$0xF230]  }
0x136: {  	v52 =	vld [tilespmem:s10+$0x5A00]  }
0x137: {  	v53 =	vld [tilespmem:s10+$0x6200]  }
0x138: {  	v54 =	vld [tilespmem:s10+$0x6A00]  }
0x139: {  	v55 =	vld [tilespmem:s10+$0x7200]  }
0x13a: {  	v56 =	vld [tilespmem:s10+$0x5A10]  }
0x13b: {  	v57 =	vld [tilespmem:s10+$0x6210]  }
0x13c: {  	v58 =	vld [tilespmem:s10+$0x6A10]  }
0x13d: {  	v59 =	vld [tilespmem:s10+$0x7210]  }
0x13e: {  	v60 =	vld [tilespmem:s10+$0x5A20]  }
0x13f: {  	v61 =	vld [tilespmem:s10+$0x6220]  }
0x140: {  	v62 =	vld [tilespmem:s10+$0x6A20]  }
0x141: {  	v63 =	vld [tilespmem:s10+$0x7220]  }
0x142: {  	v12 =	vld [tilespmem:s10+$0x7A00]  }
0x143: {  	v13 =	vld [tilespmem:s10+$0x8200]  }
0x144: {  	v14 =	vld [tilespmem:s10+$0x7A10]  }
0x145: {  	v15 =	vld [tilespmem:s10+$0x8210]  }
0x146: {  	v16 =	vld [tilespmem:s10+$0x7A20]  }
0x147: {  	v17 =	vld [tilespmem:s10+$0x8220]  }
0x148: {  	v18 =	vld [tilespmem:s10+$0x8A00]  }
0x149: {  	v19 =	vld [tilespmem:s10+$0x9200]  }
0x14a: {  	v20 =	vld [tilespmem:s10+$0x8A10]  }
0x14b: {  	v21 =	vld [tilespmem:s10+$0x9210]  }
0x14c: {  	v22 =	vld [tilespmem:s10+$0x8A20]  }
0x14d: {  	v23 =	vld [tilespmem:s10+$0x9220]  }
0x14e: {  	v24 =	vld [tilespmem:s10+$0x9A00]  }
0x14f: {  	v0 =	vadd.f32 v5, v0;
	v1 =	vadd.f32 v10, v1;
	v25 =	vld [tilespmem:s10+$0xA200]  }
0x150: {  	v26 =	vld [tilespmem:s10+$0x9A10]  }
0x151: {  	v0 =	vadd.f32 v11, v0;
	v27 =	vld [tilespmem:s10+$0xA210];
	v1 =	vadd.f32 v8, v1  }
0x152: {  	v28 =	vld [tilespmem:s10+$0x9A20]  }
0x153: {  	v29 =	vld [tilespmem:s10+$0xA220];
	v0 =	vadd.f32 v40, v0;
	v1 =	vadd.f32 v41, v1  }
0x154: {  	v30 =	vld [tilespmem:s10+$0xAA00]  }
0x155: {  	v31 =	vld [tilespmem:s10+$0xB200];
	v0 =	vadd.f32 v42, v0;
	v1 =	vadd.f32 v2, v1  }
0x156: {  	v32 =	vld [tilespmem:s10+$0xAA10];
	v4 =	vadd.f32 v54, v52;
	v2 =	vadd.f32 v55, v53  }
0x157: {  	v33 =	vld [tilespmem:s10+$0xB210];
	v40 =	vadd.f32 v58, v56;
	v42 =	vadd.f32 v62, v60  }
0x158: {  	v34 =	vld [tilespmem:s10+$0xAA20];
	v0 =	vadd.f32 v43, v0;
	v1 =	vadd.f32 v7, v1  }
0x159: {  	v35 =	vld [tilespmem:s10+$0xB220];
	v4 =	vadd.f32 v12, v4;
	v2 =	vadd.f32 v13, v2  }
0x15a: {  	v36 =	vld [tilespmem:s10+$0xBA00];
	v5 =	vadd.f32 v14, v40;
	v3 =	vadd.f32 v16, v42  }
0x15b: {  	v39 =	vld [tilespmem:s10+$0xC200];
	v0 =	vadd.f32 v44, v0;
	v1 =	vadd.f32 v45, v1  }
0x15c: {  	v41 =	vld [tilespmem:s10+$0xBA10];
	v4 =	vadd.f32 v18, v4;
	v2 =	vadd.f32 v19, v2  }
0x15d: {  	v52 =	vld [tilespmem:s10+$0xDA00];
	v5 =	vadd.f32 v20, v5;
	v3 =	vadd.f32 v22, v3  }
0x15e: {  	v53 =	vld [tilespmem:s10+$0xE200];
	v0 =	vadd.f32 v46, v0;
	v1 =	vadd.f32 v47, v1  }
0x15f: {  	v54 =	vld [tilespmem:s10+$0xDA10];
	v4 =	vadd.f32 v24, v4;
	v2 =	vadd.f32 v25, v2  }
0x160: {  	v55 =	vld [tilespmem:s10+$0xE210];
	v0 =	vadd.f32 v48, v0;
	v1 =	vadd.f32 v49, v1  }
0x161: {  	v56 =	vld [tilespmem:s10+$0xDA20];
	v5 =	vadd.f32 v26, v5;
	v3 =	vadd.f32 v28, v3  }
0x162: {  	v58 =	vld [tilespmem:s10+$0xEA00];
	v0 =	vadd.f32 v50, v0;
	v1 =	vadd.f32 v51, v1  }
0x163: {  	v60 =	vld [tilespmem:s10+$0xEA10];
	v4 =	vadd.f32 v30, v4;
	v2 =	vadd.f32 v31, v2  }
0x164: {  	v44 =	vld [tilespmem:s10+$0xBA20];
	v5 =	vadd.f32 v32, v5;
	v0 =	vadd.f32 v1, v0  }
0x165: {  	v46 =	vld [tilespmem:s10+$0xCA00];
	v3 =	vadd.f32 v34, v3;
	v1 =	vadd.f32 v59, v57  }
0x166: {  	v47 =	vld [tilespmem:s10+$0xD200];
	v4 =	vadd.f32 v36, v4;
	[tilespmem:s10+$0x19A30] =	vst v0;
	v0 =	vadd.f32 v63, v61  }
0x167: {  	v48 =	vld [tilespmem:s10+$0xCA10];
	v2 =	vadd.f32 v39, v2;
	v1 =	vadd.f32 v15, v1  }
0x168: {  	v50 =	vld [tilespmem:s10+$0xCA20];
	v5 =	vadd.f32 v41, v5;
	v0 =	vadd.f32 v17, v0  }
0x169: {  	v62 =	vld [tilespmem:s10+$0xEA20];
	v3 =	vadd.f32 v44, v3;
	v1 =	vadd.f32 v21, v1  }
0x16a: {  	v43 =	vld [tilespmem:s10+$0xC210];
	v4 =	vadd.f32 v46, v4;
	v0 =	vadd.f32 v23, v0  }
0x16b: {  	v45 =	vld [tilespmem:s10+$0xC220];
	v2 =	vadd.f32 v47, v2;
	v1 =	vadd.f32 v27, v1  }
0x16c: {  	v49 =	vld [tilespmem:s10+$0xD210];
	v5 =	vadd.f32 v48, v5;
	v0 =	vadd.f32 v29, v0  }
0x16d: {  	v51 =	vld [tilespmem:s10+$0xD220];
	v3 =	vadd.f32 v50, v3;
	v1 =	vadd.f32 v33, v1  }
0x16e: {  	v57 =	vld [tilespmem:s10+$0xE220];
	v4 =	vadd.f32 v52, v4;
	v0 =	vadd.f32 v35, v0  }
0x16f: {  	v59 =	vld [tilespmem:s10+$0xF200];
	v2 =	vadd.f32 v53, v2;
	v1 =	vadd.f32 v43, v1  }
0x170: {  	s11 =	smulhi.u32 $0xAAAAAAAB, s6;
	s9 =	sshrl.u32 s6, $0x1;
	v61 =	vld [tilespmem:s10+$0xF210];
	v5 =	vadd.f32 v54, v5;
	v0 =	vadd.f32 v45, v0  }
0x171: {  	s14 =	smulhi.u32 $0x55555556, s9;
	v63 =	vld [tilespmem:s10+$0xF220];
	v3 =	vadd.f32 v56, v3;
	v1 =	vadd.f32 v49, v1  }
0x172: {  	s8 =	sshrl.u32 s11, $0x2;
	s11 =	sshll.u32 s6, $0x6;
	v4 =	vadd.f32 v58, v4;
	v0 =	vadd.f32 v51, v0  }
0x173: {  	s14 =	smul.u32 $0x3, s14;
	s11 =	sand.u32 $0x40, s11;
	v5 =	vadd.f32 v60, v5;
	v1 =	vadd.f32 v55, v1  }
0x174: {  	s8 =	smul.u32 $0xC0000, s8;
	s11 =	sor.u32 s3, s11;
	v2 =	vadd.f32 v59, v2;
	v0 =	vadd.f32 v57, v0  }
0x175: {  	s11 =	smul.u32 $0xC0, s11;
	v3 =	vadd.f32 v62, v3;
	v1 =	vadd.f32 v61, v1  }
0x176: {  	p1 =	sne.s32 s6, $0x11;
	s9 =	ssub.s32 s9, s14;
	v2 =	vadd.f32 v2, v4;
	v0 =	vadd.f32 v63, v0  }
.Ltmp3:
0x177: {  	s9 =	sshll.u32 s9, $0x6;
	s8 =	sadd.s32 s8, s11;
	v1 =	vadd.f32 v1, v5;
	(pc) =	sbr.rel @p1 .LBB2_6-.Ltmp3, $4  }
0x178: {  	s11 =	sor.u32 s9, s8;
	[tilespmem:s10+$0x19A00] =	vst v2;
	v0 =	vadd.f32 v0, v3  }
0x179: {  	s11 =	sshrl.u32 s11, $0x3;
	[tilespmem:s10+$0x19A10] =	vst v1  }
0x17a: {  	s14 =	sadd.s32 s5, s11;
	[tilespmem:s10+$0x19A20] =	vst v0  }
0x17b: {  	[hbm4b:s14+s13] =	stream.strided.scatter [tilespmem:s1], [sflag:$0x4], $0x800, s24, s13, $0x38;
	[tilespmem:$0x1AA00] =	vst v63  }
.Ltmp4:
0x17c: {  	(pc) =	sbr.rel .LBB2_7-.Ltmp4, $4  }
0x17d: {  	_ = 	snop  }
0x17e: {  	_ =	swait.ge [sflag:s29], $0xA000  }
0x17f: {  	[sflag:s29] =	ssyncset.done $0x0  }
0x180: {  	[sflag:s29] =	ssyncadd.s32 $0xFFFF6000  }
.LBB2_6:
0x181: {  	s10 =	sadd.s32 $0x2, s7  }
0x182: {  	s11 =	sshrl.u32 s10, $0x2  }
0x183: {  	s14 =	smulhi.u32 $0x55555556, s11  }
0x184: {  	s16 =	smulhi.u32 $0x2AAAAAAB, s10  }
0x185: {  	s14 =	smul.u32 $0x3, s14  }
0x186: {  	s16 =	sshrl.u32 s16, $0x1  }
0x187: {  	s11 =	ssub.s32 s11, s14;
	s14 =	smul.u32 $0x7800, s16  }
0x188: {  	s11 =	smul.u32 $0x2800, s11;
	_ =	sdelay $0x1  }
0x189: {  	s10 =	sshll.u32 s10, $0x5;
	s14 =	sshra.s32 s14, $0x2;
	s11 =	sshrl.u32 s11, $0x2  }
0x18a: {  	s10 =	sand.u32 $0x40, s10;
	s11 =	sadd.s32 s11, s14  }
0x18b: {  	s14 =	simm.s32 $0x5A00;
	s10 =	sor.u32 s10, s11  }
0x18c: {  	[tilespmem:s14], [sflag:$0x2] =	stream.indirect.gather [hbm4b:s4+s15], $0x40, s10, s15, $0xb8;
	[tilespmem:$0x1AA00] =	vst v63  }
0x18d: {  	s11 =	sor.u32 $0x80, s10;
	s14 =	simm.s32 $0x6200  }
0x18e: {  	[tilespmem:s14], [sflag:$0x2] =	stream.indirect.gather [hbm4b:s4+s15], $0x40, s11, s15, $0xb8;
	[tilespmem:$0x1AA00] =	vst v63  }
0x18f: {  	s11 =	sor.u32 $0x100, s10;
	s14 =	simm.s32 $0x6A00  }
0x190: {  	[tilespmem:s14], [sflag:$0x2] =	stream.indirect.gather [hbm4b:s4+s15], $0x40, s11, s15, $0xb8;
	[tilespmem:$0x1AA00] =	vst v63  }
0x191: {  	s11 =	sor.u32 $0x180, s10;
	s14 =	simm.s32 $0x7200  }
0x192: {  	[tilespmem:s14], [sflag:$0x2] =	stream.indirect.gather [hbm4b:s4+s15], $0x40, s11, s15, $0xb8;
	[tilespmem:$0x1AA00] =	vst v63  }
0x193: {  	s11 =	sadd.s32 $0x200, s10;
	s14 =	simm.s32 $0x7A00  }
0x194: {  	[tilespmem:s14], [sflag:$0x2] =	stream.indirect.gather [hbm4b:s4+s15], $0x40, s11, s15, $0xb8;
	[tilespmem:$0x1AA00] =	vst v63  }
0x195: {  	s11 =	sadd.s32 $0x280, s10;
	s14 =	simm.s32 $0x8200  }
0x196: {  	[tilespmem:s14], [sflag:$0x2] =	stream.indirect.gather [hbm4b:s4+s15], $0x40, s11, s15, $0xb8;
	[tilespmem:$0x1AA00] =	vst v63  }
0x197: {  	s11 =	sadd.s32 $0x300, s10;
	s14 =	simm.s32 $0x8A00  }
0x198: {  	[tilespmem:s14], [sflag:$0x2] =	stream.indirect.gather [hbm4b:s4+s15], $0x40, s11, s15, $0xb8;
	[tilespmem:$0x1AA00] =	vst v63  }
0x199: {  	s11 =	sadd.s32 $0x380, s10;
	s14 =	simm.s32 $0x9200  }
0x19a: {  	[tilespmem:s14], [sflag:$0x2] =	stream.indirect.gather [hbm4b:s4+s15], $0x40, s11, s15, $0xb8;
	[tilespmem:$0x1AA00] =	vst v63  }
0x19b: {  	s11 =	sadd.s32 $0x400, s10;
	s14 =	simm.s32 $0x9A00  }
0x19c: {  	[tilespmem:s14], [sflag:$0x2] =	stream.indirect.gather [hbm4b:s4+s15], $0x40, s11, s15, $0xb8;
	[tilespmem:$0x1AA00] =	vst v63  }
0x19d: {  	s11 =	sadd.s32 $0x480, s10;
	s14 =	simm.s32 $0xA200  }
0x19e: {  	[tilespmem:s14], [sflag:$0x2] =	stream.indirect.gather [hbm4b:s4+s15], $0x40, s11, s15, $0xb8;
	[tilespmem:$0x1AA00] =	vst v63  }
0x19f: {  	s11 =	sadd.s32 $0x500, s10;
	s14 =	simm.s32 $0xAA00  }
0x1a0: {  	[tilespmem:s14], [sflag:$0x2] =	stream.indirect.gather [hbm4b:s4+s15], $0x40, s11, s15, $0xb8;
	[tilespmem:$0x1AA00] =	vst v63  }
0x1a1: {  	s11 =	sadd.s32 $0x580, s10;
	s14 =	simm.s32 $0xB200  }
0x1a2: {  	[tilespmem:s14], [sflag:$0x2] =	stream.indirect.gather [hbm4b:s4+s15], $0x40, s11, s15, $0xb8;
	[tilespmem:$0x1AA00] =	vst v63  }
0x1a3: {  	s11 =	sadd.s32 $0x600, s10;
	s14 =	simm.s32 $0xBA00  }
0x1a4: {  	[tilespmem:s14], [sflag:$0x2] =	stream.indirect.gather [hbm4b:s4+s15], $0x40, s11, s15, $0xb8;
	[tilespmem:$0x1AA00] =	vst v63  }
0x1a5: {  	s11 =	sadd.s32 $0x680, s10;
	s14 =	simm.s32 $0xC200  }
0x1a6: {  	[tilespmem:s14], [sflag:$0x2] =	stream.indirect.gather [hbm4b:s4+s15], $0x40, s11, s15, $0xb8;
	[tilespmem:$0x1AA00] =	vst v63  }
0x1a7: {  	s11 =	sadd.s32 $0x700, s10;
	s14 =	simm.s32 $0xCA00  }
0x1a8: {  	[tilespmem:s14], [sflag:$0x2] =	stream.indirect.gather [hbm4b:s4+s15], $0x40, s11, s15, $0xb8;
	[tilespmem:$0x1AA00] =	vst v63  }
0x1a9: {  	s11 =	sadd.s32 $0x780, s10;
	s14 =	simm.s32 $0xD200  }
0x1aa: {  	[tilespmem:s14], [sflag:$0x2] =	stream.indirect.gather [hbm4b:s4+s15], $0x40, s11, s15, $0xb8;
	[tilespmem:$0x1AA00] =	vst v63  }
0x1ab: {  	s11 =	sadd.s32 $0x800, s10;
	s14 =	simm.s32 $0xDA00  }
0x1ac: {  	[tilespmem:s14], [sflag:$0x2] =	stream.indirect.gather [hbm4b:s4+s15], $0x40, s11, s15, $0xb8;
	[tilespmem:$0x1AA00] =	vst v63  }
0x1ad: {  	s11 =	sadd.s32 $0x880, s10;
	s14 =	simm.s32 $0xE200  }
0x1ae: {  	[tilespmem:s14], [sflag:$0x2] =	stream.indirect.gather [hbm4b:s4+s15], $0x40, s11, s15, $0xb8;
	[tilespmem:$0x1AA00] =	vst v63  }
0x1af: {  	s11 =	sadd.s32 $0x900, s10;
	s14 =	simm.s32 $0xEA00  }
0x1b0: {  	[tilespmem:s14], [sflag:$0x2] =	stream.indirect.gather [hbm4b:s4+s15], $0x40, s11, s15, $0xb8;
	[tilespmem:$0x1AA00] =	vst v63  }
.Ltmp5:
0x1b1: {  	s10 =	sadd.s32 $0x980, s10;
	s14 =	simm.s32 $0xF200;
	(pc) =	sbr.rel @p0 .LBB2_8-.Ltmp5, $4  }
0x1b2: {  	[tilespmem:s14], [sflag:$0x2] =	stream.indirect.gather [hbm4b:s4+s15], $0x40, s10, s15, $0xb8;
	[tilespmem:$0x1AA00] =	vst v63  }
0x1b3: {  	_ =	swait.ge [sflag:s29], $0xA000  }
0x1b4: {  	[sflag:s29] =	ssyncset.done $0x0  }
0x1b5: {  	s16 =	simm.s32 $0xFA00;
	[sflag:s29] =	ssyncadd.s32 $0xFFFF6000  }
.LBB2_7:
0x1b6: {  	_ =	swait.ge [sflag:s20], $0x800  }
0x1b7: {  	[sflag:s20] =	ssyncset.done $0x0  }
0x1b8: {  	[sflag:s20] =	ssyncadd.s32 $0xFFFFF800  }
.LBB2_8:
0x1b9: {  	s11 =	simm.s32 $0x0  }
0x1ba: {  	v0 =	vld [tilespmem:s11+$0xFA30]  }
0x1bb: {  	v1 =	vld [tilespmem:s11+$0x10230]  }
0x1bc: {  	v2 =	vld [tilespmem:s11+$0x10A30]  }
0x1bd: {  	v3 =	vld [tilespmem:s11+$0x11230]  }
0x1be: {  	v4 =	vld [tilespmem:s11+$0x11A30]  }
0x1bf: {  	v5 =	vld [tilespmem:s11+$0x12230]  }
0x1c0: {  	v6 =	vld [tilespmem:s11+$0x12A30]  }
0x1c1: {  	v7 =	vld [tilespmem:s11+$0x13230]  }
0x1c2: {  	v8 =	vld [tilespmem:s11+$0x13A30]  }
0x1c3: {  	v9 =	vld [tilespmem:s11+$0xFA20]  }
0x1c4: {  	v10 =	vld [tilespmem:s11+$0x10A20]  }
0x1c5: {  	v11 =	vld [tilespmem:s11+$0x11220]  }
0x1c6: {  	v12 =	vld [tilespmem:s11+$0x11A00]  }
0x1c7: {  	v13 =	vld [tilespmem:s11+$0x12200]  }
0x1c8: {  	v14 =	vld [tilespmem:s11+$0x11A10]  }
0x1c9: {  	v15 =	vld [tilespmem:s11+$0x12210]  }
0x1ca: {  	v16 =	vld [tilespmem:s11+$0x11A20]  }
0x1cb: {  	v17 =	vld [tilespmem:s11+$0x12220]  }
0x1cc: {  	v18 =	vld [tilespmem:s11+$0x12A00]  }
0x1cd: {  	v19 =	vld [tilespmem:s11+$0x13200]  }
0x1ce: {  	v20 =	vld [tilespmem:s11+$0x12A10]  }
0x1cf: {  	v21 =	vld [tilespmem:s11+$0x13210]  }
0x1d0: {  	v22 =	vld [tilespmem:s11+$0x12A20]  }
0x1d1: {  	v23 =	vld [tilespmem:s11+$0x13220]  }
0x1d2: {  	v24 =	vld [tilespmem:s11+$0x13A00]  }
0x1d3: {  	v25 =	vld [tilespmem:s11+$0x14200]  }
0x1d4: {  	v26 =	vld [tilespmem:s11+$0x13A10]  }
0x1d5: {  	v27 =	vld [tilespmem:s11+$0x14210]  }
0x1d6: {  	v28 =	vld [tilespmem:s11+$0x13A20]  }
0x1d7: {  	v29 =	vld [tilespmem:s11+$0x14220]  }
0x1d8: {  	v30 =	vld [tilespmem:s11+$0x14A00]  }
0x1d9: {  	v31 =	vld [tilespmem:s11+$0x15200]  }
0x1da: {  	v32 =	vld [tilespmem:s11+$0x14A10]  }
0x1db: {  	v33 =	vld [tilespmem:s11+$0x15210]  }
0x1dc: {  	v34 =	vld [tilespmem:s11+$0x14A20]  }
0x1dd: {  	v35 =	vld [tilespmem:s11+$0x15220]  }
0x1de: {  	v0 =	vadd.f32 v2, v0;
	v1 =	vadd.f32 v3, v1;
	v2 =	vld [tilespmem:s11+$0x14230]  }
0x1df: {  	v3 =	vld [tilespmem:s11+$0x14A30]  }
0x1e0: {  	v0 =	vadd.f32 v4, v0;
	v1 =	vadd.f32 v5, v1;
	v4 =	vld [tilespmem:s11+$0x15230]  }
0x1e1: {  	v5 =	vld [tilespmem:s11+$0x15A30]  }
0x1e2: {  	v0 =	vadd.f32 v6, v0;
	v1 =	vadd.f32 v7, v1;
	v6 =	vld [tilespmem:s11+$0x16230]  }
0x1e3: {  	v7 =	vld [tilespmem:s11+$0x16A30]  }
0x1e4: {  	v0 =	vadd.f32 v8, v0;
	v1 =	vadd.f32 v2, v1;
	v2 =	vld [tilespmem:s11+$0x17230]  }
0x1e5: {  	v8 =	vld [tilespmem:s11+$0x17A30]  }
0x1e6: {  	v0 =	vadd.f32 v3, v0;
	v1 =	vadd.f32 v4, v1;
	v3 =	vld [tilespmem:s11+$0x18230]  }
0x1e7: {  	v4 =	vld [tilespmem:s11+$0x18A30]  }
0x1e8: {  	v0 =	vadd.f32 v5, v0;
	v1 =	vadd.f32 v6, v1;
	v5 =	vld [tilespmem:s11+$0x19230]  }
0x1e9: {  	v6 =	vld [tilespmem:s11+$0xFA00]  }
0x1ea: {  	v0 =	vadd.f32 v7, v0;
	v1 =	vadd.f32 v2, v1;
	v2 =	vld [tilespmem:s11+$0x10200]  }
0x1eb: {  	v7 =	vld [tilespmem:s11+$0x10A00]  }
0x1ec: {  	v0 =	vadd.f32 v8, v0;
	v1 =	vadd.f32 v3, v1;
	v3 =	vld [tilespmem:s11+$0x11200]  }
0x1ed: {  	v8 =	vld [tilespmem:s11+$0xFA10]  }
0x1ee: {  	v0 =	vadd.f32 v4, v0;
	v1 =	vadd.f32 v5, v1;
	v4 =	vld [tilespmem:s11+$0x10210]  }
0x1ef: {  	v5 =	vld [tilespmem:s11+$0x10A10]  }
0x1f0: {  	v0 =	vadd.f32 v1, v0;
	v1 =	vld [tilespmem:s11+$0x11210]  }
0x1f1: {  	v50 =	vld [tilespmem:s11+$0x16A00];
	v6 =	vadd.f32 v7, v6  }
0x1f2: {  	v51 =	vld [tilespmem:s11+$0x17200];
	v2 =	vadd.f32 v3, v2  }
0x1f3: {  	v6 =	vadd.f32 v12, v6;
	[tilespmem:s11+$0x1A230] =	vst v0;
	v0 =	vld [tilespmem:s11+$0x10220]  }
0x1f4: {  	v52 =	vld [tilespmem:s11+$0x16A10];
	v3 =	vadd.f32 v5, v8;
	v2 =	vadd.f32 v13, v2  }
0x1f5: {  	v53 =	vld [tilespmem:s11+$0x17210];
	v6 =	vadd.f32 v18, v6;
	v1 =	vadd.f32 v1, v4  }
0x1f6: {  	v54 =	vld [tilespmem:s11+$0x16A20];
	v4 =	vadd.f32 v10, v9;
	v3 =	vadd.f32 v14, v3  }
0x1f7: {  	v55 =	vld [tilespmem:s11+$0x17220];
	v2 =	vadd.f32 v19, v2;
	v6 =	vadd.f32 v24, v6  }
0x1f8: {  	v7 =	vld [tilespmem:s11+$0x15A00];
	v0 =	vadd.f32 v11, v0;
	v1 =	vadd.f32 v15, v1  }
0x1f9: {  	v56 =	vld [tilespmem:s11+$0x17A00];
	v4 =	vadd.f32 v16, v4;
	v3 =	vadd.f32 v20, v3  }
0x1fa: {  	v57 =	vld [tilespmem:s11+$0x18200];
	v2 =	vadd.f32 v25, v2;
	v6 =	vadd.f32 v30, v6  }
0x1fb: {  	v5 =	vld [tilespmem:s11+$0x16200];
	v0 =	vadd.f32 v17, v0;
	v1 =	vadd.f32 v21, v1  }
0x1fc: {  	v58 =	vld [tilespmem:s11+$0x17A10];
	v4 =	vadd.f32 v22, v4;
	v3 =	vadd.f32 v26, v3  }
0x1fd: {  	v8 =	vld [tilespmem:s11+$0x15A10];
	v2 =	vadd.f32 v31, v2;
	v6 =	vadd.f32 v7, v6  }
0x1fe: {  	v9 =	vld [tilespmem:s11+$0x16210];
	v0 =	vadd.f32 v23, v0;
	v1 =	vadd.f32 v27, v1  }
0x1ff: {  	v10 =	vld [tilespmem:s11+$0x15A20];
	v4 =	vadd.f32 v28, v4;
	v3 =	vadd.f32 v32, v3  }
0x200: {  	v11 =	vld [tilespmem:s11+$0x16220];
	v2 =	vadd.f32 v5, v2;
	v6 =	vadd.f32 v50, v6  }
0x201: {  	v7 =	vld [tilespmem:s11+$0x18210];
	v0 =	vadd.f32 v29, v0;
	v1 =	vadd.f32 v33, v1  }
0x202: {  	v5 =	vld [tilespmem:s11+$0x17A20];
	v4 =	vadd.f32 v34, v4;
	v3 =	vadd.f32 v8, v3  }
0x203: {  	v8 =	vld [tilespmem:s11+$0x18220];
	v2 =	vadd.f32 v51, v2;
	v0 =	vadd.f32 v35, v0  }
0x204: {  	v1 =	vadd.f32 v9, v1;
	v4 =	vadd.f32 v10, v4;
	v9 =	vld [tilespmem:s11+$0x18A00]  }
0x205: {  	v3 =	vadd.f32 v52, v3;
	v10 =	vld [tilespmem:s11+$0x19200];
	v61 =	vadd.f32 v57, v2  }
0x206: {  	v0 =	vadd.f32 v11, v0;
	v1 =	vadd.f32 v53, v1;
	v11 =	vld [tilespmem:s11+$0x18A10]  }
0x207: {  	v60 =	vld [tilespmem:s11+$0x19210];
	v4 =	vadd.f32 v54, v4;
	v62 =	vadd.f32 v58, v3  }
0x208: {  	v3 =	vld [tilespmem:s11+$0x18A20];
	v59 =	vadd.f32 v55, v0;
	v0 =	vadd.f32 v56, v6  }
0x209: {  	s14 =	simm.s32 $0x40;
	v63 =	vadd.f32 v7, v1;
	v2 =	vadd.f32 v5, v4;
	v6 =	vld [tilespmem:s11+$0x19220]  }
0x20a: {  	v1 =	vld [tilespmem:s14+$0x10230];
	v10 =	vadd.f32 v10, v61;
	v9 =	vadd.f32 v9, v0  }
0x20b: {  	v4 =	vld [tilespmem:s14+$0x10A30];
	v5 =	vadd.f32 v8, v59;
	v7 =	vadd.f32 v11, v62  }
0x20c: {  	s10 =	simm.s32 $0x200;
	v0 =	vld [tilespmem:s14+$0xFA30];
	v8 =	vadd.f32 v10, v9;
	v9 =	vadd.f32 v60, v63  }
.LBB2_9:
0x20d: {  	p0 =	sne.s32 s10, $0x1F00;
	v10 =	vld [tilespmem:s14+$0x11230];
	v2 =	vadd.f32 v3, v2  }
0x20e: {  	v3 =	vld [tilespmem:s14+$0x11A30];
	[tilespmem:s11+$0x1A200] =	vst v8;
	v7 =	vadd.f32 v9, v7;
	v5 =	vadd.f32 v6, v5  }
0x20f: {  	v6 =	vld [tilespmem:s14+$0x12230]  }
0x210: {  	v8 =	vld [tilespmem:s14+$0x12A30];
	[tilespmem:s11+$0x1A210] =	vst v7;
	v2 =	vadd.f32 v5, v2  }
0x211: {  	v5 =	vld [tilespmem:s14+$0x13230]  }
0x212: {  	v0 =	vadd.f32 v4, v0;
	v1 =	vadd.f32 v10, v1;
	v4 =	vld [tilespmem:s14+$0x13A30];
	[tilespmem:s11+$0x1A220] =	vst v2;
	s11 =	smov.u32 s14  }
0x213: {  	v2 =	vld [tilespmem:s11+$0x14230]  }
0x214: {  	v0 =	vadd.f32 v3, v0;
	v1 =	vadd.f32 v6, v1;
	v3 =	vld [tilespmem:s11+$0x14A30]  }
0x215: {  	v6 =	vld [tilespmem:s11+$0x15230]  }
0x216: {  	v0 =	vadd.f32 v8, v0;
	v1 =	vadd.f32 v5, v1;
	v5 =	vld [tilespmem:s11+$0x15A30]  }
0x217: {  	v7 =	vld [tilespmem:s11+$0x16230]  }
0x218: {  	v0 =	vadd.f32 v4, v0;
	v1 =	vadd.f32 v2, v1;
	v2 =	vld [tilespmem:s11+$0x16A30]  }
0x219: {  	v4 =	vld [tilespmem:s11+$0x17230]  }
0x21a: {  	v0 =	vadd.f32 v3, v0;
	v1 =	vadd.f32 v6, v1;
	v3 =	vld [tilespmem:s11+$0x17A30]  }
0x21b: {  	v6 =	vld [tilespmem:s11+$0x18230]  }
0x21c: {  	v0 =	vadd.f32 v5, v0;
	v1 =	vadd.f32 v7, v1;
	v5 =	vld [tilespmem:s11+$0x18A30]  }
0x21d: {  	v7 =	vld [tilespmem:s11+$0x19230]  }
0x21e: {  	v0 =	vadd.f32 v2, v0;
	v8 =	vld [tilespmem:s11+$0xFA00];
	v1 =	vadd.f32 v4, v1  }
0x21f: {  	v2 =	vld [tilespmem:s11+$0x10200]  }
0x220: {  	v0 =	vadd.f32 v3, v0;
	v4 =	vld [tilespmem:s11+$0x10A00];
	v1 =	vadd.f32 v6, v1  }
0x221: {  	v3 =	vld [tilespmem:s11+$0x11200]  }
0x222: {  	v0 =	vadd.f32 v5, v0;
	v6 =	vld [tilespmem:s11+$0xFA10];
	v1 =	vadd.f32 v7, v1  }
0x223: {  	v5 =	vld [tilespmem:s11+$0x10210]  }
0x224: {  	v7 =	vld [tilespmem:s11+$0x10A10];
	v0 =	vadd.f32 v1, v0  }
0x225: {  	v1 =	vadd.f32 v4, v8;
	v4 =	vld [tilespmem:s11+$0x11210]  }
0x226: {  	v2 =	vadd.f32 v3, v2;
	v3 =	vld [tilespmem:s11+$0xFA20];
	[tilespmem:s11+$0x1A230] =	vst v0  }
0x227: {  	v0 =	vld [tilespmem:s11+$0x10220]  }
0x228: {  	v8 =	vld [tilespmem:s11+$0x10A20]  }
0x229: {  	v6 =	vadd.f32 v7, v6;
	v7 =	vld [tilespmem:s11+$0x11220]  }
0x22a: {  	v9 =	vld [tilespmem:s11+$0x11A00];
	v4 =	vadd.f32 v4, v5  }
0x22b: {  	v5 =	vld [tilespmem:s11+$0x12200]  }
0x22c: {  	v10 =	vld [tilespmem:s11+$0x11A10]  }
0x22d: {  	v11 =	vld [tilespmem:s11+$0x12210];
	v3 =	vadd.f32 v8, v3  }
0x22e: {  	v0 =	vadd.f32 v7, v0;
	v7 =	vld [tilespmem:s11+$0x11A20]  }
0x22f: {  	v1 =	vadd.f32 v9, v1;
	v8 =	vld [tilespmem:s11+$0x12220]  }
0x230: {  	v2 =	vadd.f32 v5, v2;
	v5 =	vld [tilespmem:s11+$0x12A00]  }
0x231: {  	v9 =	vld [tilespmem:s11+$0x13200];
	v6 =	vadd.f32 v10, v6  }
0x232: {  	v4 =	vadd.f32 v11, v4;
	v10 =	vld [tilespmem:s11+$0x12A10]  }
0x233: {  	v11 =	vld [tilespmem:s11+$0x13210];
	v3 =	vadd.f32 v7, v3  }
0x234: {  	v0 =	vadd.f32 v8, v0;
	v7 =	vld [tilespmem:s11+$0x12A20]  }
0x235: {  	v1 =	vadd.f32 v5, v1;
	v5 =	vld [tilespmem:s11+$0x13220]  }
0x236: {  	v2 =	vadd.f32 v9, v2;
	v8 =	vld [tilespmem:s11+$0x13A00]  }
0x237: {  	v9 =	vld [tilespmem:s11+$0x14200];
	v6 =	vadd.f32 v10, v6  }
0x238: {  	v4 =	vadd.f32 v11, v4;
	v10 =	vld [tilespmem:s11+$0x13A10]  }
0x239: {  	v11 =	vld [tilespmem:s11+$0x14210];
	v3 =	vadd.f32 v7, v3  }
0x23a: {  	v0 =	vadd.f32 v5, v0;
	v5 =	vld [tilespmem:s11+$0x13A20]  }
0x23b: {  	v1 =	vadd.f32 v8, v1;
	v7 =	vld [tilespmem:s11+$0x14220]  }
0x23c: {  	v2 =	vadd.f32 v9, v2;
	v8 =	vld [tilespmem:s11+$0x14A00]  }
0x23d: {  	v9 =	vld [tilespmem:s11+$0x15200];
	v6 =	vadd.f32 v10, v6  }
0x23e: {  	v4 =	vadd.f32 v11, v4;
	v10 =	vld [tilespmem:s11+$0x14A10]  }
0x23f: {  	v11 =	vld [tilespmem:s11+$0x15210];
	v3 =	vadd.f32 v5, v3  }
0x240: {  	v0 =	vadd.f32 v7, v0;
	v5 =	vld [tilespmem:s11+$0x14A20]  }
0x241: {  	v1 =	vadd.f32 v8, v1;
	v7 =	vld [tilespmem:s11+$0x15220]  }
0x242: {  	v2 =	vadd.f32 v9, v2;
	v8 =	vld [tilespmem:s11+$0x15A00]  }
0x243: {  	v9 =	vld [tilespmem:s11+$0x16200];
	v6 =	vadd.f32 v10, v6  }
0x244: {  	v4 =	vadd.f32 v11, v4;
	v10 =	vld [tilespmem:s11+$0x15A10]  }
0x245: {  	v11 =	vld [tilespmem:s11+$0x16210];
	v3 =	vadd.f32 v5, v3  }
0x246: {  	v0 =	vadd.f32 v7, v0;
	v5 =	vld [tilespmem:s11+$0x15A20]  }
0x247: {  	v1 =	vadd.f32 v8, v1;
	v7 =	vld [tilespmem:s11+$0x16220]  }
0x248: {  	v2 =	vadd.f32 v9, v2;
	v8 =	vld [tilespmem:s11+$0x16A00]  }
0x249: {  	v9 =	vld [tilespmem:s11+$0x17200];
	v6 =	vadd.f32 v10, v6  }
0x24a: {  	v4 =	vadd.f32 v11, v4;
	v10 =	vld [tilespmem:s11+$0x16A10]  }
0x24b: {  	v11 =	vld [tilespmem:s11+$0x17210];
	v3 =	vadd.f32 v5, v3  }
0x24c: {  	v0 =	vadd.f32 v7, v0;
	v5 =	vld [tilespmem:s11+$0x16A20]  }
0x24d: {  	v1 =	vadd.f32 v8, v1;
	v7 =	vld [tilespmem:s11+$0x17220]  }
0x24e: {  	v2 =	vadd.f32 v9, v2;
	v8 =	vld [tilespmem:s11+$0x17A00]  }
0x24f: {  	v9 =	vld [tilespmem:s11+$0x18200];
	v6 =	vadd.f32 v10, v6  }
0x250: {  	v4 =	vadd.f32 v11, v4;
	v10 =	vld [tilespmem:s11+$0x17A10]  }
0x251: {  	v11 =	vld [tilespmem:s11+$0x18210];
	v3 =	vadd.f32 v5, v3  }
0x252: {  	v0 =	vadd.f32 v7, v0;
	v5 =	vld [tilespmem:s11+$0x17A20]  }
0x253: {  	v1 =	vadd.f32 v8, v1;
	v7 =	vld [tilespmem:s11+$0x18220]  }
0x254: {  	v8 =	vadd.f32 v9, v2;
	v9 =	vld [tilespmem:s11+$0x18A00]  }
0x255: {  	v12 =	vld [tilespmem:s11+$0x19200];
	v10 =	vadd.f32 v10, v6  }
0x256: {  	v11 =	vadd.f32 v11, v4;
	v4 =	vld [tilespmem:s11+$0x18A10]  }
0x257: {  	v13 =	vld [tilespmem:s11+$0x19210];
	v2 =	vadd.f32 v5, v3  }
.Ltmp6:
0x258: {  	v5 =	vadd.f32 v7, v0;
	v3 =	vld [tilespmem:s11+$0x18A20];
	(pc) =	sbr.rel @p0 .LBB2_9-.Ltmp6, $4  }
0x259: {  	s14 =	sshra.s32 s10, $0x2;
	v9 =	vadd.f32 v9, v1;
	v6 =	vld [tilespmem:s11+$0x19220]  }
0x25a: {  	v0 =	vld [tilespmem:s14+$0xFA30];
	v8 =	vadd.f32 v12, v8  }
0x25b: {  	v1 =	vld [tilespmem:s14+$0x10230];
	v7 =	vadd.f32 v4, v10  }
0x25c: {  	s10 =	sadd.s32 $0x100, s10;
	v4 =	vld [tilespmem:s14+$0x10A30];
	v8 =	vadd.f32 v8, v9;
	v9 =	vadd.f32 v13, v11  }
0x25d: {  	v10 =	vld [tilespmem:s14+$0x11230];
	v2 =	vadd.f32 v3, v2  }
0x25e: {  	v11 =	vld [tilespmem:s14+$0x11A30];
	[tilespmem:s11+$0x1A200] =	vst v8;
	v7 =	vadd.f32 v9, v7;
	v39 =	vadd.f32 v6, v5  }
0x25f: {  	v8 =	vld [tilespmem:s14+$0x12230]  }
0x260: {  	v40 =	vld [tilespmem:s14+$0x12A30];
	[tilespmem:s11+$0x1A210] =	vst v7;
	v2 =	vadd.f32 v39, v2  }
0x261: {  	v41 =	vld [tilespmem:s14+$0x13230]  }
0x262: {  	v42 =	vld [tilespmem:s14+$0x13A30];
	[tilespmem:s11+$0x1A220] =	vst v2  }
0x263: {  	v2 =	vld [tilespmem:s14+$0x14230]  }
0x264: {  	v43 =	vld [tilespmem:s14+$0x14A30]  }
0x265: {  	v7 =	vld [tilespmem:s14+$0x15230]  }
0x266: {  	v44 =	vld [tilespmem:s14+$0x15A30]  }
0x267: {  	v45 =	vld [tilespmem:s14+$0x16230]  }
0x268: {  	v46 =	vld [tilespmem:s14+$0x16A30]  }
0x269: {  	v47 =	vld [tilespmem:s14+$0x17230]  }
0x26a: {  	v48 =	vld [tilespmem:s14+$0x17A30]  }
0x26b: {  	v49 =	vld [tilespmem:s14+$0x18230]  }
0x26c: {  	v50 =	vld [tilespmem:s14+$0x18A30]  }
0x26d: {  	v51 =	vld [tilespmem:s14+$0x19230]  }
0x26e: {  	v52 =	vld [tilespmem:s14+$0xFA00]  }
0x26f: {  	v53 =	vld [tilespmem:s14+$0x10200]  }
0x270: {  	v54 =	vld [tilespmem:s14+$0x10A00]  }
0x271: {  	v55 =	vld [tilespmem:s14+$0x11200]  }
0x272: {  	v56 =	vld [tilespmem:s14+$0xFA10]  }
0x273: {  	v57 =	vld [tilespmem:s14+$0x10210]  }
0x274: {  	v58 =	vld [tilespmem:s14+$0x10A10]  }
0x275: {  	v59 =	vld [tilespmem:s14+$0x11210]  }
0x276: {  	v60 =	vld [tilespmem:s14+$0xFA20]  }
0x277: {  	v61 =	vld [tilespmem:s14+$0x10220]  }
0x278: {  	v62 =	vld [tilespmem:s14+$0x10A20]  }
0x279: {  	v63 =	vld [tilespmem:s14+$0x11220]  }
0x27a: {  	v12 =	vld [tilespmem:s14+$0x11A00]  }
0x27b: {  	v13 =	vld [tilespmem:s14+$0x12200]  }
0x27c: {  	v14 =	vld [tilespmem:s14+$0x11A10]  }
0x27d: {  	v15 =	vld [tilespmem:s14+$0x12210]  }
0x27e: {  	v16 =	vld [tilespmem:s14+$0x11A20]  }
0x27f: {  	v17 =	vld [tilespmem:s14+$0x12220]  }
0x280: {  	v18 =	vld [tilespmem:s14+$0x12A00]  }
0x281: {  	v19 =	vld [tilespmem:s14+$0x13200]  }
0x282: {  	v20 =	vld [tilespmem:s14+$0x12A10]  }
0x283: {  	v21 =	vld [tilespmem:s14+$0x13210]  }
0x284: {  	v22 =	vld [tilespmem:s14+$0x12A20]  }
0x285: {  	v23 =	vld [tilespmem:s14+$0x13220]  }
0x286: {  	v24 =	vld [tilespmem:s14+$0x13A00]  }
0x287: {  	v0 =	vadd.f32 v4, v0;
	v1 =	vadd.f32 v10, v1;
	v25 =	vld [tilespmem:s14+$0x14200]  }
0x288: {  	v26 =	vld [tilespmem:s14+$0x13A10]  }
0x289: {  	v0 =	vadd.f32 v11, v0;
	v27 =	vld [tilespmem:s14+$0x14210];
	v1 =	vadd.f32 v8, v1  }
0x28a: {  	v28 =	vld [tilespmem:s14+$0x13A20]  }
0x28b: {  	v29 =	vld [tilespmem:s14+$0x14220];
	v0 =	vadd.f32 v40, v0;
	v1 =	vadd.f32 v41, v1  }
0x28c: {  	v30 =	vld [tilespmem:s14+$0x14A00]  }
0x28d: {  	v31 =	vld [tilespmem:s14+$0x15200];
	v0 =	vadd.f32 v42, v0;
	v1 =	vadd.f32 v2, v1  }
0x28e: {  	v32 =	vld [tilespmem:s14+$0x14A10];
	v5 =	vadd.f32 v54, v52;
	v2 =	vadd.f32 v55, v53  }
0x28f: {  	v33 =	vld [tilespmem:s14+$0x15210];
	v40 =	vadd.f32 v58, v56;
	v42 =	vadd.f32 v62, v60  }
0x290: {  	v34 =	vld [tilespmem:s14+$0x14A20];
	v0 =	vadd.f32 v43, v0;
	v1 =	vadd.f32 v7, v1  }
0x291: {  	v35 =	vld [tilespmem:s14+$0x15220];
	v5 =	vadd.f32 v12, v5;
	v2 =	vadd.f32 v13, v2  }
0x292: {  	v36 =	vld [tilespmem:s14+$0x15A00];
	v4 =	vadd.f32 v14, v40;
	v3 =	vadd.f32 v16, v42  }
0x293: {  	v39 =	vld [tilespmem:s14+$0x16200];
	v0 =	vadd.f32 v44, v0;
	v1 =	vadd.f32 v45, v1  }
0x294: {  	v41 =	vld [tilespmem:s14+$0x15A10];
	v5 =	vadd.f32 v18, v5;
	v2 =	vadd.f32 v19, v2  }
0x295: {  	v52 =	vld [tilespmem:s14+$0x17A00];
	v4 =	vadd.f32 v20, v4;
	v3 =	vadd.f32 v22, v3  }
0x296: {  	v53 =	vld [tilespmem:s14+$0x18200];
	v0 =	vadd.f32 v46, v0;
	v1 =	vadd.f32 v47, v1  }
0x297: {  	v54 =	vld [tilespmem:s14+$0x17A10];
	v5 =	vadd.f32 v24, v5;
	v2 =	vadd.f32 v25, v2  }
0x298: {  	v55 =	vld [tilespmem:s14+$0x18210];
	v0 =	vadd.f32 v48, v0;
	v1 =	vadd.f32 v49, v1  }
0x299: {  	v56 =	vld [tilespmem:s14+$0x17A20];
	v4 =	vadd.f32 v26, v4;
	v3 =	vadd.f32 v28, v3  }
0x29a: {  	v58 =	vld [tilespmem:s14+$0x18A00];
	v0 =	vadd.f32 v50, v0;
	v1 =	vadd.f32 v51, v1  }
0x29b: {  	v60 =	vld [tilespmem:s14+$0x18A10];
	v5 =	vadd.f32 v30, v5;
	v2 =	vadd.f32 v31, v2  }
0x29c: {  	v44 =	vld [tilespmem:s14+$0x15A20];
	v4 =	vadd.f32 v32, v4;
	v0 =	vadd.f32 v1, v0  }
0x29d: {  	v46 =	vld [tilespmem:s14+$0x16A00];
	v3 =	vadd.f32 v34, v3;
	v1 =	vadd.f32 v59, v57  }
0x29e: {  	v47 =	vld [tilespmem:s14+$0x17200];
	v5 =	vadd.f32 v36, v5;
	[tilespmem:s14+$0x1A230] =	vst v0;
	v0 =	vadd.f32 v63, v61  }
0x29f: {  	v48 =	vld [tilespmem:s14+$0x16A10];
	v2 =	vadd.f32 v39, v2;
	v1 =	vadd.f32 v15, v1  }
0x2a0: {  	v50 =	vld [tilespmem:s14+$0x16A20];
	v4 =	vadd.f32 v41, v4;
	v0 =	vadd.f32 v17, v0  }
0x2a1: {  	v62 =	vld [tilespmem:s14+$0x18A20];
	v3 =	vadd.f32 v44, v3;
	v1 =	vadd.f32 v21, v1  }
0x2a2: {  	v43 =	vld [tilespmem:s14+$0x16210];
	v5 =	vadd.f32 v46, v5;
	v0 =	vadd.f32 v23, v0  }
0x2a3: {  	v45 =	vld [tilespmem:s14+$0x16220];
	v2 =	vadd.f32 v47, v2;
	v1 =	vadd.f32 v27, v1  }
0x2a4: {  	v49 =	vld [tilespmem:s14+$0x17210];
	v4 =	vadd.f32 v48, v4;
	v0 =	vadd.f32 v29, v0  }
0x2a5: {  	v51 =	vld [tilespmem:s14+$0x17220];
	v3 =	vadd.f32 v50, v3;
	v1 =	vadd.f32 v33, v1  }
0x2a6: {  	v57 =	vld [tilespmem:s14+$0x18220];
	v5 =	vadd.f32 v52, v5;
	v0 =	vadd.f32 v35, v0  }
0x2a7: {  	v59 =	vld [tilespmem:s14+$0x19200];
	v2 =	vadd.f32 v53, v2;
	v1 =	vadd.f32 v43, v1  }
0x2a8: {  	v61 =	vld [tilespmem:s14+$0x19210];
	v4 =	vadd.f32 v54, v4;
	v0 =	vadd.f32 v45, v0  }
0x2a9: {  	v63 =	vld [tilespmem:s14+$0x19220];
	v3 =	vadd.f32 v56, v3;
	v1 =	vadd.f32 v49, v1  }
0x2aa: {  	v5 =	vadd.f32 v58, v5;
	v0 =	vadd.f32 v51, v0  }
0x2ab: {  	v4 =	vadd.f32 v60, v4;
	v1 =	vadd.f32 v55, v1  }
0x2ac: {  	v2 =	vadd.f32 v59, v2;
	v0 =	vadd.f32 v57, v0  }
0x2ad: {  	v3 =	vadd.f32 v62, v3;
	v1 =	vadd.f32 v61, v1  }
0x2ae: {  	p0 =	seq.s32 s6, $0x11;
	v2 =	vadd.f32 v2, v5;
	v0 =	vadd.f32 v63, v0  }
.Ltmp7:
0x2af: {  	s8 =	sadd.s32 s9, s8;
	v1 =	vadd.f32 v1, v4;
	(pc) =	sbr.rel @p0 .LBB2_12-.Ltmp7, $4  }
0x2b0: {  	s8 =	sadd.s32 $0x1800, s8;
	[tilespmem:s14+$0x1A200] =	vst v2;
	v0 =	vadd.f32 v0, v3  }
0x2b1: {  	s8 =	sshrl.u32 s8, $0x3;
	[tilespmem:s14+$0x1A210] =	vst v1  }
0x2b2: {  	s8 =	sadd.s32 s5, s8;
	[tilespmem:s14+$0x1A220] =	vst v0  }
0x2b3: {  	[hbm4b:s8+s13] =	stream.strided.scatter [tilespmem:s2], [sflag:$0x5], $0x800, s24, s13, $0x38;
	[tilespmem:$0x1AA00] =	vst v63  }
0x2b4: {  	s7 =	sadd.s32 $0x3, s7  }
0x2b5: {  	s8 =	sshrl.u32 s7, $0x2  }
0x2b6: {  	s9 =	smulhi.u32 $0x55555556, s8  }
0x2b7: {  	s10 =	smulhi.u32 $0x2AAAAAAB, s7  }
0x2b8: {  	s9 =	smul.u32 $0x3, s9  }
0x2b9: {  	s10 =	sshrl.u32 s10, $0x1  }
0x2ba: {  	s11 =	smul.u32 $0x7800, s10;
	s8 =	ssub.s32 s8, s9  }
0x2bb: {  	s8 =	smul.u32 $0x2800, s8;
	_ =	sdelay $0x1  }
0x2bc: {  	s7 =	sshll.u32 s7, $0x5;
	s9 =	sshra.s32 s11, $0x2;
	s8 =	sshrl.u32 s8, $0x2  }
0x2bd: {  	s7 =	sand.u32 $0x60, s7;
	s8 =	sadd.s32 s8, s9  }
0x2be: {  	s7 =	sor.u32 s7, s8  }
0x2bf: {  	[tilespmem:s16], [sflag:$0x3] =	stream.indirect.gather [hbm4b:s4+s15], $0x40, s7, s15, $0xb8;
	[tilespmem:$0x1AA00] =	vst v63  }
0x2c0: {  	s14 =	simm.s32 $0x10200;
	s8 =	sor.u32 $0x80, s7  }
0x2c1: {  	[tilespmem:s14], [sflag:$0x3] =	stream.indirect.gather [hbm4b:s4+s15], $0x40, s8, s15, $0xb8;
	[tilespmem:$0x1AA00] =	vst v63  }
0x2c2: {  	s10 =	simm.s32 $0x10A00;
	s9 =	sor.u32 $0x100, s7  }
0x2c3: {  	[tilespmem:s10], [sflag:$0x3] =	stream.indirect.gather [hbm4b:s4+s15], $0x40, s9, s15, $0xb8;
	[tilespmem:$0x1AA00] =	vst v63  }
0x2c4: {  	s11 =	sor.u32 $0x180, s7;
	s14 =	simm.s32 $0x11200  }
0x2c5: {  	[tilespmem:s14], [sflag:$0x3] =	stream.indirect.gather [hbm4b:s4+s15], $0x40, s11, s15, $0xb8;
	[tilespmem:$0x1AA00] =	vst v63  }
0x2c6: {  	s9 =	sadd.s32 $0x200, s7;
	s10 =	simm.s32 $0x11A00  }
0x2c7: {  	[tilespmem:s10], [sflag:$0x3] =	stream.indirect.gather [hbm4b:s4+s15], $0x40, s9, s15, $0xb8;
	[tilespmem:$0x1AA00] =	vst v63  }
0x2c8: {  	s11 =	sadd.s32 $0x280, s7;
	s14 =	simm.s32 $0x12200  }
0x2c9: {  	[tilespmem:s14], [sflag:$0x3] =	stream.indirect.gather [hbm4b:s4+s15], $0x40, s11, s15, $0xb8;
	[tilespmem:$0x1AA00] =	vst v63  }
0x2ca: {  	s9 =	sadd.s32 $0x300, s7;
	s10 =	simm.s32 $0x12A00  }
0x2cb: {  	[tilespmem:s10], [sflag:$0x3] =	stream.indirect.gather [hbm4b:s4+s15], $0x40, s9, s15, $0xb8;
	[tilespmem:$0x1AA00] =	vst v63  }
0x2cc: {  	s11 =	sadd.s32 $0x380, s7;
	s14 =	simm.s32 $0x13200  }
0x2cd: {  	[tilespmem:s14], [sflag:$0x3] =	stream.indirect.gather [hbm4b:s4+s15], $0x40, s11, s15, $0xb8;
	[tilespmem:$0x1AA00] =	vst v63  }
0x2ce: {  	s10 =	sadd.s32 $0x400, s7  }
0x2cf: {  	[tilespmem:s17], [sflag:$0x3] =	stream.indirect.gather [hbm4b:s4+s15], $0x40, s10, s15, $0xb8;
	[tilespmem:$0x1AA00] =	vst v63  }
0x2d0: {  	s11 =	sadd.s32 $0x480, s7  }
0x2d1: {  	[tilespmem:s19], [sflag:$0x3] =	stream.indirect.gather [hbm4b:s4+s15], $0x40, s11, s15, $0xb8;
	[tilespmem:$0x1AA00] =	vst v63  }
0x2d2: {  	s14 =	sadd.s32 $0x500, s7  }
0x2d3: {  	[tilespmem:s21], [sflag:$0x3] =	stream.indirect.gather [hbm4b:s4+s15], $0x40, s14, s15, $0xb8;
	[tilespmem:$0x1AA00] =	vst v63  }
0x2d4: {  	s9 =	sadd.s32 $0x580, s7  }
0x2d5: {  	[tilespmem:s23], [sflag:$0x3] =	stream.indirect.gather [hbm4b:s4+s15], $0x40, s9, s15, $0xb8;
	[tilespmem:$0x1AA00] =	vst v63  }
0x2d6: {  	s10 =	sadd.s32 $0x600, s7  }
0x2d7: {  	[tilespmem:s25], [sflag:$0x3] =	stream.indirect.gather [hbm4b:s4+s15], $0x40, s10, s15, $0xb8;
	[tilespmem:$0x1AA00] =	vst v63  }
0x2d8: {  	s11 =	sadd.s32 $0x680, s7  }
0x2d9: {  	[tilespmem:s28], [sflag:$0x3] =	stream.indirect.gather [hbm4b:s4+s15], $0x40, s11, s15, $0xb8;
	[tilespmem:$0x1AA00] =	vst v63  }
0x2da: {  	s14 =	sadd.s32 $0x700, s7  }
0x2db: {  	[tilespmem:s30], [sflag:$0x3] =	stream.indirect.gather [hbm4b:s4+s15], $0x40, s14, s15, $0xb8;
	[tilespmem:$0x1AA00] =	vst v63  }
0x2dc: {  	s9 =	sadd.s32 $0x780, s7  }
0x2dd: {  	[tilespmem:s0], [sflag:$0x3] =	stream.indirect.gather [hbm4b:s4+s15], $0x40, s9, s15, $0xb8;
	[tilespmem:$0x1AA00] =	vst v63  }
0x2de: {  	s10 =	sadd.s32 $0x800, s7  }
0x2df: {  	[tilespmem:s12], [sflag:$0x3] =	stream.indirect.gather [hbm4b:s4+s15], $0x40, s10, s15, $0xb8;
	[tilespmem:$0x1AA00] =	vst v63  }
0x2e0: {  	s11 =	sadd.s32 $0x880, s7  }
0x2e1: {  	[tilespmem:s18], [sflag:$0x3] =	stream.indirect.gather [hbm4b:s4+s15], $0x40, s11, s15, $0xb8;
	[tilespmem:$0x1AA00] =	vst v63  }
.Ltmp8:
0x2e2: {  	_ = 	snop;
	(pc) =	sbr.rel .LBB2_2-.Ltmp8, $4  }
0x2e3: {  	s14 =	sadd.s32 $0x900, s7  }
0x2e4: {  	[tilespmem:s22], [sflag:$0x3] =	stream.indirect.gather [hbm4b:s4+s15], $0x40, s14, s15, $0xb8;
	[tilespmem:$0x1AA00] =	vst v63  }
0x2e5: {  	s6 =	sadd.s32 $0x1, s6;
	s7 =	sadd.s32 $0x980, s7  }
0x2e6: {  	[tilespmem:s26], [sflag:$0x3] =	stream.indirect.gather [hbm4b:s4+s15], $0x40, s7, s15, $0xb8;
	[tilespmem:$0x1AA00] =	vst v63  }
.LBB2_13:
0x2e7: {  	_ =	sfence.sel $0x180000  }
0x2e8: {  	[bflag:$0x0] =	sbarrier.arrive $0xFFFF  }
0x2e9: {  	_ =	strace $0x90000047  }
0x2ea: {  	s0 =	stileid.u32;
	[bflag:$0x2] =	sbarrier.arrive $0xFFFF  }
0x2eb: {  	p0 =	sne.s32 s0, $0x0;
	s0 =	rddreg [dreg:$0x1]  }
0x2ec: {  	s0 =	sadd.s32 @!p0 $0x100000, s0  }
0x2ed: {  	[sflag:s0] =	ssyncadd.tile.s32 @!p0 $0x1;
	_ =	shalt  }
.Lfunc_end2:
_tile_overlayer_lowered:
.L_overlay_start_2:
0x2ee: {  	(tag) =	ssettag $0x2  }
0x2ef: {  	s0 =	rddreg [dreg:$0x0];
	s2 =	stileid.u32  }
0x2f0: {  	s1 =	rddreg [dreg:$0x1];
	p0 =	sne.s32 s2, $0x0  }
0x2f1: {  	s3 =	rddreg [dreg:$0x2];
	[bflag:$0x3] =	sbarrier.arrive $0xFFFF;
	s2 =	simm.s32 @!p0 $0x1C06  }
0x2f2: {  	[timem:s3], [sflag:s2] =	dma.local @!p0 [hbm:s0], s1  }
0x2f3: {  	s0 =	simm.s32 @!p0 $0x6  }
0x2f4: {  	_ =	swait.ge @!p0 [sflag:s0], s1  }
0x2f5: {  	s1 =	ssub.s32 @!p0 $0x0, s1;
	[sflag:s0] =	ssyncset.done @!p0 $0x0  }
0x2f6: {  	[sflag:s0] =	ssyncadd.s32 @!p0 s1  }
0x2f7: {  	[bflag:$0x3] =	sbarrier.arrive $0xFFFF  }
0x2f8: {  	_ =	shalt  }

</sc_bundles>
